<compile_context>
chip_gen: v7x
topology: tpu7x:2x2x1
jax: 0.10.2.dev20260603
libtpu: 0.0.44.dev20260713+nightly
codegen_flags: <defaults>
</compile_context>

<pallas_src>
import dataclasses
import functools

import jax
import jax.numpy as jnp
from jax import lax
from jax.experimental import pallas as pl
from jax.experimental.pallas import tpu as pltpu
from jax.experimental.pallas import tpu_sc as plsc

N = 10000
D = 128
E = 320000
NC = 2
NS = 16
NTILES = NC * NS
W = 128
WIN_PER_TILE = 80
NWIN = NTILES * WIN_PER_TILE
E_PAD = NWIN * W
NP = 10240
ROWS_PER_TILE = NP // NS

def _sc_compiler_params():
    cp = pltpu.CompilerParams()
    if "needs_layout_passes" in pltpu.CompilerParams.__dataclass_fields__:
        cp = dataclasses.replace(cp, needs_layout_passes=False)
    return cp


@functools.cache
def _mesh():
    return plsc.VectorSubcoreMesh(
        core_axis_name="c", subcore_axis_name="s", num_cores=NC, num_subcores=NS
    )


@functools.cache
def _deg_kernel():
    @functools.partial(
        pl.kernel,
        mesh=_mesh(),
        out_type=jax.ShapeDtypeStruct((NTILES, 1, NP), jnp.float32),
        scratch_types=[
            pltpu.VMEM((WIN_PER_TILE, W), jnp.int32),
            pltpu.VMEM((1, NP), jnp.float32),
        ],
        compiler_params=_sc_compiler_params(),
    )
    def deg_kernel(hp_hbm, zeros_hbm, out_hbm, h_buf, hist):
        c = lax.axis_index("c")
        s = lax.axis_index("s")
        wid = c * NS + s
        pltpu.sync_copy(zeros_hbm, hist)
        pltpu.sync_copy(
            hp_hbm.at[pl.ds(wid * WIN_PER_TILE, WIN_PER_TILE)], h_buf)
        ones = jnp.ones((16,), jnp.float32)
        hist_row = hist.at[0]

        @pl.loop(0, WIN_PER_TILE)
        def _win(w):
            row = h_buf.at[w]

            @pl.loop(0, W, step=16)
            def _vec(i):
                plsc.addupdate_scatter(hist_row, [row[pl.ds(i, 16)]], ones)

        pltpu.sync_copy(hist, out_hbm.at[wid])

    return deg_kernel


CHUNK = 8
STEP = 2 * CHUNK
WIN_FAST = 128
WIN_SLOW = 2 * WIN_PER_TILE - WIN_FAST


@functools.cache
def _spmm_kernel():
    @functools.partial(
        pl.kernel,
        mesh=_mesh(),
        out_type=jax.ShapeDtypeStruct((NC, NP, D), jnp.float32),
        scratch_types=[
            pltpu.VMEM((2, CHUNK, W), jnp.int32),
            pltpu.VMEM((2, CHUNK, W), jnp.int32),
            pltpu.VMEM((2, W, D), jnp.float32),
            pltpu.VMEM_SHARED((NP, D), jnp.float32),
        ] + [pltpu.SemaphoreType.DMA] * 8,
    )
    def spmm_kernel(y_hbm, hp_hbm, tp_hbm, zeros_hbm, out_hbm,
                    h_buf, t_buf, rows, acc, *sems):
        gsem = sems[0:2]
        ssem = sems[2:4]
        ihsem = sems[4:6]
        itsem = sems[6:8]
        c = lax.axis_index("c")
        s = lax.axis_index("s")
        nw = jnp.where(c == 0, WIN_FAST, WIN_SLOW)
        base = jnp.where(c == 0, s * WIN_FAST,
                         NS * WIN_FAST + s * WIN_SLOW)
        rslice = pl.ds(s * ROWS_PER_TILE, ROWS_PER_TILE)
        pltpu.sync_copy(zeros_hbm.at[rslice], acc.at[rslice])

        def fire_idx(w, slot):
            pltpu.make_async_copy(
                hp_hbm.at[pl.ds(base + w, CHUNK)], h_buf.at[slot],
                ihsem[slot]).start()
            pltpu.make_async_copy(
                tp_hbm.at[pl.ds(base + w, CHUNK)], t_buf.at[slot],
                itsem[slot]).start()

        def wait_idx(slot):
            pltpu.make_async_copy(
                hp_hbm.at[pl.ds(base, CHUNK)], h_buf.at[slot],
                ihsem[slot]).wait()
            pltpu.make_async_copy(
                tp_hbm.at[pl.ds(base, CHUNK)], t_buf.at[slot],
                itsem[slot]).wait()

        def fire_gather(slot, r, b):
            pltpu.make_async_copy(
                y_hbm.at[h_buf.at[slot, r]], rows.at[b], gsem[b]).start()

        def wait_gather(b):
            pltpu.make_async_copy(
                y_hbm.at[h_buf.at[0, 0]], rows.at[b], gsem[b]).wait()

        def fire_scatter(slot, r, b):
            pltpu.make_async_copy(
                rows.at[b], acc.at[t_buf.at[slot, r]], ssem[b]).start(add=True)

        def wait_scatter(b):
            pltpu.make_async_copy(
                rows.at[b], acc.at[t_buf.at[0, 0]], ssem[b]).wait()

        fire_idx(0, 0)
        plsc.subcore_barrier()
        wait_idx(0)
        fire_gather(0, 0, 0)

        @pl.loop(0, nw, step=STEP)
        def _outer(o):
            for k in range(STEP):
                b = k % 2
                slot = (k // CHUNK) % 2
                r = k % CHUNK
                if k == 0:
                    @pl.when(o > 0)
                    def _():
                        wait_scatter(1 - b)
                    fire_idx(o + CHUNK, 1)
                else:
                    wait_scatter(1 - b)
                if k == CHUNK:
                    @pl.when(o < nw - STEP)
                    def _():
                        fire_idx(o + STEP, 0)
                nk = k + 1
                nslot = ((nk // CHUNK) % 2) if nk < STEP else 0
                nr = nk % CHUNK
                if nk == STEP:
                    @pl.when(o < nw - STEP)
                    def _():
                        wait_idx(nslot)
                        fire_gather(nslot, nr, 1 - b)
                elif nr == 0:
                    wait_idx(nslot)
                    fire_gather(nslot, nr, 1 - b)
                else:
                    fire_gather(nslot, nr, 1 - b)
                wait_gather(b)
                fire_scatter(slot, r, b)

        wait_scatter(1)
        plsc.subcore_barrier()
        pltpu.sync_copy(acc.at[rslice], out_hbm.at[c, rslice])

    return spmm_kernel


def _dis_body(degp_ref, dis_ref):
    deg = jnp.sum(degp_ref[...], axis=0, keepdims=True)
    dis_ref[...] = jnp.where(deg > 0.0, lax.rsqrt(deg), 0.0)


_dis_kernel = pl.pallas_call(
    _dis_body,
    out_shape=jax.ShapeDtypeStruct((1, NP), jnp.float32),
)


def _prep_body(dis_ref, x_ref, y_ref):
    y_ref[0:N, :] = dis_ref[0:N, :] * x_ref[...]
    y_ref[N:NP, :] = jnp.zeros((NP - N, D), jnp.float32)


_prep_kernel = pl.pallas_call(
    _prep_body,
    out_shape=jax.ShapeDtypeStruct((NP, D), jnp.float32),
)


def _fin_body(dis_ref, acc_ref, o_ref):
    ssum = acc_ref[0, 0:N, :] + acc_ref[1, 0:N, :]
    o_ref[...] = jnp.maximum(dis_ref[0:N, :] * ssum, 0.0)


_fin_kernel = pl.pallas_call(
    _fin_body,
    out_shape=jax.ShapeDtypeStruct((N, D), jnp.float32),
)


def kernel(x, h, t):
    pad = jnp.full((E_PAD - E,), N, jnp.int32)
    hp = jnp.concatenate([h.astype(jnp.int32), pad]).reshape(NWIN, W)
    tp = jnp.concatenate([t.astype(jnp.int32), pad]).reshape(NWIN, W)
    zeros_nd = jnp.zeros((NP, D), jnp.float32)
    zeros_n = jnp.zeros((1, NP), jnp.float32)

    degp = _deg_kernel()(hp, zeros_n)
    degp = degp.reshape(NTILES, NP)
    dis_row = _dis_kernel(degp)
    dis_col = dis_row.reshape(NP, 1)
    y = _prep_kernel(dis_col, x)
    acc = _spmm_kernel()(y, hp, tp, zeros_nd)
    return _fin_kernel(dis_col, acc)

# --- scband reference (transcript-rebuilt; emitter-appended) ---
"""Pipeline reference for scband-plain-gcn-72919954751682 (READ-ONLY COPY).

The authoritative reference and input builder live on the scoring server;
editing this copy changes nothing except your own understanding.
"""

import jax, jax.numpy as jnp
import numpy as np

N = 10000
E = 320000
D = 128

def setup_inputs(seed: int = 0) -> dict:
    key = jax.random.key(seed)
    kx, kh, kt = jax.random.split(key, 3)
    x = jax.random.normal(kx, (N, D), dtype=jnp.float32)
    h = jax.random.randint(kh, (E,), 0, N, dtype=jnp.int32)
    t = jax.random.randint(kt, (E,), 0, N, dtype=jnp.int32)
    return {"x": x, "h": h, "t": t}

def reference(x, h, t):
    # PlainGCN forward: sigma(D^{-1/2} M D^{-1/2} X) via spmm over edge list.
    # deg = degree of head-node occurrences over N nodes
    deg = jnp.bincount(h, length=x.shape[0]).astype(x.dtype)
    # torch: deg.pow(-0.5) gives inf for isolated nodes; guard with where for numeric safety
    deg_inv_sqrt = jnp.where(deg > 0, jnp.power(deg, -0.5), 0.0)
    norm = deg_inv_sqrt[t] * deg_inv_sqrt[h]
    # spmm(index=[t; h], value=norm, m=N, n=N, X): out[t[e]] += norm[e] * x[h[e]]
    msgs = norm[:, None] * jnp.take(x, h, axis=0)
    out = jnp.zeros_like(x).at[t].add(msgs)
    return jax.nn.relu(out)

if __name__ == "__main__":
    import jax
    _d = setup_inputs()
    print(jax.jit(kernel)(*tuple(_d.values())))

</pallas_src>

<mosaic_0001>
#map = affine_map<(d0, d1) -> (0, 0)>
#map1 = affine_map<(d0, d1) -> (0, 0, 0)>
module attributes {stable_mosaic.version = 14 : i64} {
  func.func @deg_kernel(%arg0: i32, %arg1: i32, %arg2: memref<2560x128xi32, #tpu.memory_space<hbm>>, %arg3: memref<1x10240xf32, #tpu.memory_space<hbm>>, %arg4: memref<32x1x10240xf32, #tpu.memory_space<hbm>>, %arg5: memref<80x128xi32, #tpu.memory_space<vmem>>, %arg6: memref<1x10240xf32, #tpu.memory_space<vmem>>) attributes {dimension_semantics = [#tpu.dimension_semantics<core_parallel>, #tpu.dimension_semantics<subcore_parallel>], iteration_bounds = array<i64: 2, 16>, scalar_prefetch = 0 : i64, scratch_operands = 2 : i64, tpu.core_type = #tpu.core_type<sc_vector_subcore>, window_params = [{transform_indices = #map}, {transform_indices = #map}, {transform_indices = #map1}]} {
    %mul3A = arith.constant 16 : i32
    %mul3A_0 = arith.muli %arg0, %mul3A : i32
    %add3A = arith.addi %mul3A_0, %arg1 : i32
    "tpu.region"() ({
      %run_scoped3A = tpu.sem_alloc : memref<!tpu.dma_semaphore, #tpu.memory_space<semaphore_mem>>
      tpu.enqueue_dma source(%arg3 : memref<1x10240xf32, #tpu.memory_space<hbm>>) target(%arg6 : memref<1x10240xf32, #tpu.memory_space<vmem>>) target_semaphore(%run_scoped3A : memref<!tpu.dma_semaphore, #tpu.memory_space<semaphore_mem>>)
      tpu.wait_dma2 semaphore(%run_scoped3A : memref<!tpu.dma_semaphore, #tpu.memory_space<semaphore_mem>>) src(%arg3 : memref<1x10240xf32, #tpu.memory_space<hbm>>) dst(%arg6 : memref<1x10240xf32, #tpu.memory_space<vmem>>)
      tpu.yield
    }) : () -> ()
    %mul3A_1 = arith.constant 80 : i32
    %mul3A_2 = arith.muli %add3A, %mul3A_1 : i32
    "tpu.region"() ({
      %run_scoped3A = tpu.sem_alloc : memref<!tpu.dma_semaphore, #tpu.memory_space<semaphore_mem>>
      %dma_start3A = arith.constant 0 : i32
      %dma_start3A_9 = tpu.memref_slice %arg2[%mul3A_2, %dma_start3A] : memref<2560x128xi32, #tpu.memory_space<hbm>> -> memref<80x128xi32, #tpu.memory_space<hbm>>
      %dma_start3A_10 = arith.constant 0 : i32
      %dma_start3A_11 = tpu.memref_slice %arg2[%mul3A_2, %dma_start3A_10] : memref<2560x128xi32, #tpu.memory_space<hbm>> -> memref<80x128xi32, #tpu.memory_space<hbm>>
      tpu.enqueue_dma source(%dma_start3A_11 : memref<80x128xi32, #tpu.memory_space<hbm>>) target(%arg5 : memref<80x128xi32, #tpu.memory_space<vmem>>) target_semaphore(%run_scoped3A : memref<!tpu.dma_semaphore, #tpu.memory_space<semaphore_mem>>)
      %dma_wait3A = arith.constant 0 : i32
      %dma_wait3A_12 = tpu.memref_slice %arg2[%mul3A_2, %dma_wait3A] : memref<2560x128xi32, #tpu.memory_space<hbm>> -> memref<80x128xi32, #tpu.memory_space<hbm>>
      %dma_wait3A_13 = arith.constant 0 : i32
      %dma_wait3A_14 = tpu.memref_slice %arg2[%mul3A_2, %dma_wait3A_13] : memref<2560x128xi32, #tpu.memory_space<hbm>> -> memref<80x128xi32, #tpu.memory_space<hbm>>
      tpu.wait_dma2 semaphore(%run_scoped3A : memref<!tpu.dma_semaphore, #tpu.memory_space<semaphore_mem>>) src(%dma_wait3A_14 : memref<80x128xi32, #tpu.memory_space<hbm>>) dst(%arg5 : memref<80x128xi32, #tpu.memory_space<vmem>>)
      tpu.yield
    }) : () -> ()
    %broadcast_in_dim3A = arith.constant 1.000000e+00 : f32
    %broadcast_in_dim3A_3 = vector.broadcast %broadcast_in_dim3A : f32 to vector<16xf32>
    %scan3A = arith.constant 0 : i32
    %scan3A_4 = arith.constant 0 : i32
    %scan3A_5 = arith.constant 80 : i32
    %scan3A_6 = arith.addi %scan3A_4, %scan3A_5 : i32
    %scan3A_7 = arith.constant 1 : i32
    scf.for %scan3A_9 = %scan3A_4 to %scan3A_6 step %scan3A_7  : i32 {
      %mul3A_10 = arith.constant 1 : i32
      %mul3A_11 = arith.muli %scan3A_9, %mul3A_10 : i32
      %add3A_12 = arith.constant 0 : i32
      %add3A_13 = arith.addi %add3A_12, %mul3A_11 : i32
      %scan3A_14 = arith.constant 0 : i32
      %scan3A_15 = arith.constant 8 : i32
      %scan3A_16 = arith.addi %scan3A_14, %scan3A_15 : i32
      %scan3A_17 = arith.constant 1 : i32
      scf.for %scan3A_19 = %scan3A_14 to %scan3A_16 step %scan3A_17  : i32 {
        %mul3A_20 = arith.constant 16 : i32
        %mul3A_21 = arith.muli %scan3A_19, %mul3A_20 : i32
        %add3A_22 = arith.constant 0 : i32
        %add3A_23 = arith.addi %add3A_22, %mul3A_21 : i32
        %get3A = arith.constant 0 : i32
        %get3A_24 = tpu.memref_slice %arg5[%add3A_13, %get3A] : memref<80x128xi32, #tpu.memory_space<vmem>> -> memref<1x128xi32, #tpu.memory_space<vmem>>
        %get3A_25 = tpu.memref_squeeze %get3A_24 : memref<1x128xi32, #tpu.memory_space<vmem>> -> memref<128xi32, #tpu.memory_space<vmem>>
        %get3A_26 = arith.index_cast %add3A_23 : i32 to index
        %get3A_27 = tpu.vector_load %get3A_25[%get3A_26] {strides = array<i32>} : memref<128xi32, #tpu.memory_space<vmem>>, vector<16xi32>,
        %scatter3A = arith.constant 0 : i32
        %scatter3A_28 = tpu.memref_slice %arg6[%scan3A, %scatter3A] : memref<1x10240xf32, #tpu.memory_space<vmem>> -> memref<1x10240xf32, #tpu.memory_space<vmem>>
        %scatter3A_29 = tpu.memref_squeeze %scatter3A_28 : memref<1x10240xf32, #tpu.memory_space<vmem>> -> memref<10240xf32, #tpu.memory_space<vmem>>
        tpu.vector_store_idx %scatter3A_29[%get3A_27], %broadcast_in_dim3A_3 {add = true} : memref<10240xf32, #tpu.memory_space<vmem>>[vector<16xi32>], vector<16xf32>,
      }
      %scan3A_18 = arith.constant 8 : i32
    }
    %scan3A_8 = arith.constant 80 : i32
    "tpu.region"() ({
      %run_scoped3A = tpu.sem_alloc : memref<!tpu.dma_semaphore, #tpu.memory_space<semaphore_mem>>
      %dma_start3A = arith.constant 0 : i32
      %dma_start3A_9 = arith.constant 0 : i32
      %dma_start3A_10 = tpu.memref_slice %arg4[%add3A, %dma_start3A, %dma_start3A_9] : memref<32x1x10240xf32, #tpu.memory_space<hbm>> -> memref<1x1x10240xf32, #tpu.memory_space<hbm>>
      %dma_start3A_11 = tpu.memref_squeeze %dma_start3A_10 : memref<1x1x10240xf32, #tpu.memory_space<hbm>> -> memref<1x10240xf32, #tpu.memory_space<hbm>>
      %dma_start3A_12 = arith.constant 0 : i32
      %dma_start3A_13 = arith.constant 0 : i32
      %dma_start3A_14 = tpu.memref_slice %arg4[%add3A, %dma_start3A_12, %dma_start3A_13] : memref<32x1x10240xf32, #tpu.memory_space<hbm>> -> memref<1x1x10240xf32, #tpu.memory_space<hbm>>
      %dma_start3A_15 = tpu.memref_squeeze %dma_start3A_14 : memref<1x1x10240xf32, #tpu.memory_space<hbm>> -> memref<1x10240xf32, #tpu.memory_space<hbm>>
      tpu.enqueue_dma source(%arg6 : memref<1x10240xf32, #tpu.memory_space<vmem>>) target(%dma_start3A_15 : memref<1x10240xf32, #tpu.memory_space<hbm>>) target_semaphore(%run_scoped3A : memref<!tpu.dma_semaphore, #tpu.memory_space<semaphore_mem>>)
      %dma_wait3A = arith.constant 0 : i32
      %dma_wait3A_16 = arith.constant 0 : i32
      %dma_wait3A_17 = tpu.memref_slice %arg4[%add3A, %dma_wait3A, %dma_wait3A_16] : memref<32x1x10240xf32, #tpu.memory_space<hbm>> -> memref<1x1x10240xf32, #tpu.memory_space<hbm>>
      %dma_wait3A_18 = tpu.memref_squeeze %dma_wait3A_17 : memref<1x1x10240xf32, #tpu.memory_space<hbm>> -> memref<1x10240xf32, #tpu.memory_space<hbm>>
      %dma_wait3A_19 = arith.constant 0 : i32
      %dma_wait3A_20 = arith.constant 0 : i32
      %dma_wait3A_21 = tpu.memref_slice %arg4[%add3A, %dma_wait3A_19, %dma_wait3A_20] : memref<32x1x10240xf32, #tpu.memory_space<hbm>> -> memref<1x1x10240xf32, #tpu.memory_space<hbm>>
      %dma_wait3A_22 = tpu.memref_squeeze %dma_wait3A_21 : memref<1x1x10240xf32, #tpu.memory_space<hbm>> -> memref<1x10240xf32, #tpu.memory_space<hbm>>
      tpu.wait_dma2 semaphore(%run_scoped3A : memref<!tpu.dma_semaphore, #tpu.memory_space<semaphore_mem>>) src(%arg6 : memref<1x10240xf32, #tpu.memory_space<vmem>>) dst(%dma_wait3A_22 : memref<1x10240xf32, #tpu.memory_space<hbm>>)
      tpu.yield
    }) : () -> ()
    return
  }
}

#map = affine_map<(d0, d1) -> (0, 0)>
#map1 = affine_map<(d0, d1) -> (0, 0, 0)>
module attributes {stable_mosaic.version = 14 : i64} {
  func.func @spmm_kernel(%arg0: i32, %arg1: i32, %arg2: memref<10240x128xf32, #tpu.memory_space<hbm>>, %arg3: memref<2560x128xi32, #tpu.memory_space<hbm>>, %arg4: memref<2560x128xi32, #tpu.memory_space<hbm>>, %arg5: memref<10240x128xf32, #tpu.memory_space<hbm>>, %arg6: memref<2x10240x128xf32, #tpu.memory_space<hbm>>, %arg7: memref<2x8x128xi32, #tpu.memory_space<vmem>>, %arg8: memref<2x8x128xi32, #tpu.memory_space<vmem>>, %arg9: memref<2x128x128xf32, #tpu.memory_space<vmem>>, %arg10: memref<10240x128xf32, #tpu.memory_space<vmem_shared>>, %arg11: memref<!tpu.dma_semaphore, #tpu.memory_space<semaphore_mem>>, %arg12: memref<!tpu.dma_semaphore, #tpu.memory_space<semaphore_mem>>, %arg13: memref<!tpu.dma_semaphore, #tpu.memory_space<semaphore_mem>>, %arg14: memref<!tpu.dma_semaphore, #tpu.memory_space<semaphore_mem>>, %arg15: memref<!tpu.dma_semaphore, #tpu.memory_space<semaphore_mem>>, %arg16: memref<!tpu.dma_semaphore, #tpu.memory_space<semaphore_mem>>, %arg17: memref<!tpu.dma_semaphore, #tpu.memory_space<semaphore_mem>>, %arg18: memref<!tpu.dma_semaphore, #tpu.memory_space<semaphore_mem>>) attributes {dimension_semantics = [#tpu.dimension_semantics<core_parallel>, #tpu.dimension_semantics<subcore_parallel>], iteration_bounds = array<i64: 2, 16>, scalar_prefetch = 0 : i64, scratch_operands = 12 : i64, tpu.core_type = #tpu.core_type<sc_vector_subcore>, window_params = [{transform_indices = #map}, {transform_indices = #map}, {transform_indices = #map}, {transform_indices = #map}, {transform_indices = #map1}]} {
    %eq3A = arith.constant 0 : i32
    %eq3A_0 = arith.cmpi eq, %arg0, %eq3A : i32
    %jit3A = arith.constant 128 : i32
    %jit3A_1 = arith.constant 32 : i32
    %select_n3A = arith.select %eq3A_0, %jit3A, %jit3A_1 : i32
    %eq3A_2 = arith.constant 0 : i32
    %eq3A_3 = arith.cmpi eq, %arg0, %eq3A_2 : i32
    %mul3A = arith.constant 128 : i32
    %mul3A_4 = arith.muli %arg1, %mul3A : i32
    %mul3A_5 = arith.constant 32 : i32
    %mul3A_6 = arith.muli %arg1, %mul3A_5 : i32
    %add3A = arith.constant 2048 : i32
    %add3A_7 = arith.addi %add3A, %mul3A_6 : i32
    %select_n3A_8 = arith.select %eq3A_3, %mul3A_4, %add3A_7 : i32
    %mul3A_9 = arith.constant 640 : i32
    %mul3A_10 = arith.muli %arg1, %mul3A_9 : i32
    "tpu.region"() ({
      %run_scoped3A = tpu.sem_alloc : memref<!tpu.dma_semaphore, #tpu.memory_space<semaphore_mem>>
      %dma_start3A_108 = arith.constant 0 : i32
      %dma_start3A_109 = tpu.memref_slice %arg10[%mul3A_10, %dma_start3A_108] : memref<10240x128xf32, #tpu.memory_space<vmem_shared>> -> memref<640x128xf32, #tpu.memory_space<vmem_shared>>
      %dma_start3A_110 = arith.constant 0 : i32
      %dma_start3A_111 = tpu.memref_slice %arg5[%mul3A_10, %dma_start3A_110] : memref<10240x128xf32, #tpu.memory_space<hbm>> -> memref<640x128xf32, #tpu.memory_space<hbm>>
      tpu.enqueue_dma source(%dma_start3A_111 : memref<640x128xf32, #tpu.memory_space<hbm>>) target(%dma_start3A_109 : memref<640x128xf32, #tpu.memory_space<vmem_shared>>) target_semaphore(%run_scoped3A : memref<!tpu.dma_semaphore, #tpu.memory_space<semaphore_mem>>)
      %dma_wait3A_112 = arith.constant 0 : i32
      %dma_wait3A_113 = tpu.memref_slice %arg10[%mul3A_10, %dma_wait3A_112] : memref<10240x128xf32, #tpu.memory_space<vmem_shared>> -> memref<640x128xf32, #tpu.memory_space<vmem_shared>>
      %dma_wait3A_114 = arith.constant 0 : i32
      %dma_wait3A_115 = tpu.memref_slice %arg5[%mul3A_10, %dma_wait3A_114] : memref<10240x128xf32, #tpu.memory_space<hbm>> -> memref<640x128xf32, #tpu.memory_space<hbm>>
      tpu.wait_dma2 semaphore(%run_scoped3A : memref<!tpu.dma_semaphore, #tpu.memory_space<semaphore_mem>>) src(%dma_wait3A_115 : memref<640x128xf32, #tpu.memory_space<hbm>>) dst(%dma_wait3A_113 : memref<640x128xf32, #tpu.memory_space<vmem_shared>>)
      tpu.yield
    }) : () -> ()
    %add3A_11 = arith.constant 0 : i32
    %add3A_12 = arith.addi %select_n3A_8, %add3A_11 : i32
    %dma_start3A = arith.constant 0 : i32
    %dma_start3A_13 = arith.constant 0 : i32
    %dma_start3A_14 = arith.constant 0 : i32
    %dma_start3A_15 = tpu.memref_slice %arg7[%dma_start3A, %dma_start3A_13, %dma_start3A_14] : memref<2x8x128xi32, #tpu.memory_space<vmem>> -> memref<1x8x128xi32, #tpu.memory_space<vmem>>
    %dma_start3A_16 = tpu.memref_squeeze %dma_start3A_15 : memref<1x8x128xi32, #tpu.memory_space<vmem>> -> memref<8x128xi32, #tpu.memory_space<vmem>>
    %dma_start3A_17 = arith.constant 0 : i32
    %dma_start3A_18 = tpu.memref_slice %arg3[%add3A_12, %dma_start3A_17] : memref<2560x128xi32, #tpu.memory_space<hbm>> -> memref<8x128xi32, #tpu.memory_space<hbm>>
    %dma_start3A_19 = arith.constant 0 : i32
    %dma_start3A_20 = arith.constant 0 : i32
    %dma_start3A_21 = tpu.memref_slice %arg7[%dma_start3A, %dma_start3A_19, %dma_start3A_20] : memref<2x8x128xi32, #tpu.memory_space<vmem>> -> memref<1x8x128xi32, #tpu.memory_space<vmem>>
    %dma_start3A_22 = tpu.memref_squeeze %dma_start3A_21 : memref<1x8x128xi32, #tpu.memory_space<vmem>> -> memref<8x128xi32, #tpu.memory_space<vmem>>
    %dma_start3A_23 = arith.constant 0 : i32
    %dma_start3A_24 = tpu.memref_slice %arg3[%add3A_12, %dma_start3A_23] : memref<2560x128xi32, #tpu.memory_space<hbm>> -> memref<8x128xi32, #tpu.memory_space<hbm>>
    tpu.enqueue_dma source(%dma_start3A_24 : memref<8x128xi32, #tpu.memory_space<hbm>>) target(%dma_start3A_22 : memref<8x128xi32, #tpu.memory_space<vmem>>) target_semaphore(%arg15 : memref<!tpu.dma_semaphore, #tpu.memory_space<semaphore_mem>>)
    %add3A_25 = arith.constant 0 : i32
    %add3A_26 = arith.addi %select_n3A_8, %add3A_25 : i32
    %dma_start3A_27 = arith.constant 0 : i32
    %dma_start3A_28 = arith.constant 0 : i32
    %dma_start3A_29 = arith.constant 0 : i32
    %dma_start3A_30 = tpu.memref_slice %arg8[%dma_start3A_27, %dma_start3A_28, %dma_start3A_29] : memref<2x8x128xi32, #tpu.memory_space<vmem>> -> memref<1x8x128xi32, #tpu.memory_space<vmem>>
    %dma_start3A_31 = tpu.memref_squeeze %dma_start3A_30 : memref<1x8x128xi32, #tpu.memory_space<vmem>> -> memref<8x128xi32, #tpu.memory_space<vmem>>
    %dma_start3A_32 = arith.constant 0 : i32
    %dma_start3A_33 = tpu.memref_slice %arg4[%add3A_26, %dma_start3A_32] : memref<2560x128xi32, #tpu.memory_space<hbm>> -> memref<8x128xi32, #tpu.memory_space<hbm>>
    %dma_start3A_34 = arith.constant 0 : i32
    %dma_start3A_35 = arith.constant 0 : i32
    %dma_start3A_36 = tpu.memref_slice %arg8[%dma_start3A_27, %dma_start3A_34, %dma_start3A_35] : memref<2x8x128xi32, #tpu.memory_space<vmem>> -> memref<1x8x128xi32, #tpu.memory_space<vmem>>
    %dma_start3A_37 = tpu.memref_squeeze %dma_start3A_36 : memref<1x8x128xi32, #tpu.memory_space<vmem>> -> memref<8x128xi32, #tpu.memory_space<vmem>>
    %dma_start3A_38 = arith.constant 0 : i32
    %dma_start3A_39 = tpu.memref_slice %arg4[%add3A_26, %dma_start3A_38] : memref<2560x128xi32, #tpu.memory_space<hbm>> -> memref<8x128xi32, #tpu.memory_space<hbm>>
    tpu.enqueue_dma source(%dma_start3A_39 : memref<8x128xi32, #tpu.memory_space<hbm>>) target(%dma_start3A_37 : memref<8x128xi32, #tpu.memory_space<vmem>>) target_semaphore(%arg17 : memref<!tpu.dma_semaphore, #tpu.memory_space<semaphore_mem>>)
    %barrier3A = arith.constant 0 : index
    tpu.barrier barrier_id(%barrier3A)
    %dma_wait3A = arith.constant 0 : i32
    %dma_wait3A_40 = arith.constant 0 : i32
    %dma_wait3A_41 = arith.constant 0 : i32
    %dma_wait3A_42 = tpu.memref_slice %arg7[%dma_wait3A, %dma_wait3A_40, %dma_wait3A_41] : memref<2x8x128xi32, #tpu.memory_space<vmem>> -> memref<1x8x128xi32, #tpu.memory_space<vmem>>
    %dma_wait3A_43 = tpu.memref_squeeze %dma_wait3A_42 : memref<1x8x128xi32, #tpu.memory_space<vmem>> -> memref<8x128xi32, #tpu.memory_space<vmem>>
    %dma_wait3A_44 = arith.constant 0 : i32
    %dma_wait3A_45 = tpu.memref_slice %arg3[%select_n3A_8, %dma_wait3A_44] : memref<2560x128xi32, #tpu.memory_space<hbm>> -> memref<8x128xi32, #tpu.memory_space<hbm>>
    %dma_wait3A_46 = arith.constant 0 : i32
    %dma_wait3A_47 = arith.constant 0 : i32
    %dma_wait3A_48 = tpu.memref_slice %arg7[%dma_wait3A, %dma_wait3A_46, %dma_wait3A_47] : memref<2x8x128xi32, #tpu.memory_space<vmem>> -> memref<1x8x128xi32, #tpu.memory_space<vmem>>
    %dma_wait3A_49 = tpu.memref_squeeze %dma_wait3A_48 : memref<1x8x128xi32, #tpu.memory_space<vmem>> -> memref<8x128xi32, #tpu.memory_space<vmem>>
    %dma_wait3A_50 = arith.constant 0 : i32
    %dma_wait3A_51 = tpu.memref_slice %arg3[%select_n3A_8, %dma_wait3A_50] : memref<2560x128xi32, #tpu.memory_space<hbm>> -> memref<8x128xi32, #tpu.memory_space<hbm>>
    tpu.wait_dma2 semaphore(%arg15 : memref<!tpu.dma_semaphore, #tpu.memory_space<semaphore_mem>>) src(%dma_wait3A_51 : memref<8x128xi32, #tpu.memory_space<hbm>>) dst(%dma_wait3A_49 : memref<8x128xi32, #tpu.memory_space<vmem>>)
    %dma_wait3A_52 = arith.constant 0 : i32
    %dma_wait3A_53 = arith.constant 0 : i32
    %dma_wait3A_54 = arith.constant 0 : i32
    %dma_wait3A_55 = tpu.memref_slice %arg8[%dma_wait3A_52, %dma_wait3A_53, %dma_wait3A_54] : memref<2x8x128xi32, #tpu.memory_space<vmem>> -> memref<1x8x128xi32, #tpu.memory_space<vmem>>
    %dma_wait3A_56 = tpu.memref_squeeze %dma_wait3A_55 : memref<1x8x128xi32, #tpu.memory_space<vmem>> -> memref<8x128xi32, #tpu.memory_space<vmem>>
    %dma_wait3A_57 = arith.constant 0 : i32
    %dma_wait3A_58 = tpu.memref_slice %arg4[%select_n3A_8, %dma_wait3A_57] : memref<2560x128xi32, #tpu.memory_space<hbm>> -> memref<8x128xi32, #tpu.memory_space<hbm>>
    %dma_wait3A_59 = arith.constant 0 : i32
    %dma_wait3A_60 = arith.constant 0 : i32
    %dma_wait3A_61 = tpu.memref_slice %arg8[%dma_wait3A_52, %dma_wait3A_59, %dma_wait3A_60] : memref<2x8x128xi32, #tpu.memory_space<vmem>> -> memref<1x8x128xi32, #tpu.memory_space<vmem>>
    %dma_wait3A_62 = tpu.memref_squeeze %dma_wait3A_61 : memref<1x8x128xi32, #tpu.memory_space<vmem>> -> memref<8x128xi32, #tpu.memory_space<vmem>>
    %dma_wait3A_63 = arith.constant 0 : i32
    %dma_wait3A_64 = tpu.memref_slice %arg4[%select_n3A_8, %dma_wait3A_63] : memref<2560x128xi32, #tpu.memory_space<hbm>> -> memref<8x128xi32, #tpu.memory_space<hbm>>
    tpu.wait_dma2 semaphore(%arg17 : memref<!tpu.dma_semaphore, #tpu.memory_space<semaphore_mem>>) src(%dma_wait3A_64 : memref<8x128xi32, #tpu.memory_space<hbm>>) dst(%dma_wait3A_62 : memref<8x128xi32, #tpu.memory_space<vmem>>)
    %dma_start3A_65 = arith.constant 0 : i32
    %dma_start3A_66 = arith.constant 0 : i32
    %dma_start3A_67 = arith.constant 0 : i32
    %dma_start3A_68 = arith.constant 0 : i32
    %dma_start3A_69 = arith.constant 0 : i32
    %dma_start3A_70 = tpu.memref_slice %arg9[%dma_start3A_67, %dma_start3A_68, %dma_start3A_69] : memref<2x128x128xf32, #tpu.memory_space<vmem>> -> memref<1x128x128xf32, #tpu.memory_space<vmem>>
    %dma_start3A_71 = tpu.memref_squeeze %dma_start3A_70 : memref<1x128x128xf32, #tpu.memory_space<vmem>> -> memref<128x128xf32, #tpu.memory_space<vmem>>
    %dma_start3A_72 = arith.constant 0 : i32
    %dma_start3A_73 = tpu.memref_slice %arg7[%dma_start3A_65, %dma_start3A_66, %dma_start3A_72] : memref<2x8x128xi32, #tpu.memory_space<vmem>> -> memref<1x1x128xi32, #tpu.memory_space<vmem>>
    %dma_start3A_74 = tpu.memref_squeeze %dma_start3A_73 : memref<1x1x128xi32, #tpu.memory_space<vmem>> -> memref<128xi32, #tpu.memory_space<vmem>>
    %dma_start3A_75 = arith.constant 0 : i32
    %dma_start3A_76 = arith.constant 0 : i32
    %dma_start3A_77 = tpu.memref_slice %arg2[%dma_start3A_75, %dma_start3A_76] : memref<10240x128xf32, #tpu.memory_space<hbm>> -> memref<10240x128xf32, #tpu.memory_space<hbm>>
    tpu.enqueue_indirect_dma source(%dma_start3A_77 : memref<10240x128xf32, #tpu.memory_space<hbm>>) target(%dma_start3A_71 : memref<128x128xf32, #tpu.memory_space<vmem>>) offsets(%dma_start3A_74 : memref<128xi32, #tpu.memory_space<vmem>>) semaphore(%arg11 : memref<!tpu.dma_semaphore, #tpu.memory_space<semaphore_mem>>)
    %sub3A = arith.constant 0 : i32
    %sub3A_78 = arith.subi %select_n3A, %sub3A : i32
    %sub3A_79 = arith.constant 16 : i32
    %sub3A_80 = arith.constant 1 : i32
    %sub3A_81 = arith.subi %sub3A_79, %sub3A_80 : i32
    %add3A_82 = arith.addi %sub3A_78, %sub3A_81 : i32
    %div3A = arith.constant 16 : i32
    %div3A_83 = arith.divsi %add3A_82, %div3A : i32
    %while3A = arith.constant 16 : i32
    %while3A_84 = arith.constant 0 : i32
    %while3A_85 = arith.constant 0 : i32
    %while3A_86 = arith.subi %div3A_83, %while3A_85 : i32
    %while3A_87 = arith.addi %while3A_85, %while3A_86 : i32
    %while3A_88 = arith.constant 1 : i32
    %while3A_89 = arith.divsi %while3A_86, %while3A_88 : i32
    %while3A_90 = arith.muli %while3A_89, %while3A_88 : i32
    %while3A_91 = arith.addi %while3A_85, %while3A_90 : i32
    %while3A_92 = arith.constant 1 : i32
    scf.for %while3A_108 = %while3A_85 to %while3A_91 step %while3A_92  : i32 {
      %mul3A_109 = arith.muli %while3A_108, %while3A : i32
      %add3A_110 = arith.addi %while3A_84, %mul3A_109 : i32
      %gt3A = arith.constant 0 : i32
      %gt3A_111 = arith.cmpi sgt, %add3A_110, %gt3A : i32
      %convert_element_type3A = arith.extui %gt3A_111 : i1 to i32
      %cond3A = arith.constant 0 : i32
      %cond3A_112 = arith.cmpi ne, %convert_element_type3A, %cond3A : i32
      scf.if %cond3A_112 {
        %dma_wait3A_986 = arith.constant 1 : i32
        %dma_wait3A_987 = arith.constant 0 : i32
        %dma_wait3A_988 = arith.constant 0 : i32
        %dma_wait3A_989 = arith.constant 0 : i32
        %dma_wait3A_990 = arith.constant 0 : i32
        %dma_wait3A_991 = tpu.memref_slice %arg9[%dma_wait3A_986, %dma_wait3A_989, %dma_wait3A_990] : memref<2x128x128xf32, #tpu.memory_space<vmem>> -> memref<1x128x128xf32, #tpu.memory_space<vmem>>
        %dma_wait3A_992 = tpu.memref_squeeze %dma_wait3A_991 : memref<1x128x128xf32, #tpu.memory_space<vmem>> -> memref<128x128xf32, #tpu.memory_space<vmem>>
        %dma_wait3A_993 = arith.constant 0 : i32
        %dma_wait3A_994 = tpu.memref_slice %arg8[%dma_wait3A_987, %dma_wait3A_988, %dma_wait3A_993] : memref<2x8x128xi32, #tpu.memory_space<vmem>> -> memref<1x1x128xi32, #tpu.memory_space<vmem>>
        %dma_wait3A_995 = tpu.memref_squeeze %dma_wait3A_994 : memref<1x1x128xi32, #tpu.memory_space<vmem>> -> memref<128xi32, #tpu.memory_space<vmem>>
        %dma_wait3A_996 = arith.constant 0 : i32
        %dma_wait3A_997 = arith.constant 0 : i32
        %dma_wait3A_998 = tpu.memref_slice %arg10[%dma_wait3A_996, %dma_wait3A_997] : memref<10240x128xf32, #tpu.memory_space<vmem_shared>> -> memref<10240x128xf32, #tpu.memory_space<vmem_shared>>
        tpu.wait_indirect_dma semaphore(%arg14 : memref<!tpu.dma_semaphore, #tpu.memory_space<semaphore_mem>>) src(%dma_wait3A_992 : memref<128x128xf32, #tpu.memory_space<vmem>>) dst(%dma_wait3A_998 : memref<10240x128xf32, #tpu.memory_space<vmem_shared>>)
      } else {
      }
      %add3A_113 = arith.constant 8 : i32
      %add3A_114 = arith.addi %add3A_110, %add3A_113 : i32
      %add3A_115 = arith.addi %select_n3A_8, %add3A_114 : i32
      %dma_start3A_116 = arith.constant 1 : i32
      %dma_start3A_117 = arith.constant 0 : i32
      %dma_start3A_118 = arith.constant 0 : i32
      %dma_start3A_119 = tpu.memref_slice %arg7[%dma_start3A_116, %dma_start3A_117, %dma_start3A_118] : memref<2x8x128xi32, #tpu.memory_space<vmem>> -> memref<1x8x128xi32, #tpu.memory_space<vmem>>
      %dma_start3A_120 = tpu.memref_squeeze %dma_start3A_119 : memref<1x8x128xi32, #tpu.memory_space<vmem>> -> memref<8x128xi32, #tpu.memory_space<vmem>>
      %dma_start3A_121 = arith.constant 0 : i32
      %dma_start3A_122 = tpu.memref_slice %arg3[%add3A_115, %dma_start3A_121] : memref<2560x128xi32, #tpu.memory_space<hbm>> -> memref<8x128xi32, #tpu.memory_space<hbm>>
      %dma_start3A_123 = arith.constant 0 : i32
      %dma_start3A_124 = arith.constant 0 : i32
      %dma_start3A_125 = tpu.memref_slice %arg7[%dma_start3A_116, %dma_start3A_123, %dma_start3A_124] : memref<2x8x128xi32, #tpu.memory_space<vmem>> -> memref<1x8x128xi32, #tpu.memory_space<vmem>>
      %dma_start3A_126 = tpu.memref_squeeze %dma_start3A_125 : memref<1x8x128xi32, #tpu.memory_space<vmem>> -> memref<8x128xi32, #tpu.memory_space<vmem>>
      %dma_start3A_127 = arith.constant 0 : i32
      %dma_start3A_128 = tpu.memref_slice %arg3[%add3A_115, %dma_start3A_127] : memref<2560x128xi32, #tpu.memory_space<hbm>> -> memref<8x128xi32, #tpu.memory_space<hbm>>
      tpu.enqueue_dma source(%dma_start3A_128 : memref<8x128xi32, #tpu.memory_space<hbm>>) target(%dma_start3A_126 : memref<8x128xi32, #tpu.memory_space<vmem>>) target_semaphore(%arg16 : memref<!tpu.dma_semaphore, #tpu.memory_space<semaphore_mem>>)
      %add3A_129 = arith.addi %select_n3A_8, %add3A_114 : i32
      %dma_start3A_130 = arith.constant 1 : i32
      %dma_start3A_131 = arith.constant 0 : i32
      %dma_start3A_132 = arith.constant 0 : i32
      %dma_start3A_133 = tpu.memref_slice %arg8[%dma_start3A_130, %dma_start3A_131, %dma_start3A_132] : memref<2x8x128xi32, #tpu.memory_space<vmem>> -> memref<1x8x128xi32, #tpu.memory_space<vmem>>
      %dma_start3A_134 = tpu.memref_squeeze %dma_start3A_133 : memref<1x8x128xi32, #tpu.memory_space<vmem>> -> memref<8x128xi32, #tpu.memory_space<vmem>>
      %dma_start3A_135 = arith.constant 0 : i32
      %dma_start3A_136 = tpu.memref_slice %arg4[%add3A_129, %dma_start3A_135] : memref<2560x128xi32, #tpu.memory_space<hbm>> -> memref<8x128xi32, #tpu.memory_space<hbm>>
      %dma_start3A_137 = arith.constant 0 : i32
      %dma_start3A_138 = arith.constant 0 : i32
      %dma_start3A_139 = tpu.memref_slice %arg8[%dma_start3A_130, %dma_start3A_137, %dma_start3A_138] : memref<2x8x128xi32, #tpu.memory_space<vmem>> -> memref<1x8x128xi32, #tpu.memory_space<vmem>>
      %dma_start3A_140 = tpu.memref_squeeze %dma_start3A_139 : memref<1x8x128xi32, #tpu.memory_space<vmem>> -> memref<8x128xi32, #tpu.memory_space<vmem>>
      %dma_start3A_141 = arith.constant 0 : i32
      %dma_start3A_142 = tpu.memref_slice %arg4[%add3A_129, %dma_start3A_141] : memref<2560x128xi32, #tpu.memory_space<hbm>> -> memref<8x128xi32, #tpu.memory_space<hbm>>
      tpu.enqueue_dma source(%dma_start3A_142 : memref<8x128xi32, #tpu.memory_space<hbm>>) target(%dma_start3A_140 : memref<8x128xi32, #tpu.memory_space<vmem>>) target_semaphore(%arg18 : memref<!tpu.dma_semaphore, #tpu.memory_space<semaphore_mem>>)
      %dma_start3A_143 = arith.constant 0 : i32
      %dma_start3A_144 = arith.constant 1 : i32
      %dma_start3A_145 = arith.constant 1 : i32
      %dma_start3A_146 = arith.constant 0 : i32
      %dma_start3A_147 = arith.constant 0 : i32
      %dma_start3A_148 = tpu.memref_slice %arg9[%dma_start3A_145, %dma_start3A_146, %dma_start3A_147] : memref<2x128x128xf32, #tpu.memory_space<vmem>> -> memref<1x128x128xf32, #tpu.memory_space<vmem>>
      %dma_start3A_149 = tpu.memref_squeeze %dma_start3A_148 : memref<1x128x128xf32, #tpu.memory_space<vmem>> -> memref<128x128xf32, #tpu.memory_space<vmem>>
      %dma_start3A_150 = arith.constant 0 : i32
      %dma_start3A_151 = tpu.memref_slice %arg7[%dma_start3A_143, %dma_start3A_144, %dma_start3A_150] : memref<2x8x128xi32, #tpu.memory_space<vmem>> -> memref<1x1x128xi32, #tpu.memory_space<vmem>>
      %dma_start3A_152 = tpu.memref_squeeze %dma_start3A_151 : memref<1x1x128xi32, #tpu.memory_space<vmem>> -> memref<128xi32, #tpu.memory_space<vmem>>
      %dma_start3A_153 = arith.constant 0 : i32
      %dma_start3A_154 = arith.constant 0 : i32
      %dma_start3A_155 = tpu.memref_slice %arg2[%dma_start3A_153, %dma_start3A_154] : memref<10240x128xf32, #tpu.memory_space<hbm>> -> memref<10240x128xf32, #tpu.memory_space<hbm>>
      tpu.enqueue_indirect_dma source(%dma_start3A_155 : memref<10240x128xf32, #tpu.memory_space<hbm>>) target(%dma_start3A_149 : memref<128x128xf32, #tpu.memory_space<vmem>>) offsets(%dma_start3A_152 : memref<128xi32, #tpu.memory_space<vmem>>) semaphore(%arg12 : memref<!tpu.dma_semaphore, #tpu.memory_space<semaphore_mem>>)
      %dma_wait3A_156 = arith.constant 0 : i32
      %dma_wait3A_157 = arith.constant 0 : i32
      %dma_wait3A_158 = arith.constant 0 : i32
      %dma_wait3A_159 = arith.constant 0 : i32
      %dma_wait3A_160 = arith.constant 0 : i32
      %dma_wait3A_161 = tpu.memref_slice %arg9[%dma_wait3A_158, %dma_wait3A_159, %dma_wait3A_160] : memref<2x128x128xf32, #tpu.memory_space<vmem>> -> memref<1x128x128xf32, #tpu.memory_space<vmem>>
      %dma_wait3A_162 = tpu.memref_squeeze %dma_wait3A_161 : memref<1x128x128xf32, #tpu.memory_space<vmem>> -> memref<128x128xf32, #tpu.memory_space<vmem>>
      %dma_wait3A_163 = arith.constant 0 : i32
      %dma_wait3A_164 = tpu.memref_slice %arg7[%dma_wait3A_156, %dma_wait3A_157, %dma_wait3A_163] : memref<2x8x128xi32, #tpu.memory_space<vmem>> -> memref<1x1x128xi32, #tpu.memory_space<vmem>>
      %dma_wait3A_165 = tpu.memref_squeeze %dma_wait3A_164 : memref<1x1x128xi32, #tpu.memory_space<vmem>> -> memref<128xi32, #tpu.memory_space<vmem>>
      %dma_wait3A_166 = arith.constant 0 : i32
      %dma_wait3A_167 = arith.constant 0 : i32
      %dma_wait3A_168 = tpu.memref_slice %arg2[%dma_wait3A_166, %dma_wait3A_167] : memref<10240x128xf32, #tpu.memory_space<hbm>> -> memref<10240x128xf32, #tpu.memory_space<hbm>>
      tpu.wait_indirect_dma semaphore(%arg11 : memref<!tpu.dma_semaphore, #tpu.memory_space<semaphore_mem>>) src(%dma_wait3A_168 : memref<10240x128xf32, #tpu.memory_space<hbm>>) dst(%dma_wait3A_162 : memref<128x128xf32, #tpu.memory_space<vmem>>)
      %dma_start3A_169 = arith.constant 0 : i32
      %dma_start3A_170 = arith.constant 0 : i32
      %dma_start3A_171 = arith.constant 0 : i32
      %dma_start3A_172 = arith.constant 0 : i32
      %dma_start3A_173 = arith.constant 0 : i32
      %dma_start3A_174 = tpu.memref_slice %arg9[%dma_start3A_169, %dma_start3A_172, %dma_start3A_173] : memref<2x128x128xf32, #tpu.memory_space<vmem>> -> memref<1x128x128xf32, #tpu.memory_space<vmem>>
      %dma_start3A_175 = tpu.memref_squeeze %dma_start3A_174 : memref<1x128x128xf32, #tpu.memory_space<vmem>> -> memref<128x128xf32, #tpu.memory_space<vmem>>
      %dma_start3A_176 = arith.constant 0 : i32
      %dma_start3A_177 = tpu.memref_slice %arg8[%dma_start3A_170, %dma_start3A_171, %dma_start3A_176] : memref<2x8x128xi32, #tpu.memory_space<vmem>> -> memref<1x1x128xi32, #tpu.memory_space<vmem>>
      %dma_start3A_178 = tpu.memref_squeeze %dma_start3A_177 : memref<1x1x128xi32, #tpu.memory_space<vmem>> -> memref<128xi32, #tpu.memory_space<vmem>>
      %dma_start3A_179 = arith.constant 0 : i32
      %dma_start3A_180 = arith.constant 0 : i32
      %dma_start3A_181 = tpu.memref_slice %arg10[%dma_start3A_179, %dma_start3A_180] : memref<10240x128xf32, #tpu.memory_space<vmem_shared>> -> memref<10240x128xf32, #tpu.memory_space<vmem_shared>>
      tpu.enqueue_indirect_dma source(%dma_start3A_175 : memref<128x128xf32, #tpu.memory_space<vmem>>) target(%dma_start3A_181 : memref<10240x128xf32, #tpu.memory_space<vmem_shared>>) offsets(%dma_start3A_178 : memref<128xi32, #tpu.memory_space<vmem>>) semaphore(%arg13 : memref<!tpu.dma_semaphore, #tpu.memory_space<semaphore_mem>>) {add = true}
      %dma_wait3A_182 = arith.constant 0 : i32
      %dma_wait3A_183 = arith.constant 0 : i32
      %dma_wait3A_184 = arith.constant 0 : i32
      %dma_wait3A_185 = arith.constant 0 : i32
      %dma_wait3A_186 = arith.constant 0 : i32
      %dma_wait3A_187 = tpu.memref_slice %arg9[%dma_wait3A_182, %dma_wait3A_185, %dma_wait3A_186] : memref<2x128x128xf32, #tpu.memory_space<vmem>> -> memref<1x128x128xf32, #tpu.memory_space<vmem>>
      %dma_wait3A_188 = tpu.memref_squeeze %dma_wait3A_187 : memref<1x128x128xf32, #tpu.memory_space<vmem>> -> memref<128x128xf32, #tpu.memory_space<vmem>>
      %dma_wait3A_189 = arith.constant 0 : i32
      %dma_wait3A_190 = tpu.memref_slice %arg8[%dma_wait3A_183, %dma_wait3A_184, %dma_wait3A_189] : memref<2x8x128xi32, #tpu.memory_space<vmem>> -> memref<1x1x128xi32, #tpu.memory_space<vmem>>
      %dma_wait3A_191 = tpu.memref_squeeze %dma_wait3A_190 : memref<1x1x128xi32, #tpu.memory_space<vmem>> -> memref<128xi32, #tpu.memory_space<vmem>>
      %dma_wait3A_192 = arith.constant 0 : i32
      %dma_wait3A_193 = arith.constant 0 : i32
      %dma_wait3A_194 = tpu.memref_slice %arg10[%dma_wait3A_192, %dma_wait3A_193] : memref<10240x128xf32, #tpu.memory_space<vmem_shared>> -> memref<10240x128xf32, #tpu.memory_space<vmem_shared>>
      tpu.wait_indirect_dma semaphore(%arg13 : memref<!tpu.dma_semaphore, #tpu.memory_space<semaphore_mem>>) src(%dma_wait3A_188 : memref<128x128xf32, #tpu.memory_space<vmem>>) dst(%dma_wait3A_194 : memref<10240x128xf32, #tpu.memory_space<vmem_shared>>)
      %dma_start3A_195 = arith.constant 0 : i32
      %dma_start3A_196 = arith.constant 2 : i32
      %dma_start3A_197 = arith.constant 0 : i32
      %dma_start3A_198 = arith.constant 0 : i32
      %dma_start3A_199 = arith.constant 0 : i32
      %dma_start3A_200 = tpu.memref_slice %arg9[%dma_start3A_197, %dma_start3A_198, %dma_start3A_199] : memref<2x128x128xf32, #tpu.memory_space<vmem>> -> memref<1x128x128xf32, #tpu.memory_space<vmem>>
      %dma_start3A_201 = tpu.memref_squeeze %dma_start3A_200 : memref<1x128x128xf32, #tpu.memory_space<vmem>> -> memref<128x128xf32, #tpu.memory_space<vmem>>
      %dma_start3A_202 = arith.constant 0 : i32
      %dma_start3A_203 = tpu.memref_slice %arg7[%dma_start3A_195, %dma_start3A_196, %dma_start3A_202] : memref<2x8x128xi32, #tpu.memory_space<vmem>> -> memref<1x1x128xi32, #tpu.memory_space<vmem>>
      %dma_start3A_204 = tpu.memref_squeeze %dma_start3A_203 : memref<1x1x128xi32, #tpu.memory_space<vmem>> -> memref<128xi32, #tpu.memory_space<vmem>>
      %dma_start3A_205 = arith.constant 0 : i32
      %dma_start3A_206 = arith.constant 0 : i32
      %dma_start3A_207 = tpu.memref_slice %arg2[%dma_start3A_205, %dma_start3A_206] : memref<10240x128xf32, #tpu.memory_space<hbm>> -> memref<10240x128xf32, #tpu.memory_space<hbm>>
      tpu.enqueue_indirect_dma source(%dma_start3A_207 : memref<10240x128xf32, #tpu.memory_space<hbm>>) target(%dma_start3A_201 : memref<128x128xf32, #tpu.memory_space<vmem>>) offsets(%dma_start3A_204 : memref<128xi32, #tpu.memory_space<vmem>>) semaphore(%arg11 : memref<!tpu.dma_semaphore, #tpu.memory_space<semaphore_mem>>)
      %dma_wait3A_208 = arith.constant 0 : i32
      %dma_wait3A_209 = arith.constant 0 : i32
      %dma_wait3A_210 = arith.constant 1 : i32
      %dma_wait3A_211 = arith.constant 0 : i32
      %dma_wait3A_212 = arith.constant 0 : i32
      %dma_wait3A_213 = tpu.memref_slice %arg9[%dma_wait3A_210, %dma_wait3A_211, %dma_wait3A_212] : memref<2x128x128xf32, #tpu.memory_space<vmem>> -> memref<1x128x128xf32, #tpu.memory_space<vmem>>
      %dma_wait3A_214 = tpu.memref_squeeze %dma_wait3A_213 : memref<1x128x128xf32, #tpu.memory_space<vmem>> -> memref<128x128xf32, #tpu.memory_space<vmem>>
      %dma_wait3A_215 = arith.constant 0 : i32
      %dma_wait3A_216 = tpu.memref_slice %arg7[%dma_wait3A_208, %dma_wait3A_209, %dma_wait3A_215] : memref<2x8x128xi32, #tpu.memory_space<vmem>> -> memref<1x1x128xi32, #tpu.memory_space<vmem>>
      %dma_wait3A_217 = tpu.memref_squeeze %dma_wait3A_216 : memref<1x1x128xi32, #tpu.memory_space<vmem>> -> memref<128xi32, #tpu.memory_space<vmem>>
      %dma_wait3A_218 = arith.constant 0 : i32
      %dma_wait3A_219 = arith.constant 0 : i32
      %dma_wait3A_220 = tpu.memref_slice %arg2[%dma_wait3A_218, %dma_wait3A_219] : memref<10240x128xf32, #tpu.memory_space<hbm>> -> memref<10240x128xf32, #tpu.memory_space<hbm>>
      tpu.wait_indirect_dma semaphore(%arg12 : memref<!tpu.dma_semaphore, #tpu.memory_space<semaphore_mem>>) src(%dma_wait3A_220 : memref<10240x128xf32, #tpu.memory_space<hbm>>) dst(%dma_wait3A_214 : memref<128x128xf32, #tpu.memory_space<vmem>>)
      %dma_start3A_221 = arith.constant 1 : i32
      %dma_start3A_222 = arith.constant 0 : i32
      %dma_start3A_223 = arith.constant 1 : i32
      %dma_start3A_224 = arith.constant 0 : i32
      %dma_start3A_225 = arith.constant 0 : i32
      %dma_start3A_226 = tpu.memref_slice %arg9[%dma_start3A_221, %dma_start3A_224, %dma_start3A_225] : memref<2x128x128xf32, #tpu.memory_space<vmem>> -> memref<1x128x128xf32, #tpu.memory_space<vmem>>
      %dma_start3A_227 = tpu.memref_squeeze %dma_start3A_226 : memref<1x128x128xf32, #tpu.memory_space<vmem>> -> memref<128x128xf32, #tpu.memory_space<vmem>>
      %dma_start3A_228 = arith.constant 0 : i32
      %dma_start3A_229 = tpu.memref_slice %arg8[%dma_start3A_222, %dma_start3A_223, %dma_start3A_228] : memref<2x8x128xi32, #tpu.memory_space<vmem>> -> memref<1x1x128xi32, #tpu.memory_space<vmem>>
      %dma_start3A_230 = tpu.memref_squeeze %dma_start3A_229 : memref<1x1x128xi32, #tpu.memory_space<vmem>> -> memref<128xi32, #tpu.memory_space<vmem>>
      %dma_start3A_231 = arith.constant 0 : i32
      %dma_start3A_232 = arith.constant 0 : i32
      %dma_start3A_233 = tpu.memref_slice %arg10[%dma_start3A_231, %dma_start3A_232] : memref<10240x128xf32, #tpu.memory_space<vmem_shared>> -> memref<10240x128xf32, #tpu.memory_space<vmem_shared>>
      tpu.enqueue_indirect_dma source(%dma_start3A_227 : memref<128x128xf32, #tpu.memory_space<vmem>>) target(%dma_start3A_233 : memref<10240x128xf32, #tpu.memory_space<vmem_shared>>) offsets(%dma_start3A_230 : memref<128xi32, #tpu.memory_space<vmem>>) semaphore(%arg14 : memref<!tpu.dma_semaphore, #tpu.memory_space<semaphore_mem>>) {add = true}
      %dma_wait3A_234 = arith.constant 1 : i32
      %dma_wait3A_235 = arith.constant 0 : i32
      %dma_wait3A_236 = arith.constant 0 : i32
      %dma_wait3A_237 = arith.constant 0 : i32
      %dma_wait3A_238 = arith.constant 0 : i32
      %dma_wait3A_239 = tpu.memref_slice %arg9[%dma_wait3A_234, %dma_wait3A_237, %dma_wait3A_238] : memref<2x128x128xf32, #tpu.memory_space<vmem>> -> memref<1x128x128xf32, #tpu.memory_space<vmem>>
      %dma_wait3A_240 = tpu.memref_squeeze %dma_wait3A_239 : memref<1x128x128xf32, #tpu.memory_space<vmem>> -> memref<128x128xf32, #tpu.memory_space<vmem>>
      %dma_wait3A_241 = arith.constant 0 : i32
      %dma_wait3A_242 = tpu.memref_slice %arg8[%dma_wait3A_235, %dma_wait3A_236, %dma_wait3A_241] : memref<2x8x128xi32, #tpu.memory_space<vmem>> -> memref<1x1x128xi32, #tpu.memory_space<vmem>>
      %dma_wait3A_243 = tpu.memref_squeeze %dma_wait3A_242 : memref<1x1x128xi32, #tpu.memory_space<vmem>> -> memref<128xi32, #tpu.memory_space<vmem>>
      %dma_wait3A_244 = arith.constant 0 : i32
      %dma_wait3A_245 = arith.constant 0 : i32
      %dma_wait3A_246 = tpu.memref_slice %arg10[%dma_wait3A_244, %dma_wait3A_245] : memref<10240x128xf32, #tpu.memory_space<vmem_shared>> -> memref<10240x128xf32, #tpu.memory_space<vmem_shared>>
      tpu.wait_indirect_dma semaphore(%arg14 : memref<!tpu.dma_semaphore, #tpu.memory_space<semaphore_mem>>) src(%dma_wait3A_240 : memref<128x128xf32, #tpu.memory_space<vmem>>) dst(%dma_wait3A_246 : memref<10240x128xf32, #tpu.memory_space<vmem_shared>>)
      %dma_start3A_247 = arith.constant 0 : i32
      %dma_start3A_248 = arith.constant 3 : i32
      %dma_start3A_249 = arith.constant 1 : i32
      %dma_start3A_250 = arith.constant 0 : i32
      %dma_start3A_251 = arith.constant 0 : i32
      %dma_start3A_252 = tpu.memref_slice %arg9[%dma_start3A_249, %dma_start3A_250, %dma_start3A_251] : memref<2x128x128xf32, #tpu.memory_space<vmem>> -> memref<1x128x128xf32, #tpu.memory_space<vmem>>
      %dma_start3A_253 = tpu.memref_squeeze %dma_start3A_252 : memref<1x128x128xf32, #tpu.memory_space<vmem>> -> memref<128x128xf32, #tpu.memory_space<vmem>>
      %dma_start3A_254 = arith.constant 0 : i32
      %dma_start3A_255 = tpu.memref_slice %arg7[%dma_start3A_247, %dma_start3A_248, %dma_start3A_254] : memref<2x8x128xi32, #tpu.memory_space<vmem>> -> memref<1x1x128xi32, #tpu.memory_space<vmem>>
      %dma_start3A_256 = tpu.memref_squeeze %dma_start3A_255 : memref<1x1x128xi32, #tpu.memory_space<vmem>> -> memref<128xi32, #tpu.memory_space<vmem>>
      %dma_start3A_257 = arith.constant 0 : i32
      %dma_start3A_258 = arith.constant 0 : i32
      %dma_start3A_259 = tpu.memref_slice %arg2[%dma_start3A_257, %dma_start3A_258] : memref<10240x128xf32, #tpu.memory_space<hbm>> -> memref<10240x128xf32, #tpu.memory_space<hbm>>
      tpu.enqueue_indirect_dma source(%dma_start3A_259 : memref<10240x128xf32, #tpu.memory_space<hbm>>) target(%dma_start3A_253 : memref<128x128xf32, #tpu.memory_space<vmem>>) offsets(%dma_start3A_256 : memref<128xi32, #tpu.memory_space<vmem>>) semaphore(%arg12 : memref<!tpu.dma_semaphore, #tpu.memory_space<semaphore_mem>>)
      %dma_wait3A_260 = arith.constant 0 : i32
      %dma_wait3A_261 = arith.constant 0 : i32
      %dma_wait3A_262 = arith.constant 0 : i32
      %dma_wait3A_263 = arith.constant 0 : i32
      %dma_wait3A_264 = arith.constant 0 : i32
      %dma_wait3A_265 = tpu.memref_slice %arg9[%dma_wait3A_262, %dma_wait3A_263, %dma_wait3A_264] : memref<2x128x128xf32, #tpu.memory_space<vmem>> -> memref<1x128x128xf32, #tpu.memory_space<vmem>>
      %dma_wait3A_266 = tpu.memref_squeeze %dma_wait3A_265 : memref<1x128x128xf32, #tpu.memory_space<vmem>> -> memref<128x128xf32, #tpu.memory_space<vmem>>
      %dma_wait3A_267 = arith.constant 0 : i32
      %dma_wait3A_268 = tpu.memref_slice %arg7[%dma_wait3A_260, %dma_wait3A_261, %dma_wait3A_267] : memref<2x8x128xi32, #tpu.memory_space<vmem>> -> memref<1x1x128xi32, #tpu.memory_space<vmem>>
      %dma_wait3A_269 = tpu.memref_squeeze %dma_wait3A_268 : memref<1x1x128xi32, #tpu.memory_space<vmem>> -> memref<128xi32, #tpu.memory_space<vmem>>
      %dma_wait3A_270 = arith.constant 0 : i32
      %dma_wait3A_271 = arith.constant 0 : i32
      %dma_wait3A_272 = tpu.memref_slice %arg2[%dma_wait3A_270, %dma_wait3A_271] : memref<10240x128xf32, #tpu.memory_space<hbm>> -> memref<10240x128xf32, #tpu.memory_space<hbm>>
      tpu.wait_indirect_dma semaphore(%arg11 : memref<!tpu.dma_semaphore, #tpu.memory_space<semaphore_mem>>) src(%dma_wait3A_272 : memref<10240x128xf32, #tpu.memory_space<hbm>>) dst(%dma_wait3A_266 : memref<128x128xf32, #tpu.memory_space<vmem>>)
      %dma_start3A_273 = arith.constant 0 : i32
      %dma_start3A_274 = arith.constant 0 : i32
      %dma_start3A_275 = arith.constant 2 : i32
      %dma_start3A_276 = arith.constant 0 : i32
      %dma_start3A_277 = arith.constant 0 : i32
      %dma_start3A_278 = tpu.memref_slice %arg9[%dma_start3A_273, %dma_start3A_276, %dma_start3A_277] : memref<2x128x128xf32, #tpu.memory_space<vmem>> -> memref<1x128x128xf32, #tpu.memory_space<vmem>>
      %dma_start3A_279 = tpu.memref_squeeze %dma_start3A_278 : memref<1x128x128xf32, #tpu.memory_space<vmem>> -> memref<128x128xf32, #tpu.memory_space<vmem>>
      %dma_start3A_280 = arith.constant 0 : i32
      %dma_start3A_281 = tpu.memref_slice %arg8[%dma_start3A_274, %dma_start3A_275, %dma_start3A_280] : memref<2x8x128xi32, #tpu.memory_space<vmem>> -> memref<1x1x128xi32, #tpu.memory_space<vmem>>
      %dma_start3A_282 = tpu.memref_squeeze %dma_start3A_281 : memref<1x1x128xi32, #tpu.memory_space<vmem>> -> memref<128xi32, #tpu.memory_space<vmem>>
      %dma_start3A_283 = arith.constant 0 : i32
      %dma_start3A_284 = arith.constant 0 : i32
      %dma_start3A_285 = tpu.memref_slice %arg10[%dma_start3A_283, %dma_start3A_284] : memref<10240x128xf32, #tpu.memory_space<vmem_shared>> -> memref<10240x128xf32, #tpu.memory_space<vmem_shared>>
      tpu.enqueue_indirect_dma source(%dma_start3A_279 : memref<128x128xf32, #tpu.memory_space<vmem>>) target(%dma_start3A_285 : memref<10240x128xf32, #tpu.memory_space<vmem_shared>>) offsets(%dma_start3A_282 : memref<128xi32, #tpu.memory_space<vmem>>) semaphore(%arg13 : memref<!tpu.dma_semaphore, #tpu.memory_space<semaphore_mem>>) {add = true}
      %dma_wait3A_286 = arith.constant 0 : i32
      %dma_wait3A_287 = arith.constant 0 : i32
      %dma_wait3A_288 = arith.constant 0 : i32
      %dma_wait3A_289 = arith.constant 0 : i32
      %dma_wait3A_290 = arith.constant 0 : i32
      %dma_wait3A_291 = tpu.memref_slice %arg9[%dma_wait3A_286, %dma_wait3A_289, %dma_wait3A_290] : memref<2x128x128xf32, #tpu.memory_space<vmem>> -> memref<1x128x128xf32, #tpu.memory_space<vmem>>
      %dma_wait3A_292 = tpu.memref_squeeze %dma_wait3A_291 : memref<1x128x128xf32, #tpu.memory_space<vmem>> -> memref<128x128xf32, #tpu.memory_space<vmem>>
      %dma_wait3A_293 = arith.constant 0 : i32
      %dma_wait3A_294 = tpu.memref_slice %arg8[%dma_wait3A_287, %dma_wait3A_288, %dma_wait3A_293] : memref<2x8x128xi32, #tpu.memory_space<vmem>> -> memref<1x1x128xi32, #tpu.memory_space<vmem>>
      %dma_wait3A_295 = tpu.memref_squeeze %dma_wait3A_294 : memref<1x1x128xi32, #tpu.memory_space<vmem>> -> memref<128xi32, #tpu.memory_space<vmem>>
      %dma_wait3A_296 = arith.constant 0 : i32
      %dma_wait3A_297 = arith.constant 0 : i32
      %dma_wait3A_298 = tpu.memref_slice %arg10[%dma_wait3A_296, %dma_wait3A_297] : memref<10240x128xf32, #tpu.memory_space<vmem_shared>> -> memref<10240x128xf32, #tpu.memory_space<vmem_shared>>
      tpu.wait_indirect_dma semaphore(%arg13 : memref<!tpu.dma_semaphore, #tpu.memory_space<semaphore_mem>>) src(%dma_wait3A_292 : memref<128x128xf32, #tpu.memory_space<vmem>>) dst(%dma_wait3A_298 : memref<10240x128xf32, #tpu.memory_space<vmem_shared>>)
      %dma_start3A_299 = arith.constant 0 : i32
      %dma_start3A_300 = arith.constant 4 : i32
      %dma_start3A_301 = arith.constant 0 : i32
      %dma_start3A_302 = arith.constant 0 : i32
      %dma_start3A_303 = arith.constant 0 : i32
      %dma_start3A_304 = tpu.memref_slice %arg9[%dma_start3A_301, %dma_start3A_302, %dma_start3A_303] : memref<2x128x128xf32, #tpu.memory_space<vmem>> -> memref<1x128x128xf32, #tpu.memory_space<vmem>>
      %dma_start3A_305 = tpu.memref_squeeze %dma_start3A_304 : memref<1x128x128xf32, #tpu.memory_space<vmem>> -> memref<128x128xf32, #tpu.memory_space<vmem>>
      %dma_start3A_306 = arith.constant 0 : i32
      %dma_start3A_307 = tpu.memref_slice %arg7[%dma_start3A_299, %dma_start3A_300, %dma_start3A_306] : memref<2x8x128xi32, #tpu.memory_space<vmem>> -> memref<1x1x128xi32, #tpu.memory_space<vmem>>
      %dma_start3A_308 = tpu.memref_squeeze %dma_start3A_307 : memref<1x1x128xi32, #tpu.memory_space<vmem>> -> memref<128xi32, #tpu.memory_space<vmem>>
      %dma_start3A_309 = arith.constant 0 : i32
      %dma_start3A_310 = arith.constant 0 : i32
      %dma_start3A_311 = tpu.memref_slice %arg2[%dma_start3A_309, %dma_start3A_310] : memref<10240x128xf32, #tpu.memory_space<hbm>> -> memref<10240x128xf32, #tpu.memory_space<hbm>>
      tpu.enqueue_indirect_dma source(%dma_start3A_311 : memref<10240x128xf32, #tpu.memory_space<hbm>>) target(%dma_start3A_305 : memref<128x128xf32, #tpu.memory_space<vmem>>) offsets(%dma_start3A_308 : memref<128xi32, #tpu.memory_space<vmem>>) semaphore(%arg11 : memref<!tpu.dma_semaphore, #tpu.memory_space<semaphore_mem>>)
      %dma_wait3A_312 = arith.constant 0 : i32
      %dma_wait3A_313 = arith.constant 0 : i32
      %dma_wait3A_314 = arith.constant 1 : i32
      %dma_wait3A_315 = arith.constant 0 : i32
      %dma_wait3A_316 = arith.constant 0 : i32
      %dma_wait3A_317 = tpu.memref_slice %arg9[%dma_wait3A_314, %dma_wait3A_315, %dma_wait3A_316] : memref<2x128x128xf32, #tpu.memory_space<vmem>> -> memref<1x128x128xf32, #tpu.memory_space<vmem>>
      %dma_wait3A_318 = tpu.memref_squeeze %dma_wait3A_317 : memref<1x128x128xf32, #tpu.memory_space<vmem>> -> memref<128x128xf32, #tpu.memory_space<vmem>>
      %dma_wait3A_319 = arith.constant 0 : i32
      %dma_wait3A_320 = tpu.memref_slice %arg7[%dma_wait3A_312, %dma_wait3A_313, %dma_wait3A_319] : memref<2x8x128xi32, #tpu.memory_space<vmem>> -> memref<1x1x128xi32, #tpu.memory_space<vmem>>
      %dma_wait3A_321 = tpu.memref_squeeze %dma_wait3A_320 : memref<1x1x128xi32, #tpu.memory_space<vmem>> -> memref<128xi32, #tpu.memory_space<vmem>>
      %dma_wait3A_322 = arith.constant 0 : i32
      %dma_wait3A_323 = arith.constant 0 : i32
      %dma_wait3A_324 = tpu.memref_slice %arg2[%dma_wait3A_322, %dma_wait3A_323] : memref<10240x128xf32, #tpu.memory_space<hbm>> -> memref<10240x128xf32, #tpu.memory_space<hbm>>
      tpu.wait_indirect_dma semaphore(%arg12 : memref<!tpu.dma_semaphore, #tpu.memory_space<semaphore_mem>>) src(%dma_wait3A_324 : memref<10240x128xf32, #tpu.memory_space<hbm>>) dst(%dma_wait3A_318 : memref<128x128xf32, #tpu.memory_space<vmem>>)
      %dma_start3A_325 = arith.constant 1 : i32
      %dma_start3A_326 = arith.constant 0 : i32
      %dma_start3A_327 = arith.constant 3 : i32
      %dma_start3A_328 = arith.constant 0 : i32
      %dma_start3A_329 = arith.constant 0 : i32
      %dma_start3A_330 = tpu.memref_slice %arg9[%dma_start3A_325, %dma_start3A_328, %dma_start3A_329] : memref<2x128x128xf32, #tpu.memory_space<vmem>> -> memref<1x128x128xf32, #tpu.memory_space<vmem>>
      %dma_start3A_331 = tpu.memref_squeeze %dma_start3A_330 : memref<1x128x128xf32, #tpu.memory_space<vmem>> -> memref<128x128xf32, #tpu.memory_space<vmem>>
      %dma_start3A_332 = arith.constant 0 : i32
      %dma_start3A_333 = tpu.memref_slice %arg8[%dma_start3A_326, %dma_start3A_327, %dma_start3A_332] : memref<2x8x128xi32, #tpu.memory_space<vmem>> -> memref<1x1x128xi32, #tpu.memory_space<vmem>>
      %dma_start3A_334 = tpu.memref_squeeze %dma_start3A_333 : memref<1x1x128xi32, #tpu.memory_space<vmem>> -> memref<128xi32, #tpu.memory_space<vmem>>
      %dma_start3A_335 = arith.constant 0 : i32
      %dma_start3A_336 = arith.constant 0 : i32
      %dma_start3A_337 = tpu.memref_slice %arg10[%dma_start3A_335, %dma_start3A_336] : memref<10240x128xf32, #tpu.memory_space<vmem_shared>> -> memref<10240x128xf32, #tpu.memory_space<vmem_shared>>
      tpu.enqueue_indirect_dma source(%dma_start3A_331 : memref<128x128xf32, #tpu.memory_space<vmem>>) target(%dma_start3A_337 : memref<10240x128xf32, #tpu.memory_space<vmem_shared>>) offsets(%dma_start3A_334 : memref<128xi32, #tpu.memory_space<vmem>>) semaphore(%arg14 : memref<!tpu.dma_semaphore, #tpu.memory_space<semaphore_mem>>) {add = true}
      %dma_wait3A_338 = arith.constant 1 : i32
      %dma_wait3A_339 = arith.constant 0 : i32
      %dma_wait3A_340 = arith.constant 0 : i32
      %dma_wait3A_341 = arith.constant 0 : i32
      %dma_wait3A_342 = arith.constant 0 : i32
      %dma_wait3A_343 = tpu.memref_slice %arg9[%dma_wait3A_338, %dma_wait3A_341, %dma_wait3A_342] : memref<2x128x128xf32, #tpu.memory_space<vmem>> -> memref<1x128x128xf32, #tpu.memory_space<vmem>>
      %dma_wait3A_344 = tpu.memref_squeeze %dma_wait3A_343 : memref<1x128x128xf32, #tpu.memory_space<vmem>> -> memref<128x128xf32, #tpu.memory_space<vmem>>
      %dma_wait3A_345 = arith.constant 0 : i32
      %dma_wait3A_346 = tpu.memref_slice %arg8[%dma_wait3A_339, %dma_wait3A_340, %dma_wait3A_345] : memref<2x8x128xi32, #tpu.memory_space<vmem>> -> memref<1x1x128xi32, #tpu.memory_space<vmem>>
      %dma_wait3A_347 = tpu.memref_squeeze %dma_wait3A_346 : memref<1x1x128xi32, #tpu.memory_space<vmem>> -> memref<128xi32, #tpu.memory_space<vmem>>
      %dma_wait3A_348 = arith.constant 0 : i32
      %dma_wait3A_349 = arith.constant 0 : i32
      %dma_wait3A_350 = tpu.memref_slice %arg10[%dma_wait3A_348, %dma_wait3A_349] : memref<10240x128xf32, #tpu.memory_space<vmem_shared>> -> memref<10240x128xf32, #tpu.memory_space<vmem_shared>>
      tpu.wait_indirect_dma semaphore(%arg14 : memref<!tpu.dma_semaphore, #tpu.memory_space<semaphore_mem>>) src(%dma_wait3A_344 : memref<128x128xf32, #tpu.memory_space<vmem>>) dst(%dma_wait3A_350 : memref<10240x128xf32, #tpu.memory_space<vmem_shared>>)
      %dma_start3A_351 = arith.constant 0 : i32
      %dma_start3A_352 = arith.constant 5 : i32
      %dma_start3A_353 = arith.constant 1 : i32
      %dma_start3A_354 = arith.constant 0 : i32
      %dma_start3A_355 = arith.constant 0 : i32
      %dma_start3A_356 = tpu.memref_slice %arg9[%dma_start3A_353, %dma_start3A_354, %dma_start3A_355] : memref<2x128x128xf32, #tpu.memory_space<vmem>> -> memref<1x128x128xf32, #tpu.memory_space<vmem>>
      %dma_start3A_357 = tpu.memref_squeeze %dma_start3A_356 : memref<1x128x128xf32, #tpu.memory_space<vmem>> -> memref<128x128xf32, #tpu.memory_space<vmem>>
      %dma_start3A_358 = arith.constant 0 : i32
      %dma_start3A_359 = tpu.memref_slice %arg7[%dma_start3A_351, %dma_start3A_352, %dma_start3A_358] : memref<2x8x128xi32, #tpu.memory_space<vmem>> -> memref<1x1x128xi32, #tpu.memory_space<vmem>>
      %dma_start3A_360 = tpu.memref_squeeze %dma_start3A_359 : memref<1x1x128xi32, #tpu.memory_space<vmem>> -> memref<128xi32, #tpu.memory_space<vmem>>
      %dma_start3A_361 = arith.constant 0 : i32
      %dma_start3A_362 = arith.constant 0 : i32
      %dma_start3A_363 = tpu.memref_slice %arg2[%dma_start3A_361, %dma_start3A_362] : memref<10240x128xf32, #tpu.memory_space<hbm>> -> memref<10240x128xf32, #tpu.memory_space<hbm>>
      tpu.enqueue_indirect_dma source(%dma_start3A_363 : memref<10240x128xf32, #tpu.memory_space<hbm>>) target(%dma_start3A_357 : memref<128x128xf32, #tpu.memory_space<vmem>>) offsets(%dma_start3A_360 : memref<128xi32, #tpu.memory_space<vmem>>) semaphore(%arg12 : memref<!tpu.dma_semaphore, #tpu.memory_space<semaphore_mem>>)
      %dma_wait3A_364 = arith.constant 0 : i32
      %dma_wait3A_365 = arith.constant 0 : i32
      %dma_wait3A_366 = arith.constant 0 : i32
      %dma_wait3A_367 = arith.constant 0 : i32
      %dma_wait3A_368 = arith.constant 0 : i32
      %dma_wait3A_369 = tpu.memref_slice %arg9[%dma_wait3A_366, %dma_wait3A_367, %dma_wait3A_368] : memref<2x128x128xf32, #tpu.memory_space<vmem>> -> memref<1x128x128xf32, #tpu.memory_space<vmem>>
      %dma_wait3A_370 = tpu.memref_squeeze %dma_wait3A_369 : memref<1x128x128xf32, #tpu.memory_space<vmem>> -> memref<128x128xf32, #tpu.memory_space<vmem>>
      %dma_wait3A_371 = arith.constant 0 : i32
      %dma_wait3A_372 = tpu.memref_slice %arg7[%dma_wait3A_364, %dma_wait3A_365, %dma_wait3A_371] : memref<2x8x128xi32, #tpu.memory_space<vmem>> -> memref<1x1x128xi32, #tpu.memory_space<vmem>>
      %dma_wait3A_373 = tpu.memref_squeeze %dma_wait3A_372 : memref<1x1x128xi32, #tpu.memory_space<vmem>> -> memref<128xi32, #tpu.memory_space<vmem>>
      %dma_wait3A_374 = arith.constant 0 : i32
      %dma_wait3A_375 = arith.constant 0 : i32
      %dma_wait3A_376 = tpu.memref_slice %arg2[%dma_wait3A_374, %dma_wait3A_375] : memref<10240x128xf32, #tpu.memory_space<hbm>> -> memref<10240x128xf32, #tpu.memory_space<hbm>>
      tpu.wait_indirect_dma semaphore(%arg11 : memref<!tpu.dma_semaphore, #tpu.memory_space<semaphore_mem>>) src(%dma_wait3A_376 : memref<10240x128xf32, #tpu.memory_space<hbm>>) dst(%dma_wait3A_370 : memref<128x128xf32, #tpu.memory_space<vmem>>)
      %dma_start3A_377 = arith.constant 0 : i32
      %dma_start3A_378 = arith.constant 0 : i32
      %dma_start3A_379 = arith.constant 4 : i32
      %dma_start3A_380 = arith.constant 0 : i32
      %dma_start3A_381 = arith.constant 0 : i32
      %dma_start3A_382 = tpu.memref_slice %arg9[%dma_start3A_377, %dma_start3A_380, %dma_start3A_381] : memref<2x128x128xf32, #tpu.memory_space<vmem>> -> memref<1x128x128xf32, #tpu.memory_space<vmem>>
      %dma_start3A_383 = tpu.memref_squeeze %dma_start3A_382 : memref<1x128x128xf32, #tpu.memory_space<vmem>> -> memref<128x128xf32, #tpu.memory_space<vmem>>
      %dma_start3A_384 = arith.constant 0 : i32
      %dma_start3A_385 = tpu.memref_slice %arg8[%dma_start3A_378, %dma_start3A_379, %dma_start3A_384] : memref<2x8x128xi32, #tpu.memory_space<vmem>> -> memref<1x1x128xi32, #tpu.memory_space<vmem>>
      %dma_start3A_386 = tpu.memref_squeeze %dma_start3A_385 : memref<1x1x128xi32, #tpu.memory_space<vmem>> -> memref<128xi32, #tpu.memory_space<vmem>>
      %dma_start3A_387 = arith.constant 0 : i32
      %dma_start3A_388 = arith.constant 0 : i32
      %dma_start3A_389 = tpu.memref_slice %arg10[%dma_start3A_387, %dma_start3A_388] : memref<10240x128xf32, #tpu.memory_space<vmem_shared>> -> memref<10240x128xf32, #tpu.memory_space<vmem_shared>>
      tpu.enqueue_indirect_dma source(%dma_start3A_383 : memref<128x128xf32, #tpu.memory_space<vmem>>) target(%dma_start3A_389 : memref<10240x128xf32, #tpu.memory_space<vmem_shared>>) offsets(%dma_start3A_386 : memref<128xi32, #tpu.memory_space<vmem>>) semaphore(%arg13 : memref<!tpu.dma_semaphore, #tpu.memory_space<semaphore_mem>>) {add = true}
      %dma_wait3A_390 = arith.constant 0 : i32
      %dma_wait3A_391 = arith.constant 0 : i32
      %dma_wait3A_392 = arith.constant 0 : i32
      %dma_wait3A_393 = arith.constant 0 : i32
      %dma_wait3A_394 = arith.constant 0 : i32
      %dma_wait3A_395 = tpu.memref_slice %arg9[%dma_wait3A_390, %dma_wait3A_393, %dma_wait3A_394] : memref<2x128x128xf32, #tpu.memory_space<vmem>> -> memref<1x128x128xf32, #tpu.memory_space<vmem>>
      %dma_wait3A_396 = tpu.memref_squeeze %dma_wait3A_395 : memref<1x128x128xf32, #tpu.memory_space<vmem>> -> memref<128x128xf32, #tpu.memory_space<vmem>>
      %dma_wait3A_397 = arith.constant 0 : i32
      %dma_wait3A_398 = tpu.memref_slice %arg8[%dma_wait3A_391, %dma_wait3A_392, %dma_wait3A_397] : memref<2x8x128xi32, #tpu.memory_space<vmem>> -> memref<1x1x128xi32, #tpu.memory_space<vmem>>
      %dma_wait3A_399 = tpu.memref_squeeze %dma_wait3A_398 : memref<1x1x128xi32, #tpu.memory_space<vmem>> -> memref<128xi32, #tpu.memory_space<vmem>>
      %dma_wait3A_400 = arith.constant 0 : i32
      %dma_wait3A_401 = arith.constant 0 : i32
      %dma_wait3A_402 = tpu.memref_slice %arg10[%dma_wait3A_400, %dma_wait3A_401] : memref<10240x128xf32, #tpu.memory_space<vmem_shared>> -> memref<10240x128xf32, #tpu.memory_space<vmem_shared>>
      tpu.wait_indirect_dma semaphore(%arg13 : memref<!tpu.dma_semaphore, #tpu.memory_space<semaphore_mem>>) src(%dma_wait3A_396 : memref<128x128xf32, #tpu.memory_space<vmem>>) dst(%dma_wait3A_402 : memref<10240x128xf32, #tpu.memory_space<vmem_shared>>)
      %dma_start3A_403 = arith.constant 0 : i32
      %dma_start3A_404 = arith.constant 6 : i32
      %dma_start3A_405 = arith.constant 0 : i32
      %dma_start3A_406 = arith.constant 0 : i32
      %dma_start3A_407 = arith.constant 0 : i32
      %dma_start3A_408 = tpu.memref_slice %arg9[%dma_start3A_405, %dma_start3A_406, %dma_start3A_407] : memref<2x128x128xf32, #tpu.memory_space<vmem>> -> memref<1x128x128xf32, #tpu.memory_space<vmem>>
      %dma_start3A_409 = tpu.memref_squeeze %dma_start3A_408 : memref<1x128x128xf32, #tpu.memory_space<vmem>> -> memref<128x128xf32, #tpu.memory_space<vmem>>
      %dma_start3A_410 = arith.constant 0 : i32
      %dma_start3A_411 = tpu.memref_slice %arg7[%dma_start3A_403, %dma_start3A_404, %dma_start3A_410] : memref<2x8x128xi32, #tpu.memory_space<vmem>> -> memref<1x1x128xi32, #tpu.memory_space<vmem>>
      %dma_start3A_412 = tpu.memref_squeeze %dma_start3A_411 : memref<1x1x128xi32, #tpu.memory_space<vmem>> -> memref<128xi32, #tpu.memory_space<vmem>>
      %dma_start3A_413 = arith.constant 0 : i32
      %dma_start3A_414 = arith.constant 0 : i32
      %dma_start3A_415 = tpu.memref_slice %arg2[%dma_start3A_413, %dma_start3A_414] : memref<10240x128xf32, #tpu.memory_space<hbm>> -> memref<10240x128xf32, #tpu.memory_space<hbm>>
      tpu.enqueue_indirect_dma source(%dma_start3A_415 : memref<10240x128xf32, #tpu.memory_space<hbm>>) target(%dma_start3A_409 : memref<128x128xf32, #tpu.memory_space<vmem>>) offsets(%dma_start3A_412 : memref<128xi32, #tpu.memory_space<vmem>>) semaphore(%arg11 : memref<!tpu.dma_semaphore, #tpu.memory_space<semaphore_mem>>)
      %dma_wait3A_416 = arith.constant 0 : i32
      %dma_wait3A_417 = arith.constant 0 : i32
      %dma_wait3A_418 = arith.constant 1 : i32
      %dma_wait3A_419 = arith.constant 0 : i32
      %dma_wait3A_420 = arith.constant 0 : i32
      %dma_wait3A_421 = tpu.memref_slice %arg9[%dma_wait3A_418, %dma_wait3A_419, %dma_wait3A_420] : memref<2x128x128xf32, #tpu.memory_space<vmem>> -> memref<1x128x128xf32, #tpu.memory_space<vmem>>
      %dma_wait3A_422 = tpu.memref_squeeze %dma_wait3A_421 : memref<1x128x128xf32, #tpu.memory_space<vmem>> -> memref<128x128xf32, #tpu.memory_space<vmem>>
      %dma_wait3A_423 = arith.constant 0 : i32
      %dma_wait3A_424 = tpu.memref_slice %arg7[%dma_wait3A_416, %dma_wait3A_417, %dma_wait3A_423] : memref<2x8x128xi32, #tpu.memory_space<vmem>> -> memref<1x1x128xi32, #tpu.memory_space<vmem>>
      %dma_wait3A_425 = tpu.memref_squeeze %dma_wait3A_424 : memref<1x1x128xi32, #tpu.memory_space<vmem>> -> memref<128xi32, #tpu.memory_space<vmem>>
      %dma_wait3A_426 = arith.constant 0 : i32
      %dma_wait3A_427 = arith.constant 0 : i32
      %dma_wait3A_428 = tpu.memref_slice %arg2[%dma_wait3A_426, %dma_wait3A_427] : memref<10240x128xf32, #tpu.memory_space<hbm>> -> memref<10240x128xf32, #tpu.memory_space<hbm>>
      tpu.wait_indirect_dma semaphore(%arg12 : memref<!tpu.dma_semaphore, #tpu.memory_space<semaphore_mem>>) src(%dma_wait3A_428 : memref<10240x128xf32, #tpu.memory_space<hbm>>) dst(%dma_wait3A_422 : memref<128x128xf32, #tpu.memory_space<vmem>>)
      %dma_start3A_429 = arith.constant 1 : i32
      %dma_start3A_430 = arith.constant 0 : i32
      %dma_start3A_431 = arith.constant 5 : i32
      %dma_start3A_432 = arith.constant 0 : i32
      %dma_start3A_433 = arith.constant 0 : i32
      %dma_start3A_434 = tpu.memref_slice %arg9[%dma_start3A_429, %dma_start3A_432, %dma_start3A_433] : memref<2x128x128xf32, #tpu.memory_space<vmem>> -> memref<1x128x128xf32, #tpu.memory_space<vmem>>
      %dma_start3A_435 = tpu.memref_squeeze %dma_start3A_434 : memref<1x128x128xf32, #tpu.memory_space<vmem>> -> memref<128x128xf32, #tpu.memory_space<vmem>>
      %dma_start3A_436 = arith.constant 0 : i32
      %dma_start3A_437 = tpu.memref_slice %arg8[%dma_start3A_430, %dma_start3A_431, %dma_start3A_436] : memref<2x8x128xi32, #tpu.memory_space<vmem>> -> memref<1x1x128xi32, #tpu.memory_space<vmem>>
      %dma_start3A_438 = tpu.memref_squeeze %dma_start3A_437 : memref<1x1x128xi32, #tpu.memory_space<vmem>> -> memref<128xi32, #tpu.memory_space<vmem>>
      %dma_start3A_439 = arith.constant 0 : i32
      %dma_start3A_440 = arith.constant 0 : i32
      %dma_start3A_441 = tpu.memref_slice %arg10[%dma_start3A_439, %dma_start3A_440] : memref<10240x128xf32, #tpu.memory_space<vmem_shared>> -> memref<10240x128xf32, #tpu.memory_space<vmem_shared>>
      tpu.enqueue_indirect_dma source(%dma_start3A_435 : memref<128x128xf32, #tpu.memory_space<vmem>>) target(%dma_start3A_441 : memref<10240x128xf32, #tpu.memory_space<vmem_shared>>) offsets(%dma_start3A_438 : memref<128xi32, #tpu.memory_space<vmem>>) semaphore(%arg14 : memref<!tpu.dma_semaphore, #tpu.memory_space<semaphore_mem>>) {add = true}
      %dma_wait3A_442 = arith.constant 1 : i32
      %dma_wait3A_443 = arith.constant 0 : i32
      %dma_wait3A_444 = arith.constant 0 : i32
      %dma_wait3A_445 = arith.constant 0 : i32
      %dma_wait3A_446 = arith.constant 0 : i32
      %dma_wait3A_447 = tpu.memref_slice %arg9[%dma_wait3A_442, %dma_wait3A_445, %dma_wait3A_446] : memref<2x128x128xf32, #tpu.memory_space<vmem>> -> memref<1x128x128xf32, #tpu.memory_space<vmem>>
      %dma_wait3A_448 = tpu.memref_squeeze %dma_wait3A_447 : memref<1x128x128xf32, #tpu.memory_space<vmem>> -> memref<128x128xf32, #tpu.memory_space<vmem>>
      %dma_wait3A_449 = arith.constant 0 : i32
      %dma_wait3A_450 = tpu.memref_slice %arg8[%dma_wait3A_443, %dma_wait3A_444, %dma_wait3A_449] : memref<2x8x128xi32, #tpu.memory_space<vmem>> -> memref<1x1x128xi32, #tpu.memory_space<vmem>>
      %dma_wait3A_451 = tpu.memref_squeeze %dma_wait3A_450 : memref<1x1x128xi32, #tpu.memory_space<vmem>> -> memref<128xi32, #tpu.memory_space<vmem>>
      %dma_wait3A_452 = arith.constant 0 : i32
      %dma_wait3A_453 = arith.constant 0 : i32
      %dma_wait3A_454 = tpu.memref_slice %arg10[%dma_wait3A_452, %dma_wait3A_453] : memref<10240x128xf32, #tpu.memory_space<vmem_shared>> -> memref<10240x128xf32, #tpu.memory_space<vmem_shared>>
      tpu.wait_indirect_dma semaphore(%arg14 : memref<!tpu.dma_semaphore, #tpu.memory_space<semaphore_mem>>) src(%dma_wait3A_448 : memref<128x128xf32, #tpu.memory_space<vmem>>) dst(%dma_wait3A_454 : memref<10240x128xf32, #tpu.memory_space<vmem_shared>>)
      %dma_start3A_455 = arith.constant 0 : i32
      %dma_start3A_456 = arith.constant 7 : i32
      %dma_start3A_457 = arith.constant 1 : i32
      %dma_start3A_458 = arith.constant 0 : i32
      %dma_start3A_459 = arith.constant 0 : i32
      %dma_start3A_460 = tpu.memref_slice %arg9[%dma_start3A_457, %dma_start3A_458, %dma_start3A_459] : memref<2x128x128xf32, #tpu.memory_space<vmem>> -> memref<1x128x128xf32, #tpu.memory_space<vmem>>
      %dma_start3A_461 = tpu.memref_squeeze %dma_start3A_460 : memref<1x128x128xf32, #tpu.memory_space<vmem>> -> memref<128x128xf32, #tpu.memory_space<vmem>>
      %dma_start3A_462 = arith.constant 0 : i32
      %dma_start3A_463 = tpu.memref_slice %arg7[%dma_start3A_455, %dma_start3A_456, %dma_start3A_462] : memref<2x8x128xi32, #tpu.memory_space<vmem>> -> memref<1x1x128xi32, #tpu.memory_space<vmem>>
      %dma_start3A_464 = tpu.memref_squeeze %dma_start3A_463 : memref<1x1x128xi32, #tpu.memory_space<vmem>> -> memref<128xi32, #tpu.memory_space<vmem>>
      %dma_start3A_465 = arith.constant 0 : i32
      %dma_start3A_466 = arith.constant 0 : i32
      %dma_start3A_467 = tpu.memref_slice %arg2[%dma_start3A_465, %dma_start3A_466] : memref<10240x128xf32, #tpu.memory_space<hbm>> -> memref<10240x128xf32, #tpu.memory_space<hbm>>
      tpu.enqueue_indirect_dma source(%dma_start3A_467 : memref<10240x128xf32, #tpu.memory_space<hbm>>) target(%dma_start3A_461 : memref<128x128xf32, #tpu.memory_space<vmem>>) offsets(%dma_start3A_464 : memref<128xi32, #tpu.memory_space<vmem>>) semaphore(%arg12 : memref<!tpu.dma_semaphore, #tpu.memory_space<semaphore_mem>>)
      %dma_wait3A_468 = arith.constant 0 : i32
      %dma_wait3A_469 = arith.constant 0 : i32
      %dma_wait3A_470 = arith.constant 0 : i32
      %dma_wait3A_471 = arith.constant 0 : i32
      %dma_wait3A_472 = arith.constant 0 : i32
      %dma_wait3A_473 = tpu.memref_slice %arg9[%dma_wait3A_470, %dma_wait3A_471, %dma_wait3A_472] : memref<2x128x128xf32, #tpu.memory_space<vmem>> -> memref<1x128x128xf32, #tpu.memory_space<vmem>>
      %dma_wait3A_474 = tpu.memref_squeeze %dma_wait3A_473 : memref<1x128x128xf32, #tpu.memory_space<vmem>> -> memref<128x128xf32, #tpu.memory_space<vmem>>
      %dma_wait3A_475 = arith.constant 0 : i32
      %dma_wait3A_476 = tpu.memref_slice %arg7[%dma_wait3A_468, %dma_wait3A_469, %dma_wait3A_475] : memref<2x8x128xi32, #tpu.memory_space<vmem>> -> memref<1x1x128xi32, #tpu.memory_space<vmem>>
      %dma_wait3A_477 = tpu.memref_squeeze %dma_wait3A_476 : memref<1x1x128xi32, #tpu.memory_space<vmem>> -> memref<128xi32, #tpu.memory_space<vmem>>
      %dma_wait3A_478 = arith.constant 0 : i32
      %dma_wait3A_479 = arith.constant 0 : i32
      %dma_wait3A_480 = tpu.memref_slice %arg2[%dma_wait3A_478, %dma_wait3A_479] : memref<10240x128xf32, #tpu.memory_space<hbm>> -> memref<10240x128xf32, #tpu.memory_space<hbm>>
      tpu.wait_indirect_dma semaphore(%arg11 : memref<!tpu.dma_semaphore, #tpu.memory_space<semaphore_mem>>) src(%dma_wait3A_480 : memref<10240x128xf32, #tpu.memory_space<hbm>>) dst(%dma_wait3A_474 : memref<128x128xf32, #tpu.memory_space<vmem>>)
      %dma_start3A_481 = arith.constant 0 : i32
      %dma_start3A_482 = arith.constant 0 : i32
      %dma_start3A_483 = arith.constant 6 : i32
      %dma_start3A_484 = arith.constant 0 : i32
      %dma_start3A_485 = arith.constant 0 : i32
      %dma_start3A_486 = tpu.memref_slice %arg9[%dma_start3A_481, %dma_start3A_484, %dma_start3A_485] : memref<2x128x128xf32, #tpu.memory_space<vmem>> -> memref<1x128x128xf32, #tpu.memory_space<vmem>>
      %dma_start3A_487 = tpu.memref_squeeze %dma_start3A_486 : memref<1x128x128xf32, #tpu.memory_space<vmem>> -> memref<128x128xf32, #tpu.memory_space<vmem>>
      %dma_start3A_488 = arith.constant 0 : i32
      %dma_start3A_489 = tpu.memref_slice %arg8[%dma_start3A_482, %dma_start3A_483, %dma_start3A_488] : memref<2x8x128xi32, #tpu.memory_space<vmem>> -> memref<1x1x128xi32, #tpu.memory_space<vmem>>
      %dma_start3A_490 = tpu.memref_squeeze %dma_start3A_489 : memref<1x1x128xi32, #tpu.memory_space<vmem>> -> memref<128xi32, #tpu.memory_space<vmem>>
      %dma_start3A_491 = arith.constant 0 : i32
      %dma_start3A_492 = arith.constant 0 : i32
      %dma_start3A_493 = tpu.memref_slice %arg10[%dma_start3A_491, %dma_start3A_492] : memref<10240x128xf32, #tpu.memory_space<vmem_shared>> -> memref<10240x128xf32, #tpu.memory_space<vmem_shared>>
      tpu.enqueue_indirect_dma source(%dma_start3A_487 : memref<128x128xf32, #tpu.memory_space<vmem>>) target(%dma_start3A_493 : memref<10240x128xf32, #tpu.memory_space<vmem_shared>>) offsets(%dma_start3A_490 : memref<128xi32, #tpu.memory_space<vmem>>) semaphore(%arg13 : memref<!tpu.dma_semaphore, #tpu.memory_space<semaphore_mem>>) {add = true}
      %dma_wait3A_494 = arith.constant 0 : i32
      %dma_wait3A_495 = arith.constant 0 : i32
      %dma_wait3A_496 = arith.constant 0 : i32
      %dma_wait3A_497 = arith.constant 0 : i32
      %dma_wait3A_498 = arith.constant 0 : i32
      %dma_wait3A_499 = tpu.memref_slice %arg9[%dma_wait3A_494, %dma_wait3A_497, %dma_wait3A_498] : memref<2x128x128xf32, #tpu.memory_space<vmem>> -> memref<1x128x128xf32, #tpu.memory_space<vmem>>
      %dma_wait3A_500 = tpu.memref_squeeze %dma_wait3A_499 : memref<1x128x128xf32, #tpu.memory_space<vmem>> -> memref<128x128xf32, #tpu.memory_space<vmem>>
      %dma_wait3A_501 = arith.constant 0 : i32
      %dma_wait3A_502 = tpu.memref_slice %arg8[%dma_wait3A_495, %dma_wait3A_496, %dma_wait3A_501] : memref<2x8x128xi32, #tpu.memory_space<vmem>> -> memref<1x1x128xi32, #tpu.memory_space<vmem>>
      %dma_wait3A_503 = tpu.memref_squeeze %dma_wait3A_502 : memref<1x1x128xi32, #tpu.memory_space<vmem>> -> memref<128xi32, #tpu.memory_space<vmem>>
      %dma_wait3A_504 = arith.constant 0 : i32
      %dma_wait3A_505 = arith.constant 0 : i32
      %dma_wait3A_506 = tpu.memref_slice %arg10[%dma_wait3A_504, %dma_wait3A_505] : memref<10240x128xf32, #tpu.memory_space<vmem_shared>> -> memref<10240x128xf32, #tpu.memory_space<vmem_shared>>
      tpu.wait_indirect_dma semaphore(%arg13 : memref<!tpu.dma_semaphore, #tpu.memory_space<semaphore_mem>>) src(%dma_wait3A_500 : memref<128x128xf32, #tpu.memory_space<vmem>>) dst(%dma_wait3A_506 : memref<10240x128xf32, #tpu.memory_space<vmem_shared>>)
      %dma_wait3A_507 = arith.constant 1 : i32
      %dma_wait3A_508 = arith.constant 0 : i32
      %dma_wait3A_509 = arith.constant 0 : i32
      %dma_wait3A_510 = tpu.memref_slice %arg7[%dma_wait3A_507, %dma_wait3A_508, %dma_wait3A_509] : memref<2x8x128xi32, #tpu.memory_space<vmem>> -> memref<1x8x128xi32, #tpu.memory_space<vmem>>
      %dma_wait3A_511 = tpu.memref_squeeze %dma_wait3A_510 : memref<1x8x128xi32, #tpu.memory_space<vmem>> -> memref<8x128xi32, #tpu.memory_space<vmem>>
      %dma_wait3A_512 = arith.constant 0 : i32
      %dma_wait3A_513 = tpu.memref_slice %arg3[%select_n3A_8, %dma_wait3A_512] : memref<2560x128xi32, #tpu.memory_space<hbm>> -> memref<8x128xi32, #tpu.memory_space<hbm>>
      %dma_wait3A_514 = arith.constant 0 : i32
      %dma_wait3A_515 = arith.constant 0 : i32
      %dma_wait3A_516 = tpu.memref_slice %arg7[%dma_wait3A_507, %dma_wait3A_514, %dma_wait3A_515] : memref<2x8x128xi32, #tpu.memory_space<vmem>> -> memref<1x8x128xi32, #tpu.memory_space<vmem>>
      %dma_wait3A_517 = tpu.memref_squeeze %dma_wait3A_516 : memref<1x8x128xi32, #tpu.memory_space<vmem>> -> memref<8x128xi32, #tpu.memory_space<vmem>>
      %dma_wait3A_518 = arith.constant 0 : i32
      %dma_wait3A_519 = tpu.memref_slice %arg3[%select_n3A_8, %dma_wait3A_518] : memref<2560x128xi32, #tpu.memory_space<hbm>> -> memref<8x128xi32, #tpu.memory_space<hbm>>
      tpu.wait_dma2 semaphore(%arg16 : memref<!tpu.dma_semaphore, #tpu.memory_space<semaphore_mem>>) src(%dma_wait3A_519 : memref<8x128xi32, #tpu.memory_space<hbm>>) dst(%dma_wait3A_517 : memref<8x128xi32, #tpu.memory_space<vmem>>)
      %dma_wait3A_520 = arith.constant 1 : i32
      %dma_wait3A_521 = arith.constant 0 : i32
      %dma_wait3A_522 = arith.constant 0 : i32
      %dma_wait3A_523 = tpu.memref_slice %arg8[%dma_wait3A_520, %dma_wait3A_521, %dma_wait3A_522] : memref<2x8x128xi32, #tpu.memory_space<vmem>> -> memref<1x8x128xi32, #tpu.memory_space<vmem>>
      %dma_wait3A_524 = tpu.memref_squeeze %dma_wait3A_523 : memref<1x8x128xi32, #tpu.memory_space<vmem>> -> memref<8x128xi32, #tpu.memory_space<vmem>>
      %dma_wait3A_525 = arith.constant 0 : i32
      %dma_wait3A_526 = tpu.memref_slice %arg4[%select_n3A_8, %dma_wait3A_525] : memref<2560x128xi32, #tpu.memory_space<hbm>> -> memref<8x128xi32, #tpu.memory_space<hbm>>
      %dma_wait3A_527 = arith.constant 0 : i32
      %dma_wait3A_528 = arith.constant 0 : i32
      %dma_wait3A_529 = tpu.memref_slice %arg8[%dma_wait3A_520, %dma_wait3A_527, %dma_wait3A_528] : memref<2x8x128xi32, #tpu.memory_space<vmem>> -> memref<1x8x128xi32, #tpu.memory_space<vmem>>
      %dma_wait3A_530 = tpu.memref_squeeze %dma_wait3A_529 : memref<1x8x128xi32, #tpu.memory_space<vmem>> -> memref<8x128xi32, #tpu.memory_space<vmem>>
      %dma_wait3A_531 = arith.constant 0 : i32
      %dma_wait3A_532 = tpu.memref_slice %arg4[%select_n3A_8, %dma_wait3A_531] : memref<2560x128xi32, #tpu.memory_space<hbm>> -> memref<8x128xi32, #tpu.memory_space<hbm>>
      tpu.wait_dma2 semaphore(%arg18 : memref<!tpu.dma_semaphore, #tpu.memory_space<semaphore_mem>>) src(%dma_wait3A_532 : memref<8x128xi32, #tpu.memory_space<hbm>>) dst(%dma_wait3A_530 : memref<8x128xi32, #tpu.memory_space<vmem>>)
      %dma_start3A_533 = arith.constant 1 : i32
      %dma_start3A_534 = arith.constant 0 : i32
      %dma_start3A_535 = arith.constant 0 : i32
      %dma_start3A_536 = arith.constant 0 : i32
      %dma_start3A_537 = arith.constant 0 : i32
      %dma_start3A_538 = tpu.memref_slice %arg9[%dma_start3A_535, %dma_start3A_536, %dma_start3A_537] : memref<2x128x128xf32, #tpu.memory_space<vmem>> -> memref<1x128x128xf32, #tpu.memory_space<vmem>>
      %dma_start3A_539 = tpu.memref_squeeze %dma_start3A_538 : memref<1x128x128xf32, #tpu.memory_space<vmem>> -> memref<128x128xf32, #tpu.memory_space<vmem>>
      %dma_start3A_540 = arith.constant 0 : i32
      %dma_start3A_541 = tpu.memref_slice %arg7[%dma_start3A_533, %dma_start3A_534, %dma_start3A_540] : memref<2x8x128xi32, #tpu.memory_space<vmem>> -> memref<1x1x128xi32, #tpu.memory_space<vmem>>
      %dma_start3A_542 = tpu.memref_squeeze %dma_start3A_541 : memref<1x1x128xi32, #tpu.memory_space<vmem>> -> memref<128xi32, #tpu.memory_space<vmem>>
      %dma_start3A_543 = arith.constant 0 : i32
      %dma_start3A_544 = arith.constant 0 : i32
      %dma_start3A_545 = tpu.memref_slice %arg2[%dma_start3A_543, %dma_start3A_544] : memref<10240x128xf32, #tpu.memory_space<hbm>> -> memref<10240x128xf32, #tpu.memory_space<hbm>>
      tpu.enqueue_indirect_dma source(%dma_start3A_545 : memref<10240x128xf32, #tpu.memory_space<hbm>>) target(%dma_start3A_539 : memref<128x128xf32, #tpu.memory_space<vmem>>) offsets(%dma_start3A_542 : memref<128xi32, #tpu.memory_space<vmem>>) semaphore(%arg11 : memref<!tpu.dma_semaphore, #tpu.memory_space<semaphore_mem>>)
      %dma_wait3A_546 = arith.constant 0 : i32
      %dma_wait3A_547 = arith.constant 0 : i32
      %dma_wait3A_548 = arith.constant 1 : i32
      %dma_wait3A_549 = arith.constant 0 : i32
      %dma_wait3A_550 = arith.constant 0 : i32
      %dma_wait3A_551 = tpu.memref_slice %arg9[%dma_wait3A_548, %dma_wait3A_549, %dma_wait3A_550] : memref<2x128x128xf32, #tpu.memory_space<vmem>> -> memref<1x128x128xf32, #tpu.memory_space<vmem>>
      %dma_wait3A_552 = tpu.memref_squeeze %dma_wait3A_551 : memref<1x128x128xf32, #tpu.memory_space<vmem>> -> memref<128x128xf32, #tpu.memory_space<vmem>>
      %dma_wait3A_553 = arith.constant 0 : i32
      %dma_wait3A_554 = tpu.memref_slice %arg7[%dma_wait3A_546, %dma_wait3A_547, %dma_wait3A_553] : memref<2x8x128xi32, #tpu.memory_space<vmem>> -> memref<1x1x128xi32, #tpu.memory_space<vmem>>
      %dma_wait3A_555 = tpu.memref_squeeze %dma_wait3A_554 : memref<1x1x128xi32, #tpu.memory_space<vmem>> -> memref<128xi32, #tpu.memory_space<vmem>>
      %dma_wait3A_556 = arith.constant 0 : i32
      %dma_wait3A_557 = arith.constant 0 : i32
      %dma_wait3A_558 = tpu.memref_slice %arg2[%dma_wait3A_556, %dma_wait3A_557] : memref<10240x128xf32, #tpu.memory_space<hbm>> -> memref<10240x128xf32, #tpu.memory_space<hbm>>
      tpu.wait_indirect_dma semaphore(%arg12 : memref<!tpu.dma_semaphore, #tpu.memory_space<semaphore_mem>>) src(%dma_wait3A_558 : memref<10240x128xf32, #tpu.memory_space<hbm>>) dst(%dma_wait3A_552 : memref<128x128xf32, #tpu.memory_space<vmem>>)
      %dma_start3A_559 = arith.constant 1 : i32
      %dma_start3A_560 = arith.constant 0 : i32
      %dma_start3A_561 = arith.constant 7 : i32
      %dma_start3A_562 = arith.constant 0 : i32
      %dma_start3A_563 = arith.constant 0 : i32
      %dma_start3A_564 = tpu.memref_slice %arg9[%dma_start3A_559, %dma_start3A_562, %dma_start3A_563] : memref<2x128x128xf32, #tpu.memory_space<vmem>> -> memref<1x128x128xf32, #tpu.memory_space<vmem>>
      %dma_start3A_565 = tpu.memref_squeeze %dma_start3A_564 : memref<1x128x128xf32, #tpu.memory_space<vmem>> -> memref<128x128xf32, #tpu.memory_space<vmem>>
      %dma_start3A_566 = arith.constant 0 : i32
      %dma_start3A_567 = tpu.memref_slice %arg8[%dma_start3A_560, %dma_start3A_561, %dma_start3A_566] : memref<2x8x128xi32, #tpu.memory_space<vmem>> -> memref<1x1x128xi32, #tpu.memory_space<vmem>>
      %dma_start3A_568 = tpu.memref_squeeze %dma_start3A_567 : memref<1x1x128xi32, #tpu.memory_space<vmem>> -> memref<128xi32, #tpu.memory_space<vmem>>
      %dma_start3A_569 = arith.constant 0 : i32
      %dma_start3A_570 = arith.constant 0 : i32
      %dma_start3A_571 = tpu.memref_slice %arg10[%dma_start3A_569, %dma_start3A_570] : memref<10240x128xf32, #tpu.memory_space<vmem_shared>> -> memref<10240x128xf32, #tpu.memory_space<vmem_shared>>
      tpu.enqueue_indirect_dma source(%dma_start3A_565 : memref<128x128xf32, #tpu.memory_space<vmem>>) target(%dma_start3A_571 : memref<10240x128xf32, #tpu.memory_space<vmem_shared>>) offsets(%dma_start3A_568 : memref<128xi32, #tpu.memory_space<vmem>>) semaphore(%arg14 : memref<!tpu.dma_semaphore, #tpu.memory_space<semaphore_mem>>) {add = true}
      %dma_wait3A_572 = arith.constant 1 : i32
      %dma_wait3A_573 = arith.constant 0 : i32
      %dma_wait3A_574 = arith.constant 0 : i32
      %dma_wait3A_575 = arith.constant 0 : i32
      %dma_wait3A_576 = arith.constant 0 : i32
      %dma_wait3A_577 = tpu.memref_slice %arg9[%dma_wait3A_572, %dma_wait3A_575, %dma_wait3A_576] : memref<2x128x128xf32, #tpu.memory_space<vmem>> -> memref<1x128x128xf32, #tpu.memory_space<vmem>>
      %dma_wait3A_578 = tpu.memref_squeeze %dma_wait3A_577 : memref<1x128x128xf32, #tpu.memory_space<vmem>> -> memref<128x128xf32, #tpu.memory_space<vmem>>
      %dma_wait3A_579 = arith.constant 0 : i32
      %dma_wait3A_580 = tpu.memref_slice %arg8[%dma_wait3A_573, %dma_wait3A_574, %dma_wait3A_579] : memref<2x8x128xi32, #tpu.memory_space<vmem>> -> memref<1x1x128xi32, #tpu.memory_space<vmem>>
      %dma_wait3A_581 = tpu.memref_squeeze %dma_wait3A_580 : memref<1x1x128xi32, #tpu.memory_space<vmem>> -> memref<128xi32, #tpu.memory_space<vmem>>
      %dma_wait3A_582 = arith.constant 0 : i32
      %dma_wait3A_583 = arith.constant 0 : i32
      %dma_wait3A_584 = tpu.memref_slice %arg10[%dma_wait3A_582, %dma_wait3A_583] : memref<10240x128xf32, #tpu.memory_space<vmem_shared>> -> memref<10240x128xf32, #tpu.memory_space<vmem_shared>>
      tpu.wait_indirect_dma semaphore(%arg14 : memref<!tpu.dma_semaphore, #tpu.memory_space<semaphore_mem>>) src(%dma_wait3A_578 : memref<128x128xf32, #tpu.memory_space<vmem>>) dst(%dma_wait3A_584 : memref<10240x128xf32, #tpu.memory_space<vmem_shared>>)
      %sub3A_585 = arith.constant 16 : i32
      %sub3A_586 = arith.subi %select_n3A, %sub3A_585 : i32
      %lt3A = arith.cmpi slt, %add3A_110, %sub3A_586 : i32
      %convert_element_type3A_587 = arith.extui %lt3A : i1 to i32
      %cond3A_588 = arith.constant 0 : i32
      %cond3A_589 = arith.cmpi ne, %convert_element_type3A_587, %cond3A_588 : i32
      scf.if %cond3A_589 {
        %add3A_986 = arith.constant 16 : i32
        %add3A_987 = arith.addi %add3A_110, %add3A_986 : i32
        %add3A_988 = arith.addi %select_n3A_8, %add3A_987 : i32
        %dma_start3A_989 = arith.constant 0 : i32
        %dma_start3A_990 = arith.constant 0 : i32
        %dma_start3A_991 = arith.constant 0 : i32
        %dma_start3A_992 = tpu.memref_slice %arg7[%dma_start3A_989, %dma_start3A_990, %dma_start3A_991] : memref<2x8x128xi32, #tpu.memory_space<vmem>> -> memref<1x8x128xi32, #tpu.memory_space<vmem>>
        %dma_start3A_993 = tpu.memref_squeeze %dma_start3A_992 : memref<1x8x128xi32, #tpu.memory_space<vmem>> -> memref<8x128xi32, #tpu.memory_space<vmem>>
        %dma_start3A_994 = arith.constant 0 : i32
        %dma_start3A_995 = tpu.memref_slice %arg3[%add3A_988, %dma_start3A_994] : memref<2560x128xi32, #tpu.memory_space<hbm>> -> memref<8x128xi32, #tpu.memory_space<hbm>>
        %dma_start3A_996 = arith.constant 0 : i32
        %dma_start3A_997 = arith.constant 0 : i32
        %dma_start3A_998 = tpu.memref_slice %arg7[%dma_start3A_989, %dma_start3A_996, %dma_start3A_997] : memref<2x8x128xi32, #tpu.memory_space<vmem>> -> memref<1x8x128xi32, #tpu.memory_space<vmem>>
        %dma_start3A_999 = tpu.memref_squeeze %dma_start3A_998 : memref<1x8x128xi32, #tpu.memory_space<vmem>> -> memref<8x128xi32, #tpu.memory_space<vmem>>
        %dma_start3A_1000 = arith.constant 0 : i32
        %dma_start3A_1001 = tpu.memref_slice %arg3[%add3A_988, %dma_start3A_1000] : memref<2560x128xi32, #tpu.memory_space<hbm>> -> memref<8x128xi32, #tpu.memory_space<hbm>>
        tpu.enqueue_dma source(%dma_start3A_1001 : memref<8x128xi32, #tpu.memory_space<hbm>>) target(%dma_start3A_999 : memref<8x128xi32, #tpu.memory_space<vmem>>) target_semaphore(%arg15 : memref<!tpu.dma_semaphore, #tpu.memory_space<semaphore_mem>>)
        %add3A_1002 = arith.addi %select_n3A_8, %add3A_987 : i32
        %dma_start3A_1003 = arith.constant 0 : i32
        %dma_start3A_1004 = arith.constant 0 : i32
        %dma_start3A_1005 = arith.constant 0 : i32
        %dma_start3A_1006 = tpu.memref_slice %arg8[%dma_start3A_1003, %dma_start3A_1004, %dma_start3A_1005] : memref<2x8x128xi32, #tpu.memory_space<vmem>> -> memref<1x8x128xi32, #tpu.memory_space<vmem>>
        %dma_start3A_1007 = tpu.memref_squeeze %dma_start3A_1006 : memref<1x8x128xi32, #tpu.memory_space<vmem>> -> memref<8x128xi32, #tpu.memory_space<vmem>>
        %dma_start3A_1008 = arith.constant 0 : i32
        %dma_start3A_1009 = tpu.memref_slice %arg4[%add3A_1002, %dma_start3A_1008] : memref<2560x128xi32, #tpu.memory_space<hbm>> -> memref<8x128xi32, #tpu.memory_space<hbm>>
        %dma_start3A_1010 = arith.constant 0 : i32
        %dma_start3A_1011 = arith.constant 0 : i32
        %dma_start3A_1012 = tpu.memref_slice %arg8[%dma_start3A_1003, %dma_start3A_1010, %dma_start3A_1011] : memref<2x8x128xi32, #tpu.memory_space<vmem>> -> memref<1x8x128xi32, #tpu.memory_space<vmem>>
        %dma_start3A_1013 = tpu.memref_squeeze %dma_start3A_1012 : memref<1x8x128xi32, #tpu.memory_space<vmem>> -> memref<8x128xi32, #tpu.memory_space<vmem>>
        %dma_start3A_1014 = arith.constant 0 : i32
        %dma_start3A_1015 = tpu.memref_slice %arg4[%add3A_1002, %dma_start3A_1014] : memref<2560x128xi32, #tpu.memory_space<hbm>> -> memref<8x128xi32, #tpu.memory_space<hbm>>
        tpu.enqueue_dma source(%dma_start3A_1015 : memref<8x128xi32, #tpu.memory_space<hbm>>) target(%dma_start3A_1013 : memref<8x128xi32, #tpu.memory_space<vmem>>) target_semaphore(%arg17 : memref<!tpu.dma_semaphore, #tpu.memory_space<semaphore_mem>>)
      } else {
      }
      %dma_start3A_590 = arith.constant 1 : i32
      %dma_start3A_591 = arith.constant 1 : i32
      %dma_start3A_592 = arith.constant 1 : i32
      %dma_start3A_593 = arith.constant 0 : i32
      %dma_start3A_594 = arith.constant 0 : i32
      %dma_start3A_595 = tpu.memref_slice %arg9[%dma_start3A_592, %dma_start3A_593, %dma_start3A_594] : memref<2x128x128xf32, #tpu.memory_space<vmem>> -> memref<1x128x128xf32, #tpu.memory_space<vmem>>
      %dma_start3A_596 = tpu.memref_squeeze %dma_start3A_595 : memref<1x128x128xf32, #tpu.memory_space<vmem>> -> memref<128x128xf32, #tpu.memory_space<vmem>>
      %dma_start3A_597 = arith.constant 0 : i32
      %dma_start3A_598 = tpu.memref_slice %arg7[%dma_start3A_590, %dma_start3A_591, %dma_start3A_597] : memref<2x8x128xi32, #tpu.memory_space<vmem>> -> memref<1x1x128xi32, #tpu.memory_space<vmem>>
      %dma_start3A_599 = tpu.memref_squeeze %dma_start3A_598 : memref<1x1x128xi32, #tpu.memory_space<vmem>> -> memref<128xi32, #tpu.memory_space<vmem>>
      %dma_start3A_600 = arith.constant 0 : i32
      %dma_start3A_601 = arith.constant 0 : i32
      %dma_start3A_602 = tpu.memref_slice %arg2[%dma_start3A_600, %dma_start3A_601] : memref<10240x128xf32, #tpu.memory_space<hbm>> -> memref<10240x128xf32, #tpu.memory_space<hbm>>
      tpu.enqueue_indirect_dma source(%dma_start3A_602 : memref<10240x128xf32, #tpu.memory_space<hbm>>) target(%dma_start3A_596 : memref<128x128xf32, #tpu.memory_space<vmem>>) offsets(%dma_start3A_599 : memref<128xi32, #tpu.memory_space<vmem>>) semaphore(%arg12 : memref<!tpu.dma_semaphore, #tpu.memory_space<semaphore_mem>>)
      %dma_wait3A_603 = arith.constant 0 : i32
      %dma_wait3A_604 = arith.constant 0 : i32
      %dma_wait3A_605 = arith.constant 0 : i32
      %dma_wait3A_606 = arith.constant 0 : i32
      %dma_wait3A_607 = arith.constant 0 : i32
      %dma_wait3A_608 = tpu.memref_slice %arg9[%dma_wait3A_605, %dma_wait3A_606, %dma_wait3A_607] : memref<2x128x128xf32, #tpu.memory_space<vmem>> -> memref<1x128x128xf32, #tpu.memory_space<vmem>>
      %dma_wait3A_609 = tpu.memref_squeeze %dma_wait3A_608 : memref<1x128x128xf32, #tpu.memory_space<vmem>> -> memref<128x128xf32, #tpu.memory_space<vmem>>
      %dma_wait3A_610 = arith.constant 0 : i32
      %dma_wait3A_611 = tpu.memref_slice %arg7[%dma_wait3A_603, %dma_wait3A_604, %dma_wait3A_610] : memref<2x8x128xi32, #tpu.memory_space<vmem>> -> memref<1x1x128xi32, #tpu.memory_space<vmem>>
      %dma_wait3A_612 = tpu.memref_squeeze %dma_wait3A_611 : memref<1x1x128xi32, #tpu.memory_space<vmem>> -> memref<128xi32, #tpu.memory_space<vmem>>
      %dma_wait3A_613 = arith.constant 0 : i32
      %dma_wait3A_614 = arith.constant 0 : i32
      %dma_wait3A_615 = tpu.memref_slice %arg2[%dma_wait3A_613, %dma_wait3A_614] : memref<10240x128xf32, #tpu.memory_space<hbm>> -> memref<10240x128xf32, #tpu.memory_space<hbm>>
      tpu.wait_indirect_dma semaphore(%arg11 : memref<!tpu.dma_semaphore, #tpu.memory_space<semaphore_mem>>) src(%dma_wait3A_615 : memref<10240x128xf32, #tpu.memory_space<hbm>>) dst(%dma_wait3A_609 : memref<128x128xf32, #tpu.memory_space<vmem>>)
      %dma_start3A_616 = arith.constant 0 : i32
      %dma_start3A_617 = arith.constant 1 : i32
      %dma_start3A_618 = arith.constant 0 : i32
      %dma_start3A_619 = arith.constant 0 : i32
      %dma_start3A_620 = arith.constant 0 : i32
      %dma_start3A_621 = tpu.memref_slice %arg9[%dma_start3A_616, %dma_start3A_619, %dma_start3A_620] : memref<2x128x128xf32, #tpu.memory_space<vmem>> -> memref<1x128x128xf32, #tpu.memory_space<vmem>>
      %dma_start3A_622 = tpu.memref_squeeze %dma_start3A_621 : memref<1x128x128xf32, #tpu.memory_space<vmem>> -> memref<128x128xf32, #tpu.memory_space<vmem>>
      %dma_start3A_623 = arith.constant 0 : i32
      %dma_start3A_624 = tpu.memref_slice %arg8[%dma_start3A_617, %dma_start3A_618, %dma_start3A_623] : memref<2x8x128xi32, #tpu.memory_space<vmem>> -> memref<1x1x128xi32, #tpu.memory_space<vmem>>
      %dma_start3A_625 = tpu.memref_squeeze %dma_start3A_624 : memref<1x1x128xi32, #tpu.memory_space<vmem>> -> memref<128xi32, #tpu.memory_space<vmem>>
      %dma_start3A_626 = arith.constant 0 : i32
      %dma_start3A_627 = arith.constant 0 : i32
      %dma_start3A_628 = tpu.memref_slice %arg10[%dma_start3A_626, %dma_start3A_627] : memref<10240x128xf32, #tpu.memory_space<vmem_shared>> -> memref<10240x128xf32, #tpu.memory_space<vmem_shared>>
      tpu.enqueue_indirect_dma source(%dma_start3A_622 : memref<128x128xf32, #tpu.memory_space<vmem>>) target(%dma_start3A_628 : memref<10240x128xf32, #tpu.memory_space<vmem_shared>>) offsets(%dma_start3A_625 : memref<128xi32, #tpu.memory_space<vmem>>) semaphore(%arg13 : memref<!tpu.dma_semaphore, #tpu.memory_space<semaphore_mem>>) {add = true}
      %dma_wait3A_629 = arith.constant 0 : i32
      %dma_wait3A_630 = arith.constant 0 : i32
      %dma_wait3A_631 = arith.constant 0 : i32
      %dma_wait3A_632 = arith.constant 0 : i32
      %dma_wait3A_633 = arith.constant 0 : i32
      %dma_wait3A_634 = tpu.memref_slice %arg9[%dma_wait3A_629, %dma_wait3A_632, %dma_wait3A_633] : memref<2x128x128xf32, #tpu.memory_space<vmem>> -> memref<1x128x128xf32, #tpu.memory_space<vmem>>
      %dma_wait3A_635 = tpu.memref_squeeze %dma_wait3A_634 : memref<1x128x128xf32, #tpu.memory_space<vmem>> -> memref<128x128xf32, #tpu.memory_space<vmem>>
      %dma_wait3A_636 = arith.constant 0 : i32
      %dma_wait3A_637 = tpu.memref_slice %arg8[%dma_wait3A_630, %dma_wait3A_631, %dma_wait3A_636] : memref<2x8x128xi32, #tpu.memory_space<vmem>> -> memref<1x1x128xi32, #tpu.memory_space<vmem>>
      %dma_wait3A_638 = tpu.memref_squeeze %dma_wait3A_637 : memref<1x1x128xi32, #tpu.memory_space<vmem>> -> memref<128xi32, #tpu.memory_space<vmem>>
      %dma_wait3A_639 = arith.constant 0 : i32
      %dma_wait3A_640 = arith.constant 0 : i32
      %dma_wait3A_641 = tpu.memref_slice %arg10[%dma_wait3A_639, %dma_wait3A_640] : memref<10240x128xf32, #tpu.memory_space<vmem_shared>> -> memref<10240x128xf32, #tpu.memory_space<vmem_shared>>
      tpu.wait_indirect_dma semaphore(%arg13 : memref<!tpu.dma_semaphore, #tpu.memory_space<semaphore_mem>>) src(%dma_wait3A_635 : memref<128x128xf32, #tpu.memory_space<vmem>>) dst(%dma_wait3A_641 : memref<10240x128xf32, #tpu.memory_space<vmem_shared>>)
      %dma_start3A_642 = arith.constant 1 : i32
      %dma_start3A_643 = arith.constant 2 : i32
      %dma_start3A_644 = arith.constant 0 : i32
      %dma_start3A_645 = arith.constant 0 : i32
      %dma_start3A_646 = arith.constant 0 : i32
      %dma_start3A_647 = tpu.memref_slice %arg9[%dma_start3A_644, %dma_start3A_645, %dma_start3A_646] : memref<2x128x128xf32, #tpu.memory_space<vmem>> -> memref<1x128x128xf32, #tpu.memory_space<vmem>>
      %dma_start3A_648 = tpu.memref_squeeze %dma_start3A_647 : memref<1x128x128xf32, #tpu.memory_space<vmem>> -> memref<128x128xf32, #tpu.memory_space<vmem>>
      %dma_start3A_649 = arith.constant 0 : i32
      %dma_start3A_650 = tpu.memref_slice %arg7[%dma_start3A_642, %dma_start3A_643, %dma_start3A_649] : memref<2x8x128xi32, #tpu.memory_space<vmem>> -> memref<1x1x128xi32, #tpu.memory_space<vmem>>
      %dma_start3A_651 = tpu.memref_squeeze %dma_start3A_650 : memref<1x1x128xi32, #tpu.memory_space<vmem>> -> memref<128xi32, #tpu.memory_space<vmem>>
      %dma_start3A_652 = arith.constant 0 : i32
      %dma_start3A_653 = arith.constant 0 : i32
      %dma_start3A_654 = tpu.memref_slice %arg2[%dma_start3A_652, %dma_start3A_653] : memref<10240x128xf32, #tpu.memory_space<hbm>> -> memref<10240x128xf32, #tpu.memory_space<hbm>>
      tpu.enqueue_indirect_dma source(%dma_start3A_654 : memref<10240x128xf32, #tpu.memory_space<hbm>>) target(%dma_start3A_648 : memref<128x128xf32, #tpu.memory_space<vmem>>) offsets(%dma_start3A_651 : memref<128xi32, #tpu.memory_space<vmem>>) semaphore(%arg11 : memref<!tpu.dma_semaphore, #tpu.memory_space<semaphore_mem>>)
      %dma_wait3A_655 = arith.constant 0 : i32
      %dma_wait3A_656 = arith.constant 0 : i32
      %dma_wait3A_657 = arith.constant 1 : i32
      %dma_wait3A_658 = arith.constant 0 : i32
      %dma_wait3A_659 = arith.constant 0 : i32
      %dma_wait3A_660 = tpu.memref_slice %arg9[%dma_wait3A_657, %dma_wait3A_658, %dma_wait3A_659] : memref<2x128x128xf32, #tpu.memory_space<vmem>> -> memref<1x128x128xf32, #tpu.memory_space<vmem>>
      %dma_wait3A_661 = tpu.memref_squeeze %dma_wait3A_660 : memref<1x128x128xf32, #tpu.memory_space<vmem>> -> memref<128x128xf32, #tpu.memory_space<vmem>>
      %dma_wait3A_662 = arith.constant 0 : i32
      %dma_wait3A_663 = tpu.memref_slice %arg7[%dma_wait3A_655, %dma_wait3A_656, %dma_wait3A_662] : memref<2x8x128xi32, #tpu.memory_space<vmem>> -> memref<1x1x128xi32, #tpu.memory_space<vmem>>
      %dma_wait3A_664 = tpu.memref_squeeze %dma_wait3A_663 : memref<1x1x128xi32, #tpu.memory_space<vmem>> -> memref<128xi32, #tpu.memory_space<vmem>>
      %dma_wait3A_665 = arith.constant 0 : i32
      %dma_wait3A_666 = arith.constant 0 : i32
      %dma_wait3A_667 = tpu.memref_slice %arg2[%dma_wait3A_665, %dma_wait3A_666] : memref<10240x128xf32, #tpu.memory_space<hbm>> -> memref<10240x128xf32, #tpu.memory_space<hbm>>
      tpu.wait_indirect_dma semaphore(%arg12 : memref<!tpu.dma_semaphore, #tpu.memory_space<semaphore_mem>>) src(%dma_wait3A_667 : memref<10240x128xf32, #tpu.memory_space<hbm>>) dst(%dma_wait3A_661 : memref<128x128xf32, #tpu.memory_space<vmem>>)
      %dma_start3A_668 = arith.constant 1 : i32
      %dma_start3A_669 = arith.constant 1 : i32
      %dma_start3A_670 = arith.constant 1 : i32
      %dma_start3A_671 = arith.constant 0 : i32
      %dma_start3A_672 = arith.constant 0 : i32
      %dma_start3A_673 = tpu.memref_slice %arg9[%dma_start3A_668, %dma_start3A_671, %dma_start3A_672] : memref<2x128x128xf32, #tpu.memory_space<vmem>> -> memref<1x128x128xf32, #tpu.memory_space<vmem>>
      %dma_start3A_674 = tpu.memref_squeeze %dma_start3A_673 : memref<1x128x128xf32, #tpu.memory_space<vmem>> -> memref<128x128xf32, #tpu.memory_space<vmem>>
      %dma_start3A_675 = arith.constant 0 : i32
      %dma_start3A_676 = tpu.memref_slice %arg8[%dma_start3A_669, %dma_start3A_670, %dma_start3A_675] : memref<2x8x128xi32, #tpu.memory_space<vmem>> -> memref<1x1x128xi32, #tpu.memory_space<vmem>>
      %dma_start3A_677 = tpu.memref_squeeze %dma_start3A_676 : memref<1x1x128xi32, #tpu.memory_space<vmem>> -> memref<128xi32, #tpu.memory_space<vmem>>
      %dma_start3A_678 = arith.constant 0 : i32
      %dma_start3A_679 = arith.constant 0 : i32
      %dma_start3A_680 = tpu.memref_slice %arg10[%dma_start3A_678, %dma_start3A_679] : memref<10240x128xf32, #tpu.memory_space<vmem_shared>> -> memref<10240x128xf32, #tpu.memory_space<vmem_shared>>
      tpu.enqueue_indirect_dma source(%dma_start3A_674 : memref<128x128xf32, #tpu.memory_space<vmem>>) target(%dma_start3A_680 : memref<10240x128xf32, #tpu.memory_space<vmem_shared>>) offsets(%dma_start3A_677 : memref<128xi32, #tpu.memory_space<vmem>>) semaphore(%arg14 : memref<!tpu.dma_semaphore, #tpu.memory_space<semaphore_mem>>) {add = true}
      %dma_wait3A_681 = arith.constant 1 : i32
      %dma_wait3A_682 = arith.constant 0 : i32
      %dma_wait3A_683 = arith.constant 0 : i32
      %dma_wait3A_684 = arith.constant 0 : i32
      %dma_wait3A_685 = arith.constant 0 : i32
      %dma_wait3A_686 = tpu.memref_slice %arg9[%dma_wait3A_681, %dma_wait3A_684, %dma_wait3A_685] : memref<2x128x128xf32, #tpu.memory_space<vmem>> -> memref<1x128x128xf32, #tpu.memory_space<vmem>>
      %dma_wait3A_687 = tpu.memref_squeeze %dma_wait3A_686 : memref<1x128x128xf32, #tpu.memory_space<vmem>> -> memref<128x128xf32, #tpu.memory_space<vmem>>
      %dma_wait3A_688 = arith.constant 0 : i32
      %dma_wait3A_689 = tpu.memref_slice %arg8[%dma_wait3A_682, %dma_wait3A_683, %dma_wait3A_688] : memref<2x8x128xi32, #tpu.memory_space<vmem>> -> memref<1x1x128xi32, #tpu.memory_space<vmem>>
      %dma_wait3A_690 = tpu.memref_squeeze %dma_wait3A_689 : memref<1x1x128xi32, #tpu.memory_space<vmem>> -> memref<128xi32, #tpu.memory_space<vmem>>
      %dma_wait3A_691 = arith.constant 0 : i32
      %dma_wait3A_692 = arith.constant 0 : i32
      %dma_wait3A_693 = tpu.memref_slice %arg10[%dma_wait3A_691, %dma_wait3A_692] : memref<10240x128xf32, #tpu.memory_space<vmem_shared>> -> memref<10240x128xf32, #tpu.memory_space<vmem_shared>>
      tpu.wait_indirect_dma semaphore(%arg14 : memref<!tpu.dma_semaphore, #tpu.memory_space<semaphore_mem>>) src(%dma_wait3A_687 : memref<128x128xf32, #tpu.memory_space<vmem>>) dst(%dma_wait3A_693 : memref<10240x128xf32, #tpu.memory_space<vmem_shared>>)
      %dma_start3A_694 = arith.constant 1 : i32
      %dma_start3A_695 = arith.constant 3 : i32
      %dma_start3A_696 = arith.constant 1 : i32
      %dma_start3A_697 = arith.constant 0 : i32
      %dma_start3A_698 = arith.constant 0 : i32
      %dma_start3A_699 = tpu.memref_slice %arg9[%dma_start3A_696, %dma_start3A_697, %dma_start3A_698] : memref<2x128x128xf32, #tpu.memory_space<vmem>> -> memref<1x128x128xf32, #tpu.memory_space<vmem>>
      %dma_start3A_700 = tpu.memref_squeeze %dma_start3A_699 : memref<1x128x128xf32, #tpu.memory_space<vmem>> -> memref<128x128xf32, #tpu.memory_space<vmem>>
      %dma_start3A_701 = arith.constant 0 : i32
      %dma_start3A_702 = tpu.memref_slice %arg7[%dma_start3A_694, %dma_start3A_695, %dma_start3A_701] : memref<2x8x128xi32, #tpu.memory_space<vmem>> -> memref<1x1x128xi32, #tpu.memory_space<vmem>>
      %dma_start3A_703 = tpu.memref_squeeze %dma_start3A_702 : memref<1x1x128xi32, #tpu.memory_space<vmem>> -> memref<128xi32, #tpu.memory_space<vmem>>
      %dma_start3A_704 = arith.constant 0 : i32
      %dma_start3A_705 = arith.constant 0 : i32
      %dma_start3A_706 = tpu.memref_slice %arg2[%dma_start3A_704, %dma_start3A_705] : memref<10240x128xf32, #tpu.memory_space<hbm>> -> memref<10240x128xf32, #tpu.memory_space<hbm>>
      tpu.enqueue_indirect_dma source(%dma_start3A_706 : memref<10240x128xf32, #tpu.memory_space<hbm>>) target(%dma_start3A_700 : memref<128x128xf32, #tpu.memory_space<vmem>>) offsets(%dma_start3A_703 : memref<128xi32, #tpu.memory_space<vmem>>) semaphore(%arg12 : memref<!tpu.dma_semaphore, #tpu.memory_space<semaphore_mem>>)
      %dma_wait3A_707 = arith.constant 0 : i32
      %dma_wait3A_708 = arith.constant 0 : i32
      %dma_wait3A_709 = arith.constant 0 : i32
      %dma_wait3A_710 = arith.constant 0 : i32
      %dma_wait3A_711 = arith.constant 0 : i32
      %dma_wait3A_712 = tpu.memref_slice %arg9[%dma_wait3A_709, %dma_wait3A_710, %dma_wait3A_711] : memref<2x128x128xf32, #tpu.memory_space<vmem>> -> memref<1x128x128xf32, #tpu.memory_space<vmem>>
      %dma_wait3A_713 = tpu.memref_squeeze %dma_wait3A_712 : memref<1x128x128xf32, #tpu.memory_space<vmem>> -> memref<128x128xf32, #tpu.memory_space<vmem>>
      %dma_wait3A_714 = arith.constant 0 : i32
      %dma_wait3A_715 = tpu.memref_slice %arg7[%dma_wait3A_707, %dma_wait3A_708, %dma_wait3A_714] : memref<2x8x128xi32, #tpu.memory_space<vmem>> -> memref<1x1x128xi32, #tpu.memory_space<vmem>>
      %dma_wait3A_716 = tpu.memref_squeeze %dma_wait3A_715 : memref<1x1x128xi32, #tpu.memory_space<vmem>> -> memref<128xi32, #tpu.memory_space<vmem>>
      %dma_wait3A_717 = arith.constant 0 : i32
      %dma_wait3A_718 = arith.constant 0 : i32
      %dma_wait3A_719 = tpu.memref_slice %arg2[%dma_wait3A_717, %dma_wait3A_718] : memref<10240x128xf32, #tpu.memory_space<hbm>> -> memref<10240x128xf32, #tpu.memory_space<hbm>>
      tpu.wait_indirect_dma semaphore(%arg11 : memref<!tpu.dma_semaphore, #tpu.memory_space<semaphore_mem>>) src(%dma_wait3A_719 : memref<10240x128xf32, #tpu.memory_space<hbm>>) dst(%dma_wait3A_713 : memref<128x128xf32, #tpu.memory_space<vmem>>)
      %dma_start3A_720 = arith.constant 0 : i32
      %dma_start3A_721 = arith.constant 1 : i32
      %dma_start3A_722 = arith.constant 2 : i32
      %dma_start3A_723 = arith.constant 0 : i32
      %dma_start3A_724 = arith.constant 0 : i32
      %dma_start3A_725 = tpu.memref_slice %arg9[%dma_start3A_720, %dma_start3A_723, %dma_start3A_724] : memref<2x128x128xf32, #tpu.memory_space<vmem>> -> memref<1x128x128xf32, #tpu.memory_space<vmem>>
      %dma_start3A_726 = tpu.memref_squeeze %dma_start3A_725 : memref<1x128x128xf32, #tpu.memory_space<vmem>> -> memref<128x128xf32, #tpu.memory_space<vmem>>
      %dma_start3A_727 = arith.constant 0 : i32
      %dma_start3A_728 = tpu.memref_slice %arg8[%dma_start3A_721, %dma_start3A_722, %dma_start3A_727] : memref<2x8x128xi32, #tpu.memory_space<vmem>> -> memref<1x1x128xi32, #tpu.memory_space<vmem>>
      %dma_start3A_729 = tpu.memref_squeeze %dma_start3A_728 : memref<1x1x128xi32, #tpu.memory_space<vmem>> -> memref<128xi32, #tpu.memory_space<vmem>>
      %dma_start3A_730 = arith.constant 0 : i32
      %dma_start3A_731 = arith.constant 0 : i32
      %dma_start3A_732 = tpu.memref_slice %arg10[%dma_start3A_730, %dma_start3A_731] : memref<10240x128xf32, #tpu.memory_space<vmem_shared>> -> memref<10240x128xf32, #tpu.memory_space<vmem_shared>>
      tpu.enqueue_indirect_dma source(%dma_start3A_726 : memref<128x128xf32, #tpu.memory_space<vmem>>) target(%dma_start3A_732 : memref<10240x128xf32, #tpu.memory_space<vmem_shared>>) offsets(%dma_start3A_729 : memref<128xi32, #tpu.memory_space<vmem>>) semaphore(%arg13 : memref<!tpu.dma_semaphore, #tpu.memory_space<semaphore_mem>>) {add = true}
      %dma_wait3A_733 = arith.constant 0 : i32
      %dma_wait3A_734 = arith.constant 0 : i32
      %dma_wait3A_735 = arith.constant 0 : i32
      %dma_wait3A_736 = arith.constant 0 : i32
      %dma_wait3A_737 = arith.constant 0 : i32
      %dma_wait3A_738 = tpu.memref_slice %arg9[%dma_wait3A_733, %dma_wait3A_736, %dma_wait3A_737] : memref<2x128x128xf32, #tpu.memory_space<vmem>> -> memref<1x128x128xf32, #tpu.memory_space<vmem>>
      %dma_wait3A_739 = tpu.memref_squeeze %dma_wait3A_738 : memref<1x128x128xf32, #tpu.memory_space<vmem>> -> memref<128x128xf32, #tpu.memory_space<vmem>>
      %dma_wait3A_740 = arith.constant 0 : i32
      %dma_wait3A_741 = tpu.memref_slice %arg8[%dma_wait3A_734, %dma_wait3A_735, %dma_wait3A_740] : memref<2x8x128xi32, #tpu.memory_space<vmem>> -> memref<1x1x128xi32, #tpu.memory_space<vmem>>
      %dma_wait3A_742 = tpu.memref_squeeze %dma_wait3A_741 : memref<1x1x128xi32, #tpu.memory_space<vmem>> -> memref<128xi32, #tpu.memory_space<vmem>>
      %dma_wait3A_743 = arith.constant 0 : i32
      %dma_wait3A_744 = arith.constant 0 : i32
      %dma_wait3A_745 = tpu.memref_slice %arg10[%dma_wait3A_743, %dma_wait3A_744] : memref<10240x128xf32, #tpu.memory_space<vmem_shared>> -> memref<10240x128xf32, #tpu.memory_space<vmem_shared>>
      tpu.wait_indirect_dma semaphore(%arg13 : memref<!tpu.dma_semaphore, #tpu.memory_space<semaphore_mem>>) src(%dma_wait3A_739 : memref<128x128xf32, #tpu.memory_space<vmem>>) dst(%dma_wait3A_745 : memref<10240x128xf32, #tpu.memory_space<vmem_shared>>)
      %dma_start3A_746 = arith.constant 1 : i32
      %dma_start3A_747 = arith.constant 4 : i32
      %dma_start3A_748 = arith.constant 0 : i32
      %dma_start3A_749 = arith.constant 0 : i32
      %dma_start3A_750 = arith.constant 0 : i32
      %dma_start3A_751 = tpu.memref_slice %arg9[%dma_start3A_748, %dma_start3A_749, %dma_start3A_750] : memref<2x128x128xf32, #tpu.memory_space<vmem>> -> memref<1x128x128xf32, #tpu.memory_space<vmem>>
      %dma_start3A_752 = tpu.memref_squeeze %dma_start3A_751 : memref<1x128x128xf32, #tpu.memory_space<vmem>> -> memref<128x128xf32, #tpu.memory_space<vmem>>
      %dma_start3A_753 = arith.constant 0 : i32
      %dma_start3A_754 = tpu.memref_slice %arg7[%dma_start3A_746, %dma_start3A_747, %dma_start3A_753] : memref<2x8x128xi32, #tpu.memory_space<vmem>> -> memref<1x1x128xi32, #tpu.memory_space<vmem>>
      %dma_start3A_755 = tpu.memref_squeeze %dma_start3A_754 : memref<1x1x128xi32, #tpu.memory_space<vmem>> -> memref<128xi32, #tpu.memory_space<vmem>>
      %dma_start3A_756 = arith.constant 0 : i32
      %dma_start3A_757 = arith.constant 0 : i32
      %dma_start3A_758 = tpu.memref_slice %arg2[%dma_start3A_756, %dma_start3A_757] : memref<10240x128xf32, #tpu.memory_space<hbm>> -> memref<10240x128xf32, #tpu.memory_space<hbm>>
      tpu.enqueue_indirect_dma source(%dma_start3A_758 : memref<10240x128xf32, #tpu.memory_space<hbm>>) target(%dma_start3A_752 : memref<128x128xf32, #tpu.memory_space<vmem>>) offsets(%dma_start3A_755 : memref<128xi32, #tpu.memory_space<vmem>>) semaphore(%arg11 : memref<!tpu.dma_semaphore, #tpu.memory_space<semaphore_mem>>)
      %dma_wait3A_759 = arith.constant 0 : i32
      %dma_wait3A_760 = arith.constant 0 : i32
      %dma_wait3A_761 = arith.constant 1 : i32
      %dma_wait3A_762 = arith.constant 0 : i32
      %dma_wait3A_763 = arith.constant 0 : i32
      %dma_wait3A_764 = tpu.memref_slice %arg9[%dma_wait3A_761, %dma_wait3A_762, %dma_wait3A_763] : memref<2x128x128xf32, #tpu.memory_space<vmem>> -> memref<1x128x128xf32, #tpu.memory_space<vmem>>
      %dma_wait3A_765 = tpu.memref_squeeze %dma_wait3A_764 : memref<1x128x128xf32, #tpu.memory_space<vmem>> -> memref<128x128xf32, #tpu.memory_space<vmem>>
      %dma_wait3A_766 = arith.constant 0 : i32
      %dma_wait3A_767 = tpu.memref_slice %arg7[%dma_wait3A_759, %dma_wait3A_760, %dma_wait3A_766] : memref<2x8x128xi32, #tpu.memory_space<vmem>> -> memref<1x1x128xi32, #tpu.memory_space<vmem>>
      %dma_wait3A_768 = tpu.memref_squeeze %dma_wait3A_767 : memref<1x1x128xi32, #tpu.memory_space<vmem>> -> memref<128xi32, #tpu.memory_space<vmem>>
      %dma_wait3A_769 = arith.constant 0 : i32
      %dma_wait3A_770 = arith.constant 0 : i32
      %dma_wait3A_771 = tpu.memref_slice %arg2[%dma_wait3A_769, %dma_wait3A_770] : memref<10240x128xf32, #tpu.memory_space<hbm>> -> memref<10240x128xf32, #tpu.memory_space<hbm>>
      tpu.wait_indirect_dma semaphore(%arg12 : memref<!tpu.dma_semaphore, #tpu.memory_space<semaphore_mem>>) src(%dma_wait3A_771 : memref<10240x128xf32, #tpu.memory_space<hbm>>) dst(%dma_wait3A_765 : memref<128x128xf32, #tpu.memory_space<vmem>>)
      %dma_start3A_772 = arith.constant 1 : i32
      %dma_start3A_773 = arith.constant 1 : i32
      %dma_start3A_774 = arith.constant 3 : i32
      %dma_start3A_775 = arith.constant 0 : i32
      %dma_start3A_776 = arith.constant 0 : i32
      %dma_start3A_777 = tpu.memref_slice %arg9[%dma_start3A_772, %dma_start3A_775, %dma_start3A_776] : memref<2x128x128xf32, #tpu.memory_space<vmem>> -> memref<1x128x128xf32, #tpu.memory_space<vmem>>
      %dma_start3A_778 = tpu.memref_squeeze %dma_start3A_777 : memref<1x128x128xf32, #tpu.memory_space<vmem>> -> memref<128x128xf32, #tpu.memory_space<vmem>>
      %dma_start3A_779 = arith.constant 0 : i32
      %dma_start3A_780 = tpu.memref_slice %arg8[%dma_start3A_773, %dma_start3A_774, %dma_start3A_779] : memref<2x8x128xi32, #tpu.memory_space<vmem>> -> memref<1x1x128xi32, #tpu.memory_space<vmem>>
      %dma_start3A_781 = tpu.memref_squeeze %dma_start3A_780 : memref<1x1x128xi32, #tpu.memory_space<vmem>> -> memref<128xi32, #tpu.memory_space<vmem>>
      %dma_start3A_782 = arith.constant 0 : i32
      %dma_start3A_783 = arith.constant 0 : i32
      %dma_start3A_784 = tpu.memref_slice %arg10[%dma_start3A_782, %dma_start3A_783] : memref<10240x128xf32, #tpu.memory_space<vmem_shared>> -> memref<10240x128xf32, #tpu.memory_space<vmem_shared>>
      tpu.enqueue_indirect_dma source(%dma_start3A_778 : memref<128x128xf32, #tpu.memory_space<vmem>>) target(%dma_start3A_784 : memref<10240x128xf32, #tpu.memory_space<vmem_shared>>) offsets(%dma_start3A_781 : memref<128xi32, #tpu.memory_space<vmem>>) semaphore(%arg14 : memref<!tpu.dma_semaphore, #tpu.memory_space<semaphore_mem>>) {add = true}
      %dma_wait3A_785 = arith.constant 1 : i32
      %dma_wait3A_786 = arith.constant 0 : i32
      %dma_wait3A_787 = arith.constant 0 : i32
      %dma_wait3A_788 = arith.constant 0 : i32
      %dma_wait3A_789 = arith.constant 0 : i32
      %dma_wait3A_790 = tpu.memref_slice %arg9[%dma_wait3A_785, %dma_wait3A_788, %dma_wait3A_789] : memref<2x128x128xf32, #tpu.memory_space<vmem>> -> memref<1x128x128xf32, #tpu.memory_space<vmem>>
      %dma_wait3A_791 = tpu.memref_squeeze %dma_wait3A_790 : memref<1x128x128xf32, #tpu.memory_space<vmem>> -> memref<128x128xf32, #tpu.memory_space<vmem>>
      %dma_wait3A_792 = arith.constant 0 : i32
      %dma_wait3A_793 = tpu.memref_slice %arg8[%dma_wait3A_786, %dma_wait3A_787, %dma_wait3A_792] : memref<2x8x128xi32, #tpu.memory_space<vmem>> -> memref<1x1x128xi32, #tpu.memory_space<vmem>>
      %dma_wait3A_794 = tpu.memref_squeeze %dma_wait3A_793 : memref<1x1x128xi32, #tpu.memory_space<vmem>> -> memref<128xi32, #tpu.memory_space<vmem>>
      %dma_wait3A_795 = arith.constant 0 : i32
      %dma_wait3A_796 = arith.constant 0 : i32
      %dma_wait3A_797 = tpu.memref_slice %arg10[%dma_wait3A_795, %dma_wait3A_796] : memref<10240x128xf32, #tpu.memory_space<vmem_shared>> -> memref<10240x128xf32, #tpu.memory_space<vmem_shared>>
      tpu.wait_indirect_dma semaphore(%arg14 : memref<!tpu.dma_semaphore, #tpu.memory_space<semaphore_mem>>) src(%dma_wait3A_791 : memref<128x128xf32, #tpu.memory_space<vmem>>) dst(%dma_wait3A_797 : memref<10240x128xf32, #tpu.memory_space<vmem_shared>>)
      %dma_start3A_798 = arith.constant 1 : i32
      %dma_start3A_799 = arith.constant 5 : i32
      %dma_start3A_800 = arith.constant 1 : i32
      %dma_start3A_801 = arith.constant 0 : i32
      %dma_start3A_802 = arith.constant 0 : i32
      %dma_start3A_803 = tpu.memref_slice %arg9[%dma_start3A_800, %dma_start3A_801, %dma_start3A_802] : memref<2x128x128xf32, #tpu.memory_space<vmem>> -> memref<1x128x128xf32, #tpu.memory_space<vmem>>
      %dma_start3A_804 = tpu.memref_squeeze %dma_start3A_803 : memref<1x128x128xf32, #tpu.memory_space<vmem>> -> memref<128x128xf32, #tpu.memory_space<vmem>>
      %dma_start3A_805 = arith.constant 0 : i32
      %dma_start3A_806 = tpu.memref_slice %arg7[%dma_start3A_798, %dma_start3A_799, %dma_start3A_805] : memref<2x8x128xi32, #tpu.memory_space<vmem>> -> memref<1x1x128xi32, #tpu.memory_space<vmem>>
      %dma_start3A_807 = tpu.memref_squeeze %dma_start3A_806 : memref<1x1x128xi32, #tpu.memory_space<vmem>> -> memref<128xi32, #tpu.memory_space<vmem>>
      %dma_start3A_808 = arith.constant 0 : i32
      %dma_start3A_809 = arith.constant 0 : i32
      %dma_start3A_810 = tpu.memref_slice %arg2[%dma_start3A_808, %dma_start3A_809] : memref<10240x128xf32, #tpu.memory_space<hbm>> -> memref<10240x128xf32, #tpu.memory_space<hbm>>
      tpu.enqueue_indirect_dma source(%dma_start3A_810 : memref<10240x128xf32, #tpu.memory_space<hbm>>) target(%dma_start3A_804 : memref<128x128xf32, #tpu.memory_space<vmem>>) offsets(%dma_start3A_807 : memref<128xi32, #tpu.memory_space<vmem>>) semaphore(%arg12 : memref<!tpu.dma_semaphore, #tpu.memory_space<semaphore_mem>>)
      %dma_wait3A_811 = arith.constant 0 : i32
      %dma_wait3A_812 = arith.constant 0 : i32
      %dma_wait3A_813 = arith.constant 0 : i32
      %dma_wait3A_814 = arith.constant 0 : i32
      %dma_wait3A_815 = arith.constant 0 : i32
      %dma_wait3A_816 = tpu.memref_slice %arg9[%dma_wait3A_813, %dma_wait3A_814, %dma_wait3A_815] : memref<2x128x128xf32, #tpu.memory_space<vmem>> -> memref<1x128x128xf32, #tpu.memory_space<vmem>>
      %dma_wait3A_817 = tpu.memref_squeeze %dma_wait3A_816 : memref<1x128x128xf32, #tpu.memory_space<vmem>> -> memref<128x128xf32, #tpu.memory_space<vmem>>
      %dma_wait3A_818 = arith.constant 0 : i32
      %dma_wait3A_819 = tpu.memref_slice %arg7[%dma_wait3A_811, %dma_wait3A_812, %dma_wait3A_818] : memref<2x8x128xi32, #tpu.memory_space<vmem>> -> memref<1x1x128xi32, #tpu.memory_space<vmem>>
      %dma_wait3A_820 = tpu.memref_squeeze %dma_wait3A_819 : memref<1x1x128xi32, #tpu.memory_space<vmem>> -> memref<128xi32, #tpu.memory_space<vmem>>
      %dma_wait3A_821 = arith.constant 0 : i32
      %dma_wait3A_822 = arith.constant 0 : i32
      %dma_wait3A_823 = tpu.memref_slice %arg2[%dma_wait3A_821, %dma_wait3A_822] : memref<10240x128xf32, #tpu.memory_space<hbm>> -> memref<10240x128xf32, #tpu.memory_space<hbm>>
      tpu.wait_indirect_dma semaphore(%arg11 : memref<!tpu.dma_semaphore, #tpu.memory_space<semaphore_mem>>) src(%dma_wait3A_823 : memref<10240x128xf32, #tpu.memory_space<hbm>>) dst(%dma_wait3A_817 : memref<128x128xf32, #tpu.memory_space<vmem>>)
      %dma_start3A_824 = arith.constant 0 : i32
      %dma_start3A_825 = arith.constant 1 : i32
      %dma_start3A_826 = arith.constant 4 : i32
      %dma_start3A_827 = arith.constant 0 : i32
      %dma_start3A_828 = arith.constant 0 : i32
      %dma_start3A_829 = tpu.memref_slice %arg9[%dma_start3A_824, %dma_start3A_827, %dma_start3A_828] : memref<2x128x128xf32, #tpu.memory_space<vmem>> -> memref<1x128x128xf32, #tpu.memory_space<vmem>>
      %dma_start3A_830 = tpu.memref_squeeze %dma_start3A_829 : memref<1x128x128xf32, #tpu.memory_space<vmem>> -> memref<128x128xf32, #tpu.memory_space<vmem>>
      %dma_start3A_831 = arith.constant 0 : i32
      %dma_start3A_832 = tpu.memref_slice %arg8[%dma_start3A_825, %dma_start3A_826, %dma_start3A_831] : memref<2x8x128xi32, #tpu.memory_space<vmem>> -> memref<1x1x128xi32, #tpu.memory_space<vmem>>
      %dma_start3A_833 = tpu.memref_squeeze %dma_start3A_832 : memref<1x1x128xi32, #tpu.memory_space<vmem>> -> memref<128xi32, #tpu.memory_space<vmem>>
      %dma_start3A_834 = arith.constant 0 : i32
      %dma_start3A_835 = arith.constant 0 : i32
      %dma_start3A_836 = tpu.memref_slice %arg10[%dma_start3A_834, %dma_start3A_835] : memref<10240x128xf32, #tpu.memory_space<vmem_shared>> -> memref<10240x128xf32, #tpu.memory_space<vmem_shared>>
      tpu.enqueue_indirect_dma source(%dma_start3A_830 : memref<128x128xf32, #tpu.memory_space<vmem>>) target(%dma_start3A_836 : memref<10240x128xf32, #tpu.memory_space<vmem_shared>>) offsets(%dma_start3A_833 : memref<128xi32, #tpu.memory_space<vmem>>) semaphore(%arg13 : memref<!tpu.dma_semaphore, #tpu.memory_space<semaphore_mem>>) {add = true}
      %dma_wait3A_837 = arith.constant 0 : i32
      %dma_wait3A_838 = arith.constant 0 : i32
      %dma_wait3A_839 = arith.constant 0 : i32
      %dma_wait3A_840 = arith.constant 0 : i32
      %dma_wait3A_841 = arith.constant 0 : i32
      %dma_wait3A_842 = tpu.memref_slice %arg9[%dma_wait3A_837, %dma_wait3A_840, %dma_wait3A_841] : memref<2x128x128xf32, #tpu.memory_space<vmem>> -> memref<1x128x128xf32, #tpu.memory_space<vmem>>
      %dma_wait3A_843 = tpu.memref_squeeze %dma_wait3A_842 : memref<1x128x128xf32, #tpu.memory_space<vmem>> -> memref<128x128xf32, #tpu.memory_space<vmem>>
      %dma_wait3A_844 = arith.constant 0 : i32
      %dma_wait3A_845 = tpu.memref_slice %arg8[%dma_wait3A_838, %dma_wait3A_839, %dma_wait3A_844] : memref<2x8x128xi32, #tpu.memory_space<vmem>> -> memref<1x1x128xi32, #tpu.memory_space<vmem>>
      %dma_wait3A_846 = tpu.memref_squeeze %dma_wait3A_845 : memref<1x1x128xi32, #tpu.memory_space<vmem>> -> memref<128xi32, #tpu.memory_space<vmem>>
      %dma_wait3A_847 = arith.constant 0 : i32
      %dma_wait3A_848 = arith.constant 0 : i32
      %dma_wait3A_849 = tpu.memref_slice %arg10[%dma_wait3A_847, %dma_wait3A_848] : memref<10240x128xf32, #tpu.memory_space<vmem_shared>> -> memref<10240x128xf32, #tpu.memory_space<vmem_shared>>
      tpu.wait_indirect_dma semaphore(%arg13 : memref<!tpu.dma_semaphore, #tpu.memory_space<semaphore_mem>>) src(%dma_wait3A_843 : memref<128x128xf32, #tpu.memory_space<vmem>>) dst(%dma_wait3A_849 : memref<10240x128xf32, #tpu.memory_space<vmem_shared>>)
      %dma_start3A_850 = arith.constant 1 : i32
      %dma_start3A_851 = arith.constant 6 : i32
      %dma_start3A_852 = arith.constant 0 : i32
      %dma_start3A_853 = arith.constant 0 : i32
      %dma_start3A_854 = arith.constant 0 : i32
      %dma_start3A_855 = tpu.memref_slice %arg9[%dma_start3A_852, %dma_start3A_853, %dma_start3A_854] : memref<2x128x128xf32, #tpu.memory_space<vmem>> -> memref<1x128x128xf32, #tpu.memory_space<vmem>>
      %dma_start3A_856 = tpu.memref_squeeze %dma_start3A_855 : memref<1x128x128xf32, #tpu.memory_space<vmem>> -> memref<128x128xf32, #tpu.memory_space<vmem>>
      %dma_start3A_857 = arith.constant 0 : i32
      %dma_start3A_858 = tpu.memref_slice %arg7[%dma_start3A_850, %dma_start3A_851, %dma_start3A_857] : memref<2x8x128xi32, #tpu.memory_space<vmem>> -> memref<1x1x128xi32, #tpu.memory_space<vmem>>
      %dma_start3A_859 = tpu.memref_squeeze %dma_start3A_858 : memref<1x1x128xi32, #tpu.memory_space<vmem>> -> memref<128xi32, #tpu.memory_space<vmem>>
      %dma_start3A_860 = arith.constant 0 : i32
      %dma_start3A_861 = arith.constant 0 : i32
      %dma_start3A_862 = tpu.memref_slice %arg2[%dma_start3A_860, %dma_start3A_861] : memref<10240x128xf32, #tpu.memory_space<hbm>> -> memref<10240x128xf32, #tpu.memory_space<hbm>>
      tpu.enqueue_indirect_dma source(%dma_start3A_862 : memref<10240x128xf32, #tpu.memory_space<hbm>>) target(%dma_start3A_856 : memref<128x128xf32, #tpu.memory_space<vmem>>) offsets(%dma_start3A_859 : memref<128xi32, #tpu.memory_space<vmem>>) semaphore(%arg11 : memref<!tpu.dma_semaphore, #tpu.memory_space<semaphore_mem>>)
      %dma_wait3A_863 = arith.constant 0 : i32
      %dma_wait3A_864 = arith.constant 0 : i32
      %dma_wait3A_865 = arith.constant 1 : i32
      %dma_wait3A_866 = arith.constant 0 : i32
      %dma_wait3A_867 = arith.constant 0 : i32
      %dma_wait3A_868 = tpu.memref_slice %arg9[%dma_wait3A_865, %dma_wait3A_866, %dma_wait3A_867] : memref<2x128x128xf32, #tpu.memory_space<vmem>> -> memref<1x128x128xf32, #tpu.memory_space<vmem>>
      %dma_wait3A_869 = tpu.memref_squeeze %dma_wait3A_868 : memref<1x128x128xf32, #tpu.memory_space<vmem>> -> memref<128x128xf32, #tpu.memory_space<vmem>>
      %dma_wait3A_870 = arith.constant 0 : i32
      %dma_wait3A_871 = tpu.memref_slice %arg7[%dma_wait3A_863, %dma_wait3A_864, %dma_wait3A_870] : memref<2x8x128xi32, #tpu.memory_space<vmem>> -> memref<1x1x128xi32, #tpu.memory_space<vmem>>
      %dma_wait3A_872 = tpu.memref_squeeze %dma_wait3A_871 : memref<1x1x128xi32, #tpu.memory_space<vmem>> -> memref<128xi32, #tpu.memory_space<vmem>>
      %dma_wait3A_873 = arith.constant 0 : i32
      %dma_wait3A_874 = arith.constant 0 : i32
      %dma_wait3A_875 = tpu.memref_slice %arg2[%dma_wait3A_873, %dma_wait3A_874] : memref<10240x128xf32, #tpu.memory_space<hbm>> -> memref<10240x128xf32, #tpu.memory_space<hbm>>
      tpu.wait_indirect_dma semaphore(%arg12 : memref<!tpu.dma_semaphore, #tpu.memory_space<semaphore_mem>>) src(%dma_wait3A_875 : memref<10240x128xf32, #tpu.memory_space<hbm>>) dst(%dma_wait3A_869 : memref<128x128xf32, #tpu.memory_space<vmem>>)
      %dma_start3A_876 = arith.constant 1 : i32
      %dma_start3A_877 = arith.constant 1 : i32
      %dma_start3A_878 = arith.constant 5 : i32
      %dma_start3A_879 = arith.constant 0 : i32
      %dma_start3A_880 = arith.constant 0 : i32
      %dma_start3A_881 = tpu.memref_slice %arg9[%dma_start3A_876, %dma_start3A_879, %dma_start3A_880] : memref<2x128x128xf32, #tpu.memory_space<vmem>> -> memref<1x128x128xf32, #tpu.memory_space<vmem>>
      %dma_start3A_882 = tpu.memref_squeeze %dma_start3A_881 : memref<1x128x128xf32, #tpu.memory_space<vmem>> -> memref<128x128xf32, #tpu.memory_space<vmem>>
      %dma_start3A_883 = arith.constant 0 : i32
      %dma_start3A_884 = tpu.memref_slice %arg8[%dma_start3A_877, %dma_start3A_878, %dma_start3A_883] : memref<2x8x128xi32, #tpu.memory_space<vmem>> -> memref<1x1x128xi32, #tpu.memory_space<vmem>>
      %dma_start3A_885 = tpu.memref_squeeze %dma_start3A_884 : memref<1x1x128xi32, #tpu.memory_space<vmem>> -> memref<128xi32, #tpu.memory_space<vmem>>
      %dma_start3A_886 = arith.constant 0 : i32
      %dma_start3A_887 = arith.constant 0 : i32
      %dma_start3A_888 = tpu.memref_slice %arg10[%dma_start3A_886, %dma_start3A_887] : memref<10240x128xf32, #tpu.memory_space<vmem_shared>> -> memref<10240x128xf32, #tpu.memory_space<vmem_shared>>
      tpu.enqueue_indirect_dma source(%dma_start3A_882 : memref<128x128xf32, #tpu.memory_space<vmem>>) target(%dma_start3A_888 : memref<10240x128xf32, #tpu.memory_space<vmem_shared>>) offsets(%dma_start3A_885 : memref<128xi32, #tpu.memory_space<vmem>>) semaphore(%arg14 : memref<!tpu.dma_semaphore, #tpu.memory_space<semaphore_mem>>) {add = true}
      %dma_wait3A_889 = arith.constant 1 : i32
      %dma_wait3A_890 = arith.constant 0 : i32
      %dma_wait3A_891 = arith.constant 0 : i32
      %dma_wait3A_892 = arith.constant 0 : i32
      %dma_wait3A_893 = arith.constant 0 : i32
      %dma_wait3A_894 = tpu.memref_slice %arg9[%dma_wait3A_889, %dma_wait3A_892, %dma_wait3A_893] : memref<2x128x128xf32, #tpu.memory_space<vmem>> -> memref<1x128x128xf32, #tpu.memory_space<vmem>>
      %dma_wait3A_895 = tpu.memref_squeeze %dma_wait3A_894 : memref<1x128x128xf32, #tpu.memory_space<vmem>> -> memref<128x128xf32, #tpu.memory_space<vmem>>
      %dma_wait3A_896 = arith.constant 0 : i32
      %dma_wait3A_897 = tpu.memref_slice %arg8[%dma_wait3A_890, %dma_wait3A_891, %dma_wait3A_896] : memref<2x8x128xi32, #tpu.memory_space<vmem>> -> memref<1x1x128xi32, #tpu.memory_space<vmem>>
      %dma_wait3A_898 = tpu.memref_squeeze %dma_wait3A_897 : memref<1x1x128xi32, #tpu.memory_space<vmem>> -> memref<128xi32, #tpu.memory_space<vmem>>
      %dma_wait3A_899 = arith.constant 0 : i32
      %dma_wait3A_900 = arith.constant 0 : i32
      %dma_wait3A_901 = tpu.memref_slice %arg10[%dma_wait3A_899, %dma_wait3A_900] : memref<10240x128xf32, #tpu.memory_space<vmem_shared>> -> memref<10240x128xf32, #tpu.memory_space<vmem_shared>>
      tpu.wait_indirect_dma semaphore(%arg14 : memref<!tpu.dma_semaphore, #tpu.memory_space<semaphore_mem>>) src(%dma_wait3A_895 : memref<128x128xf32, #tpu.memory_space<vmem>>) dst(%dma_wait3A_901 : memref<10240x128xf32, #tpu.memory_space<vmem_shared>>)
      %dma_start3A_902 = arith.constant 1 : i32
      %dma_start3A_903 = arith.constant 7 : i32
      %dma_start3A_904 = arith.constant 1 : i32
      %dma_start3A_905 = arith.constant 0 : i32
      %dma_start3A_906 = arith.constant 0 : i32
      %dma_start3A_907 = tpu.memref_slice %arg9[%dma_start3A_904, %dma_start3A_905, %dma_start3A_906] : memref<2x128x128xf32, #tpu.memory_space<vmem>> -> memref<1x128x128xf32, #tpu.memory_space<vmem>>
      %dma_start3A_908 = tpu.memref_squeeze %dma_start3A_907 : memref<1x128x128xf32, #tpu.memory_space<vmem>> -> memref<128x128xf32, #tpu.memory_space<vmem>>
      %dma_start3A_909 = arith.constant 0 : i32
      %dma_start3A_910 = tpu.memref_slice %arg7[%dma_start3A_902, %dma_start3A_903, %dma_start3A_909] : memref<2x8x128xi32, #tpu.memory_space<vmem>> -> memref<1x1x128xi32, #tpu.memory_space<vmem>>
      %dma_start3A_911 = tpu.memref_squeeze %dma_start3A_910 : memref<1x1x128xi32, #tpu.memory_space<vmem>> -> memref<128xi32, #tpu.memory_space<vmem>>
      %dma_start3A_912 = arith.constant 0 : i32
      %dma_start3A_913 = arith.constant 0 : i32
      %dma_start3A_914 = tpu.memref_slice %arg2[%dma_start3A_912, %dma_start3A_913] : memref<10240x128xf32, #tpu.memory_space<hbm>> -> memref<10240x128xf32, #tpu.memory_space<hbm>>
      tpu.enqueue_indirect_dma source(%dma_start3A_914 : memref<10240x128xf32, #tpu.memory_space<hbm>>) target(%dma_start3A_908 : memref<128x128xf32, #tpu.memory_space<vmem>>) offsets(%dma_start3A_911 : memref<128xi32, #tpu.memory_space<vmem>>) semaphore(%arg12 : memref<!tpu.dma_semaphore, #tpu.memory_space<semaphore_mem>>)
      %dma_wait3A_915 = arith.constant 0 : i32
      %dma_wait3A_916 = arith.constant 0 : i32
      %dma_wait3A_917 = arith.constant 0 : i32
      %dma_wait3A_918 = arith.constant 0 : i32
      %dma_wait3A_919 = arith.constant 0 : i32
      %dma_wait3A_920 = tpu.memref_slice %arg9[%dma_wait3A_917, %dma_wait3A_918, %dma_wait3A_919] : memref<2x128x128xf32, #tpu.memory_space<vmem>> -> memref<1x128x128xf32, #tpu.memory_space<vmem>>
      %dma_wait3A_921 = tpu.memref_squeeze %dma_wait3A_920 : memref<1x128x128xf32, #tpu.memory_space<vmem>> -> memref<128x128xf32, #tpu.memory_space<vmem>>
      %dma_wait3A_922 = arith.constant 0 : i32
      %dma_wait3A_923 = tpu.memref_slice %arg7[%dma_wait3A_915, %dma_wait3A_916, %dma_wait3A_922] : memref<2x8x128xi32, #tpu.memory_space<vmem>> -> memref<1x1x128xi32, #tpu.memory_space<vmem>>
      %dma_wait3A_924 = tpu.memref_squeeze %dma_wait3A_923 : memref<1x1x128xi32, #tpu.memory_space<vmem>> -> memref<128xi32, #tpu.memory_space<vmem>>
      %dma_wait3A_925 = arith.constant 0 : i32
      %dma_wait3A_926 = arith.constant 0 : i32
      %dma_wait3A_927 = tpu.memref_slice %arg2[%dma_wait3A_925, %dma_wait3A_926] : memref<10240x128xf32, #tpu.memory_space<hbm>> -> memref<10240x128xf32, #tpu.memory_space<hbm>>
      tpu.wait_indirect_dma semaphore(%arg11 : memref<!tpu.dma_semaphore, #tpu.memory_space<semaphore_mem>>) src(%dma_wait3A_927 : memref<10240x128xf32, #tpu.memory_space<hbm>>) dst(%dma_wait3A_921 : memref<128x128xf32, #tpu.memory_space<vmem>>)
      %dma_start3A_928 = arith.constant 0 : i32
      %dma_start3A_929 = arith.constant 1 : i32
      %dma_start3A_930 = arith.constant 6 : i32
      %dma_start3A_931 = arith.constant 0 : i32
      %dma_start3A_932 = arith.constant 0 : i32
      %dma_start3A_933 = tpu.memref_slice %arg9[%dma_start3A_928, %dma_start3A_931, %dma_start3A_932] : memref<2x128x128xf32, #tpu.memory_space<vmem>> -> memref<1x128x128xf32, #tpu.memory_space<vmem>>
      %dma_start3A_934 = tpu.memref_squeeze %dma_start3A_933 : memref<1x128x128xf32, #tpu.memory_space<vmem>> -> memref<128x128xf32, #tpu.memory_space<vmem>>
      %dma_start3A_935 = arith.constant 0 : i32
      %dma_start3A_936 = tpu.memref_slice %arg8[%dma_start3A_929, %dma_start3A_930, %dma_start3A_935] : memref<2x8x128xi32, #tpu.memory_space<vmem>> -> memref<1x1x128xi32, #tpu.memory_space<vmem>>
      %dma_start3A_937 = tpu.memref_squeeze %dma_start3A_936 : memref<1x1x128xi32, #tpu.memory_space<vmem>> -> memref<128xi32, #tpu.memory_space<vmem>>
      %dma_start3A_938 = arith.constant 0 : i32
      %dma_start3A_939 = arith.constant 0 : i32
      %dma_start3A_940 = tpu.memref_slice %arg10[%dma_start3A_938, %dma_start3A_939] : memref<10240x128xf32, #tpu.memory_space<vmem_shared>> -> memref<10240x128xf32, #tpu.memory_space<vmem_shared>>
      tpu.enqueue_indirect_dma source(%dma_start3A_934 : memref<128x128xf32, #tpu.memory_space<vmem>>) target(%dma_start3A_940 : memref<10240x128xf32, #tpu.memory_space<vmem_shared>>) offsets(%dma_start3A_937 : memref<128xi32, #tpu.memory_space<vmem>>) semaphore(%arg13 : memref<!tpu.dma_semaphore, #tpu.memory_space<semaphore_mem>>) {add = true}
      %dma_wait3A_941 = arith.constant 0 : i32
      %dma_wait3A_942 = arith.constant 0 : i32
      %dma_wait3A_943 = arith.constant 0 : i32
      %dma_wait3A_944 = arith.constant 0 : i32
      %dma_wait3A_945 = arith.constant 0 : i32
      %dma_wait3A_946 = tpu.memref_slice %arg9[%dma_wait3A_941, %dma_wait3A_944, %dma_wait3A_945] : memref<2x128x128xf32, #tpu.memory_space<vmem>> -> memref<1x128x128xf32, #tpu.memory_space<vmem>>
      %dma_wait3A_947 = tpu.memref_squeeze %dma_wait3A_946 : memref<1x128x128xf32, #tpu.memory_space<vmem>> -> memref<128x128xf32, #tpu.memory_space<vmem>>
      %dma_wait3A_948 = arith.constant 0 : i32
      %dma_wait3A_949 = tpu.memref_slice %arg8[%dma_wait3A_942, %dma_wait3A_943, %dma_wait3A_948] : memref<2x8x128xi32, #tpu.memory_space<vmem>> -> memref<1x1x128xi32, #tpu.memory_space<vmem>>
      %dma_wait3A_950 = tpu.memref_squeeze %dma_wait3A_949 : memref<1x1x128xi32, #tpu.memory_space<vmem>> -> memref<128xi32, #tpu.memory_space<vmem>>
      %dma_wait3A_951 = arith.constant 0 : i32
      %dma_wait3A_952 = arith.constant 0 : i32
      %dma_wait3A_953 = tpu.memref_slice %arg10[%dma_wait3A_951, %dma_wait3A_952] : memref<10240x128xf32, #tpu.memory_space<vmem_shared>> -> memref<10240x128xf32, #tpu.memory_space<vmem_shared>>
      tpu.wait_indirect_dma semaphore(%arg13 : memref<!tpu.dma_semaphore, #tpu.memory_space<semaphore_mem>>) src(%dma_wait3A_947 : memref<128x128xf32, #tpu.memory_space<vmem>>) dst(%dma_wait3A_953 : memref<10240x128xf32, #tpu.memory_space<vmem_shared>>)
      %sub3A_954 = arith.constant 16 : i32
      %sub3A_955 = arith.subi %select_n3A, %sub3A_954 : i32
      %lt3A_956 = arith.cmpi slt, %add3A_110, %sub3A_955 : i32
      %convert_element_type3A_957 = arith.extui %lt3A_956 : i1 to i32
      %cond3A_958 = arith.constant 0 : i32
      %cond3A_959 = arith.cmpi ne, %convert_element_type3A_957, %cond3A_958 : i32
      scf.if %cond3A_959 {
        %dma_wait3A_986 = arith.constant 0 : i32
        %dma_wait3A_987 = arith.constant 0 : i32
        %dma_wait3A_988 = arith.constant 0 : i32
        %dma_wait3A_989 = tpu.memref_slice %arg7[%dma_wait3A_986, %dma_wait3A_987, %dma_wait3A_988] : memref<2x8x128xi32, #tpu.memory_space<vmem>> -> memref<1x8x128xi32, #tpu.memory_space<vmem>>
        %dma_wait3A_990 = tpu.memref_squeeze %dma_wait3A_989 : memref<1x8x128xi32, #tpu.memory_space<vmem>> -> memref<8x128xi32, #tpu.memory_space<vmem>>
        %dma_wait3A_991 = arith.constant 0 : i32
        %dma_wait3A_992 = tpu.memref_slice %arg3[%select_n3A_8, %dma_wait3A_991] : memref<2560x128xi32, #tpu.memory_space<hbm>> -> memref<8x128xi32, #tpu.memory_space<hbm>>
        %dma_wait3A_993 = arith.constant 0 : i32
        %dma_wait3A_994 = arith.constant 0 : i32
        %dma_wait3A_995 = tpu.memref_slice %arg7[%dma_wait3A_986, %dma_wait3A_993, %dma_wait3A_994] : memref<2x8x128xi32, #tpu.memory_space<vmem>> -> memref<1x8x128xi32, #tpu.memory_space<vmem>>
        %dma_wait3A_996 = tpu.memref_squeeze %dma_wait3A_995 : memref<1x8x128xi32, #tpu.memory_space<vmem>> -> memref<8x128xi32, #tpu.memory_space<vmem>>
        %dma_wait3A_997 = arith.constant 0 : i32
        %dma_wait3A_998 = tpu.memref_slice %arg3[%select_n3A_8, %dma_wait3A_997] : memref<2560x128xi32, #tpu.memory_space<hbm>> -> memref<8x128xi32, #tpu.memory_space<hbm>>
        tpu.wait_dma2 semaphore(%arg15 : memref<!tpu.dma_semaphore, #tpu.memory_space<semaphore_mem>>) src(%dma_wait3A_998 : memref<8x128xi32, #tpu.memory_space<hbm>>) dst(%dma_wait3A_996 : memref<8x128xi32, #tpu.memory_space<vmem>>)
        %dma_wait3A_999 = arith.constant 0 : i32
        %dma_wait3A_1000 = arith.constant 0 : i32
        %dma_wait3A_1001 = arith.constant 0 : i32
        %dma_wait3A_1002 = tpu.memref_slice %arg8[%dma_wait3A_999, %dma_wait3A_1000, %dma_wait3A_1001] : memref<2x8x128xi32, #tpu.memory_space<vmem>> -> memref<1x8x128xi32, #tpu.memory_space<vmem>>
        %dma_wait3A_1003 = tpu.memref_squeeze %dma_wait3A_1002 : memref<1x8x128xi32, #tpu.memory_space<vmem>> -> memref<8x128xi32, #tpu.memory_space<vmem>>
        %dma_wait3A_1004 = arith.constant 0 : i32
        %dma_wait3A_1005 = tpu.memref_slice %arg4[%select_n3A_8, %dma_wait3A_1004] : memref<2560x128xi32, #tpu.memory_space<hbm>> -> memref<8x128xi32, #tpu.memory_space<hbm>>
        %dma_wait3A_1006 = arith.constant 0 : i32
        %dma_wait3A_1007 = arith.constant 0 : i32
        %dma_wait3A_1008 = tpu.memref_slice %arg8[%dma_wait3A_999, %dma_wait3A_1006, %dma_wait3A_1007] : memref<2x8x128xi32, #tpu.memory_space<vmem>> -> memref<1x8x128xi32, #tpu.memory_space<vmem>>
        %dma_wait3A_1009 = tpu.memref_squeeze %dma_wait3A_1008 : memref<1x8x128xi32, #tpu.memory_space<vmem>> -> memref<8x128xi32, #tpu.memory_space<vmem>>
        %dma_wait3A_1010 = arith.constant 0 : i32
        %dma_wait3A_1011 = tpu.memref_slice %arg4[%select_n3A_8, %dma_wait3A_1010] : memref<2560x128xi32, #tpu.memory_space<hbm>> -> memref<8x128xi32, #tpu.memory_space<hbm>>
        tpu.wait_dma2 semaphore(%arg17 : memref<!tpu.dma_semaphore, #tpu.memory_space<semaphore_mem>>) src(%dma_wait3A_1011 : memref<8x128xi32, #tpu.memory_space<hbm>>) dst(%dma_wait3A_1009 : memref<8x128xi32, #tpu.memory_space<vmem>>)
        %dma_start3A_1012 = arith.constant 0 : i32
        %dma_start3A_1013 = arith.constant 0 : i32
        %dma_start3A_1014 = arith.constant 0 : i32
        %dma_start3A_1015 = arith.constant 0 : i32
        %dma_start3A_1016 = arith.constant 0 : i32
        %dma_start3A_1017 = tpu.memref_slice %arg9[%dma_start3A_1014, %dma_start3A_1015, %dma_start3A_1016] : memref<2x128x128xf32, #tpu.memory_space<vmem>> -> memref<1x128x128xf32, #tpu.memory_space<vmem>>
        %dma_start3A_1018 = tpu.memref_squeeze %dma_start3A_1017 : memref<1x128x128xf32, #tpu.memory_space<vmem>> -> memref<128x128xf32, #tpu.memory_space<vmem>>
        %dma_start3A_1019 = arith.constant 0 : i32
        %dma_start3A_1020 = tpu.memref_slice %arg7[%dma_start3A_1012, %dma_start3A_1013, %dma_start3A_1019] : memref<2x8x128xi32, #tpu.memory_space<vmem>> -> memref<1x1x128xi32, #tpu.memory_space<vmem>>
        %dma_start3A_1021 = tpu.memref_squeeze %dma_start3A_1020 : memref<1x1x128xi32, #tpu.memory_space<vmem>> -> memref<128xi32, #tpu.memory_space<vmem>>
        %dma_start3A_1022 = arith.constant 0 : i32
        %dma_start3A_1023 = arith.constant 0 : i32
        %dma_start3A_1024 = tpu.memref_slice %arg2[%dma_start3A_1022, %dma_start3A_1023] : memref<10240x128xf32, #tpu.memory_space<hbm>> -> memref<10240x128xf32, #tpu.memory_space<hbm>>
        tpu.enqueue_indirect_dma source(%dma_start3A_1024 : memref<10240x128xf32, #tpu.memory_space<hbm>>) target(%dma_start3A_1018 : memref<128x128xf32, #tpu.memory_space<vmem>>) offsets(%dma_start3A_1021 : memref<128xi32, #tpu.memory_space<vmem>>) semaphore(%arg11 : memref<!tpu.dma_semaphore, #tpu.memory_space<semaphore_mem>>)
      } else {
      }
      %dma_wait3A_960 = arith.constant 0 : i32
      %dma_wait3A_961 = arith.constant 0 : i32
      %dma_wait3A_962 = arith.constant 1 : i32
      %dma_wait3A_963 = arith.constant 0 : i32
      %dma_wait3A_964 = arith.constant 0 : i32
      %dma_wait3A_965 = tpu.memref_slice %arg9[%dma_wait3A_962, %dma_wait3A_963, %dma_wait3A_964] : memref<2x128x128xf32, #tpu.memory_space<vmem>> -> memref<1x128x128xf32, #tpu.memory_space<vmem>>
      %dma_wait3A_966 = tpu.memref_squeeze %dma_wait3A_965 : memref<1x128x128xf32, #tpu.memory_space<vmem>> -> memref<128x128xf32, #tpu.memory_space<vmem>>
      %dma_wait3A_967 = arith.constant 0 : i32
      %dma_wait3A_968 = tpu.memref_slice %arg7[%dma_wait3A_960, %dma_wait3A_961, %dma_wait3A_967] : memref<2x8x128xi32, #tpu.memory_space<vmem>> -> memref<1x1x128xi32, #tpu.memory_space<vmem>>
      %dma_wait3A_969 = tpu.memref_squeeze %dma_wait3A_968 : memref<1x1x128xi32, #tpu.memory_space<vmem>> -> memref<128xi32, #tpu.memory_space<vmem>>
      %dma_wait3A_970 = arith.constant 0 : i32
      %dma_wait3A_971 = arith.constant 0 : i32
      %dma_wait3A_972 = tpu.memref_slice %arg2[%dma_wait3A_970, %dma_wait3A_971] : memref<10240x128xf32, #tpu.memory_space<hbm>> -> memref<10240x128xf32, #tpu.memory_space<hbm>>
      tpu.wait_indirect_dma semaphore(%arg12 : memref<!tpu.dma_semaphore, #tpu.memory_space<semaphore_mem>>) src(%dma_wait3A_972 : memref<10240x128xf32, #tpu.memory_space<hbm>>) dst(%dma_wait3A_966 : memref<128x128xf32, #tpu.memory_space<vmem>>)
      %dma_start3A_973 = arith.constant 1 : i32
      %dma_start3A_974 = arith.constant 1 : i32
      %dma_start3A_975 = arith.constant 7 : i32
      %dma_start3A_976 = arith.constant 0 : i32
      %dma_start3A_977 = arith.constant 0 : i32
      %dma_start3A_978 = tpu.memref_slice %arg9[%dma_start3A_973, %dma_start3A_976, %dma_start3A_977] : memref<2x128x128xf32, #tpu.memory_space<vmem>> -> memref<1x128x128xf32, #tpu.memory_space<vmem>>
      %dma_start3A_979 = tpu.memref_squeeze %dma_start3A_978 : memref<1x128x128xf32, #tpu.memory_space<vmem>> -> memref<128x128xf32, #tpu.memory_space<vmem>>
      %dma_start3A_980 = arith.constant 0 : i32
      %dma_start3A_981 = tpu.memref_slice %arg8[%dma_start3A_974, %dma_start3A_975, %dma_start3A_980] : memref<2x8x128xi32, #tpu.memory_space<vmem>> -> memref<1x1x128xi32, #tpu.memory_space<vmem>>
      %dma_start3A_982 = tpu.memref_squeeze %dma_start3A_981 : memref<1x1x128xi32, #tpu.memory_space<vmem>> -> memref<128xi32, #tpu.memory_space<vmem>>
      %dma_start3A_983 = arith.constant 0 : i32
      %dma_start3A_984 = arith.constant 0 : i32
      %dma_start3A_985 = tpu.memref_slice %arg10[%dma_start3A_983, %dma_start3A_984] : memref<10240x128xf32, #tpu.memory_space<vmem_shared>> -> memref<10240x128xf32, #tpu.memory_space<vmem_shared>>
      tpu.enqueue_indirect_dma source(%dma_start3A_979 : memref<128x128xf32, #tpu.memory_space<vmem>>) target(%dma_start3A_985 : memref<10240x128xf32, #tpu.memory_space<vmem_shared>>) offsets(%dma_start3A_982 : memref<128xi32, #tpu.memory_space<vmem>>) semaphore(%arg14 : memref<!tpu.dma_semaphore, #tpu.memory_space<semaphore_mem>>) {add = true}
    }
    %while3A_93 = arith.constant 1 : i32
    scf.for %while3A_108 = %while3A_91 to %while3A_87 step %while3A_93  : i32 {
      %mul3A_109 = arith.muli %while3A_108, %while3A : i32
      %add3A_110 = arith.addi %while3A_84, %mul3A_109 : i32
      %gt3A = arith.constant 0 : i32
      %gt3A_111 = arith.cmpi sgt, %add3A_110, %gt3A : i32
      %convert_element_type3A = arith.extui %gt3A_111 : i1 to i32
      %cond3A = arith.constant 0 : i32
      %cond3A_112 = arith.cmpi ne, %convert_element_type3A, %cond3A : i32
      scf.if %cond3A_112 {
        %dma_wait3A_986 = arith.constant 1 : i32
        %dma_wait3A_987 = arith.constant 0 : i32
        %dma_wait3A_988 = arith.constant 0 : i32
        %dma_wait3A_989 = arith.constant 0 : i32
        %dma_wait3A_990 = arith.constant 0 : i32
        %dma_wait3A_991 = tpu.memref_slice %arg9[%dma_wait3A_986, %dma_wait3A_989, %dma_wait3A_990] : memref<2x128x128xf32, #tpu.memory_space<vmem>> -> memref<1x128x128xf32, #tpu.memory_space<vmem>>
        %dma_wait3A_992 = tpu.memref_squeeze %dma_wait3A_991 : memref<1x128x128xf32, #tpu.memory_space<vmem>> -> memref<128x128xf32, #tpu.memory_space<vmem>>
        %dma_wait3A_993 = arith.constant 0 : i32
        %dma_wait3A_994 = tpu.memref_slice %arg8[%dma_wait3A_987, %dma_wait3A_988, %dma_wait3A_993] : memref<2x8x128xi32, #tpu.memory_space<vmem>> -> memref<1x1x128xi32, #tpu.memory_space<vmem>>
        %dma_wait3A_995 = tpu.memref_squeeze %dma_wait3A_994 : memref<1x1x128xi32, #tpu.memory_space<vmem>> -> memref<128xi32, #tpu.memory_space<vmem>>
        %dma_wait3A_996 = arith.constant 0 : i32
        %dma_wait3A_997 = arith.constant 0 : i32
        %dma_wait3A_998 = tpu.memref_slice %arg10[%dma_wait3A_996, %dma_wait3A_997] : memref<10240x128xf32, #tpu.memory_space<vmem_shared>> -> memref<10240x128xf32, #tpu.memory_space<vmem_shared>>
        tpu.wait_indirect_dma semaphore(%arg14 : memref<!tpu.dma_semaphore, #tpu.memory_space<semaphore_mem>>) src(%dma_wait3A_992 : memref<128x128xf32, #tpu.memory_space<vmem>>) dst(%dma_wait3A_998 : memref<10240x128xf32, #tpu.memory_space<vmem_shared>>)
      } else {
      }
      %add3A_113 = arith.constant 8 : i32
      %add3A_114 = arith.addi %add3A_110, %add3A_113 : i32
      %add3A_115 = arith.addi %select_n3A_8, %add3A_114 : i32
      %dma_start3A_116 = arith.constant 1 : i32
      %dma_start3A_117 = arith.constant 0 : i32
      %dma_start3A_118 = arith.constant 0 : i32
      %dma_start3A_119 = tpu.memref_slice %arg7[%dma_start3A_116, %dma_start3A_117, %dma_start3A_118] : memref<2x8x128xi32, #tpu.memory_space<vmem>> -> memref<1x8x128xi32, #tpu.memory_space<vmem>>
      %dma_start3A_120 = tpu.memref_squeeze %dma_start3A_119 : memref<1x8x128xi32, #tpu.memory_space<vmem>> -> memref<8x128xi32, #tpu.memory_space<vmem>>
      %dma_start3A_121 = arith.constant 0 : i32
      %dma_start3A_122 = tpu.memref_slice %arg3[%add3A_115, %dma_start3A_121] : memref<2560x128xi32, #tpu.memory_space<hbm>> -> memref<8x128xi32, #tpu.memory_space<hbm>>
      %dma_start3A_123 = arith.constant 0 : i32
      %dma_start3A_124 = arith.constant 0 : i32
      %dma_start3A_125 = tpu.memref_slice %arg7[%dma_start3A_116, %dma_start3A_123, %dma_start3A_124] : memref<2x8x128xi32, #tpu.memory_space<vmem>> -> memref<1x8x128xi32, #tpu.memory_space<vmem>>
      %dma_start3A_126 = tpu.memref_squeeze %dma_start3A_125 : memref<1x8x128xi32, #tpu.memory_space<vmem>> -> memref<8x128xi32, #tpu.memory_space<vmem>>
      %dma_start3A_127 = arith.constant 0 : i32
      %dma_start3A_128 = tpu.memref_slice %arg3[%add3A_115, %dma_start3A_127] : memref<2560x128xi32, #tpu.memory_space<hbm>> -> memref<8x128xi32, #tpu.memory_space<hbm>>
      tpu.enqueue_dma source(%dma_start3A_128 : memref<8x128xi32, #tpu.memory_space<hbm>>) target(%dma_start3A_126 : memref<8x128xi32, #tpu.memory_space<vmem>>) target_semaphore(%arg16 : memref<!tpu.dma_semaphore, #tpu.memory_space<semaphore_mem>>)
      %add3A_129 = arith.addi %select_n3A_8, %add3A_114 : i32
      %dma_start3A_130 = arith.constant 1 : i32
      %dma_start3A_131 = arith.constant 0 : i32
      %dma_start3A_132 = arith.constant 0 : i32
      %dma_start3A_133 = tpu.memref_slice %arg8[%dma_start3A_130, %dma_start3A_131, %dma_start3A_132] : memref<2x8x128xi32, #tpu.memory_space<vmem>> -> memref<1x8x128xi32, #tpu.memory_space<vmem>>
      %dma_start3A_134 = tpu.memref_squeeze %dma_start3A_133 : memref<1x8x128xi32, #tpu.memory_space<vmem>> -> memref<8x128xi32, #tpu.memory_space<vmem>>
      %dma_start3A_135 = arith.constant 0 : i32
      %dma_start3A_136 = tpu.memref_slice %arg4[%add3A_129, %dma_start3A_135] : memref<2560x128xi32, #tpu.memory_space<hbm>> -> memref<8x128xi32, #tpu.memory_space<hbm>>
      %dma_start3A_137 = arith.constant 0 : i32
      %dma_start3A_138 = arith.constant 0 : i32
      %dma_start3A_139 = tpu.memref_slice %arg8[%dma_start3A_130, %dma_start3A_137, %dma_start3A_138] : memref<2x8x128xi32, #tpu.memory_space<vmem>> -> memref<1x8x128xi32, #tpu.memory_space<vmem>>
      %dma_start3A_140 = tpu.memref_squeeze %dma_start3A_139 : memref<1x8x128xi32, #tpu.memory_space<vmem>> -> memref<8x128xi32, #tpu.memory_space<vmem>>
      %dma_start3A_141 = arith.constant 0 : i32
      %dma_start3A_142 = tpu.memref_slice %arg4[%add3A_129, %dma_start3A_141] : memref<2560x128xi32, #tpu.memory_space<hbm>> -> memref<8x128xi32, #tpu.memory_space<hbm>>
      tpu.enqueue_dma source(%dma_start3A_142 : memref<8x128xi32, #tpu.memory_space<hbm>>) target(%dma_start3A_140 : memref<8x128xi32, #tpu.memory_space<vmem>>) target_semaphore(%arg18 : memref<!tpu.dma_semaphore, #tpu.memory_space<semaphore_mem>>)
      %dma_start3A_143 = arith.constant 0 : i32
      %dma_start3A_144 = arith.constant 1 : i32
      %dma_start3A_145 = arith.constant 1 : i32
      %dma_start3A_146 = arith.constant 0 : i32
      %dma_start3A_147 = arith.constant 0 : i32
      %dma_start3A_148 = tpu.memref_slice %arg9[%dma_start3A_145, %dma_start3A_146, %dma_start3A_147] : memref<2x128x128xf32, #tpu.memory_space<vmem>> -> memref<1x128x128xf32, #tpu.memory_space<vmem>>
      %dma_start3A_149 = tpu.memref_squeeze %dma_start3A_148 : memref<1x128x128xf32, #tpu.memory_space<vmem>> -> memref<128x128xf32, #tpu.memory_space<vmem>>
      %dma_start3A_150 = arith.constant 0 : i32
      %dma_start3A_151 = tpu.memref_slice %arg7[%dma_start3A_143, %dma_start3A_144, %dma_start3A_150] : memref<2x8x128xi32, #tpu.memory_space<vmem>> -> memref<1x1x128xi32, #tpu.memory_space<vmem>>
      %dma_start3A_152 = tpu.memref_squeeze %dma_start3A_151 : memref<1x1x128xi32, #tpu.memory_space<vmem>> -> memref<128xi32, #tpu.memory_space<vmem>>
      %dma_start3A_153 = arith.constant 0 : i32
      %dma_start3A_154 = arith.constant 0 : i32
      %dma_start3A_155 = tpu.memref_slice %arg2[%dma_start3A_153, %dma_start3A_154] : memref<10240x128xf32, #tpu.memory_space<hbm>> -> memref<10240x128xf32, #tpu.memory_space<hbm>>
      tpu.enqueue_indirect_dma source(%dma_start3A_155 : memref<10240x128xf32, #tpu.memory_space<hbm>>) target(%dma_start3A_149 : memref<128x128xf32, #tpu.memory_space<vmem>>) offsets(%dma_start3A_152 : memref<128xi32, #tpu.memory_space<vmem>>) semaphore(%arg12 : memref<!tpu.dma_semaphore, #tpu.memory_space<semaphore_mem>>)
      %dma_wait3A_156 = arith.constant 0 : i32
      %dma_wait3A_157 = arith.constant 0 : i32
      %dma_wait3A_158 = arith.constant 0 : i32
      %dma_wait3A_159 = arith.constant 0 : i32
      %dma_wait3A_160 = arith.constant 0 : i32
      %dma_wait3A_161 = tpu.memref_slice %arg9[%dma_wait3A_158, %dma_wait3A_159, %dma_wait3A_160] : memref<2x128x128xf32, #tpu.memory_space<vmem>> -> memref<1x128x128xf32, #tpu.memory_space<vmem>>
      %dma_wait3A_162 = tpu.memref_squeeze %dma_wait3A_161 : memref<1x128x128xf32, #tpu.memory_space<vmem>> -> memref<128x128xf32, #tpu.memory_space<vmem>>
      %dma_wait3A_163 = arith.constant 0 : i32
      %dma_wait3A_164 = tpu.memref_slice %arg7[%dma_wait3A_156, %dma_wait3A_157, %dma_wait3A_163] : memref<2x8x128xi32, #tpu.memory_space<vmem>> -> memref<1x1x128xi32, #tpu.memory_space<vmem>>
      %dma_wait3A_165 = tpu.memref_squeeze %dma_wait3A_164 : memref<1x1x128xi32, #tpu.memory_space<vmem>> -> memref<128xi32, #tpu.memory_space<vmem>>
      %dma_wait3A_166 = arith.constant 0 : i32
      %dma_wait3A_167 = arith.constant 0 : i32
      %dma_wait3A_168 = tpu.memref_slice %arg2[%dma_wait3A_166, %dma_wait3A_167] : memref<10240x128xf32, #tpu.memory_space<hbm>> -> memref<10240x128xf32, #tpu.memory_space<hbm>>
      tpu.wait_indirect_dma semaphore(%arg11 : memref<!tpu.dma_semaphore, #tpu.memory_space<semaphore_mem>>) src(%dma_wait3A_168 : memref<10240x128xf32, #tpu.memory_space<hbm>>) dst(%dma_wait3A_162 : memref<128x128xf32, #tpu.memory_space<vmem>>)
      %dma_start3A_169 = arith.constant 0 : i32
      %dma_start3A_170 = arith.constant 0 : i32
      %dma_start3A_171 = arith.constant 0 : i32
      %dma_start3A_172 = arith.constant 0 : i32
      %dma_start3A_173 = arith.constant 0 : i32
      %dma_start3A_174 = tpu.memref_slice %arg9[%dma_start3A_169, %dma_start3A_172, %dma_start3A_173] : memref<2x128x128xf32, #tpu.memory_space<vmem>> -> memref<1x128x128xf32, #tpu.memory_space<vmem>>
      %dma_start3A_175 = tpu.memref_squeeze %dma_start3A_174 : memref<1x128x128xf32, #tpu.memory_space<vmem>> -> memref<128x128xf32, #tpu.memory_space<vmem>>
      %dma_start3A_176 = arith.constant 0 : i32
      %dma_start3A_177 = tpu.memref_slice %arg8[%dma_start3A_170, %dma_start3A_171, %dma_start3A_176] : memref<2x8x128xi32, #tpu.memory_space<vmem>> -> memref<1x1x128xi32, #tpu.memory_space<vmem>>
      %dma_start3A_178 = tpu.memref_squeeze %dma_start3A_177 : memref<1x1x128xi32, #tpu.memory_space<vmem>> -> memref<128xi32, #tpu.memory_space<vmem>>
      %dma_start3A_179 = arith.constant 0 : i32
      %dma_start3A_180 = arith.constant 0 : i32
      %dma_start3A_181 = tpu.memref_slice %arg10[%dma_start3A_179, %dma_start3A_180] : memref<10240x128xf32, #tpu.memory_space<vmem_shared>> -> memref<10240x128xf32, #tpu.memory_space<vmem_shared>>
      tpu.enqueue_indirect_dma source(%dma_start3A_175 : memref<128x128xf32, #tpu.memory_space<vmem>>) target(%dma_start3A_181 : memref<10240x128xf32, #tpu.memory_space<vmem_shared>>) offsets(%dma_start3A_178 : memref<128xi32, #tpu.memory_space<vmem>>) semaphore(%arg13 : memref<!tpu.dma_semaphore, #tpu.memory_space<semaphore_mem>>) {add = true}
      %dma_wait3A_182 = arith.constant 0 : i32
      %dma_wait3A_183 = arith.constant 0 : i32
      %dma_wait3A_184 = arith.constant 0 : i32
      %dma_wait3A_185 = arith.constant 0 : i32
      %dma_wait3A_186 = arith.constant 0 : i32
      %dma_wait3A_187 = tpu.memref_slice %arg9[%dma_wait3A_182, %dma_wait3A_185, %dma_wait3A_186] : memref<2x128x128xf32, #tpu.memory_space<vmem>> -> memref<1x128x128xf32, #tpu.memory_space<vmem>>
      %dma_wait3A_188 = tpu.memref_squeeze %dma_wait3A_187 : memref<1x128x128xf32, #tpu.memory_space<vmem>> -> memref<128x128xf32, #tpu.memory_space<vmem>>
      %dma_wait3A_189 = arith.constant 0 : i32
      %dma_wait3A_190 = tpu.memref_slice %arg8[%dma_wait3A_183, %dma_wait3A_184, %dma_wait3A_189] : memref<2x8x128xi32, #tpu.memory_space<vmem>> -> memref<1x1x128xi32, #tpu.memory_space<vmem>>
      %dma_wait3A_191 = tpu.memref_squeeze %dma_wait3A_190 : memref<1x1x128xi32, #tpu.memory_space<vmem>> -> memref<128xi32, #tpu.memory_space<vmem>>
      %dma_wait3A_192 = arith.constant 0 : i32
      %dma_wait3A_193 = arith.constant 0 : i32
      %dma_wait3A_194 = tpu.memref_slice %arg10[%dma_wait3A_192, %dma_wait3A_193] : memref<10240x128xf32, #tpu.memory_space<vmem_shared>> -> memref<10240x128xf32, #tpu.memory_space<vmem_shared>>
      tpu.wait_indirect_dma semaphore(%arg13 : memref<!tpu.dma_semaphore, #tpu.memory_space<semaphore_mem>>) src(%dma_wait3A_188 : memref<128x128xf32, #tpu.memory_space<vmem>>) dst(%dma_wait3A_194 : memref<10240x128xf32, #tpu.memory_space<vmem_shared>>)
      %dma_start3A_195 = arith.constant 0 : i32
      %dma_start3A_196 = arith.constant 2 : i32
      %dma_start3A_197 = arith.constant 0 : i32
      %dma_start3A_198 = arith.constant 0 : i32
      %dma_start3A_199 = arith.constant 0 : i32
      %dma_start3A_200 = tpu.memref_slice %arg9[%dma_start3A_197, %dma_start3A_198, %dma_start3A_199] : memref<2x128x128xf32, #tpu.memory_space<vmem>> -> memref<1x128x128xf32, #tpu.memory_space<vmem>>
      %dma_start3A_201 = tpu.memref_squeeze %dma_start3A_200 : memref<1x128x128xf32, #tpu.memory_space<vmem>> -> memref<128x128xf32, #tpu.memory_space<vmem>>
      %dma_start3A_202 = arith.constant 0 : i32
      %dma_start3A_203 = tpu.memref_slice %arg7[%dma_start3A_195, %dma_start3A_196, %dma_start3A_202] : memref<2x8x128xi32, #tpu.memory_space<vmem>> -> memref<1x1x128xi32, #tpu.memory_space<vmem>>
      %dma_start3A_204 = tpu.memref_squeeze %dma_start3A_203 : memref<1x1x128xi32, #tpu.memory_space<vmem>> -> memref<128xi32, #tpu.memory_space<vmem>>
      %dma_start3A_205 = arith.constant 0 : i32
      %dma_start3A_206 = arith.constant 0 : i32
      %dma_start3A_207 = tpu.memref_slice %arg2[%dma_start3A_205, %dma_start3A_206] : memref<10240x128xf32, #tpu.memory_space<hbm>> -> memref<10240x128xf32, #tpu.memory_space<hbm>>
      tpu.enqueue_indirect_dma source(%dma_start3A_207 : memref<10240x128xf32, #tpu.memory_space<hbm>>) target(%dma_start3A_201 : memref<128x128xf32, #tpu.memory_space<vmem>>) offsets(%dma_start3A_204 : memref<128xi32, #tpu.memory_space<vmem>>) semaphore(%arg11 : memref<!tpu.dma_semaphore, #tpu.memory_space<semaphore_mem>>)
      %dma_wait3A_208 = arith.constant 0 : i32
      %dma_wait3A_209 = arith.constant 0 : i32
      %dma_wait3A_210 = arith.constant 1 : i32
      %dma_wait3A_211 = arith.constant 0 : i32
      %dma_wait3A_212 = arith.constant 0 : i32
      %dma_wait3A_213 = tpu.memref_slice %arg9[%dma_wait3A_210, %dma_wait3A_211, %dma_wait3A_212] : memref<2x128x128xf32, #tpu.memory_space<vmem>> -> memref<1x128x128xf32, #tpu.memory_space<vmem>>
      %dma_wait3A_214 = tpu.memref_squeeze %dma_wait3A_213 : memref<1x128x128xf32, #tpu.memory_space<vmem>> -> memref<128x128xf32, #tpu.memory_space<vmem>>
      %dma_wait3A_215 = arith.constant 0 : i32
      %dma_wait3A_216 = tpu.memref_slice %arg7[%dma_wait3A_208, %dma_wait3A_209, %dma_wait3A_215] : memref<2x8x128xi32, #tpu.memory_space<vmem>> -> memref<1x1x128xi32, #tpu.memory_space<vmem>>
      %dma_wait3A_217 = tpu.memref_squeeze %dma_wait3A_216 : memref<1x1x128xi32, #tpu.memory_space<vmem>> -> memref<128xi32, #tpu.memory_space<vmem>>
      %dma_wait3A_218 = arith.constant 0 : i32
      %dma_wait3A_219 = arith.constant 0 : i32
      %dma_wait3A_220 = tpu.memref_slice %arg2[%dma_wait3A_218, %dma_wait3A_219] : memref<10240x128xf32, #tpu.memory_space<hbm>> -> memref<10240x128xf32, #tpu.memory_space<hbm>>
      tpu.wait_indirect_dma semaphore(%arg12 : memref<!tpu.dma_semaphore, #tpu.memory_space<semaphore_mem>>) src(%dma_wait3A_220 : memref<10240x128xf32, #tpu.memory_space<hbm>>) dst(%dma_wait3A_214 : memref<128x128xf32, #tpu.memory_space<vmem>>)
      %dma_start3A_221 = arith.constant 1 : i32
      %dma_start3A_222 = arith.constant 0 : i32
      %dma_start3A_223 = arith.constant 1 : i32
      %dma_start3A_224 = arith.constant 0 : i32
      %dma_start3A_225 = arith.constant 0 : i32
      %dma_start3A_226 = tpu.memref_slice %arg9[%dma_start3A_221, %dma_start3A_224, %dma_start3A_225] : memref<2x128x128xf32, #tpu.memory_space<vmem>> -> memref<1x128x128xf32, #tpu.memory_space<vmem>>
      %dma_start3A_227 = tpu.memref_squeeze %dma_start3A_226 : memref<1x128x128xf32, #tpu.memory_space<vmem>> -> memref<128x128xf32, #tpu.memory_space<vmem>>
      %dma_start3A_228 = arith.constant 0 : i32
      %dma_start3A_229 = tpu.memref_slice %arg8[%dma_start3A_222, %dma_start3A_223, %dma_start3A_228] : memref<2x8x128xi32, #tpu.memory_space<vmem>> -> memref<1x1x128xi32, #tpu.memory_space<vmem>>
      %dma_start3A_230 = tpu.memref_squeeze %dma_start3A_229 : memref<1x1x128xi32, #tpu.memory_space<vmem>> -> memref<128xi32, #tpu.memory_space<vmem>>
      %dma_start3A_231 = arith.constant 0 : i32
      %dma_start3A_232 = arith.constant 0 : i32
      %dma_start3A_233 = tpu.memref_slice %arg10[%dma_start3A_231, %dma_start3A_232] : memref<10240x128xf32, #tpu.memory_space<vmem_shared>> -> memref<10240x128xf32, #tpu.memory_space<vmem_shared>>
      tpu.enqueue_indirect_dma source(%dma_start3A_227 : memref<128x128xf32, #tpu.memory_space<vmem>>) target(%dma_start3A_233 : memref<10240x128xf32, #tpu.memory_space<vmem_shared>>) offsets(%dma_start3A_230 : memref<128xi32, #tpu.memory_space<vmem>>) semaphore(%arg14 : memref<!tpu.dma_semaphore, #tpu.memory_space<semaphore_mem>>) {add = true}
      %dma_wait3A_234 = arith.constant 1 : i32
      %dma_wait3A_235 = arith.constant 0 : i32
      %dma_wait3A_236 = arith.constant 0 : i32
      %dma_wait3A_237 = arith.constant 0 : i32
      %dma_wait3A_238 = arith.constant 0 : i32
      %dma_wait3A_239 = tpu.memref_slice %arg9[%dma_wait3A_234, %dma_wait3A_237, %dma_wait3A_238] : memref<2x128x128xf32, #tpu.memory_space<vmem>> -> memref<1x128x128xf32, #tpu.memory_space<vmem>>
      %dma_wait3A_240 = tpu.memref_squeeze %dma_wait3A_239 : memref<1x128x128xf32, #tpu.memory_space<vmem>> -> memref<128x128xf32, #tpu.memory_space<vmem>>
      %dma_wait3A_241 = arith.constant 0 : i32
      %dma_wait3A_242 = tpu.memref_slice %arg8[%dma_wait3A_235, %dma_wait3A_236, %dma_wait3A_241] : memref<2x8x128xi32, #tpu.memory_space<vmem>> -> memref<1x1x128xi32, #tpu.memory_space<vmem>>
      %dma_wait3A_243 = tpu.memref_squeeze %dma_wait3A_242 : memref<1x1x128xi32, #tpu.memory_space<vmem>> -> memref<128xi32, #tpu.memory_space<vmem>>
      %dma_wait3A_244 = arith.constant 0 : i32
      %dma_wait3A_245 = arith.constant 0 : i32
      %dma_wait3A_246 = tpu.memref_slice %arg10[%dma_wait3A_244, %dma_wait3A_245] : memref<10240x128xf32, #tpu.memory_space<vmem_shared>> -> memref<10240x128xf32, #tpu.memory_space<vmem_shared>>
      tpu.wait_indirect_dma semaphore(%arg14 : memref<!tpu.dma_semaphore, #tpu.memory_space<semaphore_mem>>) src(%dma_wait3A_240 : memref<128x128xf32, #tpu.memory_space<vmem>>) dst(%dma_wait3A_246 : memref<10240x128xf32, #tpu.memory_space<vmem_shared>>)
      %dma_start3A_247 = arith.constant 0 : i32
      %dma_start3A_248 = arith.constant 3 : i32
      %dma_start3A_249 = arith.constant 1 : i32
      %dma_start3A_250 = arith.constant 0 : i32
      %dma_start3A_251 = arith.constant 0 : i32
      %dma_start3A_252 = tpu.memref_slice %arg9[%dma_start3A_249, %dma_start3A_250, %dma_start3A_251] : memref<2x128x128xf32, #tpu.memory_space<vmem>> -> memref<1x128x128xf32, #tpu.memory_space<vmem>>
      %dma_start3A_253 = tpu.memref_squeeze %dma_start3A_252 : memref<1x128x128xf32, #tpu.memory_space<vmem>> -> memref<128x128xf32, #tpu.memory_space<vmem>>
      %dma_start3A_254 = arith.constant 0 : i32
      %dma_start3A_255 = tpu.memref_slice %arg7[%dma_start3A_247, %dma_start3A_248, %dma_start3A_254] : memref<2x8x128xi32, #tpu.memory_space<vmem>> -> memref<1x1x128xi32, #tpu.memory_space<vmem>>
      %dma_start3A_256 = tpu.memref_squeeze %dma_start3A_255 : memref<1x1x128xi32, #tpu.memory_space<vmem>> -> memref<128xi32, #tpu.memory_space<vmem>>
      %dma_start3A_257 = arith.constant 0 : i32
      %dma_start3A_258 = arith.constant 0 : i32
      %dma_start3A_259 = tpu.memref_slice %arg2[%dma_start3A_257, %dma_start3A_258] : memref<10240x128xf32, #tpu.memory_space<hbm>> -> memref<10240x128xf32, #tpu.memory_space<hbm>>
      tpu.enqueue_indirect_dma source(%dma_start3A_259 : memref<10240x128xf32, #tpu.memory_space<hbm>>) target(%dma_start3A_253 : memref<128x128xf32, #tpu.memory_space<vmem>>) offsets(%dma_start3A_256 : memref<128xi32, #tpu.memory_space<vmem>>) semaphore(%arg12 : memref<!tpu.dma_semaphore, #tpu.memory_space<semaphore_mem>>)
      %dma_wait3A_260 = arith.constant 0 : i32
      %dma_wait3A_261 = arith.constant 0 : i32
      %dma_wait3A_262 = arith.constant 0 : i32
      %dma_wait3A_263 = arith.constant 0 : i32
      %dma_wait3A_264 = arith.constant 0 : i32
      %dma_wait3A_265 = tpu.memref_slice %arg9[%dma_wait3A_262, %dma_wait3A_263, %dma_wait3A_264] : memref<2x128x128xf32, #tpu.memory_space<vmem>> -> memref<1x128x128xf32, #tpu.memory_space<vmem>>
      %dma_wait3A_266 = tpu.memref_squeeze %dma_wait3A_265 : memref<1x128x128xf32, #tpu.memory_space<vmem>> -> memref<128x128xf32, #tpu.memory_space<vmem>>
      %dma_wait3A_267 = arith.constant 0 : i32
      %dma_wait3A_268 = tpu.memref_slice %arg7[%dma_wait3A_260, %dma_wait3A_261, %dma_wait3A_267] : memref<2x8x128xi32, #tpu.memory_space<vmem>> -> memref<1x1x128xi32, #tpu.memory_space<vmem>>
      %dma_wait3A_269 = tpu.memref_squeeze %dma_wait3A_268 : memref<1x1x128xi32, #tpu.memory_space<vmem>> -> memref<128xi32, #tpu.memory_space<vmem>>
      %dma_wait3A_270 = arith.constant 0 : i32
      %dma_wait3A_271 = arith.constant 0 : i32
      %dma_wait3A_272 = tpu.memref_slice %arg2[%dma_wait3A_270, %dma_wait3A_271] : memref<10240x128xf32, #tpu.memory_space<hbm>> -> memref<10240x128xf32, #tpu.memory_space<hbm>>
      tpu.wait_indirect_dma semaphore(%arg11 : memref<!tpu.dma_semaphore, #tpu.memory_space<semaphore_mem>>) src(%dma_wait3A_272 : memref<10240x128xf32, #tpu.memory_space<hbm>>) dst(%dma_wait3A_266 : memref<128x128xf32, #tpu.memory_space<vmem>>)
      %dma_start3A_273 = arith.constant 0 : i32
      %dma_start3A_274 = arith.constant 0 : i32
      %dma_start3A_275 = arith.constant 2 : i32
      %dma_start3A_276 = arith.constant 0 : i32
      %dma_start3A_277 = arith.constant 0 : i32
      %dma_start3A_278 = tpu.memref_slice %arg9[%dma_start3A_273, %dma_start3A_276, %dma_start3A_277] : memref<2x128x128xf32, #tpu.memory_space<vmem>> -> memref<1x128x128xf32, #tpu.memory_space<vmem>>
      %dma_start3A_279 = tpu.memref_squeeze %dma_start3A_278 : memref<1x128x128xf32, #tpu.memory_space<vmem>> -> memref<128x128xf32, #tpu.memory_space<vmem>>
      %dma_start3A_280 = arith.constant 0 : i32
      %dma_start3A_281 = tpu.memref_slice %arg8[%dma_start3A_274, %dma_start3A_275, %dma_start3A_280] : memref<2x8x128xi32, #tpu.memory_space<vmem>> -> memref<1x1x128xi32, #tpu.memory_space<vmem>>
      %dma_start3A_282 = tpu.memref_squeeze %dma_start3A_281 : memref<1x1x128xi32, #tpu.memory_space<vmem>> -> memref<128xi32, #tpu.memory_space<vmem>>
      %dma_start3A_283 = arith.constant 0 : i32
      %dma_start3A_284 = arith.constant 0 : i32
      %dma_start3A_285 = tpu.memref_slice %arg10[%dma_start3A_283, %dma_start3A_284] : memref<10240x128xf32, #tpu.memory_space<vmem_shared>> -> memref<10240x128xf32, #tpu.memory_space<vmem_shared>>
      tpu.enqueue_indirect_dma source(%dma_start3A_279 : memref<128x128xf32, #tpu.memory_space<vmem>>) target(%dma_start3A_285 : memref<10240x128xf32, #tpu.memory_space<vmem_shared>>) offsets(%dma_start3A_282 : memref<128xi32, #tpu.memory_space<vmem>>) semaphore(%arg13 : memref<!tpu.dma_semaphore, #tpu.memory_space<semaphore_mem>>) {add = true}
      %dma_wait3A_286 = arith.constant 0 : i32
      %dma_wait3A_287 = arith.constant 0 : i32
      %dma_wait3A_288 = arith.constant 0 : i32
      %dma_wait3A_289 = arith.constant 0 : i32
      %dma_wait3A_290 = arith.constant 0 : i32
      %dma_wait3A_291 = tpu.memref_slice %arg9[%dma_wait3A_286, %dma_wait3A_289, %dma_wait3A_290] : memref<2x128x128xf32, #tpu.memory_space<vmem>> -> memref<1x128x128xf32, #tpu.memory_space<vmem>>
      %dma_wait3A_292 = tpu.memref_squeeze %dma_wait3A_291 : memref<1x128x128xf32, #tpu.memory_space<vmem>> -> memref<128x128xf32, #tpu.memory_space<vmem>>
      %dma_wait3A_293 = arith.constant 0 : i32
      %dma_wait3A_294 = tpu.memref_slice %arg8[%dma_wait3A_287, %dma_wait3A_288, %dma_wait3A_293] : memref<2x8x128xi32, #tpu.memory_space<vmem>> -> memref<1x1x128xi32, #tpu.memory_space<vmem>>
      %dma_wait3A_295 = tpu.memref_squeeze %dma_wait3A_294 : memref<1x1x128xi32, #tpu.memory_space<vmem>> -> memref<128xi32, #tpu.memory_space<vmem>>
      %dma_wait3A_296 = arith.constant 0 : i32
      %dma_wait3A_297 = arith.constant 0 : i32
      %dma_wait3A_298 = tpu.memref_slice %arg10[%dma_wait3A_296, %dma_wait3A_297] : memref<10240x128xf32, #tpu.memory_space<vmem_shared>> -> memref<10240x128xf32, #tpu.memory_space<vmem_shared>>
      tpu.wait_indirect_dma semaphore(%arg13 : memref<!tpu.dma_semaphore, #tpu.memory_space<semaphore_mem>>) src(%dma_wait3A_292 : memref<128x128xf32, #tpu.memory_space<vmem>>) dst(%dma_wait3A_298 : memref<10240x128xf32, #tpu.memory_space<vmem_shared>>)
      %dma_start3A_299 = arith.constant 0 : i32
      %dma_start3A_300 = arith.constant 4 : i32
      %dma_start3A_301 = arith.constant 0 : i32
      %dma_start3A_302 = arith.constant 0 : i32
      %dma_start3A_303 = arith.constant 0 : i32
      %dma_start3A_304 = tpu.memref_slice %arg9[%dma_start3A_301, %dma_start3A_302, %dma_start3A_303] : memref<2x128x128xf32, #tpu.memory_space<vmem>> -> memref<1x128x128xf32, #tpu.memory_space<vmem>>
      %dma_start3A_305 = tpu.memref_squeeze %dma_start3A_304 : memref<1x128x128xf32, #tpu.memory_space<vmem>> -> memref<128x128xf32, #tpu.memory_space<vmem>>
      %dma_start3A_306 = arith.constant 0 : i32
      %dma_start3A_307 = tpu.memref_slice %arg7[%dma_start3A_299, %dma_start3A_300, %dma_start3A_306] : memref<2x8x128xi32, #tpu.memory_space<vmem>> -> memref<1x1x128xi32, #tpu.memory_space<vmem>>
      %dma_start3A_308 = tpu.memref_squeeze %dma_start3A_307 : memref<1x1x128xi32, #tpu.memory_space<vmem>> -> memref<128xi32, #tpu.memory_space<vmem>>
      %dma_start3A_309 = arith.constant 0 : i32
      %dma_start3A_310 = arith.constant 0 : i32
      %dma_start3A_311 = tpu.memref_slice %arg2[%dma_start3A_309, %dma_start3A_310] : memref<10240x128xf32, #tpu.memory_space<hbm>> -> memref<10240x128xf32, #tpu.memory_space<hbm>>
      tpu.enqueue_indirect_dma source(%dma_start3A_311 : memref<10240x128xf32, #tpu.memory_space<hbm>>) target(%dma_start3A_305 : memref<128x128xf32, #tpu.memory_space<vmem>>) offsets(%dma_start3A_308 : memref<128xi32, #tpu.memory_space<vmem>>) semaphore(%arg11 : memref<!tpu.dma_semaphore, #tpu.memory_space<semaphore_mem>>)
      %dma_wait3A_312 = arith.constant 0 : i32
      %dma_wait3A_313 = arith.constant 0 : i32
      %dma_wait3A_314 = arith.constant 1 : i32
      %dma_wait3A_315 = arith.constant 0 : i32
      %dma_wait3A_316 = arith.constant 0 : i32
      %dma_wait3A_317 = tpu.memref_slice %arg9[%dma_wait3A_314, %dma_wait3A_315, %dma_wait3A_316] : memref<2x128x128xf32, #tpu.memory_space<vmem>> -> memref<1x128x128xf32, #tpu.memory_space<vmem>>
      %dma_wait3A_318 = tpu.memref_squeeze %dma_wait3A_317 : memref<1x128x128xf32, #tpu.memory_space<vmem>> -> memref<128x128xf32, #tpu.memory_space<vmem>>
      %dma_wait3A_319 = arith.constant 0 : i32
      %dma_wait3A_320 = tpu.memref_slice %arg7[%dma_wait3A_312, %dma_wait3A_313, %dma_wait3A_319] : memref<2x8x128xi32, #tpu.memory_space<vmem>> -> memref<1x1x128xi32, #tpu.memory_space<vmem>>
      %dma_wait3A_321 = tpu.memref_squeeze %dma_wait3A_320 : memref<1x1x128xi32, #tpu.memory_space<vmem>> -> memref<128xi32, #tpu.memory_space<vmem>>
      %dma_wait3A_322 = arith.constant 0 : i32
      %dma_wait3A_323 = arith.constant 0 : i32
      %dma_wait3A_324 = tpu.memref_slice %arg2[%dma_wait3A_322, %dma_wait3A_323] : memref<10240x128xf32, #tpu.memory_space<hbm>> -> memref<10240x128xf32, #tpu.memory_space<hbm>>
      tpu.wait_indirect_dma semaphore(%arg12 : memref<!tpu.dma_semaphore, #tpu.memory_space<semaphore_mem>>) src(%dma_wait3A_324 : memref<10240x128xf32, #tpu.memory_space<hbm>>) dst(%dma_wait3A_318 : memref<128x128xf32, #tpu.memory_space<vmem>>)
      %dma_start3A_325 = arith.constant 1 : i32
      %dma_start3A_326 = arith.constant 0 : i32
      %dma_start3A_327 = arith.constant 3 : i32
      %dma_start3A_328 = arith.constant 0 : i32
      %dma_start3A_329 = arith.constant 0 : i32
      %dma_start3A_330 = tpu.memref_slice %arg9[%dma_start3A_325, %dma_start3A_328, %dma_start3A_329] : memref<2x128x128xf32, #tpu.memory_space<vmem>> -> memref<1x128x128xf32, #tpu.memory_space<vmem>>
      %dma_start3A_331 = tpu.memref_squeeze %dma_start3A_330 : memref<1x128x128xf32, #tpu.memory_space<vmem>> -> memref<128x128xf32, #tpu.memory_space<vmem>>
      %dma_start3A_332 = arith.constant 0 : i32
      %dma_start3A_333 = tpu.memref_slice %arg8[%dma_start3A_326, %dma_start3A_327, %dma_start3A_332] : memref<2x8x128xi32, #tpu.memory_space<vmem>> -> memref<1x1x128xi32, #tpu.memory_space<vmem>>
      %dma_start3A_334 = tpu.memref_squeeze %dma_start3A_333 : memref<1x1x128xi32, #tpu.memory_space<vmem>> -> memref<128xi32, #tpu.memory_space<vmem>>
      %dma_start3A_335 = arith.constant 0 : i32
      %dma_start3A_336 = arith.constant 0 : i32
      %dma_start3A_337 = tpu.memref_slice %arg10[%dma_start3A_335, %dma_start3A_336] : memref<10240x128xf32, #tpu.memory_space<vmem_shared>> -> memref<10240x128xf32, #tpu.memory_space<vmem_shared>>
      tpu.enqueue_indirect_dma source(%dma_start3A_331 : memref<128x128xf32, #tpu.memory_space<vmem>>) target(%dma_start3A_337 : memref<10240x128xf32, #tpu.memory_space<vmem_shared>>) offsets(%dma_start3A_334 : memref<128xi32, #tpu.memory_space<vmem>>) semaphore(%arg14 : memref<!tpu.dma_semaphore, #tpu.memory_space<semaphore_mem>>) {add = true}
      %dma_wait3A_338 = arith.constant 1 : i32
      %dma_wait3A_339 = arith.constant 0 : i32
      %dma_wait3A_340 = arith.constant 0 : i32
      %dma_wait3A_341 = arith.constant 0 : i32
      %dma_wait3A_342 = arith.constant 0 : i32
      %dma_wait3A_343 = tpu.memref_slice %arg9[%dma_wait3A_338, %dma_wait3A_341, %dma_wait3A_342] : memref<2x128x128xf32, #tpu.memory_space<vmem>> -> memref<1x128x128xf32, #tpu.memory_space<vmem>>
      %dma_wait3A_344 = tpu.memref_squeeze %dma_wait3A_343 : memref<1x128x128xf32, #tpu.memory_space<vmem>> -> memref<128x128xf32, #tpu.memory_space<vmem>>
      %dma_wait3A_345 = arith.constant 0 : i32
      %dma_wait3A_346 = tpu.memref_slice %arg8[%dma_wait3A_339, %dma_wait3A_340, %dma_wait3A_345] : memref<2x8x128xi32, #tpu.memory_space<vmem>> -> memref<1x1x128xi32, #tpu.memory_space<vmem>>
      %dma_wait3A_347 = tpu.memref_squeeze %dma_wait3A_346 : memref<1x1x128xi32, #tpu.memory_space<vmem>> -> memref<128xi32, #tpu.memory_space<vmem>>
      %dma_wait3A_348 = arith.constant 0 : i32
      %dma_wait3A_349 = arith.constant 0 : i32
      %dma_wait3A_350 = tpu.memref_slice %arg10[%dma_wait3A_348, %dma_wait3A_349] : memref<10240x128xf32, #tpu.memory_space<vmem_shared>> -> memref<10240x128xf32, #tpu.memory_space<vmem_shared>>
      tpu.wait_indirect_dma semaphore(%arg14 : memref<!tpu.dma_semaphore, #tpu.memory_space<semaphore_mem>>) src(%dma_wait3A_344 : memref<128x128xf32, #tpu.memory_space<vmem>>) dst(%dma_wait3A_350 : memref<10240x128xf32, #tpu.memory_space<vmem_shared>>)
      %dma_start3A_351 = arith.constant 0 : i32
      %dma_start3A_352 = arith.constant 5 : i32
      %dma_start3A_353 = arith.constant 1 : i32
      %dma_start3A_354 = arith.constant 0 : i32
      %dma_start3A_355 = arith.constant 0 : i32
      %dma_start3A_356 = tpu.memref_slice %arg9[%dma_start3A_353, %dma_start3A_354, %dma_start3A_355] : memref<2x128x128xf32, #tpu.memory_space<vmem>> -> memref<1x128x128xf32, #tpu.memory_space<vmem>>
      %dma_start3A_357 = tpu.memref_squeeze %dma_start3A_356 : memref<1x128x128xf32, #tpu.memory_space<vmem>> -> memref<128x128xf32, #tpu.memory_space<vmem>>
      %dma_start3A_358 = arith.constant 0 : i32
      %dma_start3A_359 = tpu.memref_slice %arg7[%dma_start3A_351, %dma_start3A_352, %dma_start3A_358] : memref<2x8x128xi32, #tpu.memory_space<vmem>> -> memref<1x1x128xi32, #tpu.memory_space<vmem>>
      %dma_start3A_360 = tpu.memref_squeeze %dma_start3A_359 : memref<1x1x128xi32, #tpu.memory_space<vmem>> -> memref<128xi32, #tpu.memory_space<vmem>>
      %dma_start3A_361 = arith.constant 0 : i32
      %dma_start3A_362 = arith.constant 0 : i32
      %dma_start3A_363 = tpu.memref_slice %arg2[%dma_start3A_361, %dma_start3A_362] : memref<10240x128xf32, #tpu.memory_space<hbm>> -> memref<10240x128xf32, #tpu.memory_space<hbm>>
      tpu.enqueue_indirect_dma source(%dma_start3A_363 : memref<10240x128xf32, #tpu.memory_space<hbm>>) target(%dma_start3A_357 : memref<128x128xf32, #tpu.memory_space<vmem>>) offsets(%dma_start3A_360 : memref<128xi32, #tpu.memory_space<vmem>>) semaphore(%arg12 : memref<!tpu.dma_semaphore, #tpu.memory_space<semaphore_mem>>)
      %dma_wait3A_364 = arith.constant 0 : i32
      %dma_wait3A_365 = arith.constant 0 : i32
      %dma_wait3A_366 = arith.constant 0 : i32
      %dma_wait3A_367 = arith.constant 0 : i32
      %dma_wait3A_368 = arith.constant 0 : i32
      %dma_wait3A_369 = tpu.memref_slice %arg9[%dma_wait3A_366, %dma_wait3A_367, %dma_wait3A_368] : memref<2x128x128xf32, #tpu.memory_space<vmem>> -> memref<1x128x128xf32, #tpu.memory_space<vmem>>
      %dma_wait3A_370 = tpu.memref_squeeze %dma_wait3A_369 : memref<1x128x128xf32, #tpu.memory_space<vmem>> -> memref<128x128xf32, #tpu.memory_space<vmem>>
      %dma_wait3A_371 = arith.constant 0 : i32
      %dma_wait3A_372 = tpu.memref_slice %arg7[%dma_wait3A_364, %dma_wait3A_365, %dma_wait3A_371] : memref<2x8x128xi32, #tpu.memory_space<vmem>> -> memref<1x1x128xi32, #tpu.memory_space<vmem>>
      %dma_wait3A_373 = tpu.memref_squeeze %dma_wait3A_372 : memref<1x1x128xi32, #tpu.memory_space<vmem>> -> memref<128xi32, #tpu.memory_space<vmem>>
      %dma_wait3A_374 = arith.constant 0 : i32
      %dma_wait3A_375 = arith.constant 0 : i32
      %dma_wait3A_376 = tpu.memref_slice %arg2[%dma_wait3A_374, %dma_wait3A_375] : memref<10240x128xf32, #tpu.memory_space<hbm>> -> memref<10240x128xf32, #tpu.memory_space<hbm>>
      tpu.wait_indirect_dma semaphore(%arg11 : memref<!tpu.dma_semaphore, #tpu.memory_space<semaphore_mem>>) src(%dma_wait3A_376 : memref<10240x128xf32, #tpu.memory_space<hbm>>) dst(%dma_wait3A_370 : memref<128x128xf32, #tpu.memory_space<vmem>>)
      %dma_start3A_377 = arith.constant 0 : i32
      %dma_start3A_378 = arith.constant 0 : i32
      %dma_start3A_379 = arith.constant 4 : i32
      %dma_start3A_380 = arith.constant 0 : i32
      %dma_start3A_381 = arith.constant 0 : i32
      %dma_start3A_382 = tpu.memref_slice %arg9[%dma_start3A_377, %dma_start3A_380, %dma_start3A_381] : memref<2x128x128xf32, #tpu.memory_space<vmem>> -> memref<1x128x128xf32, #tpu.memory_space<vmem>>
      %dma_start3A_383 = tpu.memref_squeeze %dma_start3A_382 : memref<1x128x128xf32, #tpu.memory_space<vmem>> -> memref<128x128xf32, #tpu.memory_space<vmem>>
      %dma_start3A_384 = arith.constant 0 : i32
      %dma_start3A_385 = tpu.memref_slice %arg8[%dma_start3A_378, %dma_start3A_379, %dma_start3A_384] : memref<2x8x128xi32, #tpu.memory_space<vmem>> -> memref<1x1x128xi32, #tpu.memory_space<vmem>>
      %dma_start3A_386 = tpu.memref_squeeze %dma_start3A_385 : memref<1x1x128xi32, #tpu.memory_space<vmem>> -> memref<128xi32, #tpu.memory_space<vmem>>
      %dma_start3A_387 = arith.constant 0 : i32
      %dma_start3A_388 = arith.constant 0 : i32
      %dma_start3A_389 = tpu.memref_slice %arg10[%dma_start3A_387, %dma_start3A_388] : memref<10240x128xf32, #tpu.memory_space<vmem_shared>> -> memref<10240x128xf32, #tpu.memory_space<vmem_shared>>
      tpu.enqueue_indirect_dma source(%dma_start3A_383 : memref<128x128xf32, #tpu.memory_space<vmem>>) target(%dma_start3A_389 : memref<10240x128xf32, #tpu.memory_space<vmem_shared>>) offsets(%dma_start3A_386 : memref<128xi32, #tpu.memory_space<vmem>>) semaphore(%arg13 : memref<!tpu.dma_semaphore, #tpu.memory_space<semaphore_mem>>) {add = true}
      %dma_wait3A_390 = arith.constant 0 : i32
      %dma_wait3A_391 = arith.constant 0 : i32
      %dma_wait3A_392 = arith.constant 0 : i32
      %dma_wait3A_393 = arith.constant 0 : i32
      %dma_wait3A_394 = arith.constant 0 : i32
      %dma_wait3A_395 = tpu.memref_slice %arg9[%dma_wait3A_390, %dma_wait3A_393, %dma_wait3A_394] : memref<2x128x128xf32, #tpu.memory_space<vmem>> -> memref<1x128x128xf32, #tpu.memory_space<vmem>>
      %dma_wait3A_396 = tpu.memref_squeeze %dma_wait3A_395 : memref<1x128x128xf32, #tpu.memory_space<vmem>> -> memref<128x128xf32, #tpu.memory_space<vmem>>
      %dma_wait3A_397 = arith.constant 0 : i32
      %dma_wait3A_398 = tpu.memref_slice %arg8[%dma_wait3A_391, %dma_wait3A_392, %dma_wait3A_397] : memref<2x8x128xi32, #tpu.memory_space<vmem>> -> memref<1x1x128xi32, #tpu.memory_space<vmem>>
      %dma_wait3A_399 = tpu.memref_squeeze %dma_wait3A_398 : memref<1x1x128xi32, #tpu.memory_space<vmem>> -> memref<128xi32, #tpu.memory_space<vmem>>
      %dma_wait3A_400 = arith.constant 0 : i32
      %dma_wait3A_401 = arith.constant 0 : i32
      %dma_wait3A_402 = tpu.memref_slice %arg10[%dma_wait3A_400, %dma_wait3A_401] : memref<10240x128xf32, #tpu.memory_space<vmem_shared>> -> memref<10240x128xf32, #tpu.memory_space<vmem_shared>>
      tpu.wait_indirect_dma semaphore(%arg13 : memref<!tpu.dma_semaphore, #tpu.memory_space<semaphore_mem>>) src(%dma_wait3A_396 : memref<128x128xf32, #tpu.memory_space<vmem>>) dst(%dma_wait3A_402 : memref<10240x128xf32, #tpu.memory_space<vmem_shared>>)
      %dma_start3A_403 = arith.constant 0 : i32
      %dma_start3A_404 = arith.constant 6 : i32
      %dma_start3A_405 = arith.constant 0 : i32
      %dma_start3A_406 = arith.constant 0 : i32
      %dma_start3A_407 = arith.constant 0 : i32
      %dma_start3A_408 = tpu.memref_slice %arg9[%dma_start3A_405, %dma_start3A_406, %dma_start3A_407] : memref<2x128x128xf32, #tpu.memory_space<vmem>> -> memref<1x128x128xf32, #tpu.memory_space<vmem>>
      %dma_start3A_409 = tpu.memref_squeeze %dma_start3A_408 : memref<1x128x128xf32, #tpu.memory_space<vmem>> -> memref<128x128xf32, #tpu.memory_space<vmem>>
      %dma_start3A_410 = arith.constant 0 : i32
      %dma_start3A_411 = tpu.memref_slice %arg7[%dma_start3A_403, %dma_start3A_404, %dma_start3A_410] : memref<2x8x128xi32, #tpu.memory_space<vmem>> -> memref<1x1x128xi32, #tpu.memory_space<vmem>>
      %dma_start3A_412 = tpu.memref_squeeze %dma_start3A_411 : memref<1x1x128xi32, #tpu.memory_space<vmem>> -> memref<128xi32, #tpu.memory_space<vmem>>
      %dma_start3A_413 = arith.constant 0 : i32
      %dma_start3A_414 = arith.constant 0 : i32
      %dma_start3A_415 = tpu.memref_slice %arg2[%dma_start3A_413, %dma_start3A_414] : memref<10240x128xf32, #tpu.memory_space<hbm>> -> memref<10240x128xf32, #tpu.memory_space<hbm>>
      tpu.enqueue_indirect_dma source(%dma_start3A_415 : memref<10240x128xf32, #tpu.memory_space<hbm>>) target(%dma_start3A_409 : memref<128x128xf32, #tpu.memory_space<vmem>>) offsets(%dma_start3A_412 : memref<128xi32, #tpu.memory_space<vmem>>) semaphore(%arg11 : memref<!tpu.dma_semaphore, #tpu.memory_space<semaphore_mem>>)
      %dma_wait3A_416 = arith.constant 0 : i32
      %dma_wait3A_417 = arith.constant 0 : i32
      %dma_wait3A_418 = arith.constant 1 : i32
      %dma_wait3A_419 = arith.constant 0 : i32
      %dma_wait3A_420 = arith.constant 0 : i32
      %dma_wait3A_421 = tpu.memref_slice %arg9[%dma_wait3A_418, %dma_wait3A_419, %dma_wait3A_420] : memref<2x128x128xf32, #tpu.memory_space<vmem>> -> memref<1x128x128xf32, #tpu.memory_space<vmem>>
      %dma_wait3A_422 = tpu.memref_squeeze %dma_wait3A_421 : memref<1x128x128xf32, #tpu.memory_space<vmem>> -> memref<128x128xf32, #tpu.memory_space<vmem>>
      %dma_wait3A_423 = arith.constant 0 : i32
      %dma_wait3A_424 = tpu.memref_slice %arg7[%dma_wait3A_416, %dma_wait3A_417, %dma_wait3A_423] : memref<2x8x128xi32, #tpu.memory_space<vmem>> -> memref<1x1x128xi32, #tpu.memory_space<vmem>>
      %dma_wait3A_425 = tpu.memref_squeeze %dma_wait3A_424 : memref<1x1x128xi32, #tpu.memory_space<vmem>> -> memref<128xi32, #tpu.memory_space<vmem>>
      %dma_wait3A_426 = arith.constant 0 : i32
      %dma_wait3A_427 = arith.constant 0 : i32
      %dma_wait3A_428 = tpu.memref_slice %arg2[%dma_wait3A_426, %dma_wait3A_427] : memref<10240x128xf32, #tpu.memory_space<hbm>> -> memref<10240x128xf32, #tpu.memory_space<hbm>>
      tpu.wait_indirect_dma semaphore(%arg12 : memref<!tpu.dma_semaphore, #tpu.memory_space<semaphore_mem>>) src(%dma_wait3A_428 : memref<10240x128xf32, #tpu.memory_space<hbm>>) dst(%dma_wait3A_422 : memref<128x128xf32, #tpu.memory_space<vmem>>)
      %dma_start3A_429 = arith.constant 1 : i32
      %dma_start3A_430 = arith.constant 0 : i32
      %dma_start3A_431 = arith.constant 5 : i32
      %dma_start3A_432 = arith.constant 0 : i32
      %dma_start3A_433 = arith.constant 0 : i32
      %dma_start3A_434 = tpu.memref_slice %arg9[%dma_start3A_429, %dma_start3A_432, %dma_start3A_433] : memref<2x128x128xf32, #tpu.memory_space<vmem>> -> memref<1x128x128xf32, #tpu.memory_space<vmem>>
      %dma_start3A_435 = tpu.memref_squeeze %dma_start3A_434 : memref<1x128x128xf32, #tpu.memory_space<vmem>> -> memref<128x128xf32, #tpu.memory_space<vmem>>
      %dma_start3A_436 = arith.constant 0 : i32
      %dma_start3A_437 = tpu.memref_slice %arg8[%dma_start3A_430, %dma_start3A_431, %dma_start3A_436] : memref<2x8x128xi32, #tpu.memory_space<vmem>> -> memref<1x1x128xi32, #tpu.memory_space<vmem>>
      %dma_start3A_438 = tpu.memref_squeeze %dma_start3A_437 : memref<1x1x128xi32, #tpu.memory_space<vmem>> -> memref<128xi32, #tpu.memory_space<vmem>>
      %dma_start3A_439 = arith.constant 0 : i32
      %dma_start3A_440 = arith.constant 0 : i32
      %dma_start3A_441 = tpu.memref_slice %arg10[%dma_start3A_439, %dma_start3A_440] : memref<10240x128xf32, #tpu.memory_space<vmem_shared>> -> memref<10240x128xf32, #tpu.memory_space<vmem_shared>>
      tpu.enqueue_indirect_dma source(%dma_start3A_435 : memref<128x128xf32, #tpu.memory_space<vmem>>) target(%dma_start3A_441 : memref<10240x128xf32, #tpu.memory_space<vmem_shared>>) offsets(%dma_start3A_438 : memref<128xi32, #tpu.memory_space<vmem>>) semaphore(%arg14 : memref<!tpu.dma_semaphore, #tpu.memory_space<semaphore_mem>>) {add = true}
      %dma_wait3A_442 = arith.constant 1 : i32
      %dma_wait3A_443 = arith.constant 0 : i32
      %dma_wait3A_444 = arith.constant 0 : i32
      %dma_wait3A_445 = arith.constant 0 : i32
      %dma_wait3A_446 = arith.constant 0 : i32
      %dma_wait3A_447 = tpu.memref_slice %arg9[%dma_wait3A_442, %dma_wait3A_445, %dma_wait3A_446] : memref<2x128x128xf32, #tpu.memory_space<vmem>> -> memref<1x128x128xf32, #tpu.memory_space<vmem>>
      %dma_wait3A_448 = tpu.memref_squeeze %dma_wait3A_447 : memref<1x128x128xf32, #tpu.memory_space<vmem>> -> memref<128x128xf32, #tpu.memory_space<vmem>>
      %dma_wait3A_449 = arith.constant 0 : i32
      %dma_wait3A_450 = tpu.memref_slice %arg8[%dma_wait3A_443, %dma_wait3A_444, %dma_wait3A_449] : memref<2x8x128xi32, #tpu.memory_space<vmem>> -> memref<1x1x128xi32, #tpu.memory_space<vmem>>
      %dma_wait3A_451 = tpu.memref_squeeze %dma_wait3A_450 : memref<1x1x128xi32, #tpu.memory_space<vmem>> -> memref<128xi32, #tpu.memory_space<vmem>>
      %dma_wait3A_452 = arith.constant 0 : i32
      %dma_wait3A_453 = arith.constant 0 : i32
      %dma_wait3A_454 = tpu.memref_slice %arg10[%dma_wait3A_452, %dma_wait3A_453] : memref<10240x128xf32, #tpu.memory_space<vmem_shared>> -> memref<10240x128xf32, #tpu.memory_space<vmem_shared>>
      tpu.wait_indirect_dma semaphore(%arg14 : memref<!tpu.dma_semaphore, #tpu.memory_space<semaphore_mem>>) src(%dma_wait3A_448 : memref<128x128xf32, #tpu.memory_space<vmem>>) dst(%dma_wait3A_454 : memref<10240x128xf32, #tpu.memory_space<vmem_shared>>)
      %dma_start3A_455 = arith.constant 0 : i32
      %dma_start3A_456 = arith.constant 7 : i32
      %dma_start3A_457 = arith.constant 1 : i32
      %dma_start3A_458 = arith.constant 0 : i32
      %dma_start3A_459 = arith.constant 0 : i32
      %dma_start3A_460 = tpu.memref_slice %arg9[%dma_start3A_457, %dma_start3A_458, %dma_start3A_459] : memref<2x128x128xf32, #tpu.memory_space<vmem>> -> memref<1x128x128xf32, #tpu.memory_space<vmem>>
      %dma_start3A_461 = tpu.memref_squeeze %dma_start3A_460 : memref<1x128x128xf32, #tpu.memory_space<vmem>> -> memref<128x128xf32, #tpu.memory_space<vmem>>
      %dma_start3A_462 = arith.constant 0 : i32
      %dma_start3A_463 = tpu.memref_slice %arg7[%dma_start3A_455, %dma_start3A_456, %dma_start3A_462] : memref<2x8x128xi32, #tpu.memory_space<vmem>> -> memref<1x1x128xi32, #tpu.memory_space<vmem>>
      %dma_start3A_464 = tpu.memref_squeeze %dma_start3A_463 : memref<1x1x128xi32, #tpu.memory_space<vmem>> -> memref<128xi32, #tpu.memory_space<vmem>>
      %dma_start3A_465 = arith.constant 0 : i32
      %dma_start3A_466 = arith.constant 0 : i32
      %dma_start3A_467 = tpu.memref_slice %arg2[%dma_start3A_465, %dma_start3A_466] : memref<10240x128xf32, #tpu.memory_space<hbm>> -> memref<10240x128xf32, #tpu.memory_space<hbm>>
      tpu.enqueue_indirect_dma source(%dma_start3A_467 : memref<10240x128xf32, #tpu.memory_space<hbm>>) target(%dma_start3A_461 : memref<128x128xf32, #tpu.memory_space<vmem>>) offsets(%dma_start3A_464 : memref<128xi32, #tpu.memory_space<vmem>>) semaphore(%arg12 : memref<!tpu.dma_semaphore, #tpu.memory_space<semaphore_mem>>)
      %dma_wait3A_468 = arith.constant 0 : i32
      %dma_wait3A_469 = arith.constant 0 : i32
      %dma_wait3A_470 = arith.constant 0 : i32
      %dma_wait3A_471 = arith.constant 0 : i32
      %dma_wait3A_472 = arith.constant 0 : i32
      %dma_wait3A_473 = tpu.memref_slice %arg9[%dma_wait3A_470, %dma_wait3A_471, %dma_wait3A_472] : memref<2x128x128xf32, #tpu.memory_space<vmem>> -> memref<1x128x128xf32, #tpu.memory_space<vmem>>
      %dma_wait3A_474 = tpu.memref_squeeze %dma_wait3A_473 : memref<1x128x128xf32, #tpu.memory_space<vmem>> -> memref<128x128xf32, #tpu.memory_space<vmem>>
      %dma_wait3A_475 = arith.constant 0 : i32
      %dma_wait3A_476 = tpu.memref_slice %arg7[%dma_wait3A_468, %dma_wait3A_469, %dma_wait3A_475] : memref<2x8x128xi32, #tpu.memory_space<vmem>> -> memref<1x1x128xi32, #tpu.memory_space<vmem>>
      %dma_wait3A_477 = tpu.memref_squeeze %dma_wait3A_476 : memref<1x1x128xi32, #tpu.memory_space<vmem>> -> memref<128xi32, #tpu.memory_space<vmem>>
      %dma_wait3A_478 = arith.constant 0 : i32
      %dma_wait3A_479 = arith.constant 0 : i32
      %dma_wait3A_480 = tpu.memref_slice %arg2[%dma_wait3A_478, %dma_wait3A_479] : memref<10240x128xf32, #tpu.memory_space<hbm>> -> memref<10240x128xf32, #tpu.memory_space<hbm>>
      tpu.wait_indirect_dma semaphore(%arg11 : memref<!tpu.dma_semaphore, #tpu.memory_space<semaphore_mem>>) src(%dma_wait3A_480 : memref<10240x128xf32, #tpu.memory_space<hbm>>) dst(%dma_wait3A_474 : memref<128x128xf32, #tpu.memory_space<vmem>>)
      %dma_start3A_481 = arith.constant 0 : i32
      %dma_start3A_482 = arith.constant 0 : i32
      %dma_start3A_483 = arith.constant 6 : i32
      %dma_start3A_484 = arith.constant 0 : i32
      %dma_start3A_485 = arith.constant 0 : i32
      %dma_start3A_486 = tpu.memref_slice %arg9[%dma_start3A_481, %dma_start3A_484, %dma_start3A_485] : memref<2x128x128xf32, #tpu.memory_space<vmem>> -> memref<1x128x128xf32, #tpu.memory_space<vmem>>
      %dma_start3A_487 = tpu.memref_squeeze %dma_start3A_486 : memref<1x128x128xf32, #tpu.memory_space<vmem>> -> memref<128x128xf32, #tpu.memory_space<vmem>>
      %dma_start3A_488 = arith.constant 0 : i32
      %dma_start3A_489 = tpu.memref_slice %arg8[%dma_start3A_482, %dma_start3A_483, %dma_start3A_488] : memref<2x8x128xi32, #tpu.memory_space<vmem>> -> memref<1x1x128xi32, #tpu.memory_space<vmem>>
      %dma_start3A_490 = tpu.memref_squeeze %dma_start3A_489 : memref<1x1x128xi32, #tpu.memory_space<vmem>> -> memref<128xi32, #tpu.memory_space<vmem>>
      %dma_start3A_491 = arith.constant 0 : i32
      %dma_start3A_492 = arith.constant 0 : i32
      %dma_start3A_493 = tpu.memref_slice %arg10[%dma_start3A_491, %dma_start3A_492] : memref<10240x128xf32, #tpu.memory_space<vmem_shared>> -> memref<10240x128xf32, #tpu.memory_space<vmem_shared>>
      tpu.enqueue_indirect_dma source(%dma_start3A_487 : memref<128x128xf32, #tpu.memory_space<vmem>>) target(%dma_start3A_493 : memref<10240x128xf32, #tpu.memory_space<vmem_shared>>) offsets(%dma_start3A_490 : memref<128xi32, #tpu.memory_space<vmem>>) semaphore(%arg13 : memref<!tpu.dma_semaphore, #tpu.memory_space<semaphore_mem>>) {add = true}
      %dma_wait3A_494 = arith.constant 0 : i32
      %dma_wait3A_495 = arith.constant 0 : i32
      %dma_wait3A_496 = arith.constant 0 : i32
      %dma_wait3A_497 = arith.constant 0 : i32
      %dma_wait3A_498 = arith.constant 0 : i32
      %dma_wait3A_499 = tpu.memref_slice %arg9[%dma_wait3A_494, %dma_wait3A_497, %dma_wait3A_498] : memref<2x128x128xf32, #tpu.memory_space<vmem>> -> memref<1x128x128xf32, #tpu.memory_space<vmem>>
      %dma_wait3A_500 = tpu.memref_squeeze %dma_wait3A_499 : memref<1x128x128xf32, #tpu.memory_space<vmem>> -> memref<128x128xf32, #tpu.memory_space<vmem>>
      %dma_wait3A_501 = arith.constant 0 : i32
      %dma_wait3A_502 = tpu.memref_slice %arg8[%dma_wait3A_495, %dma_wait3A_496, %dma_wait3A_501] : memref<2x8x128xi32, #tpu.memory_space<vmem>> -> memref<1x1x128xi32, #tpu.memory_space<vmem>>
      %dma_wait3A_503 = tpu.memref_squeeze %dma_wait3A_502 : memref<1x1x128xi32, #tpu.memory_space<vmem>> -> memref<128xi32, #tpu.memory_space<vmem>>
      %dma_wait3A_504 = arith.constant 0 : i32
      %dma_wait3A_505 = arith.constant 0 : i32
      %dma_wait3A_506 = tpu.memref_slice %arg10[%dma_wait3A_504, %dma_wait3A_505] : memref<10240x128xf32, #tpu.memory_space<vmem_shared>> -> memref<10240x128xf32, #tpu.memory_space<vmem_shared>>
      tpu.wait_indirect_dma semaphore(%arg13 : memref<!tpu.dma_semaphore, #tpu.memory_space<semaphore_mem>>) src(%dma_wait3A_500 : memref<128x128xf32, #tpu.memory_space<vmem>>) dst(%dma_wait3A_506 : memref<10240x128xf32, #tpu.memory_space<vmem_shared>>)
      %dma_wait3A_507 = arith.constant 1 : i32
      %dma_wait3A_508 = arith.constant 0 : i32
      %dma_wait3A_509 = arith.constant 0 : i32
      %dma_wait3A_510 = tpu.memref_slice %arg7[%dma_wait3A_507, %dma_wait3A_508, %dma_wait3A_509] : memref<2x8x128xi32, #tpu.memory_space<vmem>> -> memref<1x8x128xi32, #tpu.memory_space<vmem>>
      %dma_wait3A_511 = tpu.memref_squeeze %dma_wait3A_510 : memref<1x8x128xi32, #tpu.memory_space<vmem>> -> memref<8x128xi32, #tpu.memory_space<vmem>>
      %dma_wait3A_512 = arith.constant 0 : i32
      %dma_wait3A_513 = tpu.memref_slice %arg3[%select_n3A_8, %dma_wait3A_512] : memref<2560x128xi32, #tpu.memory_space<hbm>> -> memref<8x128xi32, #tpu.memory_space<hbm>>
      %dma_wait3A_514 = arith.constant 0 : i32
      %dma_wait3A_515 = arith.constant 0 : i32
      %dma_wait3A_516 = tpu.memref_slice %arg7[%dma_wait3A_507, %dma_wait3A_514, %dma_wait3A_515] : memref<2x8x128xi32, #tpu.memory_space<vmem>> -> memref<1x8x128xi32, #tpu.memory_space<vmem>>
      %dma_wait3A_517 = tpu.memref_squeeze %dma_wait3A_516 : memref<1x8x128xi32, #tpu.memory_space<vmem>> -> memref<8x128xi32, #tpu.memory_space<vmem>>
      %dma_wait3A_518 = arith.constant 0 : i32
      %dma_wait3A_519 = tpu.memref_slice %arg3[%select_n3A_8, %dma_wait3A_518] : memref<2560x128xi32, #tpu.memory_space<hbm>> -> memref<8x128xi32, #tpu.memory_space<hbm>>
      tpu.wait_dma2 semaphore(%arg16 : memref<!tpu.dma_semaphore, #tpu.memory_space<semaphore_mem>>) src(%dma_wait3A_519 : memref<8x128xi32, #tpu.memory_space<hbm>>) dst(%dma_wait3A_517 : memref<8x128xi32, #tpu.memory_space<vmem>>)
      %dma_wait3A_520 = arith.constant 1 : i32
      %dma_wait3A_521 = arith.constant 0 : i32
      %dma_wait3A_522 = arith.constant 0 : i32
      %dma_wait3A_523 = tpu.memref_slice %arg8[%dma_wait3A_520, %dma_wait3A_521, %dma_wait3A_522] : memref<2x8x128xi32, #tpu.memory_space<vmem>> -> memref<1x8x128xi32, #tpu.memory_space<vmem>>
      %dma_wait3A_524 = tpu.memref_squeeze %dma_wait3A_523 : memref<1x8x128xi32, #tpu.memory_space<vmem>> -> memref<8x128xi32, #tpu.memory_space<vmem>>
      %dma_wait3A_525 = arith.constant 0 : i32
      %dma_wait3A_526 = tpu.memref_slice %arg4[%select_n3A_8, %dma_wait3A_525] : memref<2560x128xi32, #tpu.memory_space<hbm>> -> memref<8x128xi32, #tpu.memory_space<hbm>>
      %dma_wait3A_527 = arith.constant 0 : i32
      %dma_wait3A_528 = arith.constant 0 : i32
      %dma_wait3A_529 = tpu.memref_slice %arg8[%dma_wait3A_520, %dma_wait3A_527, %dma_wait3A_528] : memref<2x8x128xi32, #tpu.memory_space<vmem>> -> memref<1x8x128xi32, #tpu.memory_space<vmem>>
      %dma_wait3A_530 = tpu.memref_squeeze %dma_wait3A_529 : memref<1x8x128xi32, #tpu.memory_space<vmem>> -> memref<8x128xi32, #tpu.memory_space<vmem>>
      %dma_wait3A_531 = arith.constant 0 : i32
      %dma_wait3A_532 = tpu.memref_slice %arg4[%select_n3A_8, %dma_wait3A_531] : memref<2560x128xi32, #tpu.memory_space<hbm>> -> memref<8x128xi32, #tpu.memory_space<hbm>>
      tpu.wait_dma2 semaphore(%arg18 : memref<!tpu.dma_semaphore, #tpu.memory_space<semaphore_mem>>) src(%dma_wait3A_532 : memref<8x128xi32, #tpu.memory_space<hbm>>) dst(%dma_wait3A_530 : memref<8x128xi32, #tpu.memory_space<vmem>>)
      %dma_start3A_533 = arith.constant 1 : i32
      %dma_start3A_534 = arith.constant 0 : i32
      %dma_start3A_535 = arith.constant 0 : i32
      %dma_start3A_536 = arith.constant 0 : i32
      %dma_start3A_537 = arith.constant 0 : i32
      %dma_start3A_538 = tpu.memref_slice %arg9[%dma_start3A_535, %dma_start3A_536, %dma_start3A_537] : memref<2x128x128xf32, #tpu.memory_space<vmem>> -> memref<1x128x128xf32, #tpu.memory_space<vmem>>
      %dma_start3A_539 = tpu.memref_squeeze %dma_start3A_538 : memref<1x128x128xf32, #tpu.memory_space<vmem>> -> memref<128x128xf32, #tpu.memory_space<vmem>>
      %dma_start3A_540 = arith.constant 0 : i32
      %dma_start3A_541 = tpu.memref_slice %arg7[%dma_start3A_533, %dma_start3A_534, %dma_start3A_540] : memref<2x8x128xi32, #tpu.memory_space<vmem>> -> memref<1x1x128xi32, #tpu.memory_space<vmem>>
      %dma_start3A_542 = tpu.memref_squeeze %dma_start3A_541 : memref<1x1x128xi32, #tpu.memory_space<vmem>> -> memref<128xi32, #tpu.memory_space<vmem>>
      %dma_start3A_543 = arith.constant 0 : i32
      %dma_start3A_544 = arith.constant 0 : i32
      %dma_start3A_545 = tpu.memref_slice %arg2[%dma_start3A_543, %dma_start3A_544] : memref<10240x128xf32, #tpu.memory_space<hbm>> -> memref<10240x128xf32, #tpu.memory_space<hbm>>
      tpu.enqueue_indirect_dma source(%dma_start3A_545 : memref<10240x128xf32, #tpu.memory_space<hbm>>) target(%dma_start3A_539 : memref<128x128xf32, #tpu.memory_space<vmem>>) offsets(%dma_start3A_542 : memref<128xi32, #tpu.memory_space<vmem>>) semaphore(%arg11 : memref<!tpu.dma_semaphore, #tpu.memory_space<semaphore_mem>>)
      %dma_wait3A_546 = arith.constant 0 : i32
      %dma_wait3A_547 = arith.constant 0 : i32
      %dma_wait3A_548 = arith.constant 1 : i32
      %dma_wait3A_549 = arith.constant 0 : i32
      %dma_wait3A_550 = arith.constant 0 : i32
      %dma_wait3A_551 = tpu.memref_slice %arg9[%dma_wait3A_548, %dma_wait3A_549, %dma_wait3A_550] : memref<2x128x128xf32, #tpu.memory_space<vmem>> -> memref<1x128x128xf32, #tpu.memory_space<vmem>>
      %dma_wait3A_552 = tpu.memref_squeeze %dma_wait3A_551 : memref<1x128x128xf32, #tpu.memory_space<vmem>> -> memref<128x128xf32, #tpu.memory_space<vmem>>
      %dma_wait3A_553 = arith.constant 0 : i32
      %dma_wait3A_554 = tpu.memref_slice %arg7[%dma_wait3A_546, %dma_wait3A_547, %dma_wait3A_553] : memref<2x8x128xi32, #tpu.memory_space<vmem>> -> memref<1x1x128xi32, #tpu.memory_space<vmem>>
      %dma_wait3A_555 = tpu.memref_squeeze %dma_wait3A_554 : memref<1x1x128xi32, #tpu.memory_space<vmem>> -> memref<128xi32, #tpu.memory_space<vmem>>
      %dma_wait3A_556 = arith.constant 0 : i32
      %dma_wait3A_557 = arith.constant 0 : i32
      %dma_wait3A_558 = tpu.memref_slice %arg2[%dma_wait3A_556, %dma_wait3A_557] : memref<10240x128xf32, #tpu.memory_space<hbm>> -> memref<10240x128xf32, #tpu.memory_space<hbm>>
      tpu.wait_indirect_dma semaphore(%arg12 : memref<!tpu.dma_semaphore, #tpu.memory_space<semaphore_mem>>) src(%dma_wait3A_558 : memref<10240x128xf32, #tpu.memory_space<hbm>>) dst(%dma_wait3A_552 : memref<128x128xf32, #tpu.memory_space<vmem>>)
      %dma_start3A_559 = arith.constant 1 : i32
      %dma_start3A_560 = arith.constant 0 : i32
      %dma_start3A_561 = arith.constant 7 : i32
      %dma_start3A_562 = arith.constant 0 : i32
      %dma_start3A_563 = arith.constant 0 : i32
      %dma_start3A_564 = tpu.memref_slice %arg9[%dma_start3A_559, %dma_start3A_562, %dma_start3A_563] : memref<2x128x128xf32, #tpu.memory_space<vmem>> -> memref<1x128x128xf32, #tpu.memory_space<vmem>>
      %dma_start3A_565 = tpu.memref_squeeze %dma_start3A_564 : memref<1x128x128xf32, #tpu.memory_space<vmem>> -> memref<128x128xf32, #tpu.memory_space<vmem>>
      %dma_start3A_566 = arith.constant 0 : i32
      %dma_start3A_567 = tpu.memref_slice %arg8[%dma_start3A_560, %dma_start3A_561, %dma_start3A_566] : memref<2x8x128xi32, #tpu.memory_space<vmem>> -> memref<1x1x128xi32, #tpu.memory_space<vmem>>
      %dma_start3A_568 = tpu.memref_squeeze %dma_start3A_567 : memref<1x1x128xi32, #tpu.memory_space<vmem>> -> memref<128xi32, #tpu.memory_space<vmem>>
      %dma_start3A_569 = arith.constant 0 : i32
      %dma_start3A_570 = arith.constant 0 : i32
      %dma_start3A_571 = tpu.memref_slice %arg10[%dma_start3A_569, %dma_start3A_570] : memref<10240x128xf32, #tpu.memory_space<vmem_shared>> -> memref<10240x128xf32, #tpu.memory_space<vmem_shared>>
      tpu.enqueue_indirect_dma source(%dma_start3A_565 : memref<128x128xf32, #tpu.memory_space<vmem>>) target(%dma_start3A_571 : memref<10240x128xf32, #tpu.memory_space<vmem_shared>>) offsets(%dma_start3A_568 : memref<128xi32, #tpu.memory_space<vmem>>) semaphore(%arg14 : memref<!tpu.dma_semaphore, #tpu.memory_space<semaphore_mem>>) {add = true}
      %dma_wait3A_572 = arith.constant 1 : i32
      %dma_wait3A_573 = arith.constant 0 : i32
      %dma_wait3A_574 = arith.constant 0 : i32
      %dma_wait3A_575 = arith.constant 0 : i32
      %dma_wait3A_576 = arith.constant 0 : i32
      %dma_wait3A_577 = tpu.memref_slice %arg9[%dma_wait3A_572, %dma_wait3A_575, %dma_wait3A_576] : memref<2x128x128xf32, #tpu.memory_space<vmem>> -> memref<1x128x128xf32, #tpu.memory_space<vmem>>
      %dma_wait3A_578 = tpu.memref_squeeze %dma_wait3A_577 : memref<1x128x128xf32, #tpu.memory_space<vmem>> -> memref<128x128xf32, #tpu.memory_space<vmem>>
      %dma_wait3A_579 = arith.constant 0 : i32
      %dma_wait3A_580 = tpu.memref_slice %arg8[%dma_wait3A_573, %dma_wait3A_574, %dma_wait3A_579] : memref<2x8x128xi32, #tpu.memory_space<vmem>> -> memref<1x1x128xi32, #tpu.memory_space<vmem>>
      %dma_wait3A_581 = tpu.memref_squeeze %dma_wait3A_580 : memref<1x1x128xi32, #tpu.memory_space<vmem>> -> memref<128xi32, #tpu.memory_space<vmem>>
      %dma_wait3A_582 = arith.constant 0 : i32
      %dma_wait3A_583 = arith.constant 0 : i32
      %dma_wait3A_584 = tpu.memref_slice %arg10[%dma_wait3A_582, %dma_wait3A_583] : memref<10240x128xf32, #tpu.memory_space<vmem_shared>> -> memref<10240x128xf32, #tpu.memory_space<vmem_shared>>
      tpu.wait_indirect_dma semaphore(%arg14 : memref<!tpu.dma_semaphore, #tpu.memory_space<semaphore_mem>>) src(%dma_wait3A_578 : memref<128x128xf32, #tpu.memory_space<vmem>>) dst(%dma_wait3A_584 : memref<10240x128xf32, #tpu.memory_space<vmem_shared>>)
      %sub3A_585 = arith.constant 16 : i32
      %sub3A_586 = arith.subi %select_n3A, %sub3A_585 : i32
      %lt3A = arith.cmpi slt, %add3A_110, %sub3A_586 : i32
      %convert_element_type3A_587 = arith.extui %lt3A : i1 to i32
      %cond3A_588 = arith.constant 0 : i32
      %cond3A_589 = arith.cmpi ne, %convert_element_type3A_587, %cond3A_588 : i32
      scf.if %cond3A_589 {
        %add3A_986 = arith.constant 16 : i32
        %add3A_987 = arith.addi %add3A_110, %add3A_986 : i32
        %add3A_988 = arith.addi %select_n3A_8, %add3A_987 : i32
        %dma_start3A_989 = arith.constant 0 : i32
        %dma_start3A_990 = arith.constant 0 : i32
        %dma_start3A_991 = arith.constant 0 : i32
        %dma_start3A_992 = tpu.memref_slice %arg7[%dma_start3A_989, %dma_start3A_990, %dma_start3A_991] : memref<2x8x128xi32, #tpu.memory_space<vmem>> -> memref<1x8x128xi32, #tpu.memory_space<vmem>>
        %dma_start3A_993 = tpu.memref_squeeze %dma_start3A_992 : memref<1x8x128xi32, #tpu.memory_space<vmem>> -> memref<8x128xi32, #tpu.memory_space<vmem>>
        %dma_start3A_994 = arith.constant 0 : i32
        %dma_start3A_995 = tpu.memref_slice %arg3[%add3A_988, %dma_start3A_994] : memref<2560x128xi32, #tpu.memory_space<hbm>> -> memref<8x128xi32, #tpu.memory_space<hbm>>
        %dma_start3A_996 = arith.constant 0 : i32
        %dma_start3A_997 = arith.constant 0 : i32
        %dma_start3A_998 = tpu.memref_slice %arg7[%dma_start3A_989, %dma_start3A_996, %dma_start3A_997] : memref<2x8x128xi32, #tpu.memory_space<vmem>> -> memref<1x8x128xi32, #tpu.memory_space<vmem>>
        %dma_start3A_999 = tpu.memref_squeeze %dma_start3A_998 : memref<1x8x128xi32, #tpu.memory_space<vmem>> -> memref<8x128xi32, #tpu.memory_space<vmem>>
        %dma_start3A_1000 = arith.constant 0 : i32
        %dma_start3A_1001 = tpu.memref_slice %arg3[%add3A_988, %dma_start3A_1000] : memref<2560x128xi32, #tpu.memory_space<hbm>> -> memref<8x128xi32, #tpu.memory_space<hbm>>
        tpu.enqueue_dma source(%dma_start3A_1001 : memref<8x128xi32, #tpu.memory_space<hbm>>) target(%dma_start3A_999 : memref<8x128xi32, #tpu.memory_space<vmem>>) target_semaphore(%arg15 : memref<!tpu.dma_semaphore, #tpu.memory_space<semaphore_mem>>)
        %add3A_1002 = arith.addi %select_n3A_8, %add3A_987 : i32
        %dma_start3A_1003 = arith.constant 0 : i32
        %dma_start3A_1004 = arith.constant 0 : i32
        %dma_start3A_1005 = arith.constant 0 : i32
        %dma_start3A_1006 = tpu.memref_slice %arg8[%dma_start3A_1003, %dma_start3A_1004, %dma_start3A_1005] : memref<2x8x128xi32, #tpu.memory_space<vmem>> -> memref<1x8x128xi32, #tpu.memory_space<vmem>>
        %dma_start3A_1007 = tpu.memref_squeeze %dma_start3A_1006 : memref<1x8x128xi32, #tpu.memory_space<vmem>> -> memref<8x128xi32, #tpu.memory_space<vmem>>
        %dma_start3A_1008 = arith.constant 0 : i32
        %dma_start3A_1009 = tpu.memref_slice %arg4[%add3A_1002, %dma_start3A_1008] : memref<2560x128xi32, #tpu.memory_space<hbm>> -> memref<8x128xi32, #tpu.memory_space<hbm>>
        %dma_start3A_1010 = arith.constant 0 : i32
        %dma_start3A_1011 = arith.constant 0 : i32
        %dma_start3A_1012 = tpu.memref_slice %arg8[%dma_start3A_1003, %dma_start3A_1010, %dma_start3A_1011] : memref<2x8x128xi32, #tpu.memory_space<vmem>> -> memref<1x8x128xi32, #tpu.memory_space<vmem>>
        %dma_start3A_1013 = tpu.memref_squeeze %dma_start3A_1012 : memref<1x8x128xi32, #tpu.memory_space<vmem>> -> memref<8x128xi32, #tpu.memory_space<vmem>>
        %dma_start3A_1014 = arith.constant 0 : i32
        %dma_start3A_1015 = tpu.memref_slice %arg4[%add3A_1002, %dma_start3A_1014] : memref<2560x128xi32, #tpu.memory_space<hbm>> -> memref<8x128xi32, #tpu.memory_space<hbm>>
        tpu.enqueue_dma source(%dma_start3A_1015 : memref<8x128xi32, #tpu.memory_space<hbm>>) target(%dma_start3A_1013 : memref<8x128xi32, #tpu.memory_space<vmem>>) target_semaphore(%arg17 : memref<!tpu.dma_semaphore, #tpu.memory_space<semaphore_mem>>)
      } else {
      }
      %dma_start3A_590 = arith.constant 1 : i32
      %dma_start3A_591 = arith.constant 1 : i32
      %dma_start3A_592 = arith.constant 1 : i32
      %dma_start3A_593 = arith.constant 0 : i32
      %dma_start3A_594 = arith.constant 0 : i32
      %dma_start3A_595 = tpu.memref_slice %arg9[%dma_start3A_592, %dma_start3A_593, %dma_start3A_594] : memref<2x128x128xf32, #tpu.memory_space<vmem>> -> memref<1x128x128xf32, #tpu.memory_space<vmem>>
      %dma_start3A_596 = tpu.memref_squeeze %dma_start3A_595 : memref<1x128x128xf32, #tpu.memory_space<vmem>> -> memref<128x128xf32, #tpu.memory_space<vmem>>
      %dma_start3A_597 = arith.constant 0 : i32
      %dma_start3A_598 = tpu.memref_slice %arg7[%dma_start3A_590, %dma_start3A_591, %dma_start3A_597] : memref<2x8x128xi32, #tpu.memory_space<vmem>> -> memref<1x1x128xi32, #tpu.memory_space<vmem>>
      %dma_start3A_599 = tpu.memref_squeeze %dma_start3A_598 : memref<1x1x128xi32, #tpu.memory_space<vmem>> -> memref<128xi32, #tpu.memory_space<vmem>>
      %dma_start3A_600 = arith.constant 0 : i32
      %dma_start3A_601 = arith.constant 0 : i32
      %dma_start3A_602 = tpu.memref_slice %arg2[%dma_start3A_600, %dma_start3A_601] : memref<10240x128xf32, #tpu.memory_space<hbm>> -> memref<10240x128xf32, #tpu.memory_space<hbm>>
      tpu.enqueue_indirect_dma source(%dma_start3A_602 : memref<10240x128xf32, #tpu.memory_space<hbm>>) target(%dma_start3A_596 : memref<128x128xf32, #tpu.memory_space<vmem>>) offsets(%dma_start3A_599 : memref<128xi32, #tpu.memory_space<vmem>>) semaphore(%arg12 : memref<!tpu.dma_semaphore, #tpu.memory_space<semaphore_mem>>)
      %dma_wait3A_603 = arith.constant 0 : i32
      %dma_wait3A_604 = arith.constant 0 : i32
      %dma_wait3A_605 = arith.constant 0 : i32
      %dma_wait3A_606 = arith.constant 0 : i32
      %dma_wait3A_607 = arith.constant 0 : i32
      %dma_wait3A_608 = tpu.memref_slice %arg9[%dma_wait3A_605, %dma_wait3A_606, %dma_wait3A_607] : memref<2x128x128xf32, #tpu.memory_space<vmem>> -> memref<1x128x128xf32, #tpu.memory_space<vmem>>
      %dma_wait3A_609 = tpu.memref_squeeze %dma_wait3A_608 : memref<1x128x128xf32, #tpu.memory_space<vmem>> -> memref<128x128xf32, #tpu.memory_space<vmem>>
      %dma_wait3A_610 = arith.constant 0 : i32
      %dma_wait3A_611 = tpu.memref_slice %arg7[%dma_wait3A_603, %dma_wait3A_604, %dma_wait3A_610] : memref<2x8x128xi32, #tpu.memory_space<vmem>> -> memref<1x1x128xi32, #tpu.memory_space<vmem>>
      %dma_wait3A_612 = tpu.memref_squeeze %dma_wait3A_611 : memref<1x1x128xi32, #tpu.memory_space<vmem>> -> memref<128xi32, #tpu.memory_space<vmem>>
      %dma_wait3A_613 = arith.constant 0 : i32
      %dma_wait3A_614 = arith.constant 0 : i32
      %dma_wait3A_615 = tpu.memref_slice %arg2[%dma_wait3A_613, %dma_wait3A_614] : memref<10240x128xf32, #tpu.memory_space<hbm>> -> memref<10240x128xf32, #tpu.memory_space<hbm>>
      tpu.wait_indirect_dma semaphore(%arg11 : memref<!tpu.dma_semaphore, #tpu.memory_space<semaphore_mem>>) src(%dma_wait3A_615 : memref<10240x128xf32, #tpu.memory_space<hbm>>) dst(%dma_wait3A_609 : memref<128x128xf32, #tpu.memory_space<vmem>>)
      %dma_start3A_616 = arith.constant 0 : i32
      %dma_start3A_617 = arith.constant 1 : i32
      %dma_start3A_618 = arith.constant 0 : i32
      %dma_start3A_619 = arith.constant 0 : i32
      %dma_start3A_620 = arith.constant 0 : i32
      %dma_start3A_621 = tpu.memref_slice %arg9[%dma_start3A_616, %dma_start3A_619, %dma_start3A_620] : memref<2x128x128xf32, #tpu.memory_space<vmem>> -> memref<1x128x128xf32, #tpu.memory_space<vmem>>
      %dma_start3A_622 = tpu.memref_squeeze %dma_start3A_621 : memref<1x128x128xf32, #tpu.memory_space<vmem>> -> memref<128x128xf32, #tpu.memory_space<vmem>>
      %dma_start3A_623 = arith.constant 0 : i32
      %dma_start3A_624 = tpu.memref_slice %arg8[%dma_start3A_617, %dma_start3A_618, %dma_start3A_623] : memref<2x8x128xi32, #tpu.memory_space<vmem>> -> memref<1x1x128xi32, #tpu.memory_space<vmem>>
      %dma_start3A_625 = tpu.memref_squeeze %dma_start3A_624 : memref<1x1x128xi32, #tpu.memory_space<vmem>> -> memref<128xi32, #tpu.memory_space<vmem>>
      %dma_start3A_626 = arith.constant 0 : i32
      %dma_start3A_627 = arith.constant 0 : i32
      %dma_start3A_628 = tpu.memref_slice %arg10[%dma_start3A_626, %dma_start3A_627] : memref<10240x128xf32, #tpu.memory_space<vmem_shared>> -> memref<10240x128xf32, #tpu.memory_space<vmem_shared>>
      tpu.enqueue_indirect_dma source(%dma_start3A_622 : memref<128x128xf32, #tpu.memory_space<vmem>>) target(%dma_start3A_628 : memref<10240x128xf32, #tpu.memory_space<vmem_shared>>) offsets(%dma_start3A_625 : memref<128xi32, #tpu.memory_space<vmem>>) semaphore(%arg13 : memref<!tpu.dma_semaphore, #tpu.memory_space<semaphore_mem>>) {add = true}
      %dma_wait3A_629 = arith.constant 0 : i32
      %dma_wait3A_630 = arith.constant 0 : i32
      %dma_wait3A_631 = arith.constant 0 : i32
      %dma_wait3A_632 = arith.constant 0 : i32
      %dma_wait3A_633 = arith.constant 0 : i32
      %dma_wait3A_634 = tpu.memref_slice %arg9[%dma_wait3A_629, %dma_wait3A_632, %dma_wait3A_633] : memref<2x128x128xf32, #tpu.memory_space<vmem>> -> memref<1x128x128xf32, #tpu.memory_space<vmem>>
      %dma_wait3A_635 = tpu.memref_squeeze %dma_wait3A_634 : memref<1x128x128xf32, #tpu.memory_space<vmem>> -> memref<128x128xf32, #tpu.memory_space<vmem>>
      %dma_wait3A_636 = arith.constant 0 : i32
      %dma_wait3A_637 = tpu.memref_slice %arg8[%dma_wait3A_630, %dma_wait3A_631, %dma_wait3A_636] : memref<2x8x128xi32, #tpu.memory_space<vmem>> -> memref<1x1x128xi32, #tpu.memory_space<vmem>>
      %dma_wait3A_638 = tpu.memref_squeeze %dma_wait3A_637 : memref<1x1x128xi32, #tpu.memory_space<vmem>> -> memref<128xi32, #tpu.memory_space<vmem>>
      %dma_wait3A_639 = arith.constant 0 : i32
      %dma_wait3A_640 = arith.constant 0 : i32
      %dma_wait3A_641 = tpu.memref_slice %arg10[%dma_wait3A_639, %dma_wait3A_640] : memref<10240x128xf32, #tpu.memory_space<vmem_shared>> -> memref<10240x128xf32, #tpu.memory_space<vmem_shared>>
      tpu.wait_indirect_dma semaphore(%arg13 : memref<!tpu.dma_semaphore, #tpu.memory_space<semaphore_mem>>) src(%dma_wait3A_635 : memref<128x128xf32, #tpu.memory_space<vmem>>) dst(%dma_wait3A_641 : memref<10240x128xf32, #tpu.memory_space<vmem_shared>>)
      %dma_start3A_642 = arith.constant 1 : i32
      %dma_start3A_643 = arith.constant 2 : i32
      %dma_start3A_644 = arith.constant 0 : i32
      %dma_start3A_645 = arith.constant 0 : i32
      %dma_start3A_646 = arith.constant 0 : i32
      %dma_start3A_647 = tpu.memref_slice %arg9[%dma_start3A_644, %dma_start3A_645, %dma_start3A_646] : memref<2x128x128xf32, #tpu.memory_space<vmem>> -> memref<1x128x128xf32, #tpu.memory_space<vmem>>
      %dma_start3A_648 = tpu.memref_squeeze %dma_start3A_647 : memref<1x128x128xf32, #tpu.memory_space<vmem>> -> memref<128x128xf32, #tpu.memory_space<vmem>>
      %dma_start3A_649 = arith.constant 0 : i32
      %dma_start3A_650 = tpu.memref_slice %arg7[%dma_start3A_642, %dma_start3A_643, %dma_start3A_649] : memref<2x8x128xi32, #tpu.memory_space<vmem>> -> memref<1x1x128xi32, #tpu.memory_space<vmem>>
      %dma_start3A_651 = tpu.memref_squeeze %dma_start3A_650 : memref<1x1x128xi32, #tpu.memory_space<vmem>> -> memref<128xi32, #tpu.memory_space<vmem>>
      %dma_start3A_652 = arith.constant 0 : i32
      %dma_start3A_653 = arith.constant 0 : i32
      %dma_start3A_654 = tpu.memref_slice %arg2[%dma_start3A_652, %dma_start3A_653] : memref<10240x128xf32, #tpu.memory_space<hbm>> -> memref<10240x128xf32, #tpu.memory_space<hbm>>
      tpu.enqueue_indirect_dma source(%dma_start3A_654 : memref<10240x128xf32, #tpu.memory_space<hbm>>) target(%dma_start3A_648 : memref<128x128xf32, #tpu.memory_space<vmem>>) offsets(%dma_start3A_651 : memref<128xi32, #tpu.memory_space<vmem>>) semaphore(%arg11 : memref<!tpu.dma_semaphore, #tpu.memory_space<semaphore_mem>>)
      %dma_wait3A_655 = arith.constant 0 : i32
      %dma_wait3A_656 = arith.constant 0 : i32
      %dma_wait3A_657 = arith.constant 1 : i32
      %dma_wait3A_658 = arith.constant 0 : i32
      %dma_wait3A_659 = arith.constant 0 : i32
      %dma_wait3A_660 = tpu.memref_slice %arg9[%dma_wait3A_657, %dma_wait3A_658, %dma_wait3A_659] : memref<2x128x128xf32, #tpu.memory_space<vmem>> -> memref<1x128x128xf32, #tpu.memory_space<vmem>>
      %dma_wait3A_661 = tpu.memref_squeeze %dma_wait3A_660 : memref<1x128x128xf32, #tpu.memory_space<vmem>> -> memref<128x128xf32, #tpu.memory_space<vmem>>
      %dma_wait3A_662 = arith.constant 0 : i32
      %dma_wait3A_663 = tpu.memref_slice %arg7[%dma_wait3A_655, %dma_wait3A_656, %dma_wait3A_662] : memref<2x8x128xi32, #tpu.memory_space<vmem>> -> memref<1x1x128xi32, #tpu.memory_space<vmem>>
      %dma_wait3A_664 = tpu.memref_squeeze %dma_wait3A_663 : memref<1x1x128xi32, #tpu.memory_space<vmem>> -> memref<128xi32, #tpu.memory_space<vmem>>
      %dma_wait3A_665 = arith.constant 0 : i32
      %dma_wait3A_666 = arith.constant 0 : i32
      %dma_wait3A_667 = tpu.memref_slice %arg2[%dma_wait3A_665, %dma_wait3A_666] : memref<10240x128xf32, #tpu.memory_space<hbm>> -> memref<10240x128xf32, #tpu.memory_space<hbm>>
      tpu.wait_indirect_dma semaphore(%arg12 : memref<!tpu.dma_semaphore, #tpu.memory_space<semaphore_mem>>) src(%dma_wait3A_667 : memref<10240x128xf32, #tpu.memory_space<hbm>>) dst(%dma_wait3A_661 : memref<128x128xf32, #tpu.memory_space<vmem>>)
      %dma_start3A_668 = arith.constant 1 : i32
      %dma_start3A_669 = arith.constant 1 : i32
      %dma_start3A_670 = arith.constant 1 : i32
      %dma_start3A_671 = arith.constant 0 : i32
      %dma_start3A_672 = arith.constant 0 : i32
      %dma_start3A_673 = tpu.memref_slice %arg9[%dma_start3A_668, %dma_start3A_671, %dma_start3A_672] : memref<2x128x128xf32, #tpu.memory_space<vmem>> -> memref<1x128x128xf32, #tpu.memory_space<vmem>>
      %dma_start3A_674 = tpu.memref_squeeze %dma_start3A_673 : memref<1x128x128xf32, #tpu.memory_space<vmem>> -> memref<128x128xf32, #tpu.memory_space<vmem>>
      %dma_start3A_675 = arith.constant 0 : i32
      %dma_start3A_676 = tpu.memref_slice %arg8[%dma_start3A_669, %dma_start3A_670, %dma_start3A_675] : memref<2x8x128xi32, #tpu.memory_space<vmem>> -> memref<1x1x128xi32, #tpu.memory_space<vmem>>
      %dma_start3A_677 = tpu.memref_squeeze %dma_start3A_676 : memref<1x1x128xi32, #tpu.memory_space<vmem>> -> memref<128xi32, #tpu.memory_space<vmem>>
      %dma_start3A_678 = arith.constant 0 : i32
      %dma_start3A_679 = arith.constant 0 : i32
      %dma_start3A_680 = tpu.memref_slice %arg10[%dma_start3A_678, %dma_start3A_679] : memref<10240x128xf32, #tpu.memory_space<vmem_shared>> -> memref<10240x128xf32, #tpu.memory_space<vmem_shared>>
      tpu.enqueue_indirect_dma source(%dma_start3A_674 : memref<128x128xf32, #tpu.memory_space<vmem>>) target(%dma_start3A_680 : memref<10240x128xf32, #tpu.memory_space<vmem_shared>>) offsets(%dma_start3A_677 : memref<128xi32, #tpu.memory_space<vmem>>) semaphore(%arg14 : memref<!tpu.dma_semaphore, #tpu.memory_space<semaphore_mem>>) {add = true}
      %dma_wait3A_681 = arith.constant 1 : i32
      %dma_wait3A_682 = arith.constant 0 : i32
      %dma_wait3A_683 = arith.constant 0 : i32
      %dma_wait3A_684 = arith.constant 0 : i32
      %dma_wait3A_685 = arith.constant 0 : i32
      %dma_wait3A_686 = tpu.memref_slice %arg9[%dma_wait3A_681, %dma_wait3A_684, %dma_wait3A_685] : memref<2x128x128xf32, #tpu.memory_space<vmem>> -> memref<1x128x128xf32, #tpu.memory_space<vmem>>
      %dma_wait3A_687 = tpu.memref_squeeze %dma_wait3A_686 : memref<1x128x128xf32, #tpu.memory_space<vmem>> -> memref<128x128xf32, #tpu.memory_space<vmem>>
      %dma_wait3A_688 = arith.constant 0 : i32
      %dma_wait3A_689 = tpu.memref_slice %arg8[%dma_wait3A_682, %dma_wait3A_683, %dma_wait3A_688] : memref<2x8x128xi32, #tpu.memory_space<vmem>> -> memref<1x1x128xi32, #tpu.memory_space<vmem>>
      %dma_wait3A_690 = tpu.memref_squeeze %dma_wait3A_689 : memref<1x1x128xi32, #tpu.memory_space<vmem>> -> memref<128xi32, #tpu.memory_space<vmem>>
      %dma_wait3A_691 = arith.constant 0 : i32
      %dma_wait3A_692 = arith.constant 0 : i32
      %dma_wait3A_693 = tpu.memref_slice %arg10[%dma_wait3A_691, %dma_wait3A_692] : memref<10240x128xf32, #tpu.memory_space<vmem_shared>> -> memref<10240x128xf32, #tpu.memory_space<vmem_shared>>
      tpu.wait_indirect_dma semaphore(%arg14 : memref<!tpu.dma_semaphore, #tpu.memory_space<semaphore_mem>>) src(%dma_wait3A_687 : memref<128x128xf32, #tpu.memory_space<vmem>>) dst(%dma_wait3A_693 : memref<10240x128xf32, #tpu.memory_space<vmem_shared>>)
      %dma_start3A_694 = arith.constant 1 : i32
      %dma_start3A_695 = arith.constant 3 : i32
      %dma_start3A_696 = arith.constant 1 : i32
      %dma_start3A_697 = arith.constant 0 : i32
      %dma_start3A_698 = arith.constant 0 : i32
      %dma_start3A_699 = tpu.memref_slice %arg9[%dma_start3A_696, %dma_start3A_697, %dma_start3A_698] : memref<2x128x128xf32, #tpu.memory_space<vmem>> -> memref<1x128x128xf32, #tpu.memory_space<vmem>>
      %dma_start3A_700 = tpu.memref_squeeze %dma_start3A_699 : memref<1x128x128xf32, #tpu.memory_space<vmem>> -> memref<128x128xf32, #tpu.memory_space<vmem>>
      %dma_start3A_701 = arith.constant 0 : i32
      %dma_start3A_702 = tpu.memref_slice %arg7[%dma_start3A_694, %dma_start3A_695, %dma_start3A_701] : memref<2x8x128xi32, #tpu.memory_space<vmem>> -> memref<1x1x128xi32, #tpu.memory_space<vmem>>
      %dma_start3A_703 = tpu.memref_squeeze %dma_start3A_702 : memref<1x1x128xi32, #tpu.memory_space<vmem>> -> memref<128xi32, #tpu.memory_space<vmem>>
      %dma_start3A_704 = arith.constant 0 : i32
      %dma_start3A_705 = arith.constant 0 : i32
      %dma_start3A_706 = tpu.memref_slice %arg2[%dma_start3A_704, %dma_start3A_705] : memref<10240x128xf32, #tpu.memory_space<hbm>> -> memref<10240x128xf32, #tpu.memory_space<hbm>>
      tpu.enqueue_indirect_dma source(%dma_start3A_706 : memref<10240x128xf32, #tpu.memory_space<hbm>>) target(%dma_start3A_700 : memref<128x128xf32, #tpu.memory_space<vmem>>) offsets(%dma_start3A_703 : memref<128xi32, #tpu.memory_space<vmem>>) semaphore(%arg12 : memref<!tpu.dma_semaphore, #tpu.memory_space<semaphore_mem>>)
      %dma_wait3A_707 = arith.constant 0 : i32
      %dma_wait3A_708 = arith.constant 0 : i32
      %dma_wait3A_709 = arith.constant 0 : i32
      %dma_wait3A_710 = arith.constant 0 : i32
      %dma_wait3A_711 = arith.constant 0 : i32
      %dma_wait3A_712 = tpu.memref_slice %arg9[%dma_wait3A_709, %dma_wait3A_710, %dma_wait3A_711] : memref<2x128x128xf32, #tpu.memory_space<vmem>> -> memref<1x128x128xf32, #tpu.memory_space<vmem>>
      %dma_wait3A_713 = tpu.memref_squeeze %dma_wait3A_712 : memref<1x128x128xf32, #tpu.memory_space<vmem>> -> memref<128x128xf32, #tpu.memory_space<vmem>>
      %dma_wait3A_714 = arith.constant 0 : i32
      %dma_wait3A_715 = tpu.memref_slice %arg7[%dma_wait3A_707, %dma_wait3A_708, %dma_wait3A_714] : memref<2x8x128xi32, #tpu.memory_space<vmem>> -> memref<1x1x128xi32, #tpu.memory_space<vmem>>
      %dma_wait3A_716 = tpu.memref_squeeze %dma_wait3A_715 : memref<1x1x128xi32, #tpu.memory_space<vmem>> -> memref<128xi32, #tpu.memory_space<vmem>>
      %dma_wait3A_717 = arith.constant 0 : i32
      %dma_wait3A_718 = arith.constant 0 : i32
      %dma_wait3A_719 = tpu.memref_slice %arg2[%dma_wait3A_717, %dma_wait3A_718] : memref<10240x128xf32, #tpu.memory_space<hbm>> -> memref<10240x128xf32, #tpu.memory_space<hbm>>
      tpu.wait_indirect_dma semaphore(%arg11 : memref<!tpu.dma_semaphore, #tpu.memory_space<semaphore_mem>>) src(%dma_wait3A_719 : memref<10240x128xf32, #tpu.memory_space<hbm>>) dst(%dma_wait3A_713 : memref<128x128xf32, #tpu.memory_space<vmem>>)
      %dma_start3A_720 = arith.constant 0 : i32
      %dma_start3A_721 = arith.constant 1 : i32
      %dma_start3A_722 = arith.constant 2 : i32
      %dma_start3A_723 = arith.constant 0 : i32
      %dma_start3A_724 = arith.constant 0 : i32
      %dma_start3A_725 = tpu.memref_slice %arg9[%dma_start3A_720, %dma_start3A_723, %dma_start3A_724] : memref<2x128x128xf32, #tpu.memory_space<vmem>> -> memref<1x128x128xf32, #tpu.memory_space<vmem>>
      %dma_start3A_726 = tpu.memref_squeeze %dma_start3A_725 : memref<1x128x128xf32, #tpu.memory_space<vmem>> -> memref<128x128xf32, #tpu.memory_space<vmem>>
      %dma_start3A_727 = arith.constant 0 : i32
      %dma_start3A_728 = tpu.memref_slice %arg8[%dma_start3A_721, %dma_start3A_722, %dma_start3A_727] : memref<2x8x128xi32, #tpu.memory_space<vmem>> -> memref<1x1x128xi32, #tpu.memory_space<vmem>>
      %dma_start3A_729 = tpu.memref_squeeze %dma_start3A_728 : memref<1x1x128xi32, #tpu.memory_space<vmem>> -> memref<128xi32, #tpu.memory_space<vmem>>
      %dma_start3A_730 = arith.constant 0 : i32
      %dma_start3A_731 = arith.constant 0 : i32
      %dma_start3A_732 = tpu.memref_slice %arg10[%dma_start3A_730, %dma_start3A_731] : memref<10240x128xf32, #tpu.memory_space<vmem_shared>> -> memref<10240x128xf32, #tpu.memory_space<vmem_shared>>
      tpu.enqueue_indirect_dma source(%dma_start3A_726 : memref<128x128xf32, #tpu.memory_space<vmem>>) target(%dma_start3A_732 : memref<10240x128xf32, #tpu.memory_space<vmem_shared>>) offsets(%dma_start3A_729 : memref<128xi32, #tpu.memory_space<vmem>>) semaphore(%arg13 : memref<!tpu.dma_semaphore, #tpu.memory_space<semaphore_mem>>) {add = true}
      %dma_wait3A_733 = arith.constant 0 : i32
      %dma_wait3A_734 = arith.constant 0 : i32
      %dma_wait3A_735 = arith.constant 0 : i32
      %dma_wait3A_736 = arith.constant 0 : i32
      %dma_wait3A_737 = arith.constant 0 : i32
      %dma_wait3A_738 = tpu.memref_slice %arg9[%dma_wait3A_733, %dma_wait3A_736, %dma_wait3A_737] : memref<2x128x128xf32, #tpu.memory_space<vmem>> -> memref<1x128x128xf32, #tpu.memory_space<vmem>>
      %dma_wait3A_739 = tpu.memref_squeeze %dma_wait3A_738 : memref<1x128x128xf32, #tpu.memory_space<vmem>> -> memref<128x128xf32, #tpu.memory_space<vmem>>
      %dma_wait3A_740 = arith.constant 0 : i32
      %dma_wait3A_741 = tpu.memref_slice %arg8[%dma_wait3A_734, %dma_wait3A_735, %dma_wait3A_740] : memref<2x8x128xi32, #tpu.memory_space<vmem>> -> memref<1x1x128xi32, #tpu.memory_space<vmem>>
      %dma_wait3A_742 = tpu.memref_squeeze %dma_wait3A_741 : memref<1x1x128xi32, #tpu.memory_space<vmem>> -> memref<128xi32, #tpu.memory_space<vmem>>
      %dma_wait3A_743 = arith.constant 0 : i32
      %dma_wait3A_744 = arith.constant 0 : i32
      %dma_wait3A_745 = tpu.memref_slice %arg10[%dma_wait3A_743, %dma_wait3A_744] : memref<10240x128xf32, #tpu.memory_space<vmem_shared>> -> memref<10240x128xf32, #tpu.memory_space<vmem_shared>>
      tpu.wait_indirect_dma semaphore(%arg13 : memref<!tpu.dma_semaphore, #tpu.memory_space<semaphore_mem>>) src(%dma_wait3A_739 : memref<128x128xf32, #tpu.memory_space<vmem>>) dst(%dma_wait3A_745 : memref<10240x128xf32, #tpu.memory_space<vmem_shared>>)
      %dma_start3A_746 = arith.constant 1 : i32
      %dma_start3A_747 = arith.constant 4 : i32
      %dma_start3A_748 = arith.constant 0 : i32
      %dma_start3A_749 = arith.constant 0 : i32
      %dma_start3A_750 = arith.constant 0 : i32
      %dma_start3A_751 = tpu.memref_slice %arg9[%dma_start3A_748, %dma_start3A_749, %dma_start3A_750] : memref<2x128x128xf32, #tpu.memory_space<vmem>> -> memref<1x128x128xf32, #tpu.memory_space<vmem>>
      %dma_start3A_752 = tpu.memref_squeeze %dma_start3A_751 : memref<1x128x128xf32, #tpu.memory_space<vmem>> -> memref<128x128xf32, #tpu.memory_space<vmem>>
      %dma_start3A_753 = arith.constant 0 : i32
      %dma_start3A_754 = tpu.memref_slice %arg7[%dma_start3A_746, %dma_start3A_747, %dma_start3A_753] : memref<2x8x128xi32, #tpu.memory_space<vmem>> -> memref<1x1x128xi32, #tpu.memory_space<vmem>>
      %dma_start3A_755 = tpu.memref_squeeze %dma_start3A_754 : memref<1x1x128xi32, #tpu.memory_space<vmem>> -> memref<128xi32, #tpu.memory_space<vmem>>
      %dma_start3A_756 = arith.constant 0 : i32
      %dma_start3A_757 = arith.constant 0 : i32
      %dma_start3A_758 = tpu.memref_slice %arg2[%dma_start3A_756, %dma_start3A_757] : memref<10240x128xf32, #tpu.memory_space<hbm>> -> memref<10240x128xf32, #tpu.memory_space<hbm>>
      tpu.enqueue_indirect_dma source(%dma_start3A_758 : memref<10240x128xf32, #tpu.memory_space<hbm>>) target(%dma_start3A_752 : memref<128x128xf32, #tpu.memory_space<vmem>>) offsets(%dma_start3A_755 : memref<128xi32, #tpu.memory_space<vmem>>) semaphore(%arg11 : memref<!tpu.dma_semaphore, #tpu.memory_space<semaphore_mem>>)
      %dma_wait3A_759 = arith.constant 0 : i32
      %dma_wait3A_760 = arith.constant 0 : i32
      %dma_wait3A_761 = arith.constant 1 : i32
      %dma_wait3A_762 = arith.constant 0 : i32
      %dma_wait3A_763 = arith.constant 0 : i32
      %dma_wait3A_764 = tpu.memref_slice %arg9[%dma_wait3A_761, %dma_wait3A_762, %dma_wait3A_763] : memref<2x128x128xf32, #tpu.memory_space<vmem>> -> memref<1x128x128xf32, #tpu.memory_space<vmem>>
      %dma_wait3A_765 = tpu.memref_squeeze %dma_wait3A_764 : memref<1x128x128xf32, #tpu.memory_space<vmem>> -> memref<128x128xf32, #tpu.memory_space<vmem>>
      %dma_wait3A_766 = arith.constant 0 : i32
      %dma_wait3A_767 = tpu.memref_slice %arg7[%dma_wait3A_759, %dma_wait3A_760, %dma_wait3A_766] : memref<2x8x128xi32, #tpu.memory_space<vmem>> -> memref<1x1x128xi32, #tpu.memory_space<vmem>>
      %dma_wait3A_768 = tpu.memref_squeeze %dma_wait3A_767 : memref<1x1x128xi32, #tpu.memory_space<vmem>> -> memref<128xi32, #tpu.memory_space<vmem>>
      %dma_wait3A_769 = arith.constant 0 : i32
      %dma_wait3A_770 = arith.constant 0 : i32
      %dma_wait3A_771 = tpu.memref_slice %arg2[%dma_wait3A_769, %dma_wait3A_770] : memref<10240x128xf32, #tpu.memory_space<hbm>> -> memref<10240x128xf32, #tpu.memory_space<hbm>>
      tpu.wait_indirect_dma semaphore(%arg12 : memref<!tpu.dma_semaphore, #tpu.memory_space<semaphore_mem>>) src(%dma_wait3A_771 : memref<10240x128xf32, #tpu.memory_space<hbm>>) dst(%dma_wait3A_765 : memref<128x128xf32, #tpu.memory_space<vmem>>)
      %dma_start3A_772 = arith.constant 1 : i32
      %dma_start3A_773 = arith.constant 1 : i32
      %dma_start3A_774 = arith.constant 3 : i32
      %dma_start3A_775 = arith.constant 0 : i32
      %dma_start3A_776 = arith.constant 0 : i32
      %dma_start3A_777 = tpu.memref_slice %arg9[%dma_start3A_772, %dma_start3A_775, %dma_start3A_776] : memref<2x128x128xf32, #tpu.memory_space<vmem>> -> memref<1x128x128xf32, #tpu.memory_space<vmem>>
      %dma_start3A_778 = tpu.memref_squeeze %dma_start3A_777 : memref<1x128x128xf32, #tpu.memory_space<vmem>> -> memref<128x128xf32, #tpu.memory_space<vmem>>
      %dma_start3A_779 = arith.constant 0 : i32
      %dma_start3A_780 = tpu.memref_slice %arg8[%dma_start3A_773, %dma_start3A_774, %dma_start3A_779] : memref<2x8x128xi32, #tpu.memory_space<vmem>> -> memref<1x1x128xi32, #tpu.memory_space<vmem>>
      %dma_start3A_781 = tpu.memref_squeeze %dma_start3A_780 : memref<1x1x128xi32, #tpu.memory_space<vmem>> -> memref<128xi32, #tpu.memory_space<vmem>>
      %dma_start3A_782 = arith.constant 0 : i32
      %dma_start3A_783 = arith.constant 0 : i32
      %dma_start3A_784 = tpu.memref_slice %arg10[%dma_start3A_782, %dma_start3A_783] : memref<10240x128xf32, #tpu.memory_space<vmem_shared>> -> memref<10240x128xf32, #tpu.memory_space<vmem_shared>>
      tpu.enqueue_indirect_dma source(%dma_start3A_778 : memref<128x128xf32, #tpu.memory_space<vmem>>) target(%dma_start3A_784 : memref<10240x128xf32, #tpu.memory_space<vmem_shared>>) offsets(%dma_start3A_781 : memref<128xi32, #tpu.memory_space<vmem>>) semaphore(%arg14 : memref<!tpu.dma_semaphore, #tpu.memory_space<semaphore_mem>>) {add = true}
      %dma_wait3A_785 = arith.constant 1 : i32
      %dma_wait3A_786 = arith.constant 0 : i32
      %dma_wait3A_787 = arith.constant 0 : i32
      %dma_wait3A_788 = arith.constant 0 : i32
      %dma_wait3A_789 = arith.constant 0 : i32
      %dma_wait3A_790 = tpu.memref_slice %arg9[%dma_wait3A_785, %dma_wait3A_788, %dma_wait3A_789] : memref<2x128x128xf32, #tpu.memory_space<vmem>> -> memref<1x128x128xf32, #tpu.memory_space<vmem>>
      %dma_wait3A_791 = tpu.memref_squeeze %dma_wait3A_790 : memref<1x128x128xf32, #tpu.memory_space<vmem>> -> memref<128x128xf32, #tpu.memory_space<vmem>>
      %dma_wait3A_792 = arith.constant 0 : i32
      %dma_wait3A_793 = tpu.memref_slice %arg8[%dma_wait3A_786, %dma_wait3A_787, %dma_wait3A_792] : memref<2x8x128xi32, #tpu.memory_space<vmem>> -> memref<1x1x128xi32, #tpu.memory_space<vmem>>
      %dma_wait3A_794 = tpu.memref_squeeze %dma_wait3A_793 : memref<1x1x128xi32, #tpu.memory_space<vmem>> -> memref<128xi32, #tpu.memory_space<vmem>>
      %dma_wait3A_795 = arith.constant 0 : i32
      %dma_wait3A_796 = arith.constant 0 : i32
      %dma_wait3A_797 = tpu.memref_slice %arg10[%dma_wait3A_795, %dma_wait3A_796] : memref<10240x128xf32, #tpu.memory_space<vmem_shared>> -> memref<10240x128xf32, #tpu.memory_space<vmem_shared>>
      tpu.wait_indirect_dma semaphore(%arg14 : memref<!tpu.dma_semaphore, #tpu.memory_space<semaphore_mem>>) src(%dma_wait3A_791 : memref<128x128xf32, #tpu.memory_space<vmem>>) dst(%dma_wait3A_797 : memref<10240x128xf32, #tpu.memory_space<vmem_shared>>)
      %dma_start3A_798 = arith.constant 1 : i32
      %dma_start3A_799 = arith.constant 5 : i32
      %dma_start3A_800 = arith.constant 1 : i32
      %dma_start3A_801 = arith.constant 0 : i32
      %dma_start3A_802 = arith.constant 0 : i32
      %dma_start3A_803 = tpu.memref_slice %arg9[%dma_start3A_800, %dma_start3A_801, %dma_start3A_802] : memref<2x128x128xf32, #tpu.memory_space<vmem>> -> memref<1x128x128xf32, #tpu.memory_space<vmem>>
      %dma_start3A_804 = tpu.memref_squeeze %dma_start3A_803 : memref<1x128x128xf32, #tpu.memory_space<vmem>> -> memref<128x128xf32, #tpu.memory_space<vmem>>
      %dma_start3A_805 = arith.constant 0 : i32
      %dma_start3A_806 = tpu.memref_slice %arg7[%dma_start3A_798, %dma_start3A_799, %dma_start3A_805] : memref<2x8x128xi32, #tpu.memory_space<vmem>> -> memref<1x1x128xi32, #tpu.memory_space<vmem>>
      %dma_start3A_807 = tpu.memref_squeeze %dma_start3A_806 : memref<1x1x128xi32, #tpu.memory_space<vmem>> -> memref<128xi32, #tpu.memory_space<vmem>>
      %dma_start3A_808 = arith.constant 0 : i32
      %dma_start3A_809 = arith.constant 0 : i32
      %dma_start3A_810 = tpu.memref_slice %arg2[%dma_start3A_808, %dma_start3A_809] : memref<10240x128xf32, #tpu.memory_space<hbm>> -> memref<10240x128xf32, #tpu.memory_space<hbm>>
      tpu.enqueue_indirect_dma source(%dma_start3A_810 : memref<10240x128xf32, #tpu.memory_space<hbm>>) target(%dma_start3A_804 : memref<128x128xf32, #tpu.memory_space<vmem>>) offsets(%dma_start3A_807 : memref<128xi32, #tpu.memory_space<vmem>>) semaphore(%arg12 : memref<!tpu.dma_semaphore, #tpu.memory_space<semaphore_mem>>)
      %dma_wait3A_811 = arith.constant 0 : i32
      %dma_wait3A_812 = arith.constant 0 : i32
      %dma_wait3A_813 = arith.constant 0 : i32
      %dma_wait3A_814 = arith.constant 0 : i32
      %dma_wait3A_815 = arith.constant 0 : i32
      %dma_wait3A_816 = tpu.memref_slice %arg9[%dma_wait3A_813, %dma_wait3A_814, %dma_wait3A_815] : memref<2x128x128xf32, #tpu.memory_space<vmem>> -> memref<1x128x128xf32, #tpu.memory_space<vmem>>
      %dma_wait3A_817 = tpu.memref_squeeze %dma_wait3A_816 : memref<1x128x128xf32, #tpu.memory_space<vmem>> -> memref<128x128xf32, #tpu.memory_space<vmem>>
      %dma_wait3A_818 = arith.constant 0 : i32
      %dma_wait3A_819 = tpu.memref_slice %arg7[%dma_wait3A_811, %dma_wait3A_812, %dma_wait3A_818] : memref<2x8x128xi32, #tpu.memory_space<vmem>> -> memref<1x1x128xi32, #tpu.memory_space<vmem>>
      %dma_wait3A_820 = tpu.memref_squeeze %dma_wait3A_819 : memref<1x1x128xi32, #tpu.memory_space<vmem>> -> memref<128xi32, #tpu.memory_space<vmem>>
      %dma_wait3A_821 = arith.constant 0 : i32
      %dma_wait3A_822 = arith.constant 0 : i32
      %dma_wait3A_823 = tpu.memref_slice %arg2[%dma_wait3A_821, %dma_wait3A_822] : memref<10240x128xf32, #tpu.memory_space<hbm>> -> memref<10240x128xf32, #tpu.memory_space<hbm>>
      tpu.wait_indirect_dma semaphore(%arg11 : memref<!tpu.dma_semaphore, #tpu.memory_space<semaphore_mem>>) src(%dma_wait3A_823 : memref<10240x128xf32, #tpu.memory_space<hbm>>) dst(%dma_wait3A_817 : memref<128x128xf32, #tpu.memory_space<vmem>>)
      %dma_start3A_824 = arith.constant 0 : i32
      %dma_start3A_825 = arith.constant 1 : i32
      %dma_start3A_826 = arith.constant 4 : i32
      %dma_start3A_827 = arith.constant 0 : i32
      %dma_start3A_828 = arith.constant 0 : i32
      %dma_start3A_829 = tpu.memref_slice %arg9[%dma_start3A_824, %dma_start3A_827, %dma_start3A_828] : memref<2x128x128xf32, #tpu.memory_space<vmem>> -> memref<1x128x128xf32, #tpu.memory_space<vmem>>
      %dma_start3A_830 = tpu.memref_squeeze %dma_start3A_829 : memref<1x128x128xf32, #tpu.memory_space<vmem>> -> memref<128x128xf32, #tpu.memory_space<vmem>>
      %dma_start3A_831 = arith.constant 0 : i32
      %dma_start3A_832 = tpu.memref_slice %arg8[%dma_start3A_825, %dma_start3A_826, %dma_start3A_831] : memref<2x8x128xi32, #tpu.memory_space<vmem>> -> memref<1x1x128xi32, #tpu.memory_space<vmem>>
      %dma_start3A_833 = tpu.memref_squeeze %dma_start3A_832 : memref<1x1x128xi32, #tpu.memory_space<vmem>> -> memref<128xi32, #tpu.memory_space<vmem>>
      %dma_start3A_834 = arith.constant 0 : i32
      %dma_start3A_835 = arith.constant 0 : i32
      %dma_start3A_836 = tpu.memref_slice %arg10[%dma_start3A_834, %dma_start3A_835] : memref<10240x128xf32, #tpu.memory_space<vmem_shared>> -> memref<10240x128xf32, #tpu.memory_space<vmem_shared>>
      tpu.enqueue_indirect_dma source(%dma_start3A_830 : memref<128x128xf32, #tpu.memory_space<vmem>>) target(%dma_start3A_836 : memref<10240x128xf32, #tpu.memory_space<vmem_shared>>) offsets(%dma_start3A_833 : memref<128xi32, #tpu.memory_space<vmem>>) semaphore(%arg13 : memref<!tpu.dma_semaphore, #tpu.memory_space<semaphore_mem>>) {add = true}
      %dma_wait3A_837 = arith.constant 0 : i32
      %dma_wait3A_838 = arith.constant 0 : i32
      %dma_wait3A_839 = arith.constant 0 : i32
      %dma_wait3A_840 = arith.constant 0 : i32
      %dma_wait3A_841 = arith.constant 0 : i32
      %dma_wait3A_842 = tpu.memref_slice %arg9[%dma_wait3A_837, %dma_wait3A_840, %dma_wait3A_841] : memref<2x128x128xf32, #tpu.memory_space<vmem>> -> memref<1x128x128xf32, #tpu.memory_space<vmem>>
      %dma_wait3A_843 = tpu.memref_squeeze %dma_wait3A_842 : memref<1x128x128xf32, #tpu.memory_space<vmem>> -> memref<128x128xf32, #tpu.memory_space<vmem>>
      %dma_wait3A_844 = arith.constant 0 : i32
      %dma_wait3A_845 = tpu.memref_slice %arg8[%dma_wait3A_838, %dma_wait3A_839, %dma_wait3A_844] : memref<2x8x128xi32, #tpu.memory_space<vmem>> -> memref<1x1x128xi32, #tpu.memory_space<vmem>>
      %dma_wait3A_846 = tpu.memref_squeeze %dma_wait3A_845 : memref<1x1x128xi32, #tpu.memory_space<vmem>> -> memref<128xi32, #tpu.memory_space<vmem>>
      %dma_wait3A_847 = arith.constant 0 : i32
      %dma_wait3A_848 = arith.constant 0 : i32
      %dma_wait3A_849 = tpu.memref_slice %arg10[%dma_wait3A_847, %dma_wait3A_848] : memref<10240x128xf32, #tpu.memory_space<vmem_shared>> -> memref<10240x128xf32, #tpu.memory_space<vmem_shared>>
      tpu.wait_indirect_dma semaphore(%arg13 : memref<!tpu.dma_semaphore, #tpu.memory_space<semaphore_mem>>) src(%dma_wait3A_843 : memref<128x128xf32, #tpu.memory_space<vmem>>) dst(%dma_wait3A_849 : memref<10240x128xf32, #tpu.memory_space<vmem_shared>>)
      %dma_start3A_850 = arith.constant 1 : i32
      %dma_start3A_851 = arith.constant 6 : i32
      %dma_start3A_852 = arith.constant 0 : i32
      %dma_start3A_853 = arith.constant 0 : i32
      %dma_start3A_854 = arith.constant 0 : i32
      %dma_start3A_855 = tpu.memref_slice %arg9[%dma_start3A_852, %dma_start3A_853, %dma_start3A_854] : memref<2x128x128xf32, #tpu.memory_space<vmem>> -> memref<1x128x128xf32, #tpu.memory_space<vmem>>
      %dma_start3A_856 = tpu.memref_squeeze %dma_start3A_855 : memref<1x128x128xf32, #tpu.memory_space<vmem>> -> memref<128x128xf32, #tpu.memory_space<vmem>>
      %dma_start3A_857 = arith.constant 0 : i32
      %dma_start3A_858 = tpu.memref_slice %arg7[%dma_start3A_850, %dma_start3A_851, %dma_start3A_857] : memref<2x8x128xi32, #tpu.memory_space<vmem>> -> memref<1x1x128xi32, #tpu.memory_space<vmem>>
      %dma_start3A_859 = tpu.memref_squeeze %dma_start3A_858 : memref<1x1x128xi32, #tpu.memory_space<vmem>> -> memref<128xi32, #tpu.memory_space<vmem>>
      %dma_start3A_860 = arith.constant 0 : i32
      %dma_start3A_861 = arith.constant 0 : i32
      %dma_start3A_862 = tpu.memref_slice %arg2[%dma_start3A_860, %dma_start3A_861] : memref<10240x128xf32, #tpu.memory_space<hbm>> -> memref<10240x128xf32, #tpu.memory_space<hbm>>
      tpu.enqueue_indirect_dma source(%dma_start3A_862 : memref<10240x128xf32, #tpu.memory_space<hbm>>) target(%dma_start3A_856 : memref<128x128xf32, #tpu.memory_space<vmem>>) offsets(%dma_start3A_859 : memref<128xi32, #tpu.memory_space<vmem>>) semaphore(%arg11 : memref<!tpu.dma_semaphore, #tpu.memory_space<semaphore_mem>>)
      %dma_wait3A_863 = arith.constant 0 : i32
      %dma_wait3A_864 = arith.constant 0 : i32
      %dma_wait3A_865 = arith.constant 1 : i32
      %dma_wait3A_866 = arith.constant 0 : i32
      %dma_wait3A_867 = arith.constant 0 : i32
      %dma_wait3A_868 = tpu.memref_slice %arg9[%dma_wait3A_865, %dma_wait3A_866, %dma_wait3A_867] : memref<2x128x128xf32, #tpu.memory_space<vmem>> -> memref<1x128x128xf32, #tpu.memory_space<vmem>>
      %dma_wait3A_869 = tpu.memref_squeeze %dma_wait3A_868 : memref<1x128x128xf32, #tpu.memory_space<vmem>> -> memref<128x128xf32, #tpu.memory_space<vmem>>
      %dma_wait3A_870 = arith.constant 0 : i32
      %dma_wait3A_871 = tpu.memref_slice %arg7[%dma_wait3A_863, %dma_wait3A_864, %dma_wait3A_870] : memref<2x8x128xi32, #tpu.memory_space<vmem>> -> memref<1x1x128xi32, #tpu.memory_space<vmem>>
      %dma_wait3A_872 = tpu.memref_squeeze %dma_wait3A_871 : memref<1x1x128xi32, #tpu.memory_space<vmem>> -> memref<128xi32, #tpu.memory_space<vmem>>
      %dma_wait3A_873 = arith.constant 0 : i32
      %dma_wait3A_874 = arith.constant 0 : i32
      %dma_wait3A_875 = tpu.memref_slice %arg2[%dma_wait3A_873, %dma_wait3A_874] : memref<10240x128xf32, #tpu.memory_space<hbm>> -> memref<10240x128xf32, #tpu.memory_space<hbm>>
      tpu.wait_indirect_dma semaphore(%arg12 : memref<!tpu.dma_semaphore, #tpu.memory_space<semaphore_mem>>) src(%dma_wait3A_875 : memref<10240x128xf32, #tpu.memory_space<hbm>>) dst(%dma_wait3A_869 : memref<128x128xf32, #tpu.memory_space<vmem>>)
      %dma_start3A_876 = arith.constant 1 : i32
      %dma_start3A_877 = arith.constant 1 : i32
      %dma_start3A_878 = arith.constant 5 : i32
      %dma_start3A_879 = arith.constant 0 : i32
      %dma_start3A_880 = arith.constant 0 : i32
      %dma_start3A_881 = tpu.memref_slice %arg9[%dma_start3A_876, %dma_start3A_879, %dma_start3A_880] : memref<2x128x128xf32, #tpu.memory_space<vmem>> -> memref<1x128x128xf32, #tpu.memory_space<vmem>>
      %dma_start3A_882 = tpu.memref_squeeze %dma_start3A_881 : memref<1x128x128xf32, #tpu.memory_space<vmem>> -> memref<128x128xf32, #tpu.memory_space<vmem>>
      %dma_start3A_883 = arith.constant 0 : i32
      %dma_start3A_884 = tpu.memref_slice %arg8[%dma_start3A_877, %dma_start3A_878, %dma_start3A_883] : memref<2x8x128xi32, #tpu.memory_space<vmem>> -> memref<1x1x128xi32, #tpu.memory_space<vmem>>
      %dma_start3A_885 = tpu.memref_squeeze %dma_start3A_884 : memref<1x1x128xi32, #tpu.memory_space<vmem>> -> memref<128xi32, #tpu.memory_space<vmem>>
      %dma_start3A_886 = arith.constant 0 : i32
      %dma_start3A_887 = arith.constant 0 : i32
      %dma_start3A_888 = tpu.memref_slice %arg10[%dma_start3A_886, %dma_start3A_887] : memref<10240x128xf32, #tpu.memory_space<vmem_shared>> -> memref<10240x128xf32, #tpu.memory_space<vmem_shared>>
      tpu.enqueue_indirect_dma source(%dma_start3A_882 : memref<128x128xf32, #tpu.memory_space<vmem>>) target(%dma_start3A_888 : memref<10240x128xf32, #tpu.memory_space<vmem_shared>>) offsets(%dma_start3A_885 : memref<128xi32, #tpu.memory_space<vmem>>) semaphore(%arg14 : memref<!tpu.dma_semaphore, #tpu.memory_space<semaphore_mem>>) {add = true}
      %dma_wait3A_889 = arith.constant 1 : i32
      %dma_wait3A_890 = arith.constant 0 : i32
      %dma_wait3A_891 = arith.constant 0 : i32
      %dma_wait3A_892 = arith.constant 0 : i32
      %dma_wait3A_893 = arith.constant 0 : i32
      %dma_wait3A_894 = tpu.memref_slice %arg9[%dma_wait3A_889, %dma_wait3A_892, %dma_wait3A_893] : memref<2x128x128xf32, #tpu.memory_space<vmem>> -> memref<1x128x128xf32, #tpu.memory_space<vmem>>
      %dma_wait3A_895 = tpu.memref_squeeze %dma_wait3A_894 : memref<1x128x128xf32, #tpu.memory_space<vmem>> -> memref<128x128xf32, #tpu.memory_space<vmem>>
      %dma_wait3A_896 = arith.constant 0 : i32
      %dma_wait3A_897 = tpu.memref_slice %arg8[%dma_wait3A_890, %dma_wait3A_891, %dma_wait3A_896] : memref<2x8x128xi32, #tpu.memory_space<vmem>> -> memref<1x1x128xi32, #tpu.memory_space<vmem>>
      %dma_wait3A_898 = tpu.memref_squeeze %dma_wait3A_897 : memref<1x1x128xi32, #tpu.memory_space<vmem>> -> memref<128xi32, #tpu.memory_space<vmem>>
      %dma_wait3A_899 = arith.constant 0 : i32
      %dma_wait3A_900 = arith.constant 0 : i32
      %dma_wait3A_901 = tpu.memref_slice %arg10[%dma_wait3A_899, %dma_wait3A_900] : memref<10240x128xf32, #tpu.memory_space<vmem_shared>> -> memref<10240x128xf32, #tpu.memory_space<vmem_shared>>
      tpu.wait_indirect_dma semaphore(%arg14 : memref<!tpu.dma_semaphore, #tpu.memory_space<semaphore_mem>>) src(%dma_wait3A_895 : memref<128x128xf32, #tpu.memory_space<vmem>>) dst(%dma_wait3A_901 : memref<10240x128xf32, #tpu.memory_space<vmem_shared>>)
      %dma_start3A_902 = arith.constant 1 : i32
      %dma_start3A_903 = arith.constant 7 : i32
      %dma_start3A_904 = arith.constant 1 : i32
      %dma_start3A_905 = arith.constant 0 : i32
      %dma_start3A_906 = arith.constant 0 : i32
      %dma_start3A_907 = tpu.memref_slice %arg9[%dma_start3A_904, %dma_start3A_905, %dma_start3A_906] : memref<2x128x128xf32, #tpu.memory_space<vmem>> -> memref<1x128x128xf32, #tpu.memory_space<vmem>>
      %dma_start3A_908 = tpu.memref_squeeze %dma_start3A_907 : memref<1x128x128xf32, #tpu.memory_space<vmem>> -> memref<128x128xf32, #tpu.memory_space<vmem>>
      %dma_start3A_909 = arith.constant 0 : i32
      %dma_start3A_910 = tpu.memref_slice %arg7[%dma_start3A_902, %dma_start3A_903, %dma_start3A_909] : memref<2x8x128xi32, #tpu.memory_space<vmem>> -> memref<1x1x128xi32, #tpu.memory_space<vmem>>
      %dma_start3A_911 = tpu.memref_squeeze %dma_start3A_910 : memref<1x1x128xi32, #tpu.memory_space<vmem>> -> memref<128xi32, #tpu.memory_space<vmem>>
      %dma_start3A_912 = arith.constant 0 : i32
      %dma_start3A_913 = arith.constant 0 : i32
      %dma_start3A_914 = tpu.memref_slice %arg2[%dma_start3A_912, %dma_start3A_913] : memref<10240x128xf32, #tpu.memory_space<hbm>> -> memref<10240x128xf32, #tpu.memory_space<hbm>>
      tpu.enqueue_indirect_dma source(%dma_start3A_914 : memref<10240x128xf32, #tpu.memory_space<hbm>>) target(%dma_start3A_908 : memref<128x128xf32, #tpu.memory_space<vmem>>) offsets(%dma_start3A_911 : memref<128xi32, #tpu.memory_space<vmem>>) semaphore(%arg12 : memref<!tpu.dma_semaphore, #tpu.memory_space<semaphore_mem>>)
      %dma_wait3A_915 = arith.constant 0 : i32
      %dma_wait3A_916 = arith.constant 0 : i32
      %dma_wait3A_917 = arith.constant 0 : i32
      %dma_wait3A_918 = arith.constant 0 : i32
      %dma_wait3A_919 = arith.constant 0 : i32
      %dma_wait3A_920 = tpu.memref_slice %arg9[%dma_wait3A_917, %dma_wait3A_918, %dma_wait3A_919] : memref<2x128x128xf32, #tpu.memory_space<vmem>> -> memref<1x128x128xf32, #tpu.memory_space<vmem>>
      %dma_wait3A_921 = tpu.memref_squeeze %dma_wait3A_920 : memref<1x128x128xf32, #tpu.memory_space<vmem>> -> memref<128x128xf32, #tpu.memory_space<vmem>>
      %dma_wait3A_922 = arith.constant 0 : i32
      %dma_wait3A_923 = tpu.memref_slice %arg7[%dma_wait3A_915, %dma_wait3A_916, %dma_wait3A_922] : memref<2x8x128xi32, #tpu.memory_space<vmem>> -> memref<1x1x128xi32, #tpu.memory_space<vmem>>
      %dma_wait3A_924 = tpu.memref_squeeze %dma_wait3A_923 : memref<1x1x128xi32, #tpu.memory_space<vmem>> -> memref<128xi32, #tpu.memory_space<vmem>>
      %dma_wait3A_925 = arith.constant 0 : i32
      %dma_wait3A_926 = arith.constant 0 : i32
      %dma_wait3A_927 = tpu.memref_slice %arg2[%dma_wait3A_925, %dma_wait3A_926] : memref<10240x128xf32, #tpu.memory_space<hbm>> -> memref<10240x128xf32, #tpu.memory_space<hbm>>
      tpu.wait_indirect_dma semaphore(%arg11 : memref<!tpu.dma_semaphore, #tpu.memory_space<semaphore_mem>>) src(%dma_wait3A_927 : memref<10240x128xf32, #tpu.memory_space<hbm>>) dst(%dma_wait3A_921 : memref<128x128xf32, #tpu.memory_space<vmem>>)
      %dma_start3A_928 = arith.constant 0 : i32
      %dma_start3A_929 = arith.constant 1 : i32
      %dma_start3A_930 = arith.constant 6 : i32
      %dma_start3A_931 = arith.constant 0 : i32
      %dma_start3A_932 = arith.constant 0 : i32
      %dma_start3A_933 = tpu.memref_slice %arg9[%dma_start3A_928, %dma_start3A_931, %dma_start3A_932] : memref<2x128x128xf32, #tpu.memory_space<vmem>> -> memref<1x128x128xf32, #tpu.memory_space<vmem>>
      %dma_start3A_934 = tpu.memref_squeeze %dma_start3A_933 : memref<1x128x128xf32, #tpu.memory_space<vmem>> -> memref<128x128xf32, #tpu.memory_space<vmem>>
      %dma_start3A_935 = arith.constant 0 : i32
      %dma_start3A_936 = tpu.memref_slice %arg8[%dma_start3A_929, %dma_start3A_930, %dma_start3A_935] : memref<2x8x128xi32, #tpu.memory_space<vmem>> -> memref<1x1x128xi32, #tpu.memory_space<vmem>>
      %dma_start3A_937 = tpu.memref_squeeze %dma_start3A_936 : memref<1x1x128xi32, #tpu.memory_space<vmem>> -> memref<128xi32, #tpu.memory_space<vmem>>
      %dma_start3A_938 = arith.constant 0 : i32
      %dma_start3A_939 = arith.constant 0 : i32
      %dma_start3A_940 = tpu.memref_slice %arg10[%dma_start3A_938, %dma_start3A_939] : memref<10240x128xf32, #tpu.memory_space<vmem_shared>> -> memref<10240x128xf32, #tpu.memory_space<vmem_shared>>
      tpu.enqueue_indirect_dma source(%dma_start3A_934 : memref<128x128xf32, #tpu.memory_space<vmem>>) target(%dma_start3A_940 : memref<10240x128xf32, #tpu.memory_space<vmem_shared>>) offsets(%dma_start3A_937 : memref<128xi32, #tpu.memory_space<vmem>>) semaphore(%arg13 : memref<!tpu.dma_semaphore, #tpu.memory_space<semaphore_mem>>) {add = true}
      %dma_wait3A_941 = arith.constant 0 : i32
      %dma_wait3A_942 = arith.constant 0 : i32
      %dma_wait3A_943 = arith.constant 0 : i32
      %dma_wait3A_944 = arith.constant 0 : i32
      %dma_wait3A_945 = arith.constant 0 : i32
      %dma_wait3A_946 = tpu.memref_slice %arg9[%dma_wait3A_941, %dma_wait3A_944, %dma_wait3A_945] : memref<2x128x128xf32, #tpu.memory_space<vmem>> -> memref<1x128x128xf32, #tpu.memory_space<vmem>>
      %dma_wait3A_947 = tpu.memref_squeeze %dma_wait3A_946 : memref<1x128x128xf32, #tpu.memory_space<vmem>> -> memref<128x128xf32, #tpu.memory_space<vmem>>
      %dma_wait3A_948 = arith.constant 0 : i32
      %dma_wait3A_949 = tpu.memref_slice %arg8[%dma_wait3A_942, %dma_wait3A_943, %dma_wait3A_948] : memref<2x8x128xi32, #tpu.memory_space<vmem>> -> memref<1x1x128xi32, #tpu.memory_space<vmem>>
      %dma_wait3A_950 = tpu.memref_squeeze %dma_wait3A_949 : memref<1x1x128xi32, #tpu.memory_space<vmem>> -> memref<128xi32, #tpu.memory_space<vmem>>
      %dma_wait3A_951 = arith.constant 0 : i32
      %dma_wait3A_952 = arith.constant 0 : i32
      %dma_wait3A_953 = tpu.memref_slice %arg10[%dma_wait3A_951, %dma_wait3A_952] : memref<10240x128xf32, #tpu.memory_space<vmem_shared>> -> memref<10240x128xf32, #tpu.memory_space<vmem_shared>>
      tpu.wait_indirect_dma semaphore(%arg13 : memref<!tpu.dma_semaphore, #tpu.memory_space<semaphore_mem>>) src(%dma_wait3A_947 : memref<128x128xf32, #tpu.memory_space<vmem>>) dst(%dma_wait3A_953 : memref<10240x128xf32, #tpu.memory_space<vmem_shared>>)
      %sub3A_954 = arith.constant 16 : i32
      %sub3A_955 = arith.subi %select_n3A, %sub3A_954 : i32
      %lt3A_956 = arith.cmpi slt, %add3A_110, %sub3A_955 : i32
      %convert_element_type3A_957 = arith.extui %lt3A_956 : i1 to i32
      %cond3A_958 = arith.constant 0 : i32
      %cond3A_959 = arith.cmpi ne, %convert_element_type3A_957, %cond3A_958 : i32
      scf.if %cond3A_959 {
        %dma_wait3A_986 = arith.constant 0 : i32
        %dma_wait3A_987 = arith.constant 0 : i32
        %dma_wait3A_988 = arith.constant 0 : i32
        %dma_wait3A_989 = tpu.memref_slice %arg7[%dma_wait3A_986, %dma_wait3A_987, %dma_wait3A_988] : memref<2x8x128xi32, #tpu.memory_space<vmem>> -> memref<1x8x128xi32, #tpu.memory_space<vmem>>
        %dma_wait3A_990 = tpu.memref_squeeze %dma_wait3A_989 : memref<1x8x128xi32, #tpu.memory_space<vmem>> -> memref<8x128xi32, #tpu.memory_space<vmem>>
        %dma_wait3A_991 = arith.constant 0 : i32
        %dma_wait3A_992 = tpu.memref_slice %arg3[%select_n3A_8, %dma_wait3A_991] : memref<2560x128xi32, #tpu.memory_space<hbm>> -> memref<8x128xi32, #tpu.memory_space<hbm>>
        %dma_wait3A_993 = arith.constant 0 : i32
        %dma_wait3A_994 = arith.constant 0 : i32
        %dma_wait3A_995 = tpu.memref_slice %arg7[%dma_wait3A_986, %dma_wait3A_993, %dma_wait3A_994] : memref<2x8x128xi32, #tpu.memory_space<vmem>> -> memref<1x8x128xi32, #tpu.memory_space<vmem>>
        %dma_wait3A_996 = tpu.memref_squeeze %dma_wait3A_995 : memref<1x8x128xi32, #tpu.memory_space<vmem>> -> memref<8x128xi32, #tpu.memory_space<vmem>>
        %dma_wait3A_997 = arith.constant 0 : i32
        %dma_wait3A_998 = tpu.memref_slice %arg3[%select_n3A_8, %dma_wait3A_997] : memref<2560x128xi32, #tpu.memory_space<hbm>> -> memref<8x128xi32, #tpu.memory_space<hbm>>
        tpu.wait_dma2 semaphore(%arg15 : memref<!tpu.dma_semaphore, #tpu.memory_space<semaphore_mem>>) src(%dma_wait3A_998 : memref<8x128xi32, #tpu.memory_space<hbm>>) dst(%dma_wait3A_996 : memref<8x128xi32, #tpu.memory_space<vmem>>)
        %dma_wait3A_999 = arith.constant 0 : i32
        %dma_wait3A_1000 = arith.constant 0 : i32
        %dma_wait3A_1001 = arith.constant 0 : i32
        %dma_wait3A_1002 = tpu.memref_slice %arg8[%dma_wait3A_999, %dma_wait3A_1000, %dma_wait3A_1001] : memref<2x8x128xi32, #tpu.memory_space<vmem>> -> memref<1x8x128xi32, #tpu.memory_space<vmem>>
        %dma_wait3A_1003 = tpu.memref_squeeze %dma_wait3A_1002 : memref<1x8x128xi32, #tpu.memory_space<vmem>> -> memref<8x128xi32, #tpu.memory_space<vmem>>
        %dma_wait3A_1004 = arith.constant 0 : i32
        %dma_wait3A_1005 = tpu.memref_slice %arg4[%select_n3A_8, %dma_wait3A_1004] : memref<2560x128xi32, #tpu.memory_space<hbm>> -> memref<8x128xi32, #tpu.memory_space<hbm>>
        %dma_wait3A_1006 = arith.constant 0 : i32
        %dma_wait3A_1007 = arith.constant 0 : i32
        %dma_wait3A_1008 = tpu.memref_slice %arg8[%dma_wait3A_999, %dma_wait3A_1006, %dma_wait3A_1007] : memref<2x8x128xi32, #tpu.memory_space<vmem>> -> memref<1x8x128xi32, #tpu.memory_space<vmem>>
        %dma_wait3A_1009 = tpu.memref_squeeze %dma_wait3A_1008 : memref<1x8x128xi32, #tpu.memory_space<vmem>> -> memref<8x128xi32, #tpu.memory_space<vmem>>
        %dma_wait3A_1010 = arith.constant 0 : i32
        %dma_wait3A_1011 = tpu.memref_slice %arg4[%select_n3A_8, %dma_wait3A_1010] : memref<2560x128xi32, #tpu.memory_space<hbm>> -> memref<8x128xi32, #tpu.memory_space<hbm>>
        tpu.wait_dma2 semaphore(%arg17 : memref<!tpu.dma_semaphore, #tpu.memory_space<semaphore_mem>>) src(%dma_wait3A_1011 : memref<8x128xi32, #tpu.memory_space<hbm>>) dst(%dma_wait3A_1009 : memref<8x128xi32, #tpu.memory_space<vmem>>)
        %dma_start3A_1012 = arith.constant 0 : i32
        %dma_start3A_1013 = arith.constant 0 : i32
        %dma_start3A_1014 = arith.constant 0 : i32
        %dma_start3A_1015 = arith.constant 0 : i32
        %dma_start3A_1016 = arith.constant 0 : i32
        %dma_start3A_1017 = tpu.memref_slice %arg9[%dma_start3A_1014, %dma_start3A_1015, %dma_start3A_1016] : memref<2x128x128xf32, #tpu.memory_space<vmem>> -> memref<1x128x128xf32, #tpu.memory_space<vmem>>
        %dma_start3A_1018 = tpu.memref_squeeze %dma_start3A_1017 : memref<1x128x128xf32, #tpu.memory_space<vmem>> -> memref<128x128xf32, #tpu.memory_space<vmem>>
        %dma_start3A_1019 = arith.constant 0 : i32
        %dma_start3A_1020 = tpu.memref_slice %arg7[%dma_start3A_1012, %dma_start3A_1013, %dma_start3A_1019] : memref<2x8x128xi32, #tpu.memory_space<vmem>> -> memref<1x1x128xi32, #tpu.memory_space<vmem>>
        %dma_start3A_1021 = tpu.memref_squeeze %dma_start3A_1020 : memref<1x1x128xi32, #tpu.memory_space<vmem>> -> memref<128xi32, #tpu.memory_space<vmem>>
        %dma_start3A_1022 = arith.constant 0 : i32
        %dma_start3A_1023 = arith.constant 0 : i32
        %dma_start3A_1024 = tpu.memref_slice %arg2[%dma_start3A_1022, %dma_start3A_1023] : memref<10240x128xf32, #tpu.memory_space<hbm>> -> memref<10240x128xf32, #tpu.memory_space<hbm>>
        tpu.enqueue_indirect_dma source(%dma_start3A_1024 : memref<10240x128xf32, #tpu.memory_space<hbm>>) target(%dma_start3A_1018 : memref<128x128xf32, #tpu.memory_space<vmem>>) offsets(%dma_start3A_1021 : memref<128xi32, #tpu.memory_space<vmem>>) semaphore(%arg11 : memref<!tpu.dma_semaphore, #tpu.memory_space<semaphore_mem>>)
      } else {
      }
      %dma_wait3A_960 = arith.constant 0 : i32
      %dma_wait3A_961 = arith.constant 0 : i32
      %dma_wait3A_962 = arith.constant 1 : i32
      %dma_wait3A_963 = arith.constant 0 : i32
      %dma_wait3A_964 = arith.constant 0 : i32
      %dma_wait3A_965 = tpu.memref_slice %arg9[%dma_wait3A_962, %dma_wait3A_963, %dma_wait3A_964] : memref<2x128x128xf32, #tpu.memory_space<vmem>> -> memref<1x128x128xf32, #tpu.memory_space<vmem>>
      %dma_wait3A_966 = tpu.memref_squeeze %dma_wait3A_965 : memref<1x128x128xf32, #tpu.memory_space<vmem>> -> memref<128x128xf32, #tpu.memory_space<vmem>>
      %dma_wait3A_967 = arith.constant 0 : i32
      %dma_wait3A_968 = tpu.memref_slice %arg7[%dma_wait3A_960, %dma_wait3A_961, %dma_wait3A_967] : memref<2x8x128xi32, #tpu.memory_space<vmem>> -> memref<1x1x128xi32, #tpu.memory_space<vmem>>
      %dma_wait3A_969 = tpu.memref_squeeze %dma_wait3A_968 : memref<1x1x128xi32, #tpu.memory_space<vmem>> -> memref<128xi32, #tpu.memory_space<vmem>>
      %dma_wait3A_970 = arith.constant 0 : i32
      %dma_wait3A_971 = arith.constant 0 : i32
      %dma_wait3A_972 = tpu.memref_slice %arg2[%dma_wait3A_970, %dma_wait3A_971] : memref<10240x128xf32, #tpu.memory_space<hbm>> -> memref<10240x128xf32, #tpu.memory_space<hbm>>
      tpu.wait_indirect_dma semaphore(%arg12 : memref<!tpu.dma_semaphore, #tpu.memory_space<semaphore_mem>>) src(%dma_wait3A_972 : memref<10240x128xf32, #tpu.memory_space<hbm>>) dst(%dma_wait3A_966 : memref<128x128xf32, #tpu.memory_space<vmem>>)
      %dma_start3A_973 = arith.constant 1 : i32
      %dma_start3A_974 = arith.constant 1 : i32
      %dma_start3A_975 = arith.constant 7 : i32
      %dma_start3A_976 = arith.constant 0 : i32
      %dma_start3A_977 = arith.constant 0 : i32
      %dma_start3A_978 = tpu.memref_slice %arg9[%dma_start3A_973, %dma_start3A_976, %dma_start3A_977] : memref<2x128x128xf32, #tpu.memory_space<vmem>> -> memref<1x128x128xf32, #tpu.memory_space<vmem>>
      %dma_start3A_979 = tpu.memref_squeeze %dma_start3A_978 : memref<1x128x128xf32, #tpu.memory_space<vmem>> -> memref<128x128xf32, #tpu.memory_space<vmem>>
      %dma_start3A_980 = arith.constant 0 : i32
      %dma_start3A_981 = tpu.memref_slice %arg8[%dma_start3A_974, %dma_start3A_975, %dma_start3A_980] : memref<2x8x128xi32, #tpu.memory_space<vmem>> -> memref<1x1x128xi32, #tpu.memory_space<vmem>>
      %dma_start3A_982 = tpu.memref_squeeze %dma_start3A_981 : memref<1x1x128xi32, #tpu.memory_space<vmem>> -> memref<128xi32, #tpu.memory_space<vmem>>
      %dma_start3A_983 = arith.constant 0 : i32
      %dma_start3A_984 = arith.constant 0 : i32
      %dma_start3A_985 = tpu.memref_slice %arg10[%dma_start3A_983, %dma_start3A_984] : memref<10240x128xf32, #tpu.memory_space<vmem_shared>> -> memref<10240x128xf32, #tpu.memory_space<vmem_shared>>
      tpu.enqueue_indirect_dma source(%dma_start3A_979 : memref<128x128xf32, #tpu.memory_space<vmem>>) target(%dma_start3A_985 : memref<10240x128xf32, #tpu.memory_space<vmem_shared>>) offsets(%dma_start3A_982 : memref<128xi32, #tpu.memory_space<vmem>>) semaphore(%arg14 : memref<!tpu.dma_semaphore, #tpu.memory_space<semaphore_mem>>) {add = true}
    }
    %dma_wait3A_94 = arith.constant 1 : i32
    %dma_wait3A_95 = arith.constant 0 : i32
    %dma_wait3A_96 = arith.constant 0 : i32
    %dma_wait3A_97 = arith.constant 0 : i32
    %dma_wait3A_98 = arith.constant 0 : i32
    %dma_wait3A_99 = tpu.memref_slice %arg9[%dma_wait3A_94, %dma_wait3A_97, %dma_wait3A_98] : memref<2x128x128xf32, #tpu.memory_space<vmem>> -> memref<1x128x128xf32, #tpu.memory_space<vmem>>
    %dma_wait3A_100 = tpu.memref_squeeze %dma_wait3A_99 : memref<1x128x128xf32, #tpu.memory_space<vmem>> -> memref<128x128xf32, #tpu.memory_space<vmem>>
    %dma_wait3A_101 = arith.constant 0 : i32
    %dma_wait3A_102 = tpu.memref_slice %arg8[%dma_wait3A_95, %dma_wait3A_96, %dma_wait3A_101] : memref<2x8x128xi32, #tpu.memory_space<vmem>> -> memref<1x1x128xi32, #tpu.memory_space<vmem>>
    %dma_wait3A_103 = tpu.memref_squeeze %dma_wait3A_102 : memref<1x1x128xi32, #tpu.memory_space<vmem>> -> memref<128xi32, #tpu.memory_space<vmem>>
    %dma_wait3A_104 = arith.constant 0 : i32
    %dma_wait3A_105 = arith.constant 0 : i32
    %dma_wait3A_106 = tpu.memref_slice %arg10[%dma_wait3A_104, %dma_wait3A_105] : memref<10240x128xf32, #tpu.memory_space<vmem_shared>> -> memref<10240x128xf32, #tpu.memory_space<vmem_shared>>
    tpu.wait_indirect_dma semaphore(%arg14 : memref<!tpu.dma_semaphore, #tpu.memory_space<semaphore_mem>>) src(%dma_wait3A_100 : memref<128x128xf32, #tpu.memory_space<vmem>>) dst(%dma_wait3A_106 : memref<10240x128xf32, #tpu.memory_space<vmem_shared>>)
    %barrier3A_107 = arith.constant 0 : index
    tpu.barrier barrier_id(%barrier3A_107)
    "tpu.region"() ({
      %run_scoped3A = tpu.sem_alloc : memref<!tpu.dma_semaphore, #tpu.memory_space<semaphore_mem>>
      %dma_start3A_108 = arith.constant 0 : i32
      %dma_start3A_109 = tpu.memref_slice %arg6[%arg0, %mul3A_10, %dma_start3A_108] : memref<2x10240x128xf32, #tpu.memory_space<hbm>> -> memref<1x640x128xf32, #tpu.memory_space<hbm>>
      %dma_start3A_110 = tpu.memref_squeeze %dma_start3A_109 : memref<1x640x128xf32, #tpu.memory_space<hbm>> -> memref<640x128xf32, #tpu.memory_space<hbm>>
      %dma_start3A_111 = arith.constant 0 : i32
      %dma_start3A_112 = tpu.memref_slice %arg10[%mul3A_10, %dma_start3A_111] : memref<10240x128xf32, #tpu.memory_space<vmem_shared>> -> memref<640x128xf32, #tpu.memory_space<vmem_shared>>
      tpu.enqueue_dma source(%dma_start3A_112 : memref<640x128xf32, #tpu.memory_space<vmem_shared>>) target(%dma_start3A_110 : memref<640x128xf32, #tpu.memory_space<hbm>>) target_semaphore(%run_scoped3A : memref<!tpu.dma_semaphore, #tpu.memory_space<semaphore_mem>>)
      %dma_wait3A_113 = arith.constant 0 : i32
      %dma_wait3A_114 = tpu.memref_slice %arg6[%arg0, %mul3A_10, %dma_wait3A_113] : memref<2x10240x128xf32, #tpu.memory_space<hbm>> -> memref<1x640x128xf32, #tpu.memory_space<hbm>>
      %dma_wait3A_115 = tpu.memref_squeeze %dma_wait3A_114 : memref<1x640x128xf32, #tpu.memory_space<hbm>> -> memref<640x128xf32, #tpu.memory_space<hbm>>
      %dma_wait3A_116 = arith.constant 0 : i32
      %dma_wait3A_117 = tpu.memref_slice %arg10[%mul3A_10, %dma_wait3A_116] : memref<10240x128xf32, #tpu.memory_space<vmem_shared>> -> memref<640x128xf32, #tpu.memory_space<vmem_shared>>
      tpu.wait_dma2 semaphore(%run_scoped3A : memref<!tpu.dma_semaphore, #tpu.memory_space<semaphore_mem>>) src(%dma_wait3A_117 : memref<640x128xf32, #tpu.memory_space<vmem_shared>>) dst(%dma_wait3A_115 : memref<640x128xf32, #tpu.memory_space<hbm>>)
      tpu.yield
    }) : () -> ()
    return
  }
}

module attributes {stable_mosaic.version = 14 : i64} {
  func.func @_dis_body(%arg0: memref<32x10240xf32, #tpu.memory_space<vmem>>, %arg1: memref<1x10240xf32, #tpu.memory_space<vmem>>) attributes {dimension_semantics = [], scalar_prefetch = 0 : i64, scratch_operands = 0 : i64, tpu.core_type = #tpu.core_type<tc>} {
    %get3A = arith.constant 0 : index
    %get3A_0 = arith.constant 0 : index
    %get3A_1 = vector.load %arg0[%get3A, %get3A_0] : memref<32x10240xf32, #tpu.memory_space<vmem>>, vector<32x10240xf32>
    %reduce_sum3A = arith.constant dense<0.000000e+00> : vector<10240xf32>
    %reduce_sum3A_2 = vector.multi_reduction <add>, %get3A_1, %reduce_sum3A [0] : vector<32x10240xf32> to vector<10240xf32>
    %broadcast_in_dim3A = vector.shape_cast %reduce_sum3A_2 : vector<10240xf32> to vector<1x10240xf32>
    %gt3A = arith.constant 0.000000e+00 : f32
    %gt3A_3 = vector.broadcast %gt3A : f32 to vector<1x10240xf32>
    %gt3A_4 = arith.cmpf ogt, %broadcast_in_dim3A, %gt3A_3 : vector<1x10240xf32>
    %rsqrt3A = math.rsqrt %broadcast_in_dim3A : vector<1x10240xf32>
    %jit3A = arith.constant 0.000000e+00 : f32
    %broadcast_in_dim3A_5 = vector.broadcast %jit3A : f32 to vector<1x10240xf32>
    %select_n3A = arith.select %gt3A_4, %rsqrt3A, %broadcast_in_dim3A_5 : vector<1x10240xi1>, vector<1x10240xf32>
    %swap3A = arith.constant 0 : index
    %swap3A_6 = arith.constant 0 : index
    %swap3A_7 = vector.load %arg1[%swap3A, %swap3A_6] : memref<1x10240xf32, #tpu.memory_space<vmem>>, vector<1x10240xf32>
    tpu.vector_store %arg1[%swap3A, %swap3A_6], %select_n3A {strides = array<i32>} : memref<1x10240xf32, #tpu.memory_space<vmem>>, vector<1x10240xf32>,
    return
  }
}

module attributes {stable_mosaic.version = 14 : i64} {
  func.func @_prep_body(%arg0: memref<10240x1xf32, #tpu.memory_space<vmem>>, %arg1: memref<10000x128xf32, #tpu.memory_space<vmem>>, %arg2: memref<10240x128xf32, #tpu.memory_space<vmem>>) attributes {dimension_semantics = [], scalar_prefetch = 0 : i64, scratch_operands = 0 : i64, tpu.core_type = #tpu.core_type<tc>} {
    %get3A = arith.constant 0 : index
    %get3A_0 = arith.constant 0 : index
    %get3A_1 = vector.load %arg0[%get3A, %get3A_0] : memref<10240x1xf32, #tpu.memory_space<vmem>>, vector<10000x1xf32>
    %get3A_2 = arith.constant 0 : index
    %get3A_3 = arith.constant 0 : index
    %get3A_4 = vector.load %arg1[%get3A_2, %get3A_3] : memref<10000x128xf32, #tpu.memory_space<vmem>>, vector<10000x128xf32>
    %mul3A = vector.broadcast %get3A_1 : vector<10000x1xf32> to vector<10000x128xf32>
    %mul3A_5 = arith.mulf %mul3A, %get3A_4 : vector<10000x128xf32>
    %swap3A = arith.constant 0 : index
    %swap3A_6 = arith.constant 0 : index
    %swap3A_7 = vector.load %arg2[%swap3A, %swap3A_6] : memref<10240x128xf32, #tpu.memory_space<vmem>>, vector<10000x128xf32>
    tpu.vector_store %arg2[%swap3A, %swap3A_6], %mul3A_5 {strides = array<i32>} : memref<10240x128xf32, #tpu.memory_space<vmem>>, vector<10000x128xf32>,
    %broadcast_in_dim3A = arith.constant 0.000000e+00 : f32
    %broadcast_in_dim3A_8 = vector.broadcast %broadcast_in_dim3A : f32 to vector<240x128xf32>
    %swap3A_9 = arith.constant 10000 : index
    %swap3A_10 = arith.constant 0 : index
    %swap3A_11 = vector.load %arg2[%swap3A_9, %swap3A_10] : memref<10240x128xf32, #tpu.memory_space<vmem>>, vector<240x128xf32>
    tpu.vector_store %arg2[%swap3A_9, %swap3A_10], %broadcast_in_dim3A_8 {strides = array<i32>} : memref<10240x128xf32, #tpu.memory_space<vmem>>, vector<240x128xf32>,
    return
  }
}

module attributes {stable_mosaic.version = 14 : i64} {
  func.func @_fin_body(%arg0: memref<10240x1xf32, #tpu.memory_space<vmem>>, %arg1: memref<2x10240x128xf32, #tpu.memory_space<vmem>>, %arg2: memref<10000x128xf32, #tpu.memory_space<vmem>>) attributes {dimension_semantics = [], scalar_prefetch = 0 : i64, scratch_operands = 0 : i64, tpu.core_type = #tpu.core_type<tc>} {
    %get3A = arith.constant 0 : index
    %get3A_0 = arith.constant 0 : index
    %get3A_1 = arith.constant 0 : index
    %get3A_2 = vector.load %arg1[%get3A, %get3A_0, %get3A_1] : memref<2x10240x128xf32, #tpu.memory_space<vmem>>, vector<1x10000x128xf32>
    %get3A_3 = vector.shape_cast %get3A_2 : vector<1x10000x128xf32> to vector<10000x128xf32>
    %get3A_4 = arith.constant 1 : index
    %get3A_5 = arith.constant 0 : index
    %get3A_6 = arith.constant 0 : index
    %get3A_7 = vector.load %arg1[%get3A_4, %get3A_5, %get3A_6] : memref<2x10240x128xf32, #tpu.memory_space<vmem>>, vector<1x10000x128xf32>
    %get3A_8 = vector.shape_cast %get3A_7 : vector<1x10000x128xf32> to vector<10000x128xf32>
    %add3A = arith.addf %get3A_3, %get3A_8 : vector<10000x128xf32>
    %get3A_9 = arith.constant 0 : index
    %get3A_10 = arith.constant 0 : index
    %get3A_11 = vector.load %arg0[%get3A_9, %get3A_10] : memref<10240x1xf32, #tpu.memory_space<vmem>>, vector<10000x1xf32>
    %mul3A = vector.broadcast %get3A_11 : vector<10000x1xf32> to vector<10000x128xf32>
    %mul3A_12 = arith.mulf %mul3A, %add3A : vector<10000x128xf32>
    %max3A = arith.constant 0.000000e+00 : f32
    %max3A_13 = vector.broadcast %max3A : f32 to vector<10000x128xf32>
    %max3A_14 = arith.maximumf %mul3A_12, %max3A_13 : vector<10000x128xf32>
    %swap3A = arith.constant 0 : index
    %swap3A_15 = arith.constant 0 : index
    %swap3A_16 = vector.load %arg2[%swap3A, %swap3A_15] : memref<10000x128xf32, #tpu.memory_space<vmem>>, vector<10000x128xf32>
    tpu.vector_store %arg2[%swap3A, %swap3A_15], %max3A_14 {strides = array<i32>} : memref<10000x128xf32, #tpu.memory_space<vmem>>, vector<10000x128xf32>,
    return
  }
}

</mosaic_0001>

<sc_bundles>
// kernel: kernel.10.cloned.1.call-start
scs
__scs_entry_jumppad:
0x0: {  	(pc) =	sbr.rel $0x88, $3  }
0x1: {  	(tag) =	ssettag $0x0;
	lr =	simm.s32 $0x1  }
0x2: {  	[smem:$0x3F9E] =	sst lr;
	_ =	strace $0xD0000000  }
0x3: {  	_ = 	snop  }
0x4: {  	_ = 	snop  }
0x5: {  	_ = 	snop  }
0x6: {  	_ = 	snop  }
0x7: {  	_ = 	snop  }
__scs_overlays_trampoline_lowered:
0x8: {  	[smem:$0x3FAD] =	sst s0  }
0x9: {  	[smem:$0x3FAE] =	sst s1  }
0xa: {  	[smem:$0x3FAF] =	sst s2  }
0xb: {  	[smem:$0x3FB0] =	sst s3  }
0xc: {  	[smem:$0x3FB1] =	sst s4  }
0xd: {  	[smem:$0x3FB2] =	sst s5  }
0xe: {  	[smem:$0x3FB3] =	sst s6  }
0xf: {  	[smem:$0x3FB4] =	sst s7  }
0x10: {  	[smem:$0x3FB5] =	sst s8  }
0x11: {  	[smem:$0x3FB6] =	sst s9;
	s0 =	simm.s32 @!p0 $0x0  }
0x12: {  	s1 =	sld [smem:$0x3F9C];
	s0 =	simm.s32 @p0 $0x1  }
0x13: {  	[smem:$0x3FB7] =	sst s0;
	s0 =	simm.s32 @!p1 $0x0  }
0x14: {  	s2 =	sld [smem:$0x3F9B];
	s0 =	simm.s32 @p1 $0x1  }
0x15: {  	[smem:$0x3FB8] =	sst s0;
	s0 =	simm.s32 @!p2 $0x0  }
0x16: {  	s3 =	sld [smem:$0x3FDB];
	s0 =	simm.s32 @p2 $0x1  }
0x17: {  	s4 =	simm.s32 $0x1BF5;
	[smem:$0x3FBA] =	sst s0  }
0x18: {  	s0 =	sld [smem:$0x3F9D];
	_ =	swait.ge [sflag:s4], $0x0  }
0x19: {  	s7 =	sld [smem:$0x3F9E]  }
0x1a: {  	s8 =	sadd.s32 $0xFFFFE003, lr  }
0x1b: {  	s9 =	sadd.s32 $0xFFFFFEF7, lr;
	s5 =	simm.s32 $0xFFFFFFFF;
	p2 =	slt.u32 s8, $0xFFFFF086  }
0x1c: {  	p1 =	slt.u32 s9, $0xF7A;
	s5 =	simm.s32 @!p2 $0x0  }
0x1d: {  	s5 =	simm.s32 @p1 $0x1;
	p0 =	seq.s32 s7, s2  }
0x1e: {  	s7 =	smul.u32 @!p0 $0xF7A, s2;
	p2 =	seq.s32 @!p0 s5, $0x0  }
0x1f: {  	s9 =	smul.u32 $0xF7A, s1;
	s8 =	simm.s32 @!p0 $0x1BF5;
	p2 =	por !p2, p0  }
0x20: {  	[sflag:s8] =	ssyncset.s32 @!p0 $0xFFFFF086;
	s6 =	sadd.s32 @!p0 s3, s7;
	s7 =	simm.s32 @!p0 $0x108  }
0x21: {  	s3 =	sadd.s32 s3, s9;
	s6 =	sadd.s32 @!p0 $0x88, s6;
	s7 =	simm.s32 @p2 $0x1082  }
0x22: {  	[simem:s7], [sflag:s8] =	dma.local @!p0 [hbm:s6], $0xF7A  }
0x23: {  	s9 =	sor.u32 $0xD0000000, s2;
	s6 =	simm.s32 $0x108;
	_ =	swait.ge @!p0 [sflag:s8], $0x0  }
0x24: {  	s3 =	sadd.s32 $0x88, s3;
	s6 =	simm.s32 @!p1 $0x1082;
	[sflag:s4] =	ssyncset.s32 $0xFFFFF086  }
0x25: {  	[simem:s6], [sflag:s4] =	dma.local [hbm:s3], $0xF7A  }
0x26: {  	[smem:$0x3F9E] =	sst s1;
	(tag) =	ssettag s2;
	_ =	strace s9  }
0x27: {  	s1 =	sld [smem:$0x3FAE]  }
0x28: {  	s2 =	sld [smem:$0x3FAF]  }
0x29: {  	s4 =	sld [smem:$0x3FB1]  }
0x2a: {  	p0 =	seq.s32 s5, $0x0;
	s5 =	sld [smem:$0x3FB2]  }
0x2b: {  	s6 =	sld [smem:$0x3FB3]  }
0x2c: {  	s7 =	sld [smem:$0x3FB4]  }
0x2d: {  	s3 =	simm.s32 $0x108;
	s8 =	sld [smem:$0x3FB5]  }
0x2e: {  	s3 =	simm.s32 @!p0 $0x1082;
	s9 =	sld [smem:$0x3FB6]  }
0x2f: {  	lr =	sadd.s32 s0, s3;
	s0 =	sld [smem:$0x3FAD]  }
0x30: {  	s3 =	sld [smem:$0x3FB0]  }
0x31: {  	[smem:$0x3FB9] =	sst s10  }
0x32: {  	s10 =	sld [smem:$0x3FB7];
	_ =	sdelay $0x3  }
0x33: {  	p0 =	seq.s32 s10, $0x1;
	s10 =	sld [smem:$0x3FB9];
	_ =	sdelay $0x3  }
0x34: {  	[smem:$0x3FB9] =	sst s10  }
0x35: {  	s10 =	sld [smem:$0x3FB8];
	_ =	sdelay $0x3  }
0x36: {  	p1 =	seq.s32 s10, $0x1;
	s10 =	sld [smem:$0x3FB9];
	_ =	sdelay $0x3  }
0x37: {  	[smem:$0x3FB9] =	sst s10  }
0x38: {  	s10 =	sld [smem:$0x3FBA]  }
0x39: {  	_ = 	snop;
	(pc) =	sbr.ind lr, $3  }
0x3a: {  	_ = 	snop  }
0x3b: {  	_ = 	snop  }
0x3c: {  	p2 =	seq.s32 s10, $0x1;
	s10 =	sld [smem:$0x3FB9]  }
0x3d: {  	_ =	shalt  }
0x3e: {  	_ =	shalt  }
0x3f: {  	_ =	shalt  }
0x40: {  	_ =	shalt  }
0x41: {  	_ =	shalt  }
0x42: {  	_ =	shalt  }
0x43: {  	_ =	shalt  }
0x44: {  	_ =	shalt  }
0x45: {  	_ =	shalt  }
0x46: {  	_ =	shalt  }
0x47: {  	_ =	shalt  }
0x48: {  	_ =	shalt  }
0x49: {  	_ =	shalt  }
0x4a: {  	_ =	shalt  }
0x4b: {  	_ =	shalt  }
0x4c: {  	_ =	shalt  }
0x4d: {  	_ =	shalt  }
0x4e: {  	_ =	shalt  }
0x4f: {  	_ =	shalt  }
0x50: {  	_ =	shalt  }
0x51: {  	_ =	shalt  }
0x52: {  	_ =	shalt  }
0x53: {  	_ =	shalt  }
0x54: {  	_ =	shalt  }
0x55: {  	_ =	shalt  }
0x56: {  	_ =	shalt  }
0x57: {  	_ =	shalt  }
0x58: {  	_ =	shalt  }
0x59: {  	_ =	shalt  }
0x5a: {  	_ =	shalt  }
0x5b: {  	_ =	shalt  }
0x5c: {  	_ =	shalt  }
0x5d: {  	_ =	shalt  }
0x5e: {  	_ =	shalt  }
0x5f: {  	_ =	shalt  }
0x60: {  	_ =	shalt  }
0x61: {  	_ =	shalt  }
0x62: {  	_ =	shalt  }
0x63: {  	_ =	shalt  }
0x64: {  	_ =	shalt  }
0x65: {  	_ =	shalt  }
0x66: {  	_ =	shalt  }
0x67: {  	_ =	shalt  }
0x68: {  	_ =	shalt  }
0x69: {  	_ =	shalt  }
0x6a: {  	_ =	shalt  }
0x6b: {  	_ =	shalt  }
0x6c: {  	_ =	shalt  }
0x6d: {  	_ =	shalt  }
0x6e: {  	_ =	shalt  }
0x6f: {  	_ =	shalt  }
0x70: {  	_ =	shalt  }
0x71: {  	_ =	shalt  }
0x72: {  	_ =	shalt  }
0x73: {  	_ =	shalt  }
0x74: {  	_ =	shalt  }
0x75: {  	_ =	shalt  }
0x76: {  	_ =	shalt  }
0x77: {  	_ =	shalt  }
0x78: {  	_ =	shalt  }
0x79: {  	_ =	shalt  }
0x7a: {  	_ =	shalt  }
0x7b: {  	_ =	shalt  }
0x7c: {  	_ =	shalt  }
0x7d: {  	_ =	shalt  }
0x7e: {  	_ =	shalt  }
0x7f: {  	_ =	shalt  }
0x80: {  	_ =	shalt  }
0x81: {  	_ =	shalt  }
0x82: {  	_ =	shalt  }
0x83: {  	_ =	shalt  }
0x84: {  	_ =	shalt  }
0x85: {  	_ =	shalt  }
0x86: {  	_ =	shalt  }
0x87: {  	_ =	shalt  }
.Lfunc_end0:
.L_simem_size_0:
called_computation.1_lowered:
.L_overlay_start_0:
0x88: {  	s2 =	sld [smem:$0x3FD9]  }
0x89: {  	s3 =	sld [smem:$0x3FFE];
	_ =	sdelay $0x1  }
0x8a: {  	s1 =	srdreg.scid  }
0x8b: {  	s0 =	sand.u32 $0x1, s1  }
0x8c: {  	s17 =	sshll.u32 s0, $0xA;
	s2 =	sadd.s32 s3, s2  }
0x8d: {  	s2 =	sadd.s32 s2, s17  }
0x8e: {  	[smem:$0x3FC5] =	sst s2  }
0x8f: {  	_ = 	snop  }
0x90: {  	s2 =	sld [smem:$0x3FD0];
	(tm) =	ssettm $0x1  }
0x91: {  	s18 =	sld [smem:$0x3FFB];
	_ =	sdelay $0x3  }
0x92: {  	_ =	strace s18  }
0x93: {  	s3 =	sld [smem:$0x3FFC];
	_ =	sdelay $0x3  }
0x94: {  	_ =	strace s3  }
0x95: {  	s3 =	sld [smem:$0x3FFD];
	_ =	sdelay $0x3  }
0x96: {  	_ =	strace s3  }
0x97: {  	_ =	strace $0x8FFFFFFF  }
0x98: {  	s19 =	sld [smem:$0x3FDB];
	_ =	sdelay $0x1  }
0x99: {  	s4 =	simm.s32 $_scs_section_size  }
0x9a: {  	s5 =	simm.s32 $_size__tile_overlayer_lowered;
	s6 =	simm.s32 $_tile_overlayer_lowered  }
0x9b: {  	s22 =	simm.s32 $0x1BFF;
	s21 =	sshll.u32 s6, $0x1;
	s3 =	sadd.s32 s4, s19  }
0x9c: {  	s7 =	simm.s32 $0x0;
	s20 =	sshll.u32 s5, $0x1;
	s5 =	sadd.s32 s21, s3  }
0x9d: {  	[timem:s7], [sflag:s22] =	dma.local [hbm:s5], s20  }
0x9e: {  	_ =	swait.ge [sflag:s22], s20  }
0x9f: {  	s4 =	ssub.s32 $0x0, s20;
	[sflag:s22] =	ssyncset.done $0x0  }
0xa0: {  	[sflag:s22] =	ssyncadd.s32 s4;
	_ =	sdelay $0x1  }
0xa1: {  	s23 =	simm.s32 $0x1B8B  }
0xa2: {  	_ =	swait.ge [sflag:s23], $0x1  }
0xa3: {  	[sflag:s23] =	ssyncset.done $0x0  }
0xa4: {  	s25 =	simm.s32 $0x1B8E;
	s24 =	sld [smem:$0x3FFE];
	[sflag:s23] =	ssyncadd.s32 $0xFFFFFFFF  }
0xa5: {  	s26 =	simm.s32 $execute0_lowered;
	[smem:$0x3FD2] =	sst s25  }
0xa6: {  	s5 =	sshll.u32 s26, $0x1;
	_ =	strace $0x80000049;
	[dreg:$0x1] =	wrdreg $0xFFFFFFFF  }
0xa7: {  	s28 =	simm.s32 $_size_execute0_lowered;
	s3 =	sadd.s32 s3, s5;
	[dreg:$0x0] =	wrdreg $0x0  }
0xa8: {  	s5 =	sshll.u32 s28, $0x1;
	[dreg:$0x2] =	wrdreg s3  }
0xa9: {  	[dreg:$0x3] =	wrdreg s5  }
0xaa: {  	[dreg:$0x4] =	wrdreg $0xC0  }
0xab: {  	_ =	task [dreg:s7], $0x5FFFF  }
0xac: {  	[dreg:$0x1] =	wrdreg $0xFFFFFFFF  }
0xad: {  	[dreg:$0x0] =	wrdreg $0x60  }
0xae: {  	[dreg:$0x2] =	wrdreg s24  }
0xaf: {  	[dreg:$0x3] =	wrdreg s2  }
0xb0: {  	[dreg:$0x4] =	wrdreg $0x90000  }
0xb1: {  	[dreg:$0x5] =	wrdreg $0x9  }
0xb2: {  	_ =	task.clear_ibuf [dreg:s7], $0x6FFFF;
	_ =	strace $0x90000049  }
0xb3: {  	s29 =	simm.s32 $0x9;
	_ =	strace $0x8000004B  }
0xb4: {  	_ =	swait.ge [sflag:s29], $0x1  }
0xb5: {  	[sflag:s29] =	ssyncadd.s32 $0xFFFFFFFF  }
0xb6: {  	_ =	strace $0x9000004B  }
0xb7: {  	_ =	sfence  }
0xb8: {  	s30 =	sld [smem:$0x0];
	_ =	sdelay $0x2  }
0xb9: {  	s31 =	sshll.u32 s1, $0xD;
	s1 =	sshrl.u32 s1, $0x2  }
0xba: {  	s3 =	sand.u32 $0x4000, s31;
	s1 =	sadd.s32 s1, s30  }
0xbb: {  	s0 =	sor.u32 s3, s0;
	s1 =	sshll.u32 s1, $0x11  }
0xbc: {  	s0 =	sor.u32 s1, s0  }
0xbd: {  	s0 =	sadd.s32 $0x8F2B, s0  }
0xbe: {  	[sflag:s0] =	ssyncadd.remote.s32 $0x1  }
0xbf: {  	_ =	sfence.sel $0xFFFF  }
0xc0: {  	[dreg:$0x0] =	wrdreg $0xFFFFFFFF;
	(pc) =	sbr.abs _section_cstart, $3  }
0xc1: {  	[dreg:$0x1] =	wrdreg $0xFFFFFFFF  }
0xc2: {  	_ =	task.clear_ibuf [dreg:s7], $0x2FFFF;
	_ =	strace $0x9FFFFFFF  }
0xc3: {  	(tm) =	ssettm $0x7FFFFFFF  }
tec
execute0_lowered:
.L_overlay_start_1:
0x0: {  	(tag) =	ssettag $0x1  }
0x1: {  	s0 =	rddreg [dreg:$0x0]  }
0x2: {  	s1 =	rddreg [dreg:$0x1]  }
0x3: {  	s2 =	rddreg [dreg:$0x2]  }
0x4: {  	s4 =	srdreg.scid;
	s3 =	simm.s32 $0x0;
	s14 =	stileid.u32  }
0x5: {  	s11 =	simm.s32 $0x80;
	s25 =	simm.s32 $0x100;
	s12 =	simm.s32 $0x880  }
0x6: {  	s13 =	simm.s32 $0x180;
	s16 =	simm.s32 $0x200;
	s17 =	simm.s32 $0x980  }
0x7: {  	s18 =	simm.s32 $0x280;
	s19 =	simm.s32 $0xA00;
	s28 =	simm.s32 $0x4  }
0x8: {  	s29 =	simm.s32 $0x6;
	s30 =	simm.s32 $0x8;
	[smem:$0x7FF] =	sst s3  }
0x9: {  	s31 =	simm.s32 $0xF80;
	_ =	strace $0x8000004A;
	[dreg:$0x5] =	wrdreg s25  }
0xa: {  	s5 =	sand.u32 $0x1, s4;
	s21 =	sshll.u32 s14, $0x5;
	[dreg:$0x6] =	wrdreg s12  }
0xb: {  	s6 =	sshll.u32 s14, $0x7;
	s8 =	smul.u32 $0x14000, s14;
	[dreg:$0x7] =	wrdreg s13  }
0xc: {  	s4 =	sadd.s32 $0xB600, s0;
	s15 =	smul.u32 $0x50000, s14;
	[dreg:$0x9] =	wrdreg s16  }
0xd: {  	s20 =	sshll.u32 s14, $0x6;
	p0 =	seq.s32 s5, $0x0;
	[dreg:$0xa] =	wrdreg s17  }
0xe: {  	s7 =	sor.u32 $0x800, s21;
	s22 =	smul.u32 $0x140000, s5;
	[dreg:$0xb] =	wrdreg s18  }
0xf: {  	s5 =	ssub.s32 $0x2, s5;
	s12 =	simm.s32 $0x900;
	[dreg:$0xc] =	wrdreg s19  }
0x10: {  	s21 =	simm.s32 $0x300;
	s25 =	simm.s32 $0xB00;
	[dreg:$0x8] =	wrdreg s12  }
0x11: {  	s16 =	simm.s32 $0xC80;
	s17 =	simm.s32 $0x580;
	[dreg:$0xd] =	wrdreg s21  }
0x12: {  	s18 =	simm.s32 $0xD00;
	s19 =	simm.s32 $0x600;
	[dreg:$0x10] =	wrdreg s25  }
0x13: {  	s7 =	smov.u32 @p0 s6;
	s23 =	sshrl.u32 s8, $0x3;
	[dreg:$0x14] =	wrdreg s16  }
0x14: {  	s11 =	simm.s32 @!p0 $0x20;
	s26 =	sshrl.u32 s5, $0x1;
	[dreg:$0x15] =	wrdreg s17  }
0x15: {  	s12 =	simm.s32 $0x480;
	s16 =	simm.s32 $0x9;
	[dreg:$0x16] =	wrdreg s18  }
0x16: {  	s17 =	simm.s32 $0x800;
	[dreg:$0x17] =	wrdreg s19;
	s18 =	simm.s32 $0x5  }
0x17: {  	s21 =	simm.s32 $0x680;
	s19 =	simm.s32 $0x7;
	s25 =	simm.s32 $0x780  }
0x18: {  	s9 =	sshll.u32 s7, $0x4;
	s6 =	sadd.s32 s8, s22;
	[dreg:$0x12] =	wrdreg s12  }
0x19: {  	s7 =	sadd.s32 s23, s0;
	s24 =	sadd.s32 $0xFFFFFFF0, s11;
	[dreg:$0x19] =	wrdreg s21  }
0x1a: {  	s8 =	ssub.s32 s5, s26;
	s5 =	simm.s32 $0x80;
	[dreg:$0x1d] =	wrdreg s25  }
0x1b: {  	s22 =	simm.s32 $0xA80;
	s26 =	sshrl.u32 s11, $0x4;
	[dreg:$0x4] =	wrdreg s24  }
0x1c: {  	s11 =	simm.s32 $0xB80;
	s21 =	simm.s32 $0x400;
	[dreg:$0xe] =	wrdreg s22  }
0x1d: {  	s25 =	simm.s32 $0x3;
	s10 =	sadd.s32 s9, s0;
	[smem:$0x7FA] =	sst s26  }
0x1e: {  	s6 =	sshrl.u32 s6, $0x3;
	s7 =	sadd.s32 $0x33600, s7;
	[dreg:$0x11] =	wrdreg s11  }
0x1f: {  	s24 =	simm.s32 $0x380;
	s9 =	sadd.s32 s1, s9;
	[dreg:$0x1f] =	wrdreg s7  }
0x20: {  	s14 =	smax.u32 s8, $0x1;
	s22 =	simm.s32 $0xE00;
	[dreg:$0xf] =	wrdreg s24  }
0x21: {  	s26 =	simm.s32 $0xF00;
	s0 =	sadd.s32 s6, s0;
	[smem:$0x7FC] =	sst s14  }
0x22: {  	s6 =	sshrl.u32 s15, $0x2;
	s7 =	sor.u32 $0x1C09, s20;
	[smem:$0x7FD] =	sst s9  }
0x23: {  	s23 =	sadd.s32 $0x1600, s10;
	s15 =	simm.s32 $0x500;
	[dreg:$0x1a] =	wrdreg s22  }
0x24: {  	s1 =	sadd.s32 $0x100, s9;
	s20 =	simm.s32 $0xD80;
	[dreg:$0x1e] =	wrdreg s26  }
0x25: {  	s24 =	simm.s32 $0xE80;
	s22 =	simm.s32 $0xC00;
	[smem:$0x7F9] =	sst s23  }
0x26: {  	s26 =	simm.s32 $0x2;
	s13 =	sadd.s32 s6, s2;
	[dreg:$0x13] =	wrdreg s15  }
0x27: {  	s0 =	sadd.s32 $0x5B600, s0;
	s6 =	sadd.s32 $0x1700, s10;
	[dreg:$0x18] =	wrdreg s20  }
0x28: {  	s20 =	simm.s32 $0x1000;
	s23 =	simm.s32 $0x700;
	[dreg:$0x1c] =	wrdreg s24  }
0x29: {  	s24 =	simm.s32 $0x1;
	[smem:$0x7FB] =	sst s0;
	s15 =	sshrl.u32 s13, $0x3  }
0x2a: {  	[dreg:$0x1b] =	wrdreg s23;
	s23 =	simm.s32 $0x5000;
	s0 =	simm.s32 $0x0  }
.LBB2_1:
0x2b: {  	s8 =	rddreg [dreg:$0x1f]  }
0x2c: {  	[spmem:s15], [sflag:s7] =	dma.local [hbm:s8], $0x2800  }
0x2d: {  	_ =	swait.ge [sflag:s16], $0x2800  }
0x2e: {  	s12 =	sld [smem:$0x7F9]  }
0x2f: {  	[sflag:s16] =	ssyncset.done $0x0  }
0x30: {  	s13 =	sld [smem:$0x7FD];
	[sflag:s16] =	ssyncadd.s32 $0xFFFFD800  }
0x31: {  	[tilespmem:s3], [sflag:$0x5] =	stream.linear.gather [hbm4b:s12+s3], $0x400, $0x38;
	[tilespmem:$0x1D000] =	vst v63  }
0x32: {  	_ = 	snop  }
0x33: {  	[tilespmem:s17], [sflag:$0x7] =	stream.linear.gather [hbm4b:s13+s3], $0x400, $0x38;
	[tilespmem:$0x1D000] =	vst v63  }
0x34: {  	[bflag:$0x0] =	sbarrier.arrive $0xFFFF  }
0x35: {  	_ =	swait.ge [sflag:s18], $0x400  }
0x36: {  	[sflag:s18] =	ssyncset.done $0x0  }
0x37: {  	[sflag:s18] =	ssyncadd.s32 $0xFFFFFC00  }
0x38: {  	_ =	swait.ge [sflag:s19], $0x400  }
0x39: {  	s14 =	sld [smem:$0x7FA];
	_ =	sdelay $0x2  }
0x3a: {  	s8 =	sadd.s32 $0xFFFFFFFF, s14  }
0x3b: {  	p1 =	sne.s32 s8, $0x0  }
.Ltmp0:
0x3c: {  	_ = 	snop;
	(pc) =	sbr.rel @!p1 .LBB2_2-.Ltmp0, $4  }
0x3d: {  	_ = 	snop  }
0x3e: {  	[sflag:s19] =	ssyncset.done $0x0  }
0x3f: {  	p2 =	por $0x1, $0x1;
	p0 =	por $0x0, $0x0;
	[sflag:s19] =	ssyncadd.s32 $0xFFFFFC00  }
0x40: {  	[tilespmem:s20], [sflag:$0x1] =	stream.indirect.gather [hbm4b:s4+s5], $0x80, s3, s5, $0xb8;
	[tilespmem:$0x1D000] =	vst v63  }
0x41: {  	s10 =	simm.s32 @!p2 $0x4  }
0x42: {  	_ =	swait.ge @!p2 [sflag:s10], $0x4000  }
0x43: {  	[sflag:s10] =	ssyncset.done @!p2 $0x0  }
0x44: {  	s14 =	sadd.s32 $0xFFFFFF80, s6;
	[sflag:s10] =	ssyncadd.s32 @!p2 $0xFFFFC000  }
0x45: {  	[tilespmem:s21], [sflag:$0x6] =	stream.linear.gather [hbm4b:s14+s3], $0x400, $0x38;
	[tilespmem:$0x1D000] =	vst v63  }
0x46: {  	s9 =	sadd.s32 $0xFFFFFF80, s1  }
0x47: {  	[tilespmem:s22], [sflag:$0x8] =	stream.linear.gather [hbm4b:s9+s3], $0x400, $0x38;
	[tilespmem:$0x1D000] =	vst v63  }
0x48: {  	_ = 	snop  }
0x49: {  	[tilespmem:s23], [sflag:$0x2] =	stream.indirect.gather [hbm4b:s4+s5], $0x80, s5, s5, $0xb8;
	[tilespmem:$0x1D000] =	vst v63  }
0x4a: {  	_ =	swait.ge [sflag:s24], $0x4000  }
0x4b: {  	[sflag:s24] =	ssyncset.done $0x0  }
0x4c: {  	[sflag:s24] =	ssyncadd.s32 $0xFFFFC000  }
0x4d: {  	[spmem:s2] =	stream.indirect.scatter.add.f32 [tilespmem:s20], [sflag:$0x3], $0x80, s17, s5, $0xb8;
	[tilespmem:$0x1D000] =	vst v63  }
0x4e: {  	_ =	swait.ge [sflag:s25], $0x4000  }
0x4f: {  	[sflag:s25] =	ssyncset.done $0x0  }
0x50: {  	s11 =	rddreg [dreg:$0x5];
	[sflag:s25] =	ssyncadd.s32 $0xFFFFC000  }
0x51: {  	[tilespmem:s20], [sflag:$0x1] =	stream.indirect.gather [hbm4b:s4+s5], $0x80, s11, s5, $0xb8;
	[tilespmem:$0x1D000] =	vst v63  }
0x52: {  	_ =	swait.ge [sflag:s26], $0x4000  }
0x53: {  	[sflag:s26] =	ssyncset.done $0x0  }
0x54: {  	s12 =	rddreg [dreg:$0x6];
	[sflag:s26] =	ssyncadd.s32 $0xFFFFC000  }
0x55: {  	[spmem:s2] =	stream.indirect.scatter.add.f32 [tilespmem:s23], [sflag:$0x4], $0x80, s12, s5, $0xb8;
	[tilespmem:$0x1D000] =	vst v63  }
0x56: {  	_ =	swait.ge [sflag:s28], $0x4000  }
0x57: {  	[sflag:s28] =	ssyncset.done $0x0  }
0x58: {  	s13 =	rddreg [dreg:$0x7];
	[sflag:s28] =	ssyncadd.s32 $0xFFFFC000  }
0x59: {  	[tilespmem:s23], [sflag:$0x2] =	stream.indirect.gather [hbm4b:s4+s5], $0x80, s13, s5, $0xb8;
	[tilespmem:$0x1D000] =	vst v63  }
0x5a: {  	_ =	swait.ge [sflag:s24], $0x4000  }
0x5b: {  	[sflag:s24] =	ssyncset.done $0x0  }
0x5c: {  	s14 =	rddreg [dreg:$0x8];
	[sflag:s24] =	ssyncadd.s32 $0xFFFFC000  }
0x5d: {  	[spmem:s2] =	stream.indirect.scatter.add.f32 [tilespmem:s20], [sflag:$0x3], $0x80, s14, s5, $0xb8;
	[tilespmem:$0x1D000] =	vst v63  }
0x5e: {  	_ =	swait.ge [sflag:s25], $0x4000  }
0x5f: {  	[sflag:s25] =	ssyncset.done $0x0  }
0x60: {  	s9 =	rddreg [dreg:$0x9];
	[sflag:s25] =	ssyncadd.s32 $0xFFFFC000  }
0x61: {  	[tilespmem:s20], [sflag:$0x1] =	stream.indirect.gather [hbm4b:s4+s5], $0x80, s9, s5, $0xb8;
	[tilespmem:$0x1D000] =	vst v63  }
0x62: {  	_ =	swait.ge [sflag:s26], $0x4000  }
0x63: {  	[sflag:s26] =	ssyncset.done $0x0  }
0x64: {  	s11 =	rddreg [dreg:$0xa];
	[sflag:s26] =	ssyncadd.s32 $0xFFFFC000  }
0x65: {  	[spmem:s2] =	stream.indirect.scatter.add.f32 [tilespmem:s23], [sflag:$0x4], $0x80, s11, s5, $0xb8;
	[tilespmem:$0x1D000] =	vst v63  }
0x66: {  	_ =	swait.ge [sflag:s28], $0x4000  }
0x67: {  	[sflag:s28] =	ssyncset.done $0x0  }
0x68: {  	s12 =	rddreg [dreg:$0xb];
	[sflag:s28] =	ssyncadd.s32 $0xFFFFC000  }
0x69: {  	[tilespmem:s23], [sflag:$0x2] =	stream.indirect.gather [hbm4b:s4+s5], $0x80, s12, s5, $0xb8;
	[tilespmem:$0x1D000] =	vst v63  }
0x6a: {  	_ =	swait.ge [sflag:s24], $0x4000  }
0x6b: {  	[sflag:s24] =	ssyncset.done $0x0  }
0x6c: {  	s13 =	rddreg [dreg:$0xc];
	[sflag:s24] =	ssyncadd.s32 $0xFFFFC000  }
0x6d: {  	[spmem:s2] =	stream.indirect.scatter.add.f32 [tilespmem:s20], [sflag:$0x3], $0x80, s13, s5, $0xb8;
	[tilespmem:$0x1D000] =	vst v63  }
0x6e: {  	_ =	swait.ge [sflag:s25], $0x4000  }
0x6f: {  	[sflag:s25] =	ssyncset.done $0x0  }
0x70: {  	s14 =	rddreg [dreg:$0xd];
	[sflag:s25] =	ssyncadd.s32 $0xFFFFC000  }
0x71: {  	[tilespmem:s20], [sflag:$0x1] =	stream.indirect.gather [hbm4b:s4+s5], $0x80, s14, s5, $0xb8;
	[tilespmem:$0x1D000] =	vst v63  }
0x72: {  	_ =	swait.ge [sflag:s26], $0x4000  }
0x73: {  	[sflag:s26] =	ssyncset.done $0x0  }
0x74: {  	s9 =	rddreg [dreg:$0xe];
	[sflag:s26] =	ssyncadd.s32 $0xFFFFC000  }
0x75: {  	[spmem:s2] =	stream.indirect.scatter.add.f32 [tilespmem:s23], [sflag:$0x4], $0x80, s9, s5, $0xb8;
	[tilespmem:$0x1D000] =	vst v63  }
0x76: {  	_ =	swait.ge [sflag:s28], $0x4000  }
0x77: {  	[sflag:s28] =	ssyncset.done $0x0  }
0x78: {  	s11 =	rddreg [dreg:$0xf];
	[sflag:s28] =	ssyncadd.s32 $0xFFFFC000  }
0x79: {  	[tilespmem:s23], [sflag:$0x2] =	stream.indirect.gather [hbm4b:s4+s5], $0x80, s11, s5, $0xb8;
	[tilespmem:$0x1D000] =	vst v63  }
0x7a: {  	_ =	swait.ge [sflag:s24], $0x4000  }
0x7b: {  	[sflag:s24] =	ssyncset.done $0x0  }
0x7c: {  	s12 =	rddreg [dreg:$0x10];
	[sflag:s24] =	ssyncadd.s32 $0xFFFFC000  }
0x7d: {  	[spmem:s2] =	stream.indirect.scatter.add.f32 [tilespmem:s20], [sflag:$0x3], $0x80, s12, s5, $0xb8;
	[tilespmem:$0x1D000] =	vst v63  }
0x7e: {  	_ =	swait.ge [sflag:s25], $0x4000  }
0x7f: {  	[sflag:s25] =	ssyncset.done $0x0  }
0x80: {  	[sflag:s25] =	ssyncadd.s32 $0xFFFFC000  }
0x81: {  	_ =	swait.ge [sflag:s29], $0x400  }
0x82: {  	[sflag:s29] =	ssyncset.done $0x0  }
0x83: {  	[sflag:s29] =	ssyncadd.s32 $0xFFFFFC00  }
0x84: {  	_ =	swait.ge [sflag:s30], $0x400  }
0x85: {  	[sflag:s30] =	ssyncset.done $0x0  }
0x86: {  	[sflag:s30] =	ssyncadd.s32 $0xFFFFFC00  }
0x87: {  	[tilespmem:s20], [sflag:$0x1] =	stream.indirect.gather [hbm4b:s4+s5], $0x80, s21, s5, $0xb8;
	[tilespmem:$0x1D000] =	vst v63  }
0x88: {  	_ =	swait.ge [sflag:s26], $0x4000  }
0x89: {  	[sflag:s26] =	ssyncset.done $0x0  }
0x8a: {  	s13 =	rddreg [dreg:$0x11];
	[sflag:s26] =	ssyncadd.s32 $0xFFFFC000  }
0x8b: {  	[spmem:s2] =	stream.indirect.scatter.add.f32 [tilespmem:s23], [sflag:$0x4], $0x80, s13, s5, $0xb8;
	[tilespmem:$0x1D000] =	vst v63  }
0x8c: {  	_ =	swait.ge [sflag:s28], $0x4000  }
0x8d: {  	s14 =	rddreg [dreg:$0x4]  }
0x8e: {  	[sflag:s28] =	ssyncset.done $0x0;
	p0 =	sle.s32 s14, $0x0  }
0x8f: {  	[sflag:s28] =	ssyncadd.s32 $0xFFFFC000;
	s11 =	simm.s32 @!p0 $0x0  }
0x90: {  	[tilespmem:s11], [sflag:$0x5] =	stream.linear.gather @!p0 [hbm4b:s6+s11], $0x400, $0x38;
	[tilespmem:$0x1D000] =	vst v63  }
0x91: {  	s10 =	simm.s32 @!p0 $0x800  }
0x92: {  	[tilespmem:s10], [sflag:$0x7] =	stream.linear.gather @!p0 [hbm4b:s1+s11], $0x400, $0x38;
	[tilespmem:$0x1D000] =	vst v63  }
0x93: {  	s13 =	rddreg [dreg:$0x12]  }
0x94: {  	[tilespmem:s23], [sflag:$0x2] =	stream.indirect.gather [hbm4b:s4+s5], $0x80, s13, s5, $0xb8;
	[tilespmem:$0x1D000] =	vst v63  }
0x95: {  	_ =	swait.ge [sflag:s24], $0x4000  }
0x96: {  	[sflag:s24] =	ssyncset.done $0x0  }
0x97: {  	[sflag:s24] =	ssyncadd.s32 $0xFFFFC000  }
0x98: {  	[spmem:s2] =	stream.indirect.scatter.add.f32 [tilespmem:s20], [sflag:$0x3], $0x80, s22, s5, $0xb8;
	[tilespmem:$0x1D000] =	vst v63  }
0x99: {  	_ =	swait.ge [sflag:s25], $0x4000  }
0x9a: {  	[sflag:s25] =	ssyncset.done $0x0  }
0x9b: {  	s9 =	rddreg [dreg:$0x13];
	[sflag:s25] =	ssyncadd.s32 $0xFFFFC000  }
0x9c: {  	[tilespmem:s20], [sflag:$0x1] =	stream.indirect.gather [hbm4b:s4+s5], $0x80, s9, s5, $0xb8;
	[tilespmem:$0x1D000] =	vst v63  }
0x9d: {  	_ =	swait.ge [sflag:s26], $0x4000  }
0x9e: {  	[sflag:s26] =	ssyncset.done $0x0  }
0x9f: {  	s12 =	rddreg [dreg:$0x14];
	[sflag:s26] =	ssyncadd.s32 $0xFFFFC000  }
0xa0: {  	[spmem:s2] =	stream.indirect.scatter.add.f32 [tilespmem:s23], [sflag:$0x4], $0x80, s12, s5, $0xb8;
	[tilespmem:$0x1D000] =	vst v63  }
0xa1: {  	_ =	swait.ge [sflag:s28], $0x4000  }
0xa2: {  	[sflag:s28] =	ssyncset.done $0x0  }
0xa3: {  	s13 =	rddreg [dreg:$0x15];
	[sflag:s28] =	ssyncadd.s32 $0xFFFFC000  }
0xa4: {  	[tilespmem:s23], [sflag:$0x2] =	stream.indirect.gather [hbm4b:s4+s5], $0x80, s13, s5, $0xb8;
	[tilespmem:$0x1D000] =	vst v63  }
0xa5: {  	_ =	swait.ge [sflag:s24], $0x4000  }
0xa6: {  	[sflag:s24] =	ssyncset.done $0x0  }
0xa7: {  	s14 =	rddreg [dreg:$0x16];
	[sflag:s24] =	ssyncadd.s32 $0xFFFFC000  }
0xa8: {  	[spmem:s2] =	stream.indirect.scatter.add.f32 [tilespmem:s20], [sflag:$0x3], $0x80, s14, s5, $0xb8;
	[tilespmem:$0x1D000] =	vst v63  }
0xa9: {  	_ =	swait.ge [sflag:s25], $0x4000  }
0xaa: {  	[sflag:s25] =	ssyncset.done $0x0  }
0xab: {  	s9 =	rddreg [dreg:$0x17];
	[sflag:s25] =	ssyncadd.s32 $0xFFFFC000  }
0xac: {  	[tilespmem:s20], [sflag:$0x1] =	stream.indirect.gather [hbm4b:s4+s5], $0x80, s9, s5, $0xb8;
	[tilespmem:$0x1D000] =	vst v63  }
0xad: {  	_ =	swait.ge [sflag:s26], $0x4000  }
0xae: {  	[sflag:s26] =	ssyncset.done $0x0  }
0xaf: {  	s12 =	rddreg [dreg:$0x18];
	[sflag:s26] =	ssyncadd.s32 $0xFFFFC000  }
0xb0: {  	[spmem:s2] =	stream.indirect.scatter.add.f32 [tilespmem:s23], [sflag:$0x4], $0x80, s12, s5, $0xb8;
	[tilespmem:$0x1D000] =	vst v63  }
0xb1: {  	_ =	swait.ge [sflag:s28], $0x4000  }
0xb2: {  	[sflag:s28] =	ssyncset.done $0x0  }
0xb3: {  	s13 =	rddreg [dreg:$0x19];
	[sflag:s28] =	ssyncadd.s32 $0xFFFFC000  }
0xb4: {  	[tilespmem:s23], [sflag:$0x2] =	stream.indirect.gather [hbm4b:s4+s5], $0x80, s13, s5, $0xb8;
	[tilespmem:$0x1D000] =	vst v63  }
0xb5: {  	_ =	swait.ge [sflag:s24], $0x4000  }
0xb6: {  	[sflag:s24] =	ssyncset.done $0x0  }
0xb7: {  	s14 =	rddreg [dreg:$0x1a];
	[sflag:s24] =	ssyncadd.s32 $0xFFFFC000  }
0xb8: {  	[spmem:s2] =	stream.indirect.scatter.add.f32 [tilespmem:s20], [sflag:$0x3], $0x80, s14, s5, $0xb8;
	[tilespmem:$0x1D000] =	vst v63  }
0xb9: {  	_ =	swait.ge [sflag:s25], $0x4000  }
0xba: {  	[sflag:s25] =	ssyncset.done $0x0  }
0xbb: {  	s9 =	rddreg [dreg:$0x1b];
	[sflag:s25] =	ssyncadd.s32 $0xFFFFC000  }
0xbc: {  	[tilespmem:s20], [sflag:$0x1] =	stream.indirect.gather [hbm4b:s4+s5], $0x80, s9, s5, $0xb8;
	[tilespmem:$0x1D000] =	vst v63  }
0xbd: {  	_ =	swait.ge [sflag:s26], $0x4000  }
0xbe: {  	[sflag:s26] =	ssyncset.done $0x0  }
0xbf: {  	s12 =	rddreg [dreg:$0x1c];
	[sflag:s26] =	ssyncadd.s32 $0xFFFFC000  }
0xc0: {  	[spmem:s2] =	stream.indirect.scatter.add.f32 [tilespmem:s23], [sflag:$0x4], $0x80, s12, s5, $0xb8;
	[tilespmem:$0x1D000] =	vst v63  }
0xc1: {  	_ =	swait.ge [sflag:s28], $0x4000  }
0xc2: {  	[sflag:s28] =	ssyncset.done $0x0  }
0xc3: {  	s13 =	rddreg [dreg:$0x1d];
	[sflag:s28] =	ssyncadd.s32 $0xFFFFC000  }
0xc4: {  	[tilespmem:s23], [sflag:$0x2] =	stream.indirect.gather [hbm4b:s4+s5], $0x80, s13, s5, $0xb8;
	[tilespmem:$0x1D000] =	vst v63  }
0xc5: {  	_ =	swait.ge [sflag:s24], $0x4000  }
0xc6: {  	[sflag:s24] =	ssyncset.done $0x0  }
0xc7: {  	s14 =	rddreg [dreg:$0x1e];
	[sflag:s24] =	ssyncadd.s32 $0xFFFFC000  }
0xc8: {  	[spmem:s2] =	stream.indirect.scatter.add.f32 [tilespmem:s20], [sflag:$0x3], $0x80, s14, s5, $0xb8;
	[tilespmem:$0x1D000] =	vst v63  }
0xc9: {  	_ =	swait.ge [sflag:s25], $0x4000  }
0xca: {  	[sflag:s25] =	ssyncset.done $0x0  }
0xcb: {  	s10 =	simm.s32 @!p0 $0x5;
	[sflag:s25] =	ssyncadd.s32 $0xFFFFC000  }
0xcc: {  	_ =	swait.ge @!p0 [sflag:s10], $0x400  }
0xcd: {  	[sflag:s10] =	ssyncset.done @!p0 $0x0  }
0xce: {  	s13 =	simm.s32 @!p0 $0x7;
	[sflag:s10] =	ssyncadd.s32 @!p0 $0xFFFFFC00;
	s10 =	sadd.s32 $0xFFFFFFFF, s8  }
0xcf: {  	_ =	swait.ge @!p0 [sflag:s13], $0x400;
	p1 =	sne.s32 s10, $0x0  }
.Ltmp1:
0xd0: {  	p2 =	por $0x0, $0x0;
	[sflag:s13] =	ssyncset.done @!p0 $0x0;
	(pc) =	sbr.rel @!p1 .LBB2_5-.Ltmp1, $4  }
0xd1: {  	s8 =	simm.s32 @!p0 $0x80;
	[sflag:s13] =	ssyncadd.s32 @!p0 $0xFFFFFC00;
	s13 =	simm.s32 @!p0 $0x1000  }
0xd2: {  	[tilespmem:s13], [sflag:$0x1] =	stream.indirect.gather @!p0 [hbm4b:s4+s8], $0x80, s11, s8, $0xb8;
	[tilespmem:$0x1D000] =	vst v63  }
0xd3: {  	s14 =	sadd.s32 $0x100, s1;
	s8 =	simm.s32 $0x10;
	_ =	swait.ge [sflag:s26], $0x4000  }
0xd4: {  	s13 =	sadd.s32 $0x100, s6;
	p0 =	por $0x1, $0x1;
	[sflag:s26] =	ssyncset.done $0x0  }
.LBB2_4:
0xd5: {  	s11 =	simm.s32 @!p2 $0x4;
	[sflag:s26] =	ssyncadd.s32 $0xFFFFC000  }
0xd6: {  	[spmem:s2] =	stream.indirect.scatter.add.f32 [tilespmem:s23], [sflag:$0x4], $0x80, s31, s5, $0xb8;
	[tilespmem:$0x1D000] =	vst v63  }
0xd7: {  	_ =	swait.ge @!p2 [sflag:s11], $0x4000  }
0xd8: {  	[sflag:s11] =	ssyncset.done @!p2 $0x0  }
0xd9: {  	s12 =	sadd.s32 $0xFFFFFF80, s13;
	[sflag:s11] =	ssyncadd.s32 @!p2 $0xFFFFC000  }
0xda: {  	[tilespmem:s21], [sflag:$0x6] =	stream.linear.gather [hbm4b:s12+s3], $0x400, $0x38;
	[tilespmem:$0x1D000] =	vst v63  }
0xdb: {  	s9 =	sadd.s32 $0xFFFFFF80, s14  }
0xdc: {  	[tilespmem:s22], [sflag:$0x8] =	stream.linear.gather [hbm4b:s9+s3], $0x400, $0x38;
	[tilespmem:$0x1D000] =	vst v63  }
0xdd: {  	_ = 	snop  }
0xde: {  	[tilespmem:s23], [sflag:$0x2] =	stream.indirect.gather [hbm4b:s4+s5], $0x80, s5, s5, $0xb8;
	[tilespmem:$0x1D000] =	vst v63  }
0xdf: {  	_ =	swait.ge [sflag:s24], $0x4000  }
0xe0: {  	[sflag:s24] =	ssyncset.done $0x0  }
0xe1: {  	[sflag:s24] =	ssyncadd.s32 $0xFFFFC000  }
0xe2: {  	[spmem:s2] =	stream.indirect.scatter.add.f32 [tilespmem:s20], [sflag:$0x3], $0x80, s17, s5, $0xb8;
	[tilespmem:$0x1D000] =	vst v63  }
0xe3: {  	_ =	swait.ge [sflag:s25], $0x4000  }
0xe4: {  	[sflag:s25] =	ssyncset.done $0x0  }
0xe5: {  	s12 =	rddreg [dreg:$0x5];
	[sflag:s25] =	ssyncadd.s32 $0xFFFFC000  }
0xe6: {  	[tilespmem:s20], [sflag:$0x1] =	stream.indirect.gather [hbm4b:s4+s5], $0x80, s12, s5, $0xb8;
	[tilespmem:$0x1D000] =	vst v63  }
0xe7: {  	_ =	swait.ge [sflag:s26], $0x4000  }
0xe8: {  	[sflag:s26] =	ssyncset.done $0x0  }
0xe9: {  	s9 =	rddreg [dreg:$0x6];
	[sflag:s26] =	ssyncadd.s32 $0xFFFFC000  }
0xea: {  	[spmem:s2] =	stream.indirect.scatter.add.f32 [tilespmem:s23], [sflag:$0x4], $0x80, s9, s5, $0xb8;
	[tilespmem:$0x1D000] =	vst v63  }
0xeb: {  	_ =	swait.ge [sflag:s28], $0x4000  }
0xec: {  	[sflag:s28] =	ssyncset.done $0x0  }
0xed: {  	s12 =	rddreg [dreg:$0x7];
	[sflag:s28] =	ssyncadd.s32 $0xFFFFC000  }
0xee: {  	[tilespmem:s23], [sflag:$0x2] =	stream.indirect.gather [hbm4b:s4+s5], $0x80, s12, s5, $0xb8;
	[tilespmem:$0x1D000] =	vst v63  }
0xef: {  	_ =	swait.ge [sflag:s24], $0x4000  }
0xf0: {  	[sflag:s24] =	ssyncset.done $0x0  }
0xf1: {  	s9 =	rddreg [dreg:$0x8];
	[sflag:s24] =	ssyncadd.s32 $0xFFFFC000  }
0xf2: {  	[spmem:s2] =	stream.indirect.scatter.add.f32 [tilespmem:s20], [sflag:$0x3], $0x80, s9, s5, $0xb8;
	[tilespmem:$0x1D000] =	vst v63  }
0xf3: {  	_ =	swait.ge [sflag:s25], $0x4000  }
0xf4: {  	[sflag:s25] =	ssyncset.done $0x0  }
0xf5: {  	s12 =	rddreg [dreg:$0x9];
	[sflag:s25] =	ssyncadd.s32 $0xFFFFC000  }
0xf6: {  	[tilespmem:s20], [sflag:$0x1] =	stream.indirect.gather [hbm4b:s4+s5], $0x80, s12, s5, $0xb8;
	[tilespmem:$0x1D000] =	vst v63  }
0xf7: {  	_ =	swait.ge [sflag:s26], $0x4000  }
0xf8: {  	[sflag:s26] =	ssyncset.done $0x0  }
0xf9: {  	s9 =	rddreg [dreg:$0xa];
	[sflag:s26] =	ssyncadd.s32 $0xFFFFC000  }
0xfa: {  	[spmem:s2] =	stream.indirect.scatter.add.f32 [tilespmem:s23], [sflag:$0x4], $0x80, s9, s5, $0xb8;
	[tilespmem:$0x1D000] =	vst v63  }
0xfb: {  	_ =	swait.ge [sflag:s28], $0x4000  }
0xfc: {  	[sflag:s28] =	ssyncset.done $0x0  }
0xfd: {  	s12 =	rddreg [dreg:$0xb];
	[sflag:s28] =	ssyncadd.s32 $0xFFFFC000  }
0xfe: {  	[tilespmem:s23], [sflag:$0x2] =	stream.indirect.gather [hbm4b:s4+s5], $0x80, s12, s5, $0xb8;
	[tilespmem:$0x1D000] =	vst v63  }
0xff: {  	_ =	swait.ge [sflag:s24], $0x4000  }
0x100: {  	[sflag:s24] =	ssyncset.done $0x0  }
0x101: {  	s9 =	rddreg [dreg:$0xc];
	[sflag:s24] =	ssyncadd.s32 $0xFFFFC000  }
0x102: {  	[spmem:s2] =	stream.indirect.scatter.add.f32 [tilespmem:s20], [sflag:$0x3], $0x80, s9, s5, $0xb8;
	[tilespmem:$0x1D000] =	vst v63  }
0x103: {  	_ =	swait.ge [sflag:s25], $0x4000  }
0x104: {  	[sflag:s25] =	ssyncset.done $0x0  }
0x105: {  	s12 =	rddreg [dreg:$0xd];
	[sflag:s25] =	ssyncadd.s32 $0xFFFFC000  }
0x106: {  	[tilespmem:s20], [sflag:$0x1] =	stream.indirect.gather [hbm4b:s4+s5], $0x80, s12, s5, $0xb8;
	[tilespmem:$0x1D000] =	vst v63  }
0x107: {  	_ =	swait.ge [sflag:s26], $0x4000  }
0x108: {  	[sflag:s26] =	ssyncset.done $0x0  }
0x109: {  	s9 =	rddreg [dreg:$0xe];
	[sflag:s26] =	ssyncadd.s32 $0xFFFFC000  }
0x10a: {  	[spmem:s2] =	stream.indirect.scatter.add.f32 [tilespmem:s23], [sflag:$0x4], $0x80, s9, s5, $0xb8;
	[tilespmem:$0x1D000] =	vst v63  }
0x10b: {  	_ =	swait.ge [sflag:s28], $0x4000  }
0x10c: {  	[sflag:s28] =	ssyncset.done $0x0  }
0x10d: {  	s12 =	rddreg [dreg:$0xf];
	[sflag:s28] =	ssyncadd.s32 $0xFFFFC000  }
0x10e: {  	[tilespmem:s23], [sflag:$0x2] =	stream.indirect.gather [hbm4b:s4+s5], $0x80, s12, s5, $0xb8;
	[tilespmem:$0x1D000] =	vst v63  }
0x10f: {  	_ =	swait.ge [sflag:s24], $0x4000  }
0x110: {  	[sflag:s24] =	ssyncset.done $0x0  }
0x111: {  	s9 =	rddreg [dreg:$0x10];
	[sflag:s24] =	ssyncadd.s32 $0xFFFFC000  }
0x112: {  	[spmem:s2] =	stream.indirect.scatter.add.f32 [tilespmem:s20], [sflag:$0x3], $0x80, s9, s5, $0xb8;
	[tilespmem:$0x1D000] =	vst v63  }
0x113: {  	_ =	swait.ge [sflag:s25], $0x4000  }
0x114: {  	[sflag:s25] =	ssyncset.done $0x0  }
0x115: {  	[sflag:s25] =	ssyncadd.s32 $0xFFFFC000  }
0x116: {  	_ =	swait.ge [sflag:s29], $0x400  }
0x117: {  	[sflag:s29] =	ssyncset.done $0x0  }
0x118: {  	[sflag:s29] =	ssyncadd.s32 $0xFFFFFC00  }
0x119: {  	_ =	swait.ge [sflag:s30], $0x400  }
0x11a: {  	[sflag:s30] =	ssyncset.done $0x0  }
0x11b: {  	[sflag:s30] =	ssyncadd.s32 $0xFFFFFC00  }
0x11c: {  	[tilespmem:s20], [sflag:$0x1] =	stream.indirect.gather [hbm4b:s4+s5], $0x80, s21, s5, $0xb8;
	[tilespmem:$0x1D000] =	vst v63  }
0x11d: {  	_ =	swait.ge [sflag:s26], $0x4000  }
0x11e: {  	[sflag:s26] =	ssyncset.done $0x0  }
0x11f: {  	s12 =	rddreg [dreg:$0x11];
	[sflag:s26] =	ssyncadd.s32 $0xFFFFC000  }
0x120: {  	[spmem:s2] =	stream.indirect.scatter.add.f32 [tilespmem:s23], [sflag:$0x4], $0x80, s12, s5, $0xb8;
	[tilespmem:$0x1D000] =	vst v63  }
0x121: {  	_ =	swait.ge [sflag:s28], $0x4000  }
0x122: {  	s9 =	rddreg [dreg:$0x4]  }
0x123: {  	[sflag:s28] =	ssyncset.done $0x0;
	p2 =	sge.s32 s8, s9  }
0x124: {  	[sflag:s28] =	ssyncadd.s32 $0xFFFFC000;
	s11 =	simm.s32 @!p2 $0x0  }
0x125: {  	[tilespmem:s11], [sflag:$0x5] =	stream.linear.gather @!p2 [hbm4b:s13+s11], $0x400, $0x38;
	[tilespmem:$0x1D000] =	vst v63  }
0x126: {  	s12 =	simm.s32 @!p2 $0x800  }
0x127: {  	[tilespmem:s12], [sflag:$0x7] =	stream.linear.gather @!p2 [hbm4b:s14+s11], $0x400, $0x38;
	[tilespmem:$0x1D000] =	vst v63  }
0x128: {  	s9 =	rddreg [dreg:$0x12]  }
0x129: {  	[tilespmem:s23], [sflag:$0x2] =	stream.indirect.gather [hbm4b:s4+s5], $0x80, s9, s5, $0xb8;
	[tilespmem:$0x1D000] =	vst v63  }
0x12a: {  	_ =	swait.ge [sflag:s24], $0x4000  }
0x12b: {  	[sflag:s24] =	ssyncset.done $0x0  }
0x12c: {  	[sflag:s24] =	ssyncadd.s32 $0xFFFFC000  }
0x12d: {  	[spmem:s2] =	stream.indirect.scatter.add.f32 [tilespmem:s20], [sflag:$0x3], $0x80, s22, s5, $0xb8;
	[tilespmem:$0x1D000] =	vst v63  }
0x12e: {  	_ =	swait.ge [sflag:s25], $0x4000  }
0x12f: {  	[sflag:s25] =	ssyncset.done $0x0  }
0x130: {  	s12 =	rddreg [dreg:$0x13];
	[sflag:s25] =	ssyncadd.s32 $0xFFFFC000  }
0x131: {  	[tilespmem:s20], [sflag:$0x1] =	stream.indirect.gather [hbm4b:s4+s5], $0x80, s12, s5, $0xb8;
	[tilespmem:$0x1D000] =	vst v63  }
0x132: {  	_ =	swait.ge [sflag:s26], $0x4000  }
0x133: {  	[sflag:s26] =	ssyncset.done $0x0  }
0x134: {  	s12 =	rddreg [dreg:$0x14];
	[sflag:s26] =	ssyncadd.s32 $0xFFFFC000  }
0x135: {  	[spmem:s2] =	stream.indirect.scatter.add.f32 [tilespmem:s23], [sflag:$0x4], $0x80, s12, s5, $0xb8;
	[tilespmem:$0x1D000] =	vst v63  }
0x136: {  	_ =	swait.ge [sflag:s28], $0x4000  }
0x137: {  	[sflag:s28] =	ssyncset.done $0x0  }
0x138: {  	s12 =	rddreg [dreg:$0x15];
	[sflag:s28] =	ssyncadd.s32 $0xFFFFC000  }
0x139: {  	[tilespmem:s23], [sflag:$0x2] =	stream.indirect.gather [hbm4b:s4+s5], $0x80, s12, s5, $0xb8;
	[tilespmem:$0x1D000] =	vst v63  }
0x13a: {  	_ =	swait.ge [sflag:s24], $0x4000  }
0x13b: {  	[sflag:s24] =	ssyncset.done $0x0  }
0x13c: {  	s12 =	rddreg [dreg:$0x16];
	[sflag:s24] =	ssyncadd.s32 $0xFFFFC000  }
0x13d: {  	[spmem:s2] =	stream.indirect.scatter.add.f32 [tilespmem:s20], [sflag:$0x3], $0x80, s12, s5, $0xb8;
	[tilespmem:$0x1D000] =	vst v63  }
0x13e: {  	_ =	swait.ge [sflag:s25], $0x4000  }
0x13f: {  	[sflag:s25] =	ssyncset.done $0x0  }
0x140: {  	s12 =	rddreg [dreg:$0x17];
	[sflag:s25] =	ssyncadd.s32 $0xFFFFC000  }
0x141: {  	[tilespmem:s20], [sflag:$0x1] =	stream.indirect.gather [hbm4b:s4+s5], $0x80, s12, s5, $0xb8;
	[tilespmem:$0x1D000] =	vst v63  }
0x142: {  	_ =	swait.ge [sflag:s26], $0x4000  }
0x143: {  	[sflag:s26] =	ssyncset.done $0x0  }
0x144: {  	s12 =	rddreg [dreg:$0x18];
	[sflag:s26] =	ssyncadd.s32 $0xFFFFC000  }
0x145: {  	[spmem:s2] =	stream.indirect.scatter.add.f32 [tilespmem:s23], [sflag:$0x4], $0x80, s12, s5, $0xb8;
	[tilespmem:$0x1D000] =	vst v63  }
0x146: {  	_ =	swait.ge [sflag:s28], $0x4000  }
0x147: {  	[sflag:s28] =	ssyncset.done $0x0  }
0x148: {  	s12 =	rddreg [dreg:$0x19];
	[sflag:s28] =	ssyncadd.s32 $0xFFFFC000  }
0x149: {  	[tilespmem:s23], [sflag:$0x2] =	stream.indirect.gather [hbm4b:s4+s5], $0x80, s12, s5, $0xb8;
	[tilespmem:$0x1D000] =	vst v63  }
0x14a: {  	_ =	swait.ge [sflag:s24], $0x4000  }
0x14b: {  	[sflag:s24] =	ssyncset.done $0x0  }
0x14c: {  	s12 =	rddreg [dreg:$0x1a];
	[sflag:s24] =	ssyncadd.s32 $0xFFFFC000  }
0x14d: {  	[spmem:s2] =	stream.indirect.scatter.add.f32 [tilespmem:s20], [sflag:$0x3], $0x80, s12, s5, $0xb8;
	[tilespmem:$0x1D000] =	vst v63  }
0x14e: {  	_ =	swait.ge [sflag:s25], $0x4000  }
0x14f: {  	[sflag:s25] =	ssyncset.done $0x0  }
0x150: {  	s12 =	rddreg [dreg:$0x1b];
	[sflag:s25] =	ssyncadd.s32 $0xFFFFC000  }
0x151: {  	[tilespmem:s20], [sflag:$0x1] =	stream.indirect.gather [hbm4b:s4+s5], $0x80, s12, s5, $0xb8;
	[tilespmem:$0x1D000] =	vst v63  }
0x152: {  	_ =	swait.ge [sflag:s26], $0x4000  }
0x153: {  	[sflag:s26] =	ssyncset.done $0x0  }
0x154: {  	s12 =	rddreg [dreg:$0x1c];
	[sflag:s26] =	ssyncadd.s32 $0xFFFFC000  }
0x155: {  	[spmem:s2] =	stream.indirect.scatter.add.f32 [tilespmem:s23], [sflag:$0x4], $0x80, s12, s5, $0xb8;
	[tilespmem:$0x1D000] =	vst v63  }
0x156: {  	_ =	swait.ge [sflag:s28], $0x4000  }
0x157: {  	[sflag:s28] =	ssyncset.done $0x0  }
0x158: {  	s12 =	rddreg [dreg:$0x1d];
	[sflag:s28] =	ssyncadd.s32 $0xFFFFC000  }
0x159: {  	[tilespmem:s23], [sflag:$0x2] =	stream.indirect.gather [hbm4b:s4+s5], $0x80, s12, s5, $0xb8;
	[tilespmem:$0x1D000] =	vst v63  }
0x15a: {  	_ =	swait.ge [sflag:s24], $0x4000  }
0x15b: {  	[sflag:s24] =	ssyncset.done $0x0  }
0x15c: {  	s12 =	rddreg [dreg:$0x1e];
	[sflag:s24] =	ssyncadd.s32 $0xFFFFC000  }
0x15d: {  	[spmem:s2] =	stream.indirect.scatter.add.f32 [tilespmem:s20], [sflag:$0x3], $0x80, s12, s5, $0xb8;
	[tilespmem:$0x1D000] =	vst v63  }
0x15e: {  	_ =	swait.ge [sflag:s25], $0x4000  }
0x15f: {  	[sflag:s25] =	ssyncset.done $0x0  }
0x160: {  	s9 =	simm.s32 @!p2 $0x5;
	[sflag:s25] =	ssyncadd.s32 $0xFFFFC000  }
0x161: {  	_ =	swait.ge @!p2 [sflag:s9], $0x400  }
0x162: {  	[sflag:s9] =	ssyncset.done @!p2 $0x0  }
0x163: {  	s10 =	sadd.s32 $0xFFFFFFFF, s10;
	[sflag:s9] =	ssyncadd.s32 @!p2 $0xFFFFFC00;
	s9 =	simm.s32 @!p2 $0x7  }
0x164: {  	p1 =	sne.s32 s10, $0x0;
	_ =	swait.ge @!p2 [sflag:s9], $0x400  }
.Ltmp2:
0x165: {  	[sflag:s9] =	ssyncset.done @!p2 $0x0;
	(pc) =	sbr.rel @p1 .LBB2_4-.Ltmp2, $4  }
0x166: {  	s12 =	simm.s32 @!p2 $0x1000;
	[sflag:s9] =	ssyncadd.s32 @!p2 $0xFFFFFC00;
	s9 =	simm.s32 @!p2 $0x80  }
0x167: {  	[tilespmem:s12], [sflag:$0x1] =	stream.indirect.gather @!p2 [hbm4b:s4+s9], $0x80, s11, s9, $0xb8;
	[tilespmem:$0x1D000] =	vst v63  }
0x168: {  	s8 =	sadd.s32 $0x10, s8;
	s13 =	sadd.s32 $0x100, s13;
	_ =	swait.ge [sflag:s26], $0x4000  }
0x169: {  	s14 =	sadd.s32 $0x100, s14;
	p2 =	seq.s32 s8, $0x0;
	[sflag:s26] =	ssyncset.done $0x0  }
.LBB2_5:
0x16a: {  	s9 =	simm.s32 @!p2 $0x4;
	[sflag:s26] =	ssyncadd.s32 @p0 $0xFFFFC000  }
0x16b: {  	[spmem:s2] =	stream.indirect.scatter.add.f32 @p0 [tilespmem:s23], [sflag:$0x4], $0x80, s31, s5, $0xb8;
	[tilespmem:$0x1D000] =	vst v63  }
0x16c: {  	_ =	swait.ge @!p2 [sflag:s9], $0x4000  }
0x16d: {  	[sflag:s9] =	ssyncset.done @!p2 $0x0  }
0x16e: {  	s10 =	sadd.s32 $0xFFFFFF80, s13;
	[sflag:s9] =	ssyncadd.s32 @!p2 $0xFFFFC000  }
0x16f: {  	[tilespmem:s21], [sflag:$0x6] =	stream.linear.gather [hbm4b:s10+s3], $0x400, $0x38;
	[tilespmem:$0x1D000] =	vst v63  }
0x170: {  	s11 =	sadd.s32 $0xFFFFFF80, s14  }
0x171: {  	[tilespmem:s22], [sflag:$0x8] =	stream.linear.gather [hbm4b:s11+s3], $0x400, $0x38;
	[tilespmem:$0x1D000] =	vst v63  }
0x172: {  	_ = 	snop  }
0x173: {  	[tilespmem:s23], [sflag:$0x2] =	stream.indirect.gather [hbm4b:s4+s5], $0x80, s5, s5, $0xb8;
	[tilespmem:$0x1D000] =	vst v63  }
0x174: {  	_ =	swait.ge [sflag:s24], $0x4000  }
0x175: {  	[sflag:s24] =	ssyncset.done $0x0  }
0x176: {  	[sflag:s24] =	ssyncadd.s32 $0xFFFFC000  }
0x177: {  	[spmem:s2] =	stream.indirect.scatter.add.f32 [tilespmem:s20], [sflag:$0x3], $0x80, s17, s5, $0xb8;
	[tilespmem:$0x1D000] =	vst v63  }
0x178: {  	_ =	swait.ge [sflag:s25], $0x4000  }
0x179: {  	[sflag:s25] =	ssyncset.done $0x0  }
0x17a: {  	s12 =	rddreg [dreg:$0x5];
	[sflag:s25] =	ssyncadd.s32 $0xFFFFC000  }
0x17b: {  	[tilespmem:s20], [sflag:$0x1] =	stream.indirect.gather [hbm4b:s4+s5], $0x80, s12, s5, $0xb8;
	[tilespmem:$0x1D000] =	vst v63  }
0x17c: {  	_ =	swait.ge [sflag:s26], $0x4000  }
0x17d: {  	[sflag:s26] =	ssyncset.done $0x0  }
0x17e: {  	s10 =	rddreg [dreg:$0x6];
	[sflag:s26] =	ssyncadd.s32 $0xFFFFC000  }
0x17f: {  	[spmem:s2] =	stream.indirect.scatter.add.f32 [tilespmem:s23], [sflag:$0x4], $0x80, s10, s5, $0xb8;
	[tilespmem:$0x1D000] =	vst v63  }
0x180: {  	_ =	swait.ge [sflag:s28], $0x4000  }
0x181: {  	[sflag:s28] =	ssyncset.done $0x0  }
0x182: {  	s11 =	rddreg [dreg:$0x7];
	[sflag:s28] =	ssyncadd.s32 $0xFFFFC000  }
0x183: {  	[tilespmem:s23], [sflag:$0x2] =	stream.indirect.gather [hbm4b:s4+s5], $0x80, s11, s5, $0xb8;
	[tilespmem:$0x1D000] =	vst v63  }
0x184: {  	_ =	swait.ge [sflag:s24], $0x4000  }
0x185: {  	[sflag:s24] =	ssyncset.done $0x0  }
0x186: {  	s12 =	rddreg [dreg:$0x8];
	[sflag:s24] =	ssyncadd.s32 $0xFFFFC000  }
0x187: {  	[spmem:s2] =	stream.indirect.scatter.add.f32 [tilespmem:s20], [sflag:$0x3], $0x80, s12, s5, $0xb8;
	[tilespmem:$0x1D000] =	vst v63  }
0x188: {  	_ =	swait.ge [sflag:s25], $0x4000  }
0x189: {  	[sflag:s25] =	ssyncset.done $0x0  }
0x18a: {  	s10 =	rddreg [dreg:$0x9];
	[sflag:s25] =	ssyncadd.s32 $0xFFFFC000  }
0x18b: {  	[tilespmem:s20], [sflag:$0x1] =	stream.indirect.gather [hbm4b:s4+s5], $0x80, s10, s5, $0xb8;
	[tilespmem:$0x1D000] =	vst v63  }
0x18c: {  	_ =	swait.ge [sflag:s26], $0x4000  }
0x18d: {  	[sflag:s26] =	ssyncset.done $0x0  }
0x18e: {  	s11 =	rddreg [dreg:$0xa];
	[sflag:s26] =	ssyncadd.s32 $0xFFFFC000  }
0x18f: {  	[spmem:s2] =	stream.indirect.scatter.add.f32 [tilespmem:s23], [sflag:$0x4], $0x80, s11, s5, $0xb8;
	[tilespmem:$0x1D000] =	vst v63  }
0x190: {  	_ =	swait.ge [sflag:s28], $0x4000  }
0x191: {  	[sflag:s28] =	ssyncset.done $0x0  }
0x192: {  	s12 =	rddreg [dreg:$0xb];
	[sflag:s28] =	ssyncadd.s32 $0xFFFFC000  }
0x193: {  	[tilespmem:s23], [sflag:$0x2] =	stream.indirect.gather [hbm4b:s4+s5], $0x80, s12, s5, $0xb8;
	[tilespmem:$0x1D000] =	vst v63  }
0x194: {  	_ =	swait.ge [sflag:s24], $0x4000  }
0x195: {  	[sflag:s24] =	ssyncset.done $0x0  }
0x196: {  	s10 =	rddreg [dreg:$0xc];
	[sflag:s24] =	ssyncadd.s32 $0xFFFFC000  }
0x197: {  	[spmem:s2] =	stream.indirect.scatter.add.f32 [tilespmem:s20], [sflag:$0x3], $0x80, s10, s5, $0xb8;
	[tilespmem:$0x1D000] =	vst v63  }
0x198: {  	_ =	swait.ge [sflag:s25], $0x4000  }
0x199: {  	[sflag:s25] =	ssyncset.done $0x0  }
0x19a: {  	s11 =	rddreg [dreg:$0xd];
	[sflag:s25] =	ssyncadd.s32 $0xFFFFC000  }
0x19b: {  	[tilespmem:s20], [sflag:$0x1] =	stream.indirect.gather [hbm4b:s4+s5], $0x80, s11, s5, $0xb8;
	[tilespmem:$0x1D000] =	vst v63  }
0x19c: {  	_ =	swait.ge [sflag:s26], $0x4000  }
0x19d: {  	[sflag:s26] =	ssyncset.done $0x0  }
0x19e: {  	s12 =	rddreg [dreg:$0xe];
	[sflag:s26] =	ssyncadd.s32 $0xFFFFC000  }
0x19f: {  	[spmem:s2] =	stream.indirect.scatter.add.f32 [tilespmem:s23], [sflag:$0x4], $0x80, s12, s5, $0xb8;
	[tilespmem:$0x1D000] =	vst v63  }
0x1a0: {  	_ =	swait.ge [sflag:s28], $0x4000  }
0x1a1: {  	[sflag:s28] =	ssyncset.done $0x0  }
0x1a2: {  	s10 =	rddreg [dreg:$0xf];
	[sflag:s28] =	ssyncadd.s32 $0xFFFFC000  }
0x1a3: {  	[tilespmem:s23], [sflag:$0x2] =	stream.indirect.gather [hbm4b:s4+s5], $0x80, s10, s5, $0xb8;
	[tilespmem:$0x1D000] =	vst v63  }
0x1a4: {  	_ =	swait.ge [sflag:s24], $0x4000  }
0x1a5: {  	[sflag:s24] =	ssyncset.done $0x0  }
0x1a6: {  	s11 =	rddreg [dreg:$0x10];
	[sflag:s24] =	ssyncadd.s32 $0xFFFFC000  }
0x1a7: {  	[spmem:s2] =	stream.indirect.scatter.add.f32 [tilespmem:s20], [sflag:$0x3], $0x80, s11, s5, $0xb8;
	[tilespmem:$0x1D000] =	vst v63  }
0x1a8: {  	_ =	swait.ge [sflag:s25], $0x4000  }
0x1a9: {  	[sflag:s25] =	ssyncset.done $0x0  }
0x1aa: {  	[sflag:s25] =	ssyncadd.s32 $0xFFFFC000  }
0x1ab: {  	_ =	swait.ge [sflag:s29], $0x400  }
0x1ac: {  	[sflag:s29] =	ssyncset.done $0x0  }
0x1ad: {  	[sflag:s29] =	ssyncadd.s32 $0xFFFFFC00  }
0x1ae: {  	_ =	swait.ge [sflag:s30], $0x400  }
0x1af: {  	[sflag:s30] =	ssyncset.done $0x0  }
0x1b0: {  	[sflag:s30] =	ssyncadd.s32 $0xFFFFFC00  }
0x1b1: {  	[tilespmem:s20], [sflag:$0x1] =	stream.indirect.gather [hbm4b:s4+s5], $0x80, s21, s5, $0xb8;
	[tilespmem:$0x1D000] =	vst v63  }
0x1b2: {  	_ =	swait.ge [sflag:s26], $0x4000  }
0x1b3: {  	[sflag:s26] =	ssyncset.done $0x0  }
0x1b4: {  	s12 =	rddreg [dreg:$0x11];
	[sflag:s26] =	ssyncadd.s32 $0xFFFFC000  }
0x1b5: {  	[spmem:s2] =	stream.indirect.scatter.add.f32 [tilespmem:s23], [sflag:$0x4], $0x80, s12, s5, $0xb8;
	[tilespmem:$0x1D000] =	vst v63  }
0x1b6: {  	_ =	swait.ge [sflag:s28], $0x4000  }
0x1b7: {  	s10 =	rddreg [dreg:$0x4]  }
0x1b8: {  	[sflag:s28] =	ssyncset.done $0x0;
	p0 =	sge.s32 s8, s10  }
0x1b9: {  	[sflag:s28] =	ssyncadd.s32 $0xFFFFC000;
	s8 =	simm.s32 @!p0 $0x0  }
0x1ba: {  	[tilespmem:s8], [sflag:$0x5] =	stream.linear.gather @!p0 [hbm4b:s13+s8], $0x400, $0x38;
	[tilespmem:$0x1D000] =	vst v63  }
0x1bb: {  	s9 =	simm.s32 @!p0 $0x800  }
0x1bc: {  	[tilespmem:s9], [sflag:$0x7] =	stream.linear.gather @!p0 [hbm4b:s14+s8], $0x400, $0x38;
	[tilespmem:$0x1D000] =	vst v63  }
0x1bd: {  	s10 =	rddreg [dreg:$0x12]  }
0x1be: {  	[tilespmem:s23], [sflag:$0x2] =	stream.indirect.gather [hbm4b:s4+s5], $0x80, s10, s5, $0xb8;
	[tilespmem:$0x1D000] =	vst v63  }
0x1bf: {  	_ =	swait.ge [sflag:s24], $0x4000  }
0x1c0: {  	[sflag:s24] =	ssyncset.done $0x0  }
0x1c1: {  	[sflag:s24] =	ssyncadd.s32 $0xFFFFC000  }
0x1c2: {  	[spmem:s2] =	stream.indirect.scatter.add.f32 [tilespmem:s20], [sflag:$0x3], $0x80, s22, s5, $0xb8;
	[tilespmem:$0x1D000] =	vst v63  }
0x1c3: {  	_ =	swait.ge [sflag:s25], $0x4000  }
0x1c4: {  	[sflag:s25] =	ssyncset.done $0x0  }
0x1c5: {  	s11 =	rddreg [dreg:$0x13];
	[sflag:s25] =	ssyncadd.s32 $0xFFFFC000  }
0x1c6: {  	[tilespmem:s20], [sflag:$0x1] =	stream.indirect.gather [hbm4b:s4+s5], $0x80, s11, s5, $0xb8;
	[tilespmem:$0x1D000] =	vst v63  }
0x1c7: {  	_ =	swait.ge [sflag:s26], $0x4000  }
0x1c8: {  	[sflag:s26] =	ssyncset.done $0x0  }
0x1c9: {  	s12 =	rddreg [dreg:$0x14];
	[sflag:s26] =	ssyncadd.s32 $0xFFFFC000  }
0x1ca: {  	[spmem:s2] =	stream.indirect.scatter.add.f32 [tilespmem:s23], [sflag:$0x4], $0x80, s12, s5, $0xb8;
	[tilespmem:$0x1D000] =	vst v63  }
0x1cb: {  	_ =	swait.ge [sflag:s28], $0x4000  }
0x1cc: {  	[sflag:s28] =	ssyncset.done $0x0  }
0x1cd: {  	s13 =	rddreg [dreg:$0x15];
	[sflag:s28] =	ssyncadd.s32 $0xFFFFC000  }
0x1ce: {  	[tilespmem:s23], [sflag:$0x2] =	stream.indirect.gather [hbm4b:s4+s5], $0x80, s13, s5, $0xb8;
	[tilespmem:$0x1D000] =	vst v63  }
0x1cf: {  	_ =	swait.ge [sflag:s24], $0x4000  }
0x1d0: {  	[sflag:s24] =	ssyncset.done $0x0  }
0x1d1: {  	s14 =	rddreg [dreg:$0x16];
	[sflag:s24] =	ssyncadd.s32 $0xFFFFC000  }
0x1d2: {  	[spmem:s2] =	stream.indirect.scatter.add.f32 [tilespmem:s20], [sflag:$0x3], $0x80, s14, s5, $0xb8;
	[tilespmem:$0x1D000] =	vst v63  }
0x1d3: {  	_ =	swait.ge [sflag:s25], $0x4000  }
0x1d4: {  	[sflag:s25] =	ssyncset.done $0x0  }
0x1d5: {  	s10 =	rddreg [dreg:$0x17];
	[sflag:s25] =	ssyncadd.s32 $0xFFFFC000  }
0x1d6: {  	[tilespmem:s20], [sflag:$0x1] =	stream.indirect.gather [hbm4b:s4+s5], $0x80, s10, s5, $0xb8;
	[tilespmem:$0x1D000] =	vst v63  }
0x1d7: {  	_ =	swait.ge [sflag:s26], $0x4000  }
0x1d8: {  	[sflag:s26] =	ssyncset.done $0x0  }
0x1d9: {  	s11 =	rddreg [dreg:$0x18];
	[sflag:s26] =	ssyncadd.s32 $0xFFFFC000  }
0x1da: {  	[spmem:s2] =	stream.indirect.scatter.add.f32 [tilespmem:s23], [sflag:$0x4], $0x80, s11, s5, $0xb8;
	[tilespmem:$0x1D000] =	vst v63  }
0x1db: {  	_ =	swait.ge [sflag:s28], $0x4000  }
0x1dc: {  	[sflag:s28] =	ssyncset.done $0x0  }
0x1dd: {  	s12 =	rddreg [dreg:$0x19];
	[sflag:s28] =	ssyncadd.s32 $0xFFFFC000  }
0x1de: {  	[tilespmem:s23], [sflag:$0x2] =	stream.indirect.gather [hbm4b:s4+s5], $0x80, s12, s5, $0xb8;
	[tilespmem:$0x1D000] =	vst v63  }
0x1df: {  	_ =	swait.ge [sflag:s24], $0x4000  }
0x1e0: {  	[sflag:s24] =	ssyncset.done $0x0  }
0x1e1: {  	s13 =	rddreg [dreg:$0x1a];
	[sflag:s24] =	ssyncadd.s32 $0xFFFFC000  }
0x1e2: {  	[spmem:s2] =	stream.indirect.scatter.add.f32 [tilespmem:s20], [sflag:$0x3], $0x80, s13, s5, $0xb8;
	[tilespmem:$0x1D000] =	vst v63  }
0x1e3: {  	_ =	swait.ge [sflag:s25], $0x4000  }
0x1e4: {  	[sflag:s25] =	ssyncset.done $0x0  }
0x1e5: {  	s14 =	rddreg [dreg:$0x1b];
	[sflag:s25] =	ssyncadd.s32 $0xFFFFC000  }
0x1e6: {  	[tilespmem:s20], [sflag:$0x1] =	stream.indirect.gather [hbm4b:s4+s5], $0x80, s14, s5, $0xb8;
	[tilespmem:$0x1D000] =	vst v63  }
0x1e7: {  	_ =	swait.ge [sflag:s26], $0x4000  }
0x1e8: {  	[sflag:s26] =	ssyncset.done $0x0  }
0x1e9: {  	s10 =	rddreg [dreg:$0x1c];
	[sflag:s26] =	ssyncadd.s32 $0xFFFFC000  }
0x1ea: {  	[spmem:s2] =	stream.indirect.scatter.add.f32 [tilespmem:s23], [sflag:$0x4], $0x80, s10, s5, $0xb8;
	[tilespmem:$0x1D000] =	vst v63  }
0x1eb: {  	_ =	swait.ge [sflag:s28], $0x4000  }
0x1ec: {  	[sflag:s28] =	ssyncset.done $0x0  }
0x1ed: {  	s11 =	rddreg [dreg:$0x1d];
	[sflag:s28] =	ssyncadd.s32 $0xFFFFC000  }
0x1ee: {  	[tilespmem:s23], [sflag:$0x2] =	stream.indirect.gather [hbm4b:s4+s5], $0x80, s11, s5, $0xb8;
	[tilespmem:$0x1D000] =	vst v63  }
0x1ef: {  	_ =	swait.ge [sflag:s24], $0x4000  }
0x1f0: {  	[sflag:s24] =	ssyncset.done $0x0  }
0x1f1: {  	s12 =	rddreg [dreg:$0x1e];
	[sflag:s24] =	ssyncadd.s32 $0xFFFFC000  }
0x1f2: {  	[spmem:s2] =	stream.indirect.scatter.add.f32 [tilespmem:s20], [sflag:$0x3], $0x80, s12, s5, $0xb8;
	[tilespmem:$0x1D000] =	vst v63  }
0x1f3: {  	_ =	swait.ge [sflag:s25], $0x4000  }
0x1f4: {  	[sflag:s25] =	ssyncset.done $0x0  }
0x1f5: {  	s9 =	simm.s32 @!p0 $0x5;
	[sflag:s25] =	ssyncadd.s32 $0xFFFFC000  }
0x1f6: {  	_ =	swait.ge @!p0 [sflag:s9], $0x400  }
0x1f7: {  	[sflag:s9] =	ssyncset.done @!p0 $0x0  }
0x1f8: {  	[sflag:s9] =	ssyncadd.s32 @!p0 $0xFFFFFC00;
	s9 =	simm.s32 @!p0 $0x7  }
0x1f9: {  	_ =	swait.ge @!p0 [sflag:s9], $0x400  }
0x1fa: {  	[sflag:s9] =	ssyncset.done @!p0 $0x0  }
0x1fb: {  	s10 =	simm.s32 @!p0 $0x1000;
	[sflag:s9] =	ssyncadd.s32 @!p0 $0xFFFFFC00;
	s9 =	simm.s32 @!p0 $0x80  }
0x1fc: {  	[tilespmem:s10], [sflag:$0x1] =	stream.indirect.gather @!p0 [hbm4b:s4+s9], $0x80, s8, s9, $0xb8;
	[tilespmem:$0x1D000] =	vst v63  }
0x1fd: {  	_ =	swait.ge [sflag:s26], $0x4000  }
0x1fe: {  	[sflag:s26] =	ssyncset.done $0x0  }
0x1ff: {  	[sflag:s26] =	ssyncadd.s32 $0xFFFFC000  }
0x200: {  	[spmem:s2] =	stream.indirect.scatter.add.f32 [tilespmem:s23], [sflag:$0x4], $0x80, s31, s5, $0xb8;
	[tilespmem:$0x1D000] =	vst v63  }
0x201: {  	_ =	swait.ge [sflag:s28], $0x4000  }
0x202: {  	[sflag:s28] =	ssyncset.done $0x0  }
0x203: {  	[sflag:s28] =	ssyncadd.s32 $0xFFFFC000  }
0x204: {  	[bflag:$0x0] =	sbarrier.arrive $0xFFFF  }
0x205: {  	s13 =	sld [smem:$0x7FB];
	_ =	sdelay $0x2  }
0x206: {  	[hbm:s13], [sflag:s7] =	dma.local [spmem:s15], $0x2800  }
0x207: {  	_ =	swait.ge [sflag:s16], $0x2800  }
0x208: {  	s14 =	sld [smem:$0x7FC];
	_ =	sdelay $0x1  }
0x209: {  	s0 =	sadd.s32 $0x1, s0  }
0x20a: {  	p0 =	sne.s32 s0, s14  }
.Ltmp3:
0x20b: {  	_ = 	snop;
	(pc) =	sbr.rel @p0 .LBB2_1-.Ltmp3, $4  }
.Ltmp4:
0x20c: {  	_ = 	snop;
	(pc) =	sbr.rel @!p0 .LBB2_6-.Ltmp4, $4  }
0x20d: {  	_ = 	snop  }
0x20e: {  	[sflag:s16] =	ssyncset.done $0x0  }
0x20f: {  	[sflag:s16] =	ssyncadd.s32 $0xFFFFD800  }
0x210: {  	_ = 	snop  }
.LBB2_2:
.Ltmp5:
0x211: {  	(pc) =	sbr.rel .LBB2_5-.Ltmp5, $2  }
0x212: {  	_ =	sdelay $0x2  }
0x213: {  	s13 =	smov.u32 s6;
	s14 =	smov.u32 s1;
	s8 =	simm.s32 $0x0  }
.LBB2_6:
0x214: {  	_ =	sfence.sel $0x180000  }
0x215: {  	[bflag:$0x0] =	sbarrier.arrive $0xFFFF  }
0x216: {  	_ =	strace $0x9000004A  }
0x217: {  	s0 =	stileid.u32;
	[bflag:$0x2] =	sbarrier.arrive $0xFFFF  }
0x218: {  	p0 =	sne.s32 s0, $0x0;
	s0 =	rddreg [dreg:$0x3]  }
0x219: {  	s0 =	sadd.s32 @!p0 $0x100000, s0  }
0x21a: {  	[sflag:s0] =	ssyncadd.tile.s32 @!p0 $0x1;
	_ =	shalt  }
.Lfunc_end2:
_tile_overlayer_lowered:
.L_overlay_start_2:
0x21b: {  	(tag) =	ssettag $0x2  }
0x21c: {  	s0 =	rddreg [dreg:$0x0];
	s2 =	stileid.u32  }
0x21d: {  	s1 =	rddreg [dreg:$0x1];
	p0 =	sne.s32 s2, $0x0  }
0x21e: {  	s3 =	rddreg [dreg:$0x2];
	[bflag:$0x3] =	sbarrier.arrive $0xFFFF;
	s2 =	simm.s32 @!p0 $0x1C09  }
0x21f: {  	[timem:s3], [sflag:s2] =	dma.local @!p0 [hbm:s0], s1  }
0x220: {  	s0 =	simm.s32 @!p0 $0x9  }
0x221: {  	_ =	swait.ge @!p0 [sflag:s0], s1  }
0x222: {  	s1 =	ssub.s32 @!p0 $0x0, s1;
	[sflag:s0] =	ssyncset.done @!p0 $0x0  }
0x223: {  	[sflag:s0] =	ssyncadd.s32 @!p0 s1  }
0x224: {  	[bflag:$0x3] =	sbarrier.arrive $0xFFFF  }
0x225: {  	_ =	shalt  }

// kernel: kernel.7.cloned.1.call-start
scs
__scs_entry_jumppad:
0x0: {  	(pc) =	sbr.rel $0x88, $3  }
0x1: {  	(tag) =	ssettag $0x0;
	lr =	simm.s32 $0x1  }
0x2: {  	[smem:$0x3F9E] =	sst lr;
	_ =	strace $0xD0000000  }
0x3: {  	_ = 	snop  }
0x4: {  	_ = 	snop  }
0x5: {  	_ = 	snop  }
0x6: {  	_ = 	snop  }
0x7: {  	_ = 	snop  }
__scs_overlays_trampoline_lowered:
0x8: {  	[smem:$0x3FAD] =	sst s0  }
0x9: {  	[smem:$0x3FAE] =	sst s1  }
0xa: {  	[smem:$0x3FAF] =	sst s2  }
0xb: {  	[smem:$0x3FB0] =	sst s3  }
0xc: {  	[smem:$0x3FB1] =	sst s4  }
0xd: {  	[smem:$0x3FB2] =	sst s5  }
0xe: {  	[smem:$0x3FB3] =	sst s6  }
0xf: {  	[smem:$0x3FB4] =	sst s7  }
0x10: {  	[smem:$0x3FB5] =	sst s8  }
0x11: {  	[smem:$0x3FB6] =	sst s9;
	s0 =	simm.s32 @!p0 $0x0  }
0x12: {  	s1 =	sld [smem:$0x3F9C];
	s0 =	simm.s32 @p0 $0x1  }
0x13: {  	[smem:$0x3FB7] =	sst s0;
	s0 =	simm.s32 @!p1 $0x0  }
0x14: {  	s2 =	sld [smem:$0x3F9B];
	s0 =	simm.s32 @p1 $0x1  }
0x15: {  	[smem:$0x3FB8] =	sst s0;
	s0 =	simm.s32 @!p2 $0x0  }
0x16: {  	s3 =	sld [smem:$0x3FDB];
	s0 =	simm.s32 @p2 $0x1  }
0x17: {  	s4 =	simm.s32 $0x1BF5;
	[smem:$0x3FBA] =	sst s0  }
0x18: {  	s0 =	sld [smem:$0x3F9D];
	_ =	swait.ge [sflag:s4], $0x0  }
0x19: {  	s7 =	sld [smem:$0x3F9E]  }
0x1a: {  	s8 =	sadd.s32 $0xFFFFE003, lr  }
0x1b: {  	s9 =	sadd.s32 $0xFFFFFEF7, lr;
	s5 =	simm.s32 $0xFFFFFFFF;
	p2 =	slt.u32 s8, $0xFFFFF086  }
0x1c: {  	p1 =	slt.u32 s9, $0xF7A;
	s5 =	simm.s32 @!p2 $0x0  }
0x1d: {  	s5 =	simm.s32 @p1 $0x1;
	p0 =	seq.s32 s7, s2  }
0x1e: {  	s7 =	smul.u32 @!p0 $0xF7A, s2;
	p2 =	seq.s32 @!p0 s5, $0x0  }
0x1f: {  	s9 =	smul.u32 $0xF7A, s1;
	s8 =	simm.s32 @!p0 $0x1BF5;
	p2 =	por !p2, p0  }
0x20: {  	[sflag:s8] =	ssyncset.s32 @!p0 $0xFFFFF086;
	s6 =	sadd.s32 @!p0 s3, s7;
	s7 =	simm.s32 @!p0 $0x108  }
0x21: {  	s3 =	sadd.s32 s3, s9;
	s6 =	sadd.s32 @!p0 $0x88, s6;
	s7 =	simm.s32 @p2 $0x1082  }
0x22: {  	[simem:s7], [sflag:s8] =	dma.local @!p0 [hbm:s6], $0xF7A  }
0x23: {  	s9 =	sor.u32 $0xD0000000, s2;
	s6 =	simm.s32 $0x108;
	_ =	swait.ge @!p0 [sflag:s8], $0x0  }
0x24: {  	s3 =	sadd.s32 $0x88, s3;
	s6 =	simm.s32 @!p1 $0x1082;
	[sflag:s4] =	ssyncset.s32 $0xFFFFF086  }
0x25: {  	[simem:s6], [sflag:s4] =	dma.local [hbm:s3], $0xF7A  }
0x26: {  	[smem:$0x3F9E] =	sst s1;
	(tag) =	ssettag s2;
	_ =	strace s9  }
0x27: {  	s1 =	sld [smem:$0x3FAE]  }
0x28: {  	s2 =	sld [smem:$0x3FAF]  }
0x29: {  	s4 =	sld [smem:$0x3FB1]  }
0x2a: {  	p0 =	seq.s32 s5, $0x0;
	s5 =	sld [smem:$0x3FB2]  }
0x2b: {  	s6 =	sld [smem:$0x3FB3]  }
0x2c: {  	s7 =	sld [smem:$0x3FB4]  }
0x2d: {  	s3 =	simm.s32 $0x108;
	s8 =	sld [smem:$0x3FB5]  }
0x2e: {  	s3 =	simm.s32 @!p0 $0x1082;
	s9 =	sld [smem:$0x3FB6]  }
0x2f: {  	lr =	sadd.s32 s0, s3;
	s0 =	sld [smem:$0x3FAD]  }
0x30: {  	s3 =	sld [smem:$0x3FB0]  }
0x31: {  	[smem:$0x3FB9] =	sst s10  }
0x32: {  	s10 =	sld [smem:$0x3FB7];
	_ =	sdelay $0x3  }
0x33: {  	p0 =	seq.s32 s10, $0x1;
	s10 =	sld [smem:$0x3FB9];
	_ =	sdelay $0x3  }
0x34: {  	[smem:$0x3FB9] =	sst s10  }
0x35: {  	s10 =	sld [smem:$0x3FB8];
	_ =	sdelay $0x3  }
0x36: {  	p1 =	seq.s32 s10, $0x1;
	s10 =	sld [smem:$0x3FB9];
	_ =	sdelay $0x3  }
0x37: {  	[smem:$0x3FB9] =	sst s10  }
0x38: {  	s10 =	sld [smem:$0x3FBA]  }
0x39: {  	_ = 	snop;
	(pc) =	sbr.ind lr, $3  }
0x3a: {  	_ = 	snop  }
0x3b: {  	_ = 	snop  }
0x3c: {  	p2 =	seq.s32 s10, $0x1;
	s10 =	sld [smem:$0x3FB9]  }
0x3d: {  	_ =	shalt  }
0x3e: {  	_ =	shalt  }
0x3f: {  	_ =	shalt  }
0x40: {  	_ =	shalt  }
0x41: {  	_ =	shalt  }
0x42: {  	_ =	shalt  }
0x43: {  	_ =	shalt  }
0x44: {  	_ =	shalt  }
0x45: {  	_ =	shalt  }
0x46: {  	_ =	shalt  }
0x47: {  	_ =	shalt  }
0x48: {  	_ =	shalt  }
0x49: {  	_ =	shalt  }
0x4a: {  	_ =	shalt  }
0x4b: {  	_ =	shalt  }
0x4c: {  	_ =	shalt  }
0x4d: {  	_ =	shalt  }
0x4e: {  	_ =	shalt  }
0x4f: {  	_ =	shalt  }
0x50: {  	_ =	shalt  }
0x51: {  	_ =	shalt  }
0x52: {  	_ =	shalt  }
0x53: {  	_ =	shalt  }
0x54: {  	_ =	shalt  }
0x55: {  	_ =	shalt  }
0x56: {  	_ =	shalt  }
0x57: {  	_ =	shalt  }
0x58: {  	_ =	shalt  }
0x59: {  	_ =	shalt  }
0x5a: {  	_ =	shalt  }
0x5b: {  	_ =	shalt  }
0x5c: {  	_ =	shalt  }
0x5d: {  	_ =	shalt  }
0x5e: {  	_ =	shalt  }
0x5f: {  	_ =	shalt  }
0x60: {  	_ =	shalt  }
0x61: {  	_ =	shalt  }
0x62: {  	_ =	shalt  }
0x63: {  	_ =	shalt  }
0x64: {  	_ =	shalt  }
0x65: {  	_ =	shalt  }
0x66: {  	_ =	shalt  }
0x67: {  	_ =	shalt  }
0x68: {  	_ =	shalt  }
0x69: {  	_ =	shalt  }
0x6a: {  	_ =	shalt  }
0x6b: {  	_ =	shalt  }
0x6c: {  	_ =	shalt  }
0x6d: {  	_ =	shalt  }
0x6e: {  	_ =	shalt  }
0x6f: {  	_ =	shalt  }
0x70: {  	_ =	shalt  }
0x71: {  	_ =	shalt  }
0x72: {  	_ =	shalt  }
0x73: {  	_ =	shalt  }
0x74: {  	_ =	shalt  }
0x75: {  	_ =	shalt  }
0x76: {  	_ =	shalt  }
0x77: {  	_ =	shalt  }
0x78: {  	_ =	shalt  }
0x79: {  	_ =	shalt  }
0x7a: {  	_ =	shalt  }
0x7b: {  	_ =	shalt  }
0x7c: {  	_ =	shalt  }
0x7d: {  	_ =	shalt  }
0x7e: {  	_ =	shalt  }
0x7f: {  	_ =	shalt  }
0x80: {  	_ =	shalt  }
0x81: {  	_ =	shalt  }
0x82: {  	_ =	shalt  }
0x83: {  	_ =	shalt  }
0x84: {  	_ =	shalt  }
0x85: {  	_ =	shalt  }
0x86: {  	_ =	shalt  }
0x87: {  	_ =	shalt  }
.Lfunc_end0:
.L_simem_size_0:
called_computation_lowered:
.L_overlay_start_0:
0x88: {  	s2 =	sld [smem:$0x3FD9]  }
0x89: {  	s3 =	sld [smem:$0x3FFE];
	_ =	sdelay $0x1  }
0x8a: {  	s1 =	srdreg.scid  }
0x8b: {  	s0 =	sand.u32 $0x1, s1  }
0x8c: {  	s16 =	sshll.u32 s0, $0xA;
	s2 =	sadd.s32 s3, s2  }
0x8d: {  	s2 =	sadd.s32 s2, s16  }
0x8e: {  	[smem:$0x3FC5] =	sst s2  }
0x8f: {  	_ = 	snop  }
0x90: {  	(tm) =	ssettm $0x1  }
0x91: {  	s17 =	sld [smem:$0x3FFB];
	_ =	sdelay $0x3  }
0x92: {  	_ =	strace s17  }
0x93: {  	s2 =	sld [smem:$0x3FFC];
	_ =	sdelay $0x3  }
0x94: {  	_ =	strace s2  }
0x95: {  	s2 =	sld [smem:$0x3FFD];
	_ =	sdelay $0x3  }
0x96: {  	_ =	strace s2  }
0x97: {  	_ =	strace $0x8FFFFFFF  }
0x98: {  	s18 =	sld [smem:$0x3FDB];
	_ =	sdelay $0x1  }
0x99: {  	s19 =	simm.s32 $_scs_section_size  }
0x9a: {  	s4 =	simm.s32 $_size__tile_overlayer_lowered;
	s5 =	simm.s32 $_tile_overlayer_lowered  }
0x9b: {  	s22 =	simm.s32 $0x1BFF;
	s21 =	sshll.u32 s5, $0x1;
	s2 =	sadd.s32 s19, s18  }
0x9c: {  	s6 =	simm.s32 $0x0;
	s20 =	sshll.u32 s4, $0x1;
	s4 =	sadd.s32 s21, s2  }
0x9d: {  	[timem:s6], [sflag:s22] =	dma.local [hbm:s4], s20  }
0x9e: {  	_ =	swait.ge [sflag:s22], s20  }
0x9f: {  	s3 =	ssub.s32 $0x0, s20;
	[sflag:s22] =	ssyncset.done $0x0  }
0xa0: {  	[sflag:s22] =	ssyncadd.s32 s3;
	_ =	sdelay $0x1  }
0xa1: {  	s23 =	simm.s32 $0x1B8B  }
0xa2: {  	_ =	swait.ge [sflag:s23], $0x1  }
0xa3: {  	[sflag:s23] =	ssyncset.done $0x0  }
0xa4: {  	s25 =	simm.s32 $0x1B8E;
	s24 =	sld [smem:$0x3FFE];
	[sflag:s23] =	ssyncadd.s32 $0xFFFFFFFF  }
0xa5: {  	s26 =	simm.s32 $execute0_lowered;
	[smem:$0x3FD2] =	sst s25  }
0xa6: {  	s4 =	sshll.u32 s26, $0x1;
	_ =	strace $0x80000046;
	[dreg:$0x1] =	wrdreg $0xFFFFFFFF  }
0xa7: {  	s28 =	simm.s32 $_size_execute0_lowered;
	s2 =	sadd.s32 s2, s4;
	[dreg:$0x0] =	wrdreg $0x0  }
0xa8: {  	s4 =	sshll.u32 s28, $0x1;
	[dreg:$0x2] =	wrdreg s2  }
0xa9: {  	[dreg:$0x3] =	wrdreg s4  }
0xaa: {  	[dreg:$0x4] =	wrdreg $0xC0  }
0xab: {  	_ =	task [dreg:s6], $0x5FFFF  }
0xac: {  	[dreg:$0x1] =	wrdreg $0xFFFFFFFF  }
0xad: {  	[dreg:$0x0] =	wrdreg $0x60  }
0xae: {  	[dreg:$0x2] =	wrdreg s24  }
0xaf: {  	[dreg:$0x3] =	wrdreg $0x9  }
0xb0: {  	_ =	task.clear_ibuf [dreg:s6], $0x4FFFF;
	_ =	strace $0x90000046  }
0xb1: {  	s29 =	simm.s32 $0x9;
	_ =	strace $0x80000048  }
0xb2: {  	_ =	swait.ge [sflag:s29], $0x1  }
0xb3: {  	[sflag:s29] =	ssyncadd.s32 $0xFFFFFFFF  }
0xb4: {  	_ =	strace $0x90000048  }
0xb5: {  	_ =	sfence  }
0xb6: {  	s30 =	sld [smem:$0x0];
	_ =	sdelay $0x2  }
0xb7: {  	s31 =	sshll.u32 s1, $0xD;
	s1 =	sshrl.u32 s1, $0x2  }
0xb8: {  	s3 =	sand.u32 $0x4000, s31;
	s1 =	sadd.s32 s1, s30  }
0xb9: {  	s0 =	sor.u32 s3, s0;
	s1 =	sshll.u32 s1, $0x11  }
0xba: {  	s0 =	sor.u32 s1, s0  }
0xbb: {  	s0 =	sadd.s32 $0x8F2B, s0  }
0xbc: {  	[sflag:s0] =	ssyncadd.remote.s32 $0x1  }
0xbd: {  	_ =	sfence.sel $0xFFFF  }
0xbe: {  	[dreg:$0x0] =	wrdreg $0xFFFFFFFF;
	(pc) =	sbr.abs _section_cstart, $3  }
0xbf: {  	[dreg:$0x1] =	wrdreg $0xFFFFFFFF  }
0xc0: {  	_ =	task.clear_ibuf [dreg:s6], $0x2FFFF;
	_ =	strace $0x9FFFFFFF  }
0xc1: {  	(tm) =	ssettm $0x7FFFFFFF  }
tec
execute0_lowered:
.L_overlay_start_1:
0x0: {  	(tag) =	ssettag $0x1  }
0x1: {  	s0 =	srdreg.scid  }
0x2: {  	s4 =	rddreg [dreg:$0x0];
	s1 =	stileid.u32;
	s3 =	sand.u32 $0x1, s0  }
0x3: {  	s2 =	simm.s32 $0x0;
	s8 =	simm.s32 $0x1;
	s5 =	sshll.u32 s3, $0x4  }
0x4: {  	s9 =	simm.s32 $0x0;
	s0 =	rddreg [dreg:$0x1];
	s5 =	sor.u32 s1, s5  }
0x5: {  	[smem:$0x7FF] =	sst s2;
	s6 =	ssub.s32 $0x2, s3;
	s5 =	smul.u32 $0x500, s5  }
0x6: {  	_ =	strace $0x80000047;
	s3 =	sadd.s32 $0xB600, s4;
	s7 =	sshrl.u32 s6, $0x1  }
0x7: {  	s6 =	ssub.s32 s6, s7;
	s7 =	simm.s32 $0x2800;
	s5 =	sadd.s32 s5, s4  }
0x8: {  	v0 =	vimm.f32 $1.000000000e+00;
	s6 =	smax.u32 s6, $0x1;
	s4 =	sadd.s32 $0x1600, s5;
	s5 =	sadd.s32 $0xBC00, s5  }
.LBB2_1:
0x9: {  	[tilespmem:s7], [sflag:$0x1] =	stream.linear.gather [hbm4b:s3+s2], $0x2800, $0x38;
	[tilespmem:$0x5000] =	vst v63  }
0xa: {  	_ =	swait.ge [sflag:s8], $0x2800  }
0xb: {  	[sflag:s8] =	ssyncset.done $0x0  }
0xc: {  	[sflag:s8] =	ssyncadd.s32 $0xFFFFD800  }
0xd: {  	[tilespmem:s2], [sflag:$0x1] =	stream.linear.gather [hbm4b:s4+s2], $0x2800, $0x38;
	[tilespmem:$0x5000] =	vst v63  }
0xe: {  	_ =	swait.ge [sflag:s8], $0x2800  }
0xf: {  	[sflag:s8] =	ssyncset.done $0x0  }
0x10: {  	s10 =	simm.s32 $0x1C0;
	[sflag:s8] =	ssyncadd.s32 $0xFFFFD800  }
.LBB2_2:
0x11: {  	s11 =	sshra.s32 s10, $0x2  }
0x12: {  	v1 =	vld [tilespmem:s11+$0xFFFFFF90];
	_ =	sdelay $0x7  }
0x13: {  	[tilespmem:v1+s7+$0x0] =	vst.idx.add.f32.msk $0xffff, v0  }
0x14: {  	v1 =	vld [tilespmem:s11+$0xFFFFFFA0];
	_ =	sdelay $0x7  }
0x15: {  	[tilespmem:v1+s7+$0x0] =	vst.idx.add.f32.msk $0xffff, v0  }
0x16: {  	v1 =	vld [tilespmem:s11+$0xFFFFFFB0];
	_ =	sdelay $0x7  }
0x17: {  	[tilespmem:v1+s7+$0x0] =	vst.idx.add.f32.msk $0xffff, v0  }
0x18: {  	v1 =	vld [tilespmem:s11+$0xFFFFFFC0];
	_ =	sdelay $0x7  }
0x19: {  	[tilespmem:v1+s7+$0x0] =	vst.idx.add.f32.msk $0xffff, v0  }
0x1a: {  	v1 =	vld [tilespmem:s11+$0xFFFFFFD0];
	_ =	sdelay $0x7  }
0x1b: {  	[tilespmem:v1+s7+$0x0] =	vst.idx.add.f32.msk $0xffff, v0  }
0x1c: {  	v1 =	vld [tilespmem:s11+$0xFFFFFFE0];
	_ =	sdelay $0x7  }
0x1d: {  	[tilespmem:v1+s7+$0x0] =	vst.idx.add.f32.msk $0xffff, v0  }
0x1e: {  	v1 =	vld [tilespmem:s11+$0xFFFFFFF0];
	_ =	sdelay $0x7  }
0x1f: {  	[tilespmem:v1+s7+$0x0] =	vst.idx.add.f32.msk $0xffff, v0  }
0x20: {  	v1 =	vld [tilespmem:s11+$0x0];
	_ =	sdelay $0x2  }
0x21: {  	p0 =	sne.s32 s10, $0x9FC0  }
.Ltmp0:
0x22: {  	_ = 	snop;
	(pc) =	sbr.rel @p0 .LBB2_2-.Ltmp0, $2  }
0x23: {  	_ =	sdelay $0x2  }
0x24: {  	s10 =	sadd.s32 $0x200, s10;
	[tilespmem:v1+s7+$0x0] =	vst.idx.add.f32.msk $0xffff, v0  }
0x25: {  	s9 =	sadd.s32 $0x1, s9  }
0x26: {  	p0 =	sne.s32 s9, s6  }
.Ltmp1:
0x27: {  	_ = 	snop;
	(pc) =	sbr.rel @p0 .LBB2_1-.Ltmp1, $4  }
0x28: {  	[hbm4b:s5+s2] =	stream.linear.scatter [tilespmem:s7], [sflag:$0x1], $0x2800, $0x38;
	[tilespmem:$0x5000] =	vst v63  }
0x29: {  	_ =	swait.ge [sflag:s8], $0x2800  }
0x2a: {  	[sflag:s8] =	ssyncset.done $0x0  }
0x2b: {  	[sflag:s8] =	ssyncadd.s32 $0xFFFFD800  }
0x2c: {  	_ =	sfence.sel $0x180000  }
0x2d: {  	[bflag:$0x0] =	sbarrier.arrive $0xFFFF  }
0x2e: {  	p0 =	sne.s32 s1, $0x0;
	_ =	strace $0x90000047  }
0x2f: {  	s0 =	sadd.s32 @!p0 $0x100000, s0;
	[bflag:$0x2] =	sbarrier.arrive $0xFFFF  }
0x30: {  	[sflag:s0] =	ssyncadd.tile.s32 @!p0 $0x1;
	_ =	shalt  }
.Lfunc_end2:
_tile_overlayer_lowered:
.L_overlay_start_2:
0x31: {  	(tag) =	ssettag $0x2  }
0x32: {  	s0 =	rddreg [dreg:$0x0];
	s2 =	stileid.u32  }
0x33: {  	s1 =	rddreg [dreg:$0x1];
	p0 =	sne.s32 s2, $0x0  }
0x34: {  	s3 =	rddreg [dreg:$0x2];
	[bflag:$0x3] =	sbarrier.arrive $0xFFFF;
	s2 =	simm.s32 @!p0 $0x1C01  }
0x35: {  	[timem:s3], [sflag:s2] =	dma.local @!p0 [hbm:s0], s1  }
0x36: {  	s0 =	simm.s32 @!p0 $0x1  }
0x37: {  	_ =	swait.ge @!p0 [sflag:s0], s1  }
0x38: {  	s1 =	ssub.s32 @!p0 $0x0, s1;
	[sflag:s0] =	ssyncset.done @!p0 $0x0  }
0x39: {  	[sflag:s0] =	ssyncadd.s32 @!p0 s1  }
0x3a: {  	[bflag:$0x3] =	sbarrier.arrive $0xFFFF  }
0x3b: {  	_ =	shalt  }

</sc_bundles>
